<compile_context>
chip_gen: v7x
topology: tpu7x:2x2x1
jax: 0.10.2.dev20260603
libtpu: 0.0.44.dev20260713+nightly
codegen_flags: <defaults>
</compile_context>

<pallas_src>
import functools

import jax
import jax.numpy as jnp
from jax import lax
from jax.experimental import pallas as pl
from jax.experimental.pallas import tpu as pltpu
from jax.experimental.pallas import tpu_sc as plsc

F32 = jnp.float32

R = 10512
RP = 10752
BLK = 512
NBLK = RP // BLK
D = 256
H = 512



@functools.lru_cache(maxsize=None)
def _make_gsa(Rt, Ro, M, C, with_counts):
    T = M // 16
    rpt = Ro // 16
    NC = T // C
    assert T % C == 0 and C % 16 == 0 and T % 8 == 0 and rpt % 8 == 0
    assert NC == 1 or NC % 3 == 0

    mesh = plsc.VectorSubcoreMesh(core_axis_name="c", subcore_axis_name="s")

    @functools.partial(
        pl.kernel,
        mesh=mesh,
        out_type=(
            jax.ShapeDtypeStruct((2 * Ro, 128), F32),
            jax.ShapeDtypeStruct((Ro,), F32),
        ),
        scratch_types=[
            pltpu.VMEM_SHARED((Ro, 128), F32),
            pltpu.VMEM_SHARED((Ro,), F32),
            pltpu.VMEM((C,), jnp.int32),
            pltpu.VMEM((C,), jnp.int32),
            pltpu.VMEM((C, 128), F32),
            pltpu.VMEM((C,), jnp.int32),
            pltpu.VMEM((C,), jnp.int32),
            pltpu.VMEM((C, 128), F32),
            pltpu.VMEM((C,), jnp.int32),
            pltpu.VMEM((C,), jnp.int32),
            pltpu.VMEM((C, 128), F32),
            pltpu.VMEM((C,), jnp.int32),
            pltpu.VMEM((C,), jnp.int32),
            pltpu.VMEM((C,), jnp.int32),
            pltpu.VMEM((C,), F32),
            pltpu.VMEM((rpt,), F32),
        ] + [pltpu.SemaphoreType.DMA] * 9,
    )
    def gsa(table2, src2, dst, ztab, zcnt, ones_h, sum_out, cnt_out,
            accum, cnt_acc, src0, dst0, rows0, src1, dst1, rows1,
            src2v, dst2v, rows2, sd0, sd1, sd2,
            ones_v, cnt_v, sem0, sem1, sem2, isem0, isem1, isem2,
            ssem0, ssem1, ssem2):
        c = lax.axis_index("c")
        s = lax.axis_index("s")
        pltpu.sync_copy(ztab.at[pl.ds(s * rpt, rpt)],
                        accum.at[pl.ds(s * rpt, rpt)])
        if with_counts:
            pltpu.sync_copy(zcnt.at[pl.ds(s * rpt, rpt)], cnt_v)
            pltpu.sync_copy(cnt_v, cnt_acc.at[pl.ds(s * rpt, rpt)])
            pltpu.sync_copy(ones_h, ones_v)
        plsc.subcore_barrier()

        def idx_start(j, src_v, dst_v, isem):
            off = pl.multiple_of(s * T + j * C, 8)
            pltpu.async_copy(src2.at[pl.ds(pl.multiple_of(c * M + off, 8), C)],
                             src_v, isem)
            pltpu.async_copy(dst.at[pl.ds(off, C)], dst_v, isem)

        def idx_wait(src_v, dst_v, isem):
            pltpu.make_async_copy(src2.at[pl.ds(0, C)], src_v, isem).wait()
            pltpu.make_async_copy(dst.at[pl.ds(0, C)], dst_v, isem).wait()

        def gather(src_v, rows_v, sem):
            pltpu.async_copy(table2.at[src_v], rows_v, sem)

        def consume(src_v, dst_v, sd_v, rows_v, sem, ssem):
            pltpu.make_async_copy(table2.at[src_v], rows_v, sem).wait()
            for i in range(C // 16):
                sd_v[pl.ds(16 * i, 16)] = dst_v[pl.ds(16 * i, 16)]
            pltpu.async_copy(rows_v, accum.at[sd_v], ssem, add=True)
            if with_counts:
                @pl.when(c == 0)
                def _():
                    pltpu.async_copy(ones_v, cnt_acc.at[sd_v], ssem, add=True)

        def drain(sd_v, rows_v, ssem):
            pltpu.make_async_copy(rows_v, accum.at[sd_v], ssem).wait()
            if with_counts:
                @pl.when(c == 0)
                def _():
                    pltpu.make_async_copy(ones_v, cnt_acc.at[sd_v], ssem).wait()

        if NC == 1:
            idx_start(0, src0, dst0, isem0)
            idx_wait(src0, dst0, isem0)
            gather(src0, rows0, sem0)
            consume(src0, dst0, sd0, rows0, sem0, ssem0)
            drain(sd0, rows0, ssem0)
        else:
            idx_start(0, src0, dst0, isem0)
            idx_start(1, src1, dst1, isem1)
            idx_wait(src0, dst0, isem0)
            gather(src0, rows0, sem0)
            idx_start(2, src2v, dst2v, isem2)
            idx_wait(src1, dst1, isem1)
            gather(src1, rows1, sem1)

            def body(g, _):
                j = 3 * g

                @pl.when(g > 0)
                def _():
                    drain(sd2, rows2, ssem2)
                idx_wait(src2v, dst2v, isem2)
                gather(src2v, rows2, sem2)
                consume(src0, dst0, sd0, rows0, sem0, ssem0)

                @pl.when(j + 3 < NC)
                def _():
                    idx_start(j + 3, src0, dst0, isem0)
                consume(src1, dst1, sd1, rows1, sem1, ssem1)

                @pl.when(j + 3 < NC)
                def _():
                    drain(sd0, rows0, ssem0)
                    idx_wait(src0, dst0, isem0)
                    gather(src0, rows0, sem0)

                @pl.when(j + 4 < NC)
                def _():
                    idx_start(j + 4, src1, dst1, isem1)
                consume(src2v, dst2v, sd2, rows2, sem2, ssem2)

                @pl.when(j + 4 < NC)
                def _():
                    drain(sd1, rows1, ssem1)
                    idx_wait(src1, dst1, isem1)
                    gather(src1, rows1, sem1)

                @pl.when(j + 5 < NC)
                def _():
                    idx_start(j + 5, src2v, dst2v, isem2)
                return 0

            lax.fori_loop(0, NC // 3, body, 0)
            drain(sd0, rows0, ssem0)
            drain(sd1, rows1, ssem1)
            drain(sd2, rows2, ssem2)
        plsc.subcore_barrier()
        pltpu.sync_copy(accum.at[pl.ds(s * rpt, rpt)],
                        sum_out.at[pl.ds(c * Ro + s * rpt, rpt)])
        if with_counts:
            @pl.when(c == 0)
            def _():
                pltpu.sync_copy(cnt_acc.at[pl.ds(s * rpt, rpt)], cnt_v)
                pltpu.sync_copy(cnt_v, cnt_out.at[pl.ds(s * rpt, rpt)])

    return gsa


def _gsa(table2, src, dst, Rt, Ro, C, with_counts=True, npad_lo=R):
    M0 = src.shape[0]
    Mq = 48 * C
    Mp = ((M0 + Mq - 1) // Mq) * Mq
    if Mp > M0:
        pad = jnp.arange(Mp - M0, dtype=jnp.int32)
        src = jnp.concatenate([src.astype(jnp.int32), pad % jnp.int32(Rt)])
        dst = jnp.concatenate([dst.astype(jnp.int32),
                               npad_lo + pad % jnp.int32(Ro - npad_lo)])
    src2 = jnp.concatenate([src, src + Rt]).astype(jnp.int32)
    ztab = jnp.zeros((Ro, 128), F32)
    zcnt = jnp.zeros((Ro,), F32)
    ones_h = jnp.ones((C,), F32)
    s2, cnt = _make_gsa(Rt, Ro, Mp, C, with_counts)(
        table2, src2, dst.astype(jnp.int32), ztab, zcnt, ones_h)
    return s2.reshape(2, Ro, 128), cnt


@functools.lru_cache(maxsize=None)
def _make_gsa_tail(Rt, M, Cs, cap):
    T = M // 16
    LO = 10000
    assert T % Cs == 0 and Cs % 16 == 0 and cap % 16 == 0

    mesh = plsc.VectorSubcoreMesh(core_axis_name="c", subcore_axis_name="s")

    @functools.partial(
        pl.kernel,
        mesh=mesh,
        compiler_params=pltpu.CompilerParams(needs_layout_passes=False),
        out_type=jax.ShapeDtypeStruct((2 * 512, 128), F32),
        scratch_types=[
            pltpu.VMEM_SHARED((768, 128), F32),
            pltpu.VMEM((Cs,), jnp.int32),
            pltpu.VMEM((Cs,), jnp.int32),
            pltpu.VMEM((cap + 16,), jnp.int32),
            pltpu.VMEM((cap + 16,), jnp.int32),
            pltpu.VMEM((cap + 16, 128), F32),
            pltpu.SemaphoreType.DMA,
        ],
    )
    def gsa_tail(table2, src2, dst, ztab, sum_out,
                 accum, ssrc, sdst, csrc, cdst, crows, sem):
        c = lax.axis_index("c")
        s = lax.axis_index("s")
        for i in range(cap // 16 + 1):
            v = lax.iota(jnp.int32, 16) + jnp.int32(16 * i)
            csrc[pl.ds(16 * i, 16)] = (v & 8191) + c * Rt
            cdst[pl.ds(16 * i, 16)] = 512 + (v & 255)
        pltpu.sync_copy(ztab.at[pl.ds(s * 48, 48)],
                        accum.at[pl.ds(s * 48, 48)])
        plsc.subcore_barrier()

        lanes = lax.iota(jnp.int32, 16)
        cur = jnp.int32(0)
        for jc in range(T // Cs):
            off = pl.multiple_of(s * T + jc * Cs, 8)
            pltpu.sync_copy(src2.at[pl.ds(pl.multiple_of(c * M + off, 8), Cs)],
                            ssrc)
            pltpu.sync_copy(dst.at[pl.ds(off, Cs)], sdst)

            def scan_body(i, cu):
                o = pl.multiple_of(16 * i, 16)
                d = sdst[pl.ds(o, 16)]
                m = d >= LO
                mi = m.astype(jnp.int32)
                excl = plsc.cumsum(mi) - mi
                cc = jnp.minimum(cu, cap - 16)
                pos = jnp.where(m, cc + excl, cap + lanes)
                vd = jnp.where(m, d - LO, jnp.int32(512))
                plsc.store_scatter(csrc, [pos], ssrc[pl.ds(o, 16)])
                plsc.store_scatter(cdst, [pos], vd)
                return cc + jnp.sum(mi)

            cur = lax.fori_loop(0, Cs // 16, scan_body, cur)
        pltpu.async_copy(table2.at[csrc], crows, sem).wait()
        pltpu.sync_copy(crows, accum.at[cdst], add=True)
        plsc.subcore_barrier()
        pltpu.sync_copy(accum.at[pl.ds(s * 32, 32)],
                        sum_out.at[pl.ds(c * 512 + s * 32, 32)])

    return gsa_tail


def _gsa_tail(table2, src, dst, Rt, Cs=1680, cap=832):
    M0 = src.shape[0]
    Mq = 16 * Cs
    Mp = ((M0 + Mq - 1) // Mq) * Mq
    if Mp > M0:
        pad = jnp.arange(Mp - M0, dtype=jnp.int32)
        src = jnp.concatenate([src.astype(jnp.int32), pad % jnp.int32(Rt)])
        dst = jnp.concatenate([dst.astype(jnp.int32),
                               jnp.zeros((Mp - M0,), jnp.int32)])
    src2 = jnp.concatenate([src, src + Rt]).astype(jnp.int32)
    ztab = jnp.zeros((768, 128), F32)
    out = _make_gsa_tail(Rt, Mp, Cs, cap)(
        table2, src2, dst.astype(jnp.int32), ztab)
    return out.reshape(2, 512, 128)



def _row_spec():
    return pl.BlockSpec((BLK, D), lambda i: (i, 0))


def _split_spec():
    return pl.BlockSpec((2, BLK, 128), lambda i: (0, i, 0))


def _full(shape):
    return pl.BlockSpec(shape, lambda i: tuple(0 for _ in shape))


def _cnt_spec():
    return pl.BlockSpec((1, 1, BLK), lambda i: (i, 0, 0))


def _mlp2_body(x_ref, w1_ref, b1_ref, w2_ref, b2_ref, out_ref, *, bias2):
    x = x_ref[...]
    h = jnp.maximum(jnp.dot(x, w1_ref[...], preferred_element_type=F32)
                    + b1_ref[...], 0.0)
    y = jnp.dot(h, w2_ref[...], preferred_element_type=F32)
    if bias2:
        y = y + b2_ref[...]
    out_ref[0, :, :] = y[:, :128]
    out_ref[1, :, :] = y[:, 128:]


def _mlp2(x, w1, b1, w2, b2, bias2=True):
    return pl.pallas_call(
        functools.partial(_mlp2_body, bias2=bias2),
        grid=(NBLK,),
        in_specs=[_row_spec(), _full((D, H)), _full((1, H)),
                  _full((H, D)), _full((1, D))],
        out_specs=_split_spec(),
        out_shape=jax.ShapeDtypeStruct((2, RP, 128), F32),
    )(x, w1, b1.reshape(1, H), w2, b2.reshape(1, D))


def _scale_body(s_ref, c_ref, o_ref):
    r = 1.0 / jnp.maximum(c_ref[0, 0, :], 1.0)
    o_ref[0, :, :] = s_ref[0, :, :] * r[:, None]
    o_ref[1, :, :] = s_ref[1, :, :] * r[:, None]


def _scale(sum2, cnt):
    return pl.pallas_call(
        _scale_body,
        grid=(NBLK,),
        in_specs=[_split_spec(), _cnt_spec()],
        out_specs=_split_spec(),
        out_shape=jax.ShapeDtypeStruct((2, RP, 128), F32),
    )(sum2, cnt.reshape(NBLK, 1, BLK))


def _pred_body(hh_ref, es_ref, c_ref, w1_ref, b1_ref, w2_ref, b2_ref, out_ref):
    r = 1.0 / jnp.maximum(c_ref[0, 0, :], 1.0)
    hL = hh_ref[0, :, :] + es_ref[0, :, :] * r[:, None]
    hR = hh_ref[1, :, :] + es_ref[1, :, :] * r[:, None]
    h2 = jnp.maximum(jnp.concatenate([hL, hR], axis=1), 0.0)
    q = jnp.maximum(jnp.dot(h2, w1_ref[...], preferred_element_type=F32)
                    + b1_ref[...], 0.0)
    y = jnp.dot(q, w2_ref[...], preferred_element_type=F32) + b2_ref[...]
    out_ref[0, :, :] = y[:, :128]
    out_ref[1, :, :] = y[:, 128:]


def _pred(hh2, esum2, ecnt, wp1, bp1, wp2, bp2):
    return pl.pallas_call(
        _pred_body,
        grid=(NBLK,),
        in_specs=[_split_spec(), _split_spec(), _cnt_spec(),
                  _full((D, H)), _full((1, H)), _full((H, D)), _full((1, D))],
        out_specs=_split_spec(),
        out_shape=jax.ShapeDtypeStruct((2, RP, 128), F32),
    )(hh2, esum2, ecnt.reshape(NBLK, 1, BLK),
      wp1, bp1.reshape(1, H), wp2, bp2.reshape(1, D))


def _readout_body(g_ref, a_ref, c_ref, bg_ref, b_ref,
                  sums_ref, cnt_ref, o2_ref):
    i = pl.program_id(0)
    r = 1.0 / jnp.maximum(c_ref[0, 0, :], 1.0)
    nl = g_ref[0, :, :] + a_ref[0, :, :] * r[:, None] + bg_ref[0, 0, :128]
    nr = g_ref[1, :, :] + a_ref[1, :, :] * r[:, None] + bg_ref[0, 0, 128:]
    b = b_ref[0, 0, :]
    oh = (b[:, None] == lax.broadcasted_iota(jnp.int32, (BLK, BLK), 1)
          ).astype(F32)
    dn = (((0,), (0,)), ((), ()))
    cl = lax.dot_general(oh, nl, dn, preferred_element_type=F32)
    cr = lax.dot_general(oh, nr, dn, preferred_element_type=F32)
    cc = jnp.sum(oh, axis=0)

    @pl.when(i == 0)
    def _():
        sums_ref[:, :128] = cl
        sums_ref[:, 128:] = cr
        cnt_ref[0, :] = cc
        o2_ref[:, :128] = nl
        o2_ref[:, 128:] = nr

    @pl.when(i > 0)
    def _():
        sums_ref[:, :128] += cl
        sums_ref[:, 128:] += cr
        cnt_ref[0, :] += cc


def _readout(gw2, asum2, acnt, bg2, batch2p):
    nb = batch2p.shape[0] // BLK
    return pl.pallas_call(
        _readout_body,
        grid=(nb,),
        in_specs=[_split_spec(), _split_spec(), _cnt_spec(),
                  _full((1, 1, D)), _cnt_spec()],
        out_specs=[_full((BLK, D)), _full((1, BLK)), _full((BLK, D))],
        out_shape=[jax.ShapeDtypeStruct((BLK, D), F32),
                   jax.ShapeDtypeStruct((1, BLK), F32),
                   jax.ShapeDtypeStruct((BLK, D), F32)],
    )(gw2, asum2, acnt.reshape(NBLK, 1, BLK), bg2.reshape(1, 1, D),
      batch2p.reshape(nb, 1, BLK))


def _final_body(n1_ref, c1_ref, ss_ref, cs_ref, o1_ref, o3_ref):
    r1 = 1.0 / (c1_ref[0, :] + 1.0)
    o1_ref[:, :128] = n1_ref[0, :, :] * r1[:, None]
    o1_ref[:, 128:] = n1_ref[1, :, :] * r1[:, None]
    r3 = 1.0 / (cs_ref[0, :] + 1.0)
    o3_ref[:, :] = ss_ref[:, :] * r3[:, None]


def _final(nsum1_tail, cnt1_tail, ssum, scnt):
    o = jax.ShapeDtypeStruct((BLK, D), F32)
    return pl.pallas_call(
        _final_body,
        grid=(1,),
        in_specs=[_full((2, BLK, 128)), _full((1, BLK)),
                  _full((BLK, D)), _full((1, BLK))],
        out_specs=[_full((BLK, D))] * 2,
        out_shape=[o, o],
    )(nsum1_tail, cnt1_tail.reshape(1, BLK), ssum, scnt.reshape(1, BLK))



def _pad_rows(x):
    return jnp.concatenate([x, jnp.zeros((RP - x.shape[0], x.shape[1]), x.dtype)])


def kernel(edge_fea, hyper_edge_index, n_id, batch1, target_edge, node_index,
           x2, edge_index2, batch2, batch_size,
           W1, b1, W2, b2, Wp1, bp1, Wp2, bp2, Wg1, bg1, Wg2, bg2):
    Bn = 512
    e0 = (hyper_edge_index[0] + (batch_size - Bn)).astype(jnp.int32)
    e1 = hyper_edge_index[1].astype(jnp.int32)

    hh2 = _mlp2(edge_fea, W1, b1, W2, b2)
    hh_flat = hh2.reshape(2 * RP, 128)

    nsum2, cnt_e1 = _gsa(hh_flat, e0, e1, RP, RP, 96)
    node_m2 = _scale(nsum2, cnt_e1)
    esum2, cnt_e0 = _gsa(node_m2.reshape(2 * RP, 128), e1, e0, RP, RP, 96)

    p2 = _pred(hh2, esum2, cnt_e0, Wp1, bp1, Wp2, bp2)
    nsum1_tail = _gsa_tail(p2.reshape(2 * RP, 128), e0, e1, RP)

    gw2 = _mlp2(_pad_rows(x2), Wg1, bg1, Wg2, bg2, bias2=False)
    asum2, acnt = _gsa(gw2.reshape(2 * RP, 128), edge_index2[0], edge_index2[1],
                       RP, RP, 96)

    batch2p = jnp.concatenate([batch2.astype(jnp.int32),
                               jnp.full((240,), -1, jnp.int32)])
    ssum, scnt, out2 = _readout(gw2, asum2, acnt, bg2, batch2p)

    out1, out3 = _final(nsum1_tail, cnt_e1[10000:10512], ssum, scnt[0])
    return (out1, out2, out3)

# --- scband reference (transcript-rebuilt; emitter-appended) ---
"""Pipeline reference for scband-bourne-edge-82463372083251 (READ-ONLY COPY).

The authoritative reference and input builder live on the scoring server;
editing this copy changes nothing except your own understanding.
"""

import jax, jax.numpy as jnp
import numpy as np

Ef, M, Nid, B, N2, E2, D, H, DO, S = 160000, 160000, 10000, 512, 10512, 160000, 256, 512, 256, 512

def _init_w(key, fan_in, fan_out):
    return jax.random.normal(key, (fan_in, fan_out), jnp.float32) * (2.0 / fan_in) ** 0.5

def setup_inputs(seed: int = 0) -> dict:
    key = jax.random.key(seed)
    ks = jax.random.split(key, 24)
    inp = {}
    inp["edge_fea"] = jax.random.normal(ks[0], (Ef, D), jnp.float32)
    inp["hyper_edge_index"] = jax.random.randint(ks[1], (2, M), 0, N2)
    inp["n_id"] = jnp.arange(Nid)
    inp["batch1"] = jnp.sort(jax.random.randint(ks[2], (Nid,), 0, S))
    inp["target_edge"] = jax.random.randint(ks[3], (2048,), 0, Ef)
    inp["node_index"] = jax.random.randint(ks[4], (1024,), 0, B)
    inp["x2"] = jax.random.normal(ks[5], (N2, D), jnp.float32)
    inp["edge_index2"] = jax.random.randint(ks[6], (2, E2), 0, N2)
    inp["batch2"] = jnp.sort(jax.random.randint(ks[7], (Nid,), 0, S))
    inp["batch_size"] = B
    # online (hypergraph edge) encoder params
    inp["W1"] = _init_w(ks[8], D, H); inp["b1"] = jnp.zeros((H,), jnp.float32)
    inp["W2"] = _init_w(ks[9], H, DO); inp["b2"] = jnp.zeros((DO,), jnp.float32)
    # predictor params
    inp["Wp1"] = _init_w(ks[10], DO, H); inp["bp1"] = jnp.zeros((H,), jnp.float32)
    inp["Wp2"] = _init_w(ks[11], H, DO); inp["bp2"] = jnp.zeros((DO,), jnp.float32)
    # frozen target (graph) encoder params (requires_grad=False in torch)
    inp["Wg1"] = _init_w(ks[12], D, H); inp["bg1"] = jnp.zeros((H,), jnp.float32)
    inp["Wg2"] = _init_w(ks[13], H, DO); inp["bg2"] = jnp.zeros((DO,), jnp.float32)
    return inp

def _scatter_mean(vals, idx, n):
    s = jnp.zeros((n, vals.shape[-1]), vals.dtype).at[idx].add(vals)
    c = jnp.zeros((n,), vals.dtype).at[idx].add(1.0)
    return s / jnp.maximum(c, 1.0)[:, None]

def _scatter_mean_include_self(vals, idx, n):
    # torch Tensor.scatter_reduce_(reduce='mean', include_self=True) on a zero-initialized dst:
    # dst counts as one element -> mean = sum / (count + 1); untouched rows stay 0.
    s = jnp.zeros((n, vals.shape[-1]), vals.dtype).at[idx].add(vals)
    c = jnp.zeros((n,), vals.dtype).at[idx].add(1.0)
    return s / (c + 1.0)[:, None]

def reference(edge_fea, hyper_edge_index, n_id, batch1, target_edge, node_index, x2, edge_index2, batch2, batch_size, W1, b1, W2, b2, Wp1, bp1, Wp2, bp2, Wg1, bg1, Wg2, bg2):
    Bn = 512
    Nu = n_id.shape[0] + Bn
    e0 = hyper_edge_index[0] + (batch_size - Bn)
    e1 = hyper_edge_index[1]
    # online encoder: 2-layer MLP + one round of hypergraph message passing (edge->node->edge)
    h = jax.nn.relu(edge_fea @ W1 + b1)
    h = h @ W2 + b2
    node_m = _scatter_mean(h[e0], e1, Nu)
    edge_m = _scatter_mean(node_m[e1], e0, edge_fea.shape[0])
    h = jax.nn.relu(h + edge_m)
    # predictor
    p = jax.nn.relu(h @ Wp1 + bp1) @ Wp2 + bp2
    edge_emb_1 = p[e0]
    node_emb_1 = _scatter_mean_include_self(edge_emb_1, e1, Nu)
    h_n_1 = node_emb_1[-Bn:, :]
    h_n_1_e = edge_emb_1[-target_edge.shape[0]:, :]
    h_sub_1 = _scatter_mean_include_self(node_emb_1[:-Bn, :], batch1, S)  # MyReadout, unique(batch)=S
    # frozen target encoder (torch.no_grad + requires_grad=False)
    g = jax.nn.relu(x2 @ Wg1 + bg1)
    agg = _scatter_mean(g[edge_index2[0]], edge_index2[1], x2.shape[0])
    node_emb_2 = (g + agg) @ Wg2 + bg2
    node_emb_2 = jax.lax.stop_gradient(node_emb_2)
    h_n_2 = node_emb_2[:Bn, :]
    h_n_2_e = h_n_2[node_index]
    h_sub_2 = _scatter_mean_include_self(node_emb_2[:-Bn, :], batch2, S)
    h_sub_2_e = h_sub_2[node_index]
    return (h_n_1, node_emb_2[:Bn, :], h_sub_2)

if __name__ == "__main__":
    import jax
    _d = setup_inputs()
    print(jax.jit(kernel)(*tuple(_d.values())))

</pallas_src>

<mosaic_0001>
#map = affine_map<(d0, d1) -> (0, 0)>
#map1 = affine_map<(d0, d1) -> (0)>
module attributes {stable_mosaic.version = 14 : i64} {
  func.func @gsa(%arg0: i32, %arg1: i32, %arg2: memref<21504x128xf32, #tpu.memory_space<hbm>>, %arg3: memref<322560xi32, #tpu.memory_space<hbm>>, %arg4: memref<161280xi32, #tpu.memory_space<hbm>>, %arg5: memref<10752x128xf32, #tpu.memory_space<hbm>>, %arg6: memref<10752xf32, #tpu.memory_space<hbm>>, %arg7: memref<96xf32, #tpu.memory_space<hbm>>, %arg8: memref<21504x128xf32, #tpu.memory_space<hbm>>, %arg9: memref<10752xf32, #tpu.memory_space<hbm>>, %arg10: memref<10752x128xf32, #tpu.memory_space<vmem_shared>>, %arg11: memref<10752xf32, #tpu.memory_space<vmem_shared>>, %arg12: memref<96xi32, #tpu.memory_space<vmem>>, %arg13: memref<96xi32, #tpu.memory_space<vmem>>, %arg14: memref<96x128xf32, #tpu.memory_space<vmem>>, %arg15: memref<96xi32, #tpu.memory_space<vmem>>, %arg16: memref<96xi32, #tpu.memory_space<vmem>>, %arg17: memref<96x128xf32, #tpu.memory_space<vmem>>, %arg18: memref<96xi32, #tpu.memory_space<vmem>>, %arg19: memref<96xi32, #tpu.memory_space<vmem>>, %arg20: memref<96x128xf32, #tpu.memory_space<vmem>>, %arg21: memref<96xi32, #tpu.memory_space<vmem>>, %arg22: memref<96xi32, #tpu.memory_space<vmem>>, %arg23: memref<96xi32, #tpu.memory_space<vmem>>, %arg24: memref<96xf32, #tpu.memory_space<vmem>>, %arg25: memref<672xf32, #tpu.memory_space<vmem>>, %arg26: memref<!tpu.dma_semaphore, #tpu.memory_space<semaphore_mem>>, %arg27: memref<!tpu.dma_semaphore, #tpu.memory_space<semaphore_mem>>, %arg28: memref<!tpu.dma_semaphore, #tpu.memory_space<semaphore_mem>>, %arg29: memref<!tpu.dma_semaphore, #tpu.memory_space<semaphore_mem>>, %arg30: memref<!tpu.dma_semaphore, #tpu.memory_space<semaphore_mem>>, %arg31: memref<!tpu.dma_semaphore, #tpu.memory_space<semaphore_mem>>, %arg32: memref<!tpu.dma_semaphore, #tpu.memory_space<semaphore_mem>>, %arg33: memref<!tpu.dma_semaphore, #tpu.memory_space<semaphore_mem>>, %arg34: memref<!tpu.dma_semaphore, #tpu.memory_space<semaphore_mem>>) attributes {dimension_semantics = [#tpu.dimension_semantics<core_parallel>, #tpu.dimension_semantics<subcore_parallel>], iteration_bounds = array<i64: 2, 16>, scalar_prefetch = 0 : i64, scratch_operands = 25 : i64, tpu.core_type = #tpu.core_type<sc_vector_subcore>, window_params = [{transform_indices = #map}, {transform_indices = #map1}, {transform_indices = #map1}, {transform_indices = #map}, {transform_indices = #map1}, {transform_indices = #map1}, {transform_indices = #map}, {transform_indices = #map1}]} {
    %mul3A = arith.constant 672 : i32
    %mul3A_0 = arith.muli %arg1, %mul3A : i32
    %mul3A_1 = arith.constant 672 : i32
    %mul3A_2 = arith.muli %arg1, %mul3A_1 : i32
    "tpu.region"() ({
      %run_scoped3A = tpu.sem_alloc : memref<!tpu.dma_semaphore, #tpu.memory_space<semaphore_mem>>
      %dma_start3A_104 = arith.constant 0 : i32
      %dma_start3A_105 = tpu.memref_slice %arg10[%mul3A_2, %dma_start3A_104] : memref<10752x128xf32, #tpu.memory_space<vmem_shared>> -> memref<672x128xf32, #tpu.memory_space<vmem_shared>>
      %dma_start3A_106 = arith.constant 0 : i32
      %dma_start3A_107 = tpu.memref_slice %arg5[%mul3A_0, %dma_start3A_106] : memref<10752x128xf32, #tpu.memory_space<hbm>> -> memref<672x128xf32, #tpu.memory_space<hbm>>
      tpu.enqueue_dma source(%dma_start3A_107 : memref<672x128xf32, #tpu.memory_space<hbm>>) target(%dma_start3A_105 : memref<672x128xf32, #tpu.memory_space<vmem_shared>>) target_semaphore(%run_scoped3A : memref<!tpu.dma_semaphore, #tpu.memory_space<semaphore_mem>>)
      %dma_wait3A_108 = arith.constant 0 : i32
      %dma_wait3A_109 = tpu.memref_slice %arg10[%mul3A_2, %dma_wait3A_108] : memref<10752x128xf32, #tpu.memory_space<vmem_shared>> -> memref<672x128xf32, #tpu.memory_space<vmem_shared>>
      %dma_wait3A_110 = arith.constant 0 : i32
      %dma_wait3A_111 = tpu.memref_slice %arg5[%mul3A_0, %dma_wait3A_110] : memref<10752x128xf32, #tpu.memory_space<hbm>> -> memref<672x128xf32, #tpu.memory_space<hbm>>
      tpu.wait_dma2 semaphore(%run_scoped3A : memref<!tpu.dma_semaphore, #tpu.memory_space<semaphore_mem>>) src(%dma_wait3A_111 : memref<672x128xf32, #tpu.memory_space<hbm>>) dst(%dma_wait3A_109 : memref<672x128xf32, #tpu.memory_space<vmem_shared>>)
      tpu.yield
    }) : () -> ()
    %mul3A_3 = arith.constant 672 : i32
    %mul3A_4 = arith.muli %arg1, %mul3A_3 : i32
    "tpu.region"() ({
      %run_scoped3A = tpu.sem_alloc : memref<!tpu.dma_semaphore, #tpu.memory_space<semaphore_mem>>
      %dma_start3A_104 = tpu.memref_slice %arg6[%mul3A_4] : memref<10752xf32, #tpu.memory_space<hbm>> -> memref<672xf32, #tpu.memory_space<hbm>>
      %dma_start3A_105 = tpu.memref_slice %arg6[%mul3A_4] : memref<10752xf32, #tpu.memory_space<hbm>> -> memref<672xf32, #tpu.memory_space<hbm>>
      tpu.enqueue_dma source(%dma_start3A_105 : memref<672xf32, #tpu.memory_space<hbm>>) target(%arg25 : memref<672xf32, #tpu.memory_space<vmem>>) target_semaphore(%run_scoped3A : memref<!tpu.dma_semaphore, #tpu.memory_space<semaphore_mem>>)
      %dma_wait3A_106 = tpu.memref_slice %arg6[%mul3A_4] : memref<10752xf32, #tpu.memory_space<hbm>> -> memref<672xf32, #tpu.memory_space<hbm>>
      %dma_wait3A_107 = tpu.memref_slice %arg6[%mul3A_4] : memref<10752xf32, #tpu.memory_space<hbm>> -> memref<672xf32, #tpu.memory_space<hbm>>
      tpu.wait_dma2 semaphore(%run_scoped3A : memref<!tpu.dma_semaphore, #tpu.memory_space<semaphore_mem>>) src(%dma_wait3A_107 : memref<672xf32, #tpu.memory_space<hbm>>) dst(%arg25 : memref<672xf32, #tpu.memory_space<vmem>>)
      tpu.yield
    }) : () -> ()
    %mul3A_5 = arith.constant 672 : i32
    %mul3A_6 = arith.muli %arg1, %mul3A_5 : i32
    "tpu.region"() ({
      %run_scoped3A = tpu.sem_alloc : memref<!tpu.dma_semaphore, #tpu.memory_space<semaphore_mem>>
      %dma_start3A_104 = tpu.memref_slice %arg11[%mul3A_6] : memref<10752xf32, #tpu.memory_space<vmem_shared>> -> memref<672xf32, #tpu.memory_space<vmem_shared>>
      %dma_start3A_105 = tpu.memref_slice %arg11[%mul3A_6] : memref<10752xf32, #tpu.memory_space<vmem_shared>> -> memref<672xf32, #tpu.memory_space<vmem_shared>>
      tpu.enqueue_dma source(%arg25 : memref<672xf32, #tpu.memory_space<vmem>>) target(%dma_start3A_105 : memref<672xf32, #tpu.memory_space<vmem_shared>>) target_semaphore(%run_scoped3A : memref<!tpu.dma_semaphore, #tpu.memory_space<semaphore_mem>>)
      %dma_wait3A_106 = tpu.memref_slice %arg11[%mul3A_6] : memref<10752xf32, #tpu.memory_space<vmem_shared>> -> memref<672xf32, #tpu.memory_space<vmem_shared>>
      %dma_wait3A_107 = tpu.memref_slice %arg11[%mul3A_6] : memref<10752xf32, #tpu.memory_space<vmem_shared>> -> memref<672xf32, #tpu.memory_space<vmem_shared>>
      tpu.wait_dma2 semaphore(%run_scoped3A : memref<!tpu.dma_semaphore, #tpu.memory_space<semaphore_mem>>) src(%arg25 : memref<672xf32, #tpu.memory_space<vmem>>) dst(%dma_wait3A_107 : memref<672xf32, #tpu.memory_space<vmem_shared>>)
      tpu.yield
    }) : () -> ()
    "tpu.region"() ({
      %run_scoped3A = tpu.sem_alloc : memref<!tpu.dma_semaphore, #tpu.memory_space<semaphore_mem>>
      tpu.enqueue_dma source(%arg7 : memref<96xf32, #tpu.memory_space<hbm>>) target(%arg24 : memref<96xf32, #tpu.memory_space<vmem>>) target_semaphore(%run_scoped3A : memref<!tpu.dma_semaphore, #tpu.memory_space<semaphore_mem>>)
      tpu.wait_dma2 semaphore(%run_scoped3A : memref<!tpu.dma_semaphore, #tpu.memory_space<semaphore_mem>>) src(%arg7 : memref<96xf32, #tpu.memory_space<hbm>>) dst(%arg24 : memref<96xf32, #tpu.memory_space<vmem>>)
      tpu.yield
    }) : () -> ()
    %barrier3A = arith.constant 0 : index
    tpu.barrier barrier_id(%barrier3A)
    %mul3A_7 = arith.constant 10080 : i32
    %mul3A_8 = arith.muli %arg1, %mul3A_7 : i32
    %add3A = arith.constant 0 : i32
    %add3A_9 = arith.addi %mul3A_8, %add3A : i32
    %multiple_of3A = tpu.assume_multiple %add3A_9, 8 : i32
    %mul3A_10 = arith.constant 161280 : i32
    %mul3A_11 = arith.muli %arg0, %mul3A_10 : i32
    %add3A_12 = arith.addi %mul3A_11, %multiple_of3A : i32
    %multiple_of3A_13 = tpu.assume_multiple %add3A_12, 8 : i32
    %dma_start3A = tpu.memref_slice %arg3[%multiple_of3A_13] : memref<322560xi32, #tpu.memory_space<hbm>> -> memref<96xi32, #tpu.memory_space<hbm>>
    %dma_start3A_14 = tpu.memref_slice %arg3[%multiple_of3A_13] : memref<322560xi32, #tpu.memory_space<hbm>> -> memref<96xi32, #tpu.memory_space<hbm>>
    tpu.enqueue_dma source(%dma_start3A_14 : memref<96xi32, #tpu.memory_space<hbm>>) target(%arg12 : memref<96xi32, #tpu.memory_space<vmem>>) target_semaphore(%arg29 : memref<!tpu.dma_semaphore, #tpu.memory_space<semaphore_mem>>)
    %dma_start3A_15 = tpu.memref_slice %arg4[%multiple_of3A] : memref<161280xi32, #tpu.memory_space<hbm>> -> memref<96xi32, #tpu.memory_space<hbm>>
    %dma_start3A_16 = tpu.memref_slice %arg4[%multiple_of3A] : memref<161280xi32, #tpu.memory_space<hbm>> -> memref<96xi32, #tpu.memory_space<hbm>>
    tpu.enqueue_dma source(%dma_start3A_16 : memref<96xi32, #tpu.memory_space<hbm>>) target(%arg13 : memref<96xi32, #tpu.memory_space<vmem>>) target_semaphore(%arg29 : memref<!tpu.dma_semaphore, #tpu.memory_space<semaphore_mem>>)
    %mul3A_17 = arith.constant 10080 : i32
    %mul3A_18 = arith.muli %arg1, %mul3A_17 : i32
    %add3A_19 = arith.constant 96 : i32
    %add3A_20 = arith.addi %mul3A_18, %add3A_19 : i32
    %multiple_of3A_21 = tpu.assume_multiple %add3A_20, 8 : i32
    %mul3A_22 = arith.constant 161280 : i32
    %mul3A_23 = arith.muli %arg0, %mul3A_22 : i32
    %add3A_24 = arith.addi %mul3A_23, %multiple_of3A_21 : i32
    %multiple_of3A_25 = tpu.assume_multiple %add3A_24, 8 : i32
    %dma_start3A_26 = tpu.memref_slice %arg3[%multiple_of3A_25] : memref<322560xi32, #tpu.memory_space<hbm>> -> memref<96xi32, #tpu.memory_space<hbm>>
    %dma_start3A_27 = tpu.memref_slice %arg3[%multiple_of3A_25] : memref<322560xi32, #tpu.memory_space<hbm>> -> memref<96xi32, #tpu.memory_space<hbm>>
    tpu.enqueue_dma source(%dma_start3A_27 : memref<96xi32, #tpu.memory_space<hbm>>) target(%arg15 : memref<96xi32, #tpu.memory_space<vmem>>) target_semaphore(%arg30 : memref<!tpu.dma_semaphore, #tpu.memory_space<semaphore_mem>>)
    %dma_start3A_28 = tpu.memref_slice %arg4[%multiple_of3A_21] : memref<161280xi32, #tpu.memory_space<hbm>> -> memref<96xi32, #tpu.memory_space<hbm>>
    %dma_start3A_29 = tpu.memref_slice %arg4[%multiple_of3A_21] : memref<161280xi32, #tpu.memory_space<hbm>> -> memref<96xi32, #tpu.memory_space<hbm>>
    tpu.enqueue_dma source(%dma_start3A_29 : memref<96xi32, #tpu.memory_space<hbm>>) target(%arg16 : memref<96xi32, #tpu.memory_space<vmem>>) target_semaphore(%arg30 : memref<!tpu.dma_semaphore, #tpu.memory_space<semaphore_mem>>)
    %dma_wait3A = arith.constant 0 : i32
    %dma_wait3A_30 = tpu.memref_slice %arg3[%dma_wait3A] : memref<322560xi32, #tpu.memory_space<hbm>> -> memref<96xi32, #tpu.memory_space<hbm>>
    %dma_wait3A_31 = arith.constant 0 : i32
    %dma_wait3A_32 = tpu.memref_slice %arg3[%dma_wait3A_31] : memref<322560xi32, #tpu.memory_space<hbm>> -> memref<96xi32, #tpu.memory_space<hbm>>
    tpu.wait_dma2 semaphore(%arg29 : memref<!tpu.dma_semaphore, #tpu.memory_space<semaphore_mem>>) src(%dma_wait3A_32 : memref<96xi32, #tpu.memory_space<hbm>>) dst(%arg12 : memref<96xi32, #tpu.memory_space<vmem>>)
    %dma_wait3A_33 = arith.constant 0 : i32
    %dma_wait3A_34 = tpu.memref_slice %arg4[%dma_wait3A_33] : memref<161280xi32, #tpu.memory_space<hbm>> -> memref<96xi32, #tpu.memory_space<hbm>>
    %dma_wait3A_35 = arith.constant 0 : i32
    %dma_wait3A_36 = tpu.memref_slice %arg4[%dma_wait3A_35] : memref<161280xi32, #tpu.memory_space<hbm>> -> memref<96xi32, #tpu.memory_space<hbm>>
    tpu.wait_dma2 semaphore(%arg29 : memref<!tpu.dma_semaphore, #tpu.memory_space<semaphore_mem>>) src(%dma_wait3A_36 : memref<96xi32, #tpu.memory_space<hbm>>) dst(%arg13 : memref<96xi32, #tpu.memory_space<vmem>>)
    %dma_start3A_37 = arith.constant 0 : i32
    %dma_start3A_38 = arith.constant 0 : i32
    %dma_start3A_39 = tpu.memref_slice %arg2[%dma_start3A_37, %dma_start3A_38] : memref<21504x128xf32, #tpu.memory_space<hbm>> -> memref<21504x128xf32, #tpu.memory_space<hbm>>
    tpu.enqueue_indirect_dma source(%dma_start3A_39 : memref<21504x128xf32, #tpu.memory_space<hbm>>) target(%arg14 : memref<96x128xf32, #tpu.memory_space<vmem>>) offsets(%arg12 : memref<96xi32, #tpu.memory_space<vmem>>) semaphore(%arg26 : memref<!tpu.dma_semaphore, #tpu.memory_space<semaphore_mem>>)
    %mul3A_40 = arith.constant 10080 : i32
    %mul3A_41 = arith.muli %arg1, %mul3A_40 : i32
    %add3A_42 = arith.constant 192 : i32
    %add3A_43 = arith.addi %mul3A_41, %add3A_42 : i32
    %multiple_of3A_44 = tpu.assume_multiple %add3A_43, 8 : i32
    %mul3A_45 = arith.constant 161280 : i32
    %mul3A_46 = arith.muli %arg0, %mul3A_45 : i32
    %add3A_47 = arith.addi %mul3A_46, %multiple_of3A_44 : i32
    %multiple_of3A_48 = tpu.assume_multiple %add3A_47, 8 : i32
    %dma_start3A_49 = tpu.memref_slice %arg3[%multiple_of3A_48] : memref<322560xi32, #tpu.memory_space<hbm>> -> memref<96xi32, #tpu.memory_space<hbm>>
    %dma_start3A_50 = tpu.memref_slice %arg3[%multiple_of3A_48] : memref<322560xi32, #tpu.memory_space<hbm>> -> memref<96xi32, #tpu.memory_space<hbm>>
    tpu.enqueue_dma source(%dma_start3A_50 : memref<96xi32, #tpu.memory_space<hbm>>) target(%arg18 : memref<96xi32, #tpu.memory_space<vmem>>) target_semaphore(%arg31 : memref<!tpu.dma_semaphore, #tpu.memory_space<semaphore_mem>>)
    %dma_start3A_51 = tpu.memref_slice %arg4[%multiple_of3A_44] : memref<161280xi32, #tpu.memory_space<hbm>> -> memref<96xi32, #tpu.memory_space<hbm>>
    %dma_start3A_52 = tpu.memref_slice %arg4[%multiple_of3A_44] : memref<161280xi32, #tpu.memory_space<hbm>> -> memref<96xi32, #tpu.memory_space<hbm>>
    tpu.enqueue_dma source(%dma_start3A_52 : memref<96xi32, #tpu.memory_space<hbm>>) target(%arg19 : memref<96xi32, #tpu.memory_space<vmem>>) target_semaphore(%arg31 : memref<!tpu.dma_semaphore, #tpu.memory_space<semaphore_mem>>)
    %dma_wait3A_53 = arith.constant 0 : i32
    %dma_wait3A_54 = tpu.memref_slice %arg3[%dma_wait3A_53] : memref<322560xi32, #tpu.memory_space<hbm>> -> memref<96xi32, #tpu.memory_space<hbm>>
    %dma_wait3A_55 = arith.constant 0 : i32
    %dma_wait3A_56 = tpu.memref_slice %arg3[%dma_wait3A_55] : memref<322560xi32, #tpu.memory_space<hbm>> -> memref<96xi32, #tpu.memory_space<hbm>>
    tpu.wait_dma2 semaphore(%arg30 : memref<!tpu.dma_semaphore, #tpu.memory_space<semaphore_mem>>) src(%dma_wait3A_56 : memref<96xi32, #tpu.memory_space<hbm>>) dst(%arg15 : memref<96xi32, #tpu.memory_space<vmem>>)
    %dma_wait3A_57 = arith.constant 0 : i32
    %dma_wait3A_58 = tpu.memref_slice %arg4[%dma_wait3A_57] : memref<161280xi32, #tpu.memory_space<hbm>> -> memref<96xi32, #tpu.memory_space<hbm>>
    %dma_wait3A_59 = arith.constant 0 : i32
    %dma_wait3A_60 = tpu.memref_slice %arg4[%dma_wait3A_59] : memref<161280xi32, #tpu.memory_space<hbm>> -> memref<96xi32, #tpu.memory_space<hbm>>
    tpu.wait_dma2 semaphore(%arg30 : memref<!tpu.dma_semaphore, #tpu.memory_space<semaphore_mem>>) src(%dma_wait3A_60 : memref<96xi32, #tpu.memory_space<hbm>>) dst(%arg16 : memref<96xi32, #tpu.memory_space<vmem>>)
    %dma_start3A_61 = arith.constant 0 : i32
    %dma_start3A_62 = arith.constant 0 : i32
    %dma_start3A_63 = tpu.memref_slice %arg2[%dma_start3A_61, %dma_start3A_62] : memref<21504x128xf32, #tpu.memory_space<hbm>> -> memref<21504x128xf32, #tpu.memory_space<hbm>>
    tpu.enqueue_indirect_dma source(%dma_start3A_63 : memref<21504x128xf32, #tpu.memory_space<hbm>>) target(%arg17 : memref<96x128xf32, #tpu.memory_space<vmem>>) offsets(%arg15 : memref<96xi32, #tpu.memory_space<vmem>>) semaphore(%arg27 : memref<!tpu.dma_semaphore, #tpu.memory_space<semaphore_mem>>)
    %scan3A = arith.constant 0 : i32
    %scan3A_64 = arith.constant 0 : i32
    %scan3A_65 = arith.constant 35 : i32
    %scan3A_66 = arith.addi %scan3A_64, %scan3A_65 : i32
    %scan3A_67 = arith.constant 1 : i32
    %scan3A_68 = scf.for %scan3A_104 = %scan3A_64 to %scan3A_66 step %scan3A_67 iter_args(%scan3A_105 = %scan3A) -> (i32)  : i32 {
      %mul3A_106 = arith.constant 3 : i32
      %mul3A_107 = arith.muli %mul3A_106, %scan3A_104 : i32
      %gt3A = arith.constant 0 : i32
      %gt3A_108 = arith.cmpi sgt, %scan3A_104, %gt3A : i32
      %convert_element_type3A_109 = arith.extui %gt3A_108 : i1 to i32
      %cond3A_110 = arith.constant 0 : i32
      %cond3A_111 = arith.cmpi ne, %convert_element_type3A_109, %cond3A_110 : i32
      scf.if %cond3A_111 {
        %dma_wait3A_315 = arith.constant 0 : i32
        %dma_wait3A_316 = arith.constant 0 : i32
        %dma_wait3A_317 = tpu.memref_slice %arg10[%dma_wait3A_315, %dma_wait3A_316] : memref<10752x128xf32, #tpu.memory_space<vmem_shared>> -> memref<10752x128xf32, #tpu.memory_space<vmem_shared>>
        tpu.wait_indirect_dma semaphore(%arg34 : memref<!tpu.dma_semaphore, #tpu.memory_space<semaphore_mem>>) src(%arg20 : memref<96x128xf32, #tpu.memory_space<vmem>>) dst(%dma_wait3A_317 : memref<10752x128xf32, #tpu.memory_space<vmem_shared>>)
        %eq3A_318 = arith.constant 0 : i32
        %eq3A_319 = arith.cmpi eq, %arg0, %eq3A_318 : i32
        %convert_element_type3A_320 = arith.extui %eq3A_319 : i1 to i32
        %cond3A_321 = arith.constant 0 : i32
        %cond3A_322 = arith.cmpi ne, %convert_element_type3A_320, %cond3A_321 : i32
        scf.if %cond3A_322 {
          %dma_wait3A_323 = arith.constant 0 : i32
          %dma_wait3A_324 = tpu.memref_slice %arg11[%dma_wait3A_323] : memref<10752xf32, #tpu.memory_space<vmem_shared>> -> memref<10752xf32, #tpu.memory_space<vmem_shared>>
          tpu.wait_indirect_dma semaphore(%arg34 : memref<!tpu.dma_semaphore, #tpu.memory_space<semaphore_mem>>) src(%arg24 : memref<96xf32, #tpu.memory_space<vmem>>) dst(%dma_wait3A_324 : memref<10752xf32, #tpu.memory_space<vmem_shared>>)
        } else {
        }
      } else {
      }
      %dma_wait3A_112 = arith.constant 0 : i32
      %dma_wait3A_113 = tpu.memref_slice %arg3[%dma_wait3A_112] : memref<322560xi32, #tpu.memory_space<hbm>> -> memref<96xi32, #tpu.memory_space<hbm>>
      %dma_wait3A_114 = arith.constant 0 : i32
      %dma_wait3A_115 = tpu.memref_slice %arg3[%dma_wait3A_114] : memref<322560xi32, #tpu.memory_space<hbm>> -> memref<96xi32, #tpu.memory_space<hbm>>
      tpu.wait_dma2 semaphore(%arg31 : memref<!tpu.dma_semaphore, #tpu.memory_space<semaphore_mem>>) src(%dma_wait3A_115 : memref<96xi32, #tpu.memory_space<hbm>>) dst(%arg18 : memref<96xi32, #tpu.memory_space<vmem>>)
      %dma_wait3A_116 = arith.constant 0 : i32
      %dma_wait3A_117 = tpu.memref_slice %arg4[%dma_wait3A_116] : memref<161280xi32, #tpu.memory_space<hbm>> -> memref<96xi32, #tpu.memory_space<hbm>>
      %dma_wait3A_118 = arith.constant 0 : i32
      %dma_wait3A_119 = tpu.memref_slice %arg4[%dma_wait3A_118] : memref<161280xi32, #tpu.memory_space<hbm>> -> memref<96xi32, #tpu.memory_space<hbm>>
      tpu.wait_dma2 semaphore(%arg31 : memref<!tpu.dma_semaphore, #tpu.memory_space<semaphore_mem>>) src(%dma_wait3A_119 : memref<96xi32, #tpu.memory_space<hbm>>) dst(%arg19 : memref<96xi32, #tpu.memory_space<vmem>>)
      %dma_start3A_120 = arith.constant 0 : i32
      %dma_start3A_121 = arith.constant 0 : i32
      %dma_start3A_122 = tpu.memref_slice %arg2[%dma_start3A_120, %dma_start3A_121] : memref<21504x128xf32, #tpu.memory_space<hbm>> -> memref<21504x128xf32, #tpu.memory_space<hbm>>
      tpu.enqueue_indirect_dma source(%dma_start3A_122 : memref<21504x128xf32, #tpu.memory_space<hbm>>) target(%arg20 : memref<96x128xf32, #tpu.memory_space<vmem>>) offsets(%arg18 : memref<96xi32, #tpu.memory_space<vmem>>) semaphore(%arg28 : memref<!tpu.dma_semaphore, #tpu.memory_space<semaphore_mem>>)
      %dma_wait3A_123 = arith.constant 0 : i32
      %dma_wait3A_124 = arith.constant 0 : i32
      %dma_wait3A_125 = tpu.memref_slice %arg2[%dma_wait3A_123, %dma_wait3A_124] : memref<21504x128xf32, #tpu.memory_space<hbm>> -> memref<21504x128xf32, #tpu.memory_space<hbm>>
      tpu.wait_indirect_dma semaphore(%arg26 : memref<!tpu.dma_semaphore, #tpu.memory_space<semaphore_mem>>) src(%dma_wait3A_125 : memref<21504x128xf32, #tpu.memory_space<hbm>>) dst(%arg14 : memref<96x128xf32, #tpu.memory_space<vmem>>)
      %get3A = arith.constant 0 : index
      %get3A_126 = tpu.vector_load %arg13[%get3A] {strides = array<i32>} : memref<96xi32, #tpu.memory_space<vmem>>, vector<16xi32>,
      %get3A_127 = vector.shape_cast %get3A_126 : vector<16xi32> to vector<16xi32>
      %swap3A = arith.constant 0 : index
      %swap3A_128 = tpu.vector_load %arg21[%swap3A] {strides = array<i32>} : memref<96xi32, #tpu.memory_space<vmem>>, vector<16xi32>,
      %swap3A_129 = vector.shape_cast %swap3A_128 : vector<16xi32> to vector<16xi32>
      %swap3A_130 = vector.shape_cast %get3A_127 : vector<16xi32> to vector<16xi32>
      tpu.vector_store %arg21[%swap3A], %swap3A_130 {strides = array<i32>} : memref<96xi32, #tpu.memory_space<vmem>>, vector<16xi32>,
      %get3A_131 = arith.constant 16 : index
      %get3A_132 = tpu.vector_load %arg13[%get3A_131] {strides = array<i32>} : memref<96xi32, #tpu.memory_space<vmem>>, vector<16xi32>,
      %get3A_133 = vector.shape_cast %get3A_132 : vector<16xi32> to vector<16xi32>
      %swap3A_134 = arith.constant 16 : index
      %swap3A_135 = tpu.vector_load %arg21[%swap3A_134] {strides = array<i32>} : memref<96xi32, #tpu.memory_space<vmem>>, vector<16xi32>,
      %swap3A_136 = vector.shape_cast %swap3A_135 : vector<16xi32> to vector<16xi32>
      %swap3A_137 = vector.shape_cast %get3A_133 : vector<16xi32> to vector<16xi32>
      tpu.vector_store %arg21[%swap3A_134], %swap3A_137 {strides = array<i32>} : memref<96xi32, #tpu.memory_space<vmem>>, vector<16xi32>,
      %get3A_138 = arith.constant 32 : index
      %get3A_139 = tpu.vector_load %arg13[%get3A_138] {strides = array<i32>} : memref<96xi32, #tpu.memory_space<vmem>>, vector<16xi32>,
      %get3A_140 = vector.shape_cast %get3A_139 : vector<16xi32> to vector<16xi32>
      %swap3A_141 = arith.constant 32 : index
      %swap3A_142 = tpu.vector_load %arg21[%swap3A_141] {strides = array<i32>} : memref<96xi32, #tpu.memory_space<vmem>>, vector<16xi32>,
      %swap3A_143 = vector.shape_cast %swap3A_142 : vector<16xi32> to vector<16xi32>
      %swap3A_144 = vector.shape_cast %get3A_140 : vector<16xi32> to vector<16xi32>
      tpu.vector_store %arg21[%swap3A_141], %swap3A_144 {strides = array<i32>} : memref<96xi32, #tpu.memory_space<vmem>>, vector<16xi32>,
      %get3A_145 = arith.constant 48 : index
      %get3A_146 = tpu.vector_load %arg13[%get3A_145] {strides = array<i32>} : memref<96xi32, #tpu.memory_space<vmem>>, vector<16xi32>,
      %get3A_147 = vector.shape_cast %get3A_146 : vector<16xi32> to vector<16xi32>
      %swap3A_148 = arith.constant 48 : index
      %swap3A_149 = tpu.vector_load %arg21[%swap3A_148] {strides = array<i32>} : memref<96xi32, #tpu.memory_space<vmem>>, vector<16xi32>,
      %swap3A_150 = vector.shape_cast %swap3A_149 : vector<16xi32> to vector<16xi32>
      %swap3A_151 = vector.shape_cast %get3A_147 : vector<16xi32> to vector<16xi32>
      tpu.vector_store %arg21[%swap3A_148], %swap3A_151 {strides = array<i32>} : memref<96xi32, #tpu.memory_space<vmem>>, vector<16xi32>,
      %get3A_152 = arith.constant 64 : index
      %get3A_153 = tpu.vector_load %arg13[%get3A_152] {strides = array<i32>} : memref<96xi32, #tpu.memory_space<vmem>>, vector<16xi32>,
      %get3A_154 = vector.shape_cast %get3A_153 : vector<16xi32> to vector<16xi32>
      %swap3A_155 = arith.constant 64 : index
      %swap3A_156 = tpu.vector_load %arg21[%swap3A_155] {strides = array<i32>} : memref<96xi32, #tpu.memory_space<vmem>>, vector<16xi32>,
      %swap3A_157 = vector.shape_cast %swap3A_156 : vector<16xi32> to vector<16xi32>
      %swap3A_158 = vector.shape_cast %get3A_154 : vector<16xi32> to vector<16xi32>
      tpu.vector_store %arg21[%swap3A_155], %swap3A_158 {strides = array<i32>} : memref<96xi32, #tpu.memory_space<vmem>>, vector<16xi32>,
      %get3A_159 = arith.constant 80 : index
      %get3A_160 = tpu.vector_load %arg13[%get3A_159] {strides = array<i32>} : memref<96xi32, #tpu.memory_space<vmem>>, vector<16xi32>,
      %get3A_161 = vector.shape_cast %get3A_160 : vector<16xi32> to vector<16xi32>
      %swap3A_162 = arith.constant 80 : index
      %swap3A_163 = tpu.vector_load %arg21[%swap3A_162] {strides = array<i32>} : memref<96xi32, #tpu.memory_space<vmem>>, vector<16xi32>,
      %swap3A_164 = vector.shape_cast %swap3A_163 : vector<16xi32> to vector<16xi32>
      %swap3A_165 = vector.shape_cast %get3A_161 : vector<16xi32> to vector<16xi32>
      tpu.vector_store %arg21[%swap3A_162], %swap3A_165 {strides = array<i32>} : memref<96xi32, #tpu.memory_space<vmem>>, vector<16xi32>,
      %dma_start3A_166 = arith.constant 0 : i32
      %dma_start3A_167 = arith.constant 0 : i32
      %dma_start3A_168 = tpu.memref_slice %arg10[%dma_start3A_166, %dma_start3A_167] : memref<10752x128xf32, #tpu.memory_space<vmem_shared>> -> memref<10752x128xf32, #tpu.memory_space<vmem_shared>>
      tpu.enqueue_indirect_dma source(%arg14 : memref<96x128xf32, #tpu.memory_space<vmem>>) target(%dma_start3A_168 : memref<10752x128xf32, #tpu.memory_space<vmem_shared>>) offsets(%arg21 : memref<96xi32, #tpu.memory_space<vmem>>) semaphore(%arg32 : memref<!tpu.dma_semaphore, #tpu.memory_space<semaphore_mem>>) {add = true}
      %eq3A_169 = arith.constant 0 : i32
      %eq3A_170 = arith.cmpi eq, %arg0, %eq3A_169 : i32
      %convert_element_type3A_171 = arith.extui %eq3A_170 : i1 to i32
      %cond3A_172 = arith.constant 0 : i32
      %cond3A_173 = arith.cmpi ne, %convert_element_type3A_171, %cond3A_172 : i32
      scf.if %cond3A_173 {
        %dma_start3A_315 = arith.constant 0 : i32
        %dma_start3A_316 = tpu.memref_slice %arg11[%dma_start3A_315] : memref<10752xf32, #tpu.memory_space<vmem_shared>> -> memref<10752xf32, #tpu.memory_space<vmem_shared>>
        tpu.enqueue_indirect_dma source(%arg24 : memref<96xf32, #tpu.memory_space<vmem>>) target(%dma_start3A_316 : memref<10752xf32, #tpu.memory_space<vmem_shared>>) offsets(%arg21 : memref<96xi32, #tpu.memory_space<vmem>>) semaphore(%arg32 : memref<!tpu.dma_semaphore, #tpu.memory_space<semaphore_mem>>) {add = true}
      } else {
      }
      %add3A_174 = arith.constant 3 : i32
      %add3A_175 = arith.addi %mul3A_107, %add3A_174 : i32
      %lt3A = arith.constant 105 : i32
      %lt3A_176 = arith.cmpi slt, %add3A_175, %lt3A : i32
      %convert_element_type3A_177 = arith.extui %lt3A_176 : i1 to i32
      %cond3A_178 = arith.constant 0 : i32
      %cond3A_179 = arith.cmpi ne, %convert_element_type3A_177, %cond3A_178 : i32
      scf.if %cond3A_179 {
        %add3A_315 = arith.constant 3 : i32
        %add3A_316 = arith.addi %mul3A_107, %add3A_315 : i32
        %mul3A_317 = arith.constant 10080 : i32
        %mul3A_318 = arith.muli %arg1, %mul3A_317 : i32
        %mul3A_319 = arith.constant 96 : i32
        %mul3A_320 = arith.muli %add3A_316, %mul3A_319 : i32
        %add3A_321 = arith.addi %mul3A_318, %mul3A_320 : i32
        %multiple_of3A_322 = tpu.assume_multiple %add3A_321, 8 : i32
        %mul3A_323 = arith.constant 161280 : i32
        %mul3A_324 = arith.muli %arg0, %mul3A_323 : i32
        %add3A_325 = arith.addi %mul3A_324, %multiple_of3A_322 : i32
        %multiple_of3A_326 = tpu.assume_multiple %add3A_325, 8 : i32
        %dma_start3A_327 = tpu.memref_slice %arg3[%multiple_of3A_326] : memref<322560xi32, #tpu.memory_space<hbm>> -> memref<96xi32, #tpu.memory_space<hbm>>
        %dma_start3A_328 = tpu.memref_slice %arg3[%multiple_of3A_326] : memref<322560xi32, #tpu.memory_space<hbm>> -> memref<96xi32, #tpu.memory_space<hbm>>
        tpu.enqueue_dma source(%dma_start3A_328 : memref<96xi32, #tpu.memory_space<hbm>>) target(%arg12 : memref<96xi32, #tpu.memory_space<vmem>>) target_semaphore(%arg29 : memref<!tpu.dma_semaphore, #tpu.memory_space<semaphore_mem>>)
        %dma_start3A_329 = tpu.memref_slice %arg4[%multiple_of3A_322] : memref<161280xi32, #tpu.memory_space<hbm>> -> memref<96xi32, #tpu.memory_space<hbm>>
        %dma_start3A_330 = tpu.memref_slice %arg4[%multiple_of3A_322] : memref<161280xi32, #tpu.memory_space<hbm>> -> memref<96xi32, #tpu.memory_space<hbm>>
        tpu.enqueue_dma source(%dma_start3A_330 : memref<96xi32, #tpu.memory_space<hbm>>) target(%arg13 : memref<96xi32, #tpu.memory_space<vmem>>) target_semaphore(%arg29 : memref<!tpu.dma_semaphore, #tpu.memory_space<semaphore_mem>>)
      } else {
      }
      %dma_wait3A_180 = arith.constant 0 : i32
      %dma_wait3A_181 = arith.constant 0 : i32
      %dma_wait3A_182 = tpu.memref_slice %arg2[%dma_wait3A_180, %dma_wait3A_181] : memref<21504x128xf32, #tpu.memory_space<hbm>> -> memref<21504x128xf32, #tpu.memory_space<hbm>>
      tpu.wait_indirect_dma semaphore(%arg27 : memref<!tpu.dma_semaphore, #tpu.memory_space<semaphore_mem>>) src(%dma_wait3A_182 : memref<21504x128xf32, #tpu.memory_space<hbm>>) dst(%arg17 : memref<96x128xf32, #tpu.memory_space<vmem>>)
      %get3A_183 = arith.constant 0 : index
      %get3A_184 = tpu.vector_load %arg16[%get3A_183] {strides = array<i32>} : memref<96xi32, #tpu.memory_space<vmem>>, vector<16xi32>,
      %get3A_185 = vector.shape_cast %get3A_184 : vector<16xi32> to vector<16xi32>
      %swap3A_186 = arith.constant 0 : index
      %swap3A_187 = tpu.vector_load %arg22[%swap3A_186] {strides = array<i32>} : memref<96xi32, #tpu.memory_space<vmem>>, vector<16xi32>,
      %swap3A_188 = vector.shape_cast %swap3A_187 : vector<16xi32> to vector<16xi32>
      %swap3A_189 = vector.shape_cast %get3A_185 : vector<16xi32> to vector<16xi32>
      tpu.vector_store %arg22[%swap3A_186], %swap3A_189 {strides = array<i32>} : memref<96xi32, #tpu.memory_space<vmem>>, vector<16xi32>,
      %get3A_190 = arith.constant 16 : index
      %get3A_191 = tpu.vector_load %arg16[%get3A_190] {strides = array<i32>} : memref<96xi32, #tpu.memory_space<vmem>>, vector<16xi32>,
      %get3A_192 = vector.shape_cast %get3A_191 : vector<16xi32> to vector<16xi32>
      %swap3A_193 = arith.constant 16 : index
      %swap3A_194 = tpu.vector_load %arg22[%swap3A_193] {strides = array<i32>} : memref<96xi32, #tpu.memory_space<vmem>>, vector<16xi32>,
      %swap3A_195 = vector.shape_cast %swap3A_194 : vector<16xi32> to vector<16xi32>
      %swap3A_196 = vector.shape_cast %get3A_192 : vector<16xi32> to vector<16xi32>
      tpu.vector_store %arg22[%swap3A_193], %swap3A_196 {strides = array<i32>} : memref<96xi32, #tpu.memory_space<vmem>>, vector<16xi32>,
      %get3A_197 = arith.constant 32 : index
      %get3A_198 = tpu.vector_load %arg16[%get3A_197] {strides = array<i32>} : memref<96xi32, #tpu.memory_space<vmem>>, vector<16xi32>,
      %get3A_199 = vector.shape_cast %get3A_198 : vector<16xi32> to vector<16xi32>
      %swap3A_200 = arith.constant 32 : index
      %swap3A_201 = tpu.vector_load %arg22[%swap3A_200] {strides = array<i32>} : memref<96xi32, #tpu.memory_space<vmem>>, vector<16xi32>,
      %swap3A_202 = vector.shape_cast %swap3A_201 : vector<16xi32> to vector<16xi32>
      %swap3A_203 = vector.shape_cast %get3A_199 : vector<16xi32> to vector<16xi32>
      tpu.vector_store %arg22[%swap3A_200], %swap3A_203 {strides = array<i32>} : memref<96xi32, #tpu.memory_space<vmem>>, vector<16xi32>,
      %get3A_204 = arith.constant 48 : index
      %get3A_205 = tpu.vector_load %arg16[%get3A_204] {strides = array<i32>} : memref<96xi32, #tpu.memory_space<vmem>>, vector<16xi32>,
      %get3A_206 = vector.shape_cast %get3A_205 : vector<16xi32> to vector<16xi32>
      %swap3A_207 = arith.constant 48 : index
      %swap3A_208 = tpu.vector_load %arg22[%swap3A_207] {strides = array<i32>} : memref<96xi32, #tpu.memory_space<vmem>>, vector<16xi32>,
      %swap3A_209 = vector.shape_cast %swap3A_208 : vector<16xi32> to vector<16xi32>
      %swap3A_210 = vector.shape_cast %get3A_206 : vector<16xi32> to vector<16xi32>
      tpu.vector_store %arg22[%swap3A_207], %swap3A_210 {strides = array<i32>} : memref<96xi32, #tpu.memory_space<vmem>>, vector<16xi32>,
      %get3A_211 = arith.constant 64 : index
      %get3A_212 = tpu.vector_load %arg16[%get3A_211] {strides = array<i32>} : memref<96xi32, #tpu.memory_space<vmem>>, vector<16xi32>,
      %get3A_213 = vector.shape_cast %get3A_212 : vector<16xi32> to vector<16xi32>
      %swap3A_214 = arith.constant 64 : index
      %swap3A_215 = tpu.vector_load %arg22[%swap3A_214] {strides = array<i32>} : memref<96xi32, #tpu.memory_space<vmem>>, vector<16xi32>,
      %swap3A_216 = vector.shape_cast %swap3A_215 : vector<16xi32> to vector<16xi32>
      %swap3A_217 = vector.shape_cast %get3A_213 : vector<16xi32> to vector<16xi32>
      tpu.vector_store %arg22[%swap3A_214], %swap3A_217 {strides = array<i32>} : memref<96xi32, #tpu.memory_space<vmem>>, vector<16xi32>,
      %get3A_218 = arith.constant 80 : index
      %get3A_219 = tpu.vector_load %arg16[%get3A_218] {strides = array<i32>} : memref<96xi32, #tpu.memory_space<vmem>>, vector<16xi32>,
      %get3A_220 = vector.shape_cast %get3A_219 : vector<16xi32> to vector<16xi32>
      %swap3A_221 = arith.constant 80 : index
      %swap3A_222 = tpu.vector_load %arg22[%swap3A_221] {strides = array<i32>} : memref<96xi32, #tpu.memory_space<vmem>>, vector<16xi32>,
      %swap3A_223 = vector.shape_cast %swap3A_222 : vector<16xi32> to vector<16xi32>
      %swap3A_224 = vector.shape_cast %get3A_220 : vector<16xi32> to vector<16xi32>
      tpu.vector_store %arg22[%swap3A_221], %swap3A_224 {strides = array<i32>} : memref<96xi32, #tpu.memory_space<vmem>>, vector<16xi32>,
      %dma_start3A_225 = arith.constant 0 : i32
      %dma_start3A_226 = arith.constant 0 : i32
      %dma_start3A_227 = tpu.memref_slice %arg10[%dma_start3A_225, %dma_start3A_226] : memref<10752x128xf32, #tpu.memory_space<vmem_shared>> -> memref<10752x128xf32, #tpu.memory_space<vmem_shared>>
      tpu.enqueue_indirect_dma source(%arg17 : memref<96x128xf32, #tpu.memory_space<vmem>>) target(%dma_start3A_227 : memref<10752x128xf32, #tpu.memory_space<vmem_shared>>) offsets(%arg22 : memref<96xi32, #tpu.memory_space<vmem>>) semaphore(%arg33 : memref<!tpu.dma_semaphore, #tpu.memory_space<semaphore_mem>>) {add = true}
      %eq3A_228 = arith.constant 0 : i32
      %eq3A_229 = arith.cmpi eq, %arg0, %eq3A_228 : i32
      %convert_element_type3A_230 = arith.extui %eq3A_229 : i1 to i32
      %cond3A_231 = arith.constant 0 : i32
      %cond3A_232 = arith.cmpi ne, %convert_element_type3A_230, %cond3A_231 : i32
      scf.if %cond3A_232 {
        %dma_start3A_315 = arith.constant 0 : i32
        %dma_start3A_316 = tpu.memref_slice %arg11[%dma_start3A_315] : memref<10752xf32, #tpu.memory_space<vmem_shared>> -> memref<10752xf32, #tpu.memory_space<vmem_shared>>
        tpu.enqueue_indirect_dma source(%arg24 : memref<96xf32, #tpu.memory_space<vmem>>) target(%dma_start3A_316 : memref<10752xf32, #tpu.memory_space<vmem_shared>>) offsets(%arg22 : memref<96xi32, #tpu.memory_space<vmem>>) semaphore(%arg33 : memref<!tpu.dma_semaphore, #tpu.memory_space<semaphore_mem>>) {add = true}
      } else {
      }
      %add3A_233 = arith.constant 3 : i32
      %add3A_234 = arith.addi %mul3A_107, %add3A_233 : i32
      %lt3A_235 = arith.constant 105 : i32
      %lt3A_236 = arith.cmpi slt, %add3A_234, %lt3A_235 : i32
      %convert_element_type3A_237 = arith.extui %lt3A_236 : i1 to i32
      %cond3A_238 = arith.constant 0 : i32
      %cond3A_239 = arith.cmpi ne, %convert_element_type3A_237, %cond3A_238 : i32
      scf.if %cond3A_239 {
        %dma_wait3A_315 = arith.constant 0 : i32
        %dma_wait3A_316 = arith.constant 0 : i32
        %dma_wait3A_317 = tpu.memref_slice %arg10[%dma_wait3A_315, %dma_wait3A_316] : memref<10752x128xf32, #tpu.memory_space<vmem_shared>> -> memref<10752x128xf32, #tpu.memory_space<vmem_shared>>
        tpu.wait_indirect_dma semaphore(%arg32 : memref<!tpu.dma_semaphore, #tpu.memory_space<semaphore_mem>>) src(%arg14 : memref<96x128xf32, #tpu.memory_space<vmem>>) dst(%dma_wait3A_317 : memref<10752x128xf32, #tpu.memory_space<vmem_shared>>)
        %eq3A_318 = arith.constant 0 : i32
        %eq3A_319 = arith.cmpi eq, %arg0, %eq3A_318 : i32
        %convert_element_type3A_320 = arith.extui %eq3A_319 : i1 to i32
        %cond3A_321 = arith.constant 0 : i32
        %cond3A_322 = arith.cmpi ne, %convert_element_type3A_320, %cond3A_321 : i32
        scf.if %cond3A_322 {
          %dma_wait3A_334 = arith.constant 0 : i32
          %dma_wait3A_335 = tpu.memref_slice %arg11[%dma_wait3A_334] : memref<10752xf32, #tpu.memory_space<vmem_shared>> -> memref<10752xf32, #tpu.memory_space<vmem_shared>>
          tpu.wait_indirect_dma semaphore(%arg32 : memref<!tpu.dma_semaphore, #tpu.memory_space<semaphore_mem>>) src(%arg24 : memref<96xf32, #tpu.memory_space<vmem>>) dst(%dma_wait3A_335 : memref<10752xf32, #tpu.memory_space<vmem_shared>>)
        } else {
        }
        %dma_wait3A_323 = arith.constant 0 : i32
        %dma_wait3A_324 = tpu.memref_slice %arg3[%dma_wait3A_323] : memref<322560xi32, #tpu.memory_space<hbm>> -> memref<96xi32, #tpu.memory_space<hbm>>
        %dma_wait3A_325 = arith.constant 0 : i32
        %dma_wait3A_326 = tpu.memref_slice %arg3[%dma_wait3A_325] : memref<322560xi32, #tpu.memory_space<hbm>> -> memref<96xi32, #tpu.memory_space<hbm>>
        tpu.wait_dma2 semaphore(%arg29 : memref<!tpu.dma_semaphore, #tpu.memory_space<semaphore_mem>>) src(%dma_wait3A_326 : memref<96xi32, #tpu.memory_space<hbm>>) dst(%arg12 : memref<96xi32, #tpu.memory_space<vmem>>)
        %dma_wait3A_327 = arith.constant 0 : i32
        %dma_wait3A_328 = tpu.memref_slice %arg4[%dma_wait3A_327] : memref<161280xi32, #tpu.memory_space<hbm>> -> memref<96xi32, #tpu.memory_space<hbm>>
        %dma_wait3A_329 = arith.constant 0 : i32
        %dma_wait3A_330 = tpu.memref_slice %arg4[%dma_wait3A_329] : memref<161280xi32, #tpu.memory_space<hbm>> -> memref<96xi32, #tpu.memory_space<hbm>>
        tpu.wait_dma2 semaphore(%arg29 : memref<!tpu.dma_semaphore, #tpu.memory_space<semaphore_mem>>) src(%dma_wait3A_330 : memref<96xi32, #tpu.memory_space<hbm>>) dst(%arg13 : memref<96xi32, #tpu.memory_space<vmem>>)
        %dma_start3A_331 = arith.constant 0 : i32
        %dma_start3A_332 = arith.constant 0 : i32
        %dma_start3A_333 = tpu.memref_slice %arg2[%dma_start3A_331, %dma_start3A_332] : memref<21504x128xf32, #tpu.memory_space<hbm>> -> memref<21504x128xf32, #tpu.memory_space<hbm>>
        tpu.enqueue_indirect_dma source(%dma_start3A_333 : memref<21504x128xf32, #tpu.memory_space<hbm>>) target(%arg14 : memref<96x128xf32, #tpu.memory_space<vmem>>) offsets(%arg12 : memref<96xi32, #tpu.memory_space<vmem>>) semaphore(%arg26 : memref<!tpu.dma_semaphore, #tpu.memory_space<semaphore_mem>>)
      } else {
      }
      %add3A_240 = arith.constant 4 : i32
      %add3A_241 = arith.addi %mul3A_107, %add3A_240 : i32
      %lt3A_242 = arith.constant 105 : i32
      %lt3A_243 = arith.cmpi slt, %add3A_241, %lt3A_242 : i32
      %convert_element_type3A_244 = arith.extui %lt3A_243 : i1 to i32
      %cond3A_245 = arith.constant 0 : i32
      %cond3A_246 = arith.cmpi ne, %convert_element_type3A_244, %cond3A_245 : i32
      scf.if %cond3A_246 {
        %add3A_315 = arith.constant 4 : i32
        %add3A_316 = arith.addi %mul3A_107, %add3A_315 : i32
        %mul3A_317 = arith.constant 10080 : i32
        %mul3A_318 = arith.muli %arg1, %mul3A_317 : i32
        %mul3A_319 = arith.constant 96 : i32
        %mul3A_320 = arith.muli %add3A_316, %mul3A_319 : i32
        %add3A_321 = arith.addi %mul3A_318, %mul3A_320 : i32
        %multiple_of3A_322 = tpu.assume_multiple %add3A_321, 8 : i32
        %mul3A_323 = arith.constant 161280 : i32
        %mul3A_324 = arith.muli %arg0, %mul3A_323 : i32
        %add3A_325 = arith.addi %mul3A_324, %multiple_of3A_322 : i32
        %multiple_of3A_326 = tpu.assume_multiple %add3A_325, 8 : i32
        %dma_start3A_327 = tpu.memref_slice %arg3[%multiple_of3A_326] : memref<322560xi32, #tpu.memory_space<hbm>> -> memref<96xi32, #tpu.memory_space<hbm>>
        %dma_start3A_328 = tpu.memref_slice %arg3[%multiple_of3A_326] : memref<322560xi32, #tpu.memory_space<hbm>> -> memref<96xi32, #tpu.memory_space<hbm>>
        tpu.enqueue_dma source(%dma_start3A_328 : memref<96xi32, #tpu.memory_space<hbm>>) target(%arg15 : memref<96xi32, #tpu.memory_space<vmem>>) target_semaphore(%arg30 : memref<!tpu.dma_semaphore, #tpu.memory_space<semaphore_mem>>)
        %dma_start3A_329 = tpu.memref_slice %arg4[%multiple_of3A_322] : memref<161280xi32, #tpu.memory_space<hbm>> -> memref<96xi32, #tpu.memory_space<hbm>>
        %dma_start3A_330 = tpu.memref_slice %arg4[%multiple_of3A_322] : memref<161280xi32, #tpu.memory_space<hbm>> -> memref<96xi32, #tpu.memory_space<hbm>>
        tpu.enqueue_dma source(%dma_start3A_330 : memref<96xi32, #tpu.memory_space<hbm>>) target(%arg16 : memref<96xi32, #tpu.memory_space<vmem>>) target_semaphore(%arg30 : memref<!tpu.dma_semaphore, #tpu.memory_space<semaphore_mem>>)
      } else {
      }
      %dma_wait3A_247 = arith.constant 0 : i32
      %dma_wait3A_248 = arith.constant 0 : i32
      %dma_wait3A_249 = tpu.memref_slice %arg2[%dma_wait3A_247, %dma_wait3A_248] : memref<21504x128xf32, #tpu.memory_space<hbm>> -> memref<21504x128xf32, #tpu.memory_space<hbm>>
      tpu.wait_indirect_dma semaphore(%arg28 : memref<!tpu.dma_semaphore, #tpu.memory_space<semaphore_mem>>) src(%dma_wait3A_249 : memref<21504x128xf32, #tpu.memory_space<hbm>>) dst(%arg20 : memref<96x128xf32, #tpu.memory_space<vmem>>)
      %get3A_250 = arith.constant 0 : index
      %get3A_251 = tpu.vector_load %arg19[%get3A_250] {strides = array<i32>} : memref<96xi32, #tpu.memory_space<vmem>>, vector<16xi32>,
      %get3A_252 = vector.shape_cast %get3A_251 : vector<16xi32> to vector<16xi32>
      %swap3A_253 = arith.constant 0 : index
      %swap3A_254 = tpu.vector_load %arg23[%swap3A_253] {strides = array<i32>} : memref<96xi32, #tpu.memory_space<vmem>>, vector<16xi32>,
      %swap3A_255 = vector.shape_cast %swap3A_254 : vector<16xi32> to vector<16xi32>
      %swap3A_256 = vector.shape_cast %get3A_252 : vector<16xi32> to vector<16xi32>
      tpu.vector_store %arg23[%swap3A_253], %swap3A_256 {strides = array<i32>} : memref<96xi32, #tpu.memory_space<vmem>>, vector<16xi32>,
      %get3A_257 = arith.constant 16 : index
      %get3A_258 = tpu.vector_load %arg19[%get3A_257] {strides = array<i32>} : memref<96xi32, #tpu.memory_space<vmem>>, vector<16xi32>,
      %get3A_259 = vector.shape_cast %get3A_258 : vector<16xi32> to vector<16xi32>
      %swap3A_260 = arith.constant 16 : index
      %swap3A_261 = tpu.vector_load %arg23[%swap3A_260] {strides = array<i32>} : memref<96xi32, #tpu.memory_space<vmem>>, vector<16xi32>,
      %swap3A_262 = vector.shape_cast %swap3A_261 : vector<16xi32> to vector<16xi32>
      %swap3A_263 = vector.shape_cast %get3A_259 : vector<16xi32> to vector<16xi32>
      tpu.vector_store %arg23[%swap3A_260], %swap3A_263 {strides = array<i32>} : memref<96xi32, #tpu.memory_space<vmem>>, vector<16xi32>,
      %get3A_264 = arith.constant 32 : index
      %get3A_265 = tpu.vector_load %arg19[%get3A_264] {strides = array<i32>} : memref<96xi32, #tpu.memory_space<vmem>>, vector<16xi32>,
      %get3A_266 = vector.shape_cast %get3A_265 : vector<16xi32> to vector<16xi32>
      %swap3A_267 = arith.constant 32 : index
      %swap3A_268 = tpu.vector_load %arg23[%swap3A_267] {strides = array<i32>} : memref<96xi32, #tpu.memory_space<vmem>>, vector<16xi32>,
      %swap3A_269 = vector.shape_cast %swap3A_268 : vector<16xi32> to vector<16xi32>
      %swap3A_270 = vector.shape_cast %get3A_266 : vector<16xi32> to vector<16xi32>
      tpu.vector_store %arg23[%swap3A_267], %swap3A_270 {strides = array<i32>} : memref<96xi32, #tpu.memory_space<vmem>>, vector<16xi32>,
      %get3A_271 = arith.constant 48 : index
      %get3A_272 = tpu.vector_load %arg19[%get3A_271] {strides = array<i32>} : memref<96xi32, #tpu.memory_space<vmem>>, vector<16xi32>,
      %get3A_273 = vector.shape_cast %get3A_272 : vector<16xi32> to vector<16xi32>
      %swap3A_274 = arith.constant 48 : index
      %swap3A_275 = tpu.vector_load %arg23[%swap3A_274] {strides = array<i32>} : memref<96xi32, #tpu.memory_space<vmem>>, vector<16xi32>,
      %swap3A_276 = vector.shape_cast %swap3A_275 : vector<16xi32> to vector<16xi32>
      %swap3A_277 = vector.shape_cast %get3A_273 : vector<16xi32> to vector<16xi32>
      tpu.vector_store %arg23[%swap3A_274], %swap3A_277 {strides = array<i32>} : memref<96xi32, #tpu.memory_space<vmem>>, vector<16xi32>,
      %get3A_278 = arith.constant 64 : index
      %get3A_279 = tpu.vector_load %arg19[%get3A_278] {strides = array<i32>} : memref<96xi32, #tpu.memory_space<vmem>>, vector<16xi32>,
      %get3A_280 = vector.shape_cast %get3A_279 : vector<16xi32> to vector<16xi32>
      %swap3A_281 = arith.constant 64 : index
      %swap3A_282 = tpu.vector_load %arg23[%swap3A_281] {strides = array<i32>} : memref<96xi32, #tpu.memory_space<vmem>>, vector<16xi32>,
      %swap3A_283 = vector.shape_cast %swap3A_282 : vector<16xi32> to vector<16xi32>
      %swap3A_284 = vector.shape_cast %get3A_280 : vector<16xi32> to vector<16xi32>
      tpu.vector_store %arg23[%swap3A_281], %swap3A_284 {strides = array<i32>} : memref<96xi32, #tpu.memory_space<vmem>>, vector<16xi32>,
      %get3A_285 = arith.constant 80 : index
      %get3A_286 = tpu.vector_load %arg19[%get3A_285] {strides = array<i32>} : memref<96xi32, #tpu.memory_space<vmem>>, vector<16xi32>,
      %get3A_287 = vector.shape_cast %get3A_286 : vector<16xi32> to vector<16xi32>
      %swap3A_288 = arith.constant 80 : index
      %swap3A_289 = tpu.vector_load %arg23[%swap3A_288] {strides = array<i32>} : memref<96xi32, #tpu.memory_space<vmem>>, vector<16xi32>,
      %swap3A_290 = vector.shape_cast %swap3A_289 : vector<16xi32> to vector<16xi32>
      %swap3A_291 = vector.shape_cast %get3A_287 : vector<16xi32> to vector<16xi32>
      tpu.vector_store %arg23[%swap3A_288], %swap3A_291 {strides = array<i32>} : memref<96xi32, #tpu.memory_space<vmem>>, vector<16xi32>,
      %dma_start3A_292 = arith.constant 0 : i32
      %dma_start3A_293 = arith.constant 0 : i32
      %dma_start3A_294 = tpu.memref_slice %arg10[%dma_start3A_292, %dma_start3A_293] : memref<10752x128xf32, #tpu.memory_space<vmem_shared>> -> memref<10752x128xf32, #tpu.memory_space<vmem_shared>>
      tpu.enqueue_indirect_dma source(%arg20 : memref<96x128xf32, #tpu.memory_space<vmem>>) target(%dma_start3A_294 : memref<10752x128xf32, #tpu.memory_space<vmem_shared>>) offsets(%arg23 : memref<96xi32, #tpu.memory_space<vmem>>) semaphore(%arg34 : memref<!tpu.dma_semaphore, #tpu.memory_space<semaphore_mem>>) {add = true}
      %eq3A_295 = arith.constant 0 : i32
      %eq3A_296 = arith.cmpi eq, %arg0, %eq3A_295 : i32
      %convert_element_type3A_297 = arith.extui %eq3A_296 : i1 to i32
      %cond3A_298 = arith.constant 0 : i32
      %cond3A_299 = arith.cmpi ne, %convert_element_type3A_297, %cond3A_298 : i32
      scf.if %cond3A_299 {
        %dma_start3A_315 = arith.constant 0 : i32
        %dma_start3A_316 = tpu.memref_slice %arg11[%dma_start3A_315] : memref<10752xf32, #tpu.memory_space<vmem_shared>> -> memref<10752xf32, #tpu.memory_space<vmem_shared>>
        tpu.enqueue_indirect_dma source(%arg24 : memref<96xf32, #tpu.memory_space<vmem>>) target(%dma_start3A_316 : memref<10752xf32, #tpu.memory_space<vmem_shared>>) offsets(%arg23 : memref<96xi32, #tpu.memory_space<vmem>>) semaphore(%arg34 : memref<!tpu.dma_semaphore, #tpu.memory_space<semaphore_mem>>) {add = true}
      } else {
      }
      %add3A_300 = arith.constant 4 : i32
      %add3A_301 = arith.addi %mul3A_107, %add3A_300 : i32
      %lt3A_302 = arith.constant 105 : i32
      %lt3A_303 = arith.cmpi slt, %add3A_301, %lt3A_302 : i32
      %convert_element_type3A_304 = arith.extui %lt3A_303 : i1 to i32
      %cond3A_305 = arith.constant 0 : i32
      %cond3A_306 = arith.cmpi ne, %convert_element_type3A_304, %cond3A_305 : i32
      scf.if %cond3A_306 {
        %dma_wait3A_315 = arith.constant 0 : i32
        %dma_wait3A_316 = arith.constant 0 : i32
        %dma_wait3A_317 = tpu.memref_slice %arg10[%dma_wait3A_315, %dma_wait3A_316] : memref<10752x128xf32, #tpu.memory_space<vmem_shared>> -> memref<10752x128xf32, #tpu.memory_space<vmem_shared>>
        tpu.wait_indirect_dma semaphore(%arg33 : memref<!tpu.dma_semaphore, #tpu.memory_space<semaphore_mem>>) src(%arg17 : memref<96x128xf32, #tpu.memory_space<vmem>>) dst(%dma_wait3A_317 : memref<10752x128xf32, #tpu.memory_space<vmem_shared>>)
        %eq3A_318 = arith.constant 0 : i32
        %eq3A_319 = arith.cmpi eq, %arg0, %eq3A_318 : i32
        %convert_element_type3A_320 = arith.extui %eq3A_319 : i1 to i32
        %cond3A_321 = arith.constant 0 : i32
        %cond3A_322 = arith.cmpi ne, %convert_element_type3A_320, %cond3A_321 : i32
        scf.if %cond3A_322 {
          %dma_wait3A_334 = arith.constant 0 : i32
          %dma_wait3A_335 = tpu.memref_slice %arg11[%dma_wait3A_334] : memref<10752xf32, #tpu.memory_space<vmem_shared>> -> memref<10752xf32, #tpu.memory_space<vmem_shared>>
          tpu.wait_indirect_dma semaphore(%arg33 : memref<!tpu.dma_semaphore, #tpu.memory_space<semaphore_mem>>) src(%arg24 : memref<96xf32, #tpu.memory_space<vmem>>) dst(%dma_wait3A_335 : memref<10752xf32, #tpu.memory_space<vmem_shared>>)
        } else {
        }
        %dma_wait3A_323 = arith.constant 0 : i32
        %dma_wait3A_324 = tpu.memref_slice %arg3[%dma_wait3A_323] : memref<322560xi32, #tpu.memory_space<hbm>> -> memref<96xi32, #tpu.memory_space<hbm>>
        %dma_wait3A_325 = arith.constant 0 : i32
        %dma_wait3A_326 = tpu.memref_slice %arg3[%dma_wait3A_325] : memref<322560xi32, #tpu.memory_space<hbm>> -> memref<96xi32, #tpu.memory_space<hbm>>
        tpu.wait_dma2 semaphore(%arg30 : memref<!tpu.dma_semaphore, #tpu.memory_space<semaphore_mem>>) src(%dma_wait3A_326 : memref<96xi32, #tpu.memory_space<hbm>>) dst(%arg15 : memref<96xi32, #tpu.memory_space<vmem>>)
        %dma_wait3A_327 = arith.constant 0 : i32
        %dma_wait3A_328 = tpu.memref_slice %arg4[%dma_wait3A_327] : memref<161280xi32, #tpu.memory_space<hbm>> -> memref<96xi32, #tpu.memory_space<hbm>>
        %dma_wait3A_329 = arith.constant 0 : i32
        %dma_wait3A_330 = tpu.memref_slice %arg4[%dma_wait3A_329] : memref<161280xi32, #tpu.memory_space<hbm>> -> memref<96xi32, #tpu.memory_space<hbm>>
        tpu.wait_dma2 semaphore(%arg30 : memref<!tpu.dma_semaphore, #tpu.memory_space<semaphore_mem>>) src(%dma_wait3A_330 : memref<96xi32, #tpu.memory_space<hbm>>) dst(%arg16 : memref<96xi32, #tpu.memory_space<vmem>>)
        %dma_start3A_331 = arith.constant 0 : i32
        %dma_start3A_332 = arith.constant 0 : i32
        %dma_start3A_333 = tpu.memref_slice %arg2[%dma_start3A_331, %dma_start3A_332] : memref<21504x128xf32, #tpu.memory_space<hbm>> -> memref<21504x128xf32, #tpu.memory_space<hbm>>
        tpu.enqueue_indirect_dma source(%dma_start3A_333 : memref<21504x128xf32, #tpu.memory_space<hbm>>) target(%arg17 : memref<96x128xf32, #tpu.memory_space<vmem>>) offsets(%arg15 : memref<96xi32, #tpu.memory_space<vmem>>) semaphore(%arg27 : memref<!tpu.dma_semaphore, #tpu.memory_space<semaphore_mem>>)
      } else {
      }
      %add3A_307 = arith.constant 5 : i32
      %add3A_308 = arith.addi %mul3A_107, %add3A_307 : i32
      %lt3A_309 = arith.constant 105 : i32
      %lt3A_310 = arith.cmpi slt, %add3A_308, %lt3A_309 : i32
      %convert_element_type3A_311 = arith.extui %lt3A_310 : i1 to i32
      %cond3A_312 = arith.constant 0 : i32
      %cond3A_313 = arith.cmpi ne, %convert_element_type3A_311, %cond3A_312 : i32
      scf.if %cond3A_313 {
        %add3A_315 = arith.constant 5 : i32
        %add3A_316 = arith.addi %mul3A_107, %add3A_315 : i32
        %mul3A_317 = arith.constant 10080 : i32
        %mul3A_318 = arith.muli %arg1, %mul3A_317 : i32
        %mul3A_319 = arith.constant 96 : i32
        %mul3A_320 = arith.muli %add3A_316, %mul3A_319 : i32
        %add3A_321 = arith.addi %mul3A_318, %mul3A_320 : i32
        %multiple_of3A_322 = tpu.assume_multiple %add3A_321, 8 : i32
        %mul3A_323 = arith.constant 161280 : i32
        %mul3A_324 = arith.muli %arg0, %mul3A_323 : i32
        %add3A_325 = arith.addi %mul3A_324, %multiple_of3A_322 : i32
        %multiple_of3A_326 = tpu.assume_multiple %add3A_325, 8 : i32
        %dma_start3A_327 = tpu.memref_slice %arg3[%multiple_of3A_326] : memref<322560xi32, #tpu.memory_space<hbm>> -> memref<96xi32, #tpu.memory_space<hbm>>
        %dma_start3A_328 = tpu.memref_slice %arg3[%multiple_of3A_326] : memref<322560xi32, #tpu.memory_space<hbm>> -> memref<96xi32, #tpu.memory_space<hbm>>
        tpu.enqueue_dma source(%dma_start3A_328 : memref<96xi32, #tpu.memory_space<hbm>>) target(%arg18 : memref<96xi32, #tpu.memory_space<vmem>>) target_semaphore(%arg31 : memref<!tpu.dma_semaphore, #tpu.memory_space<semaphore_mem>>)
        %dma_start3A_329 = tpu.memref_slice %arg4[%multiple_of3A_322] : memref<161280xi32, #tpu.memory_space<hbm>> -> memref<96xi32, #tpu.memory_space<hbm>>
        %dma_start3A_330 = tpu.memref_slice %arg4[%multiple_of3A_322] : memref<161280xi32, #tpu.memory_space<hbm>> -> memref<96xi32, #tpu.memory_space<hbm>>
        tpu.enqueue_dma source(%dma_start3A_330 : memref<96xi32, #tpu.memory_space<hbm>>) target(%arg19 : memref<96xi32, #tpu.memory_space<vmem>>) target_semaphore(%arg31 : memref<!tpu.dma_semaphore, #tpu.memory_space<semaphore_mem>>)
      } else {
      }
      %scan3A_314 = arith.constant 0 : i32
      scf.yield %scan3A_314 : i32
    }
    %scan3A_69 = arith.constant 35 : i32
    %dma_wait3A_70 = arith.constant 0 : i32
    %dma_wait3A_71 = arith.constant 0 : i32
    %dma_wait3A_72 = tpu.memref_slice %arg10[%dma_wait3A_70, %dma_wait3A_71] : memref<10752x128xf32, #tpu.memory_space<vmem_shared>> -> memref<10752x128xf32, #tpu.memory_space<vmem_shared>>
    tpu.wait_indirect_dma semaphore(%arg32 : memref<!tpu.dma_semaphore, #tpu.memory_space<semaphore_mem>>) src(%arg14 : memref<96x128xf32, #tpu.memory_space<vmem>>) dst(%dma_wait3A_72 : memref<10752x128xf32, #tpu.memory_space<vmem_shared>>)
    %eq3A = arith.constant 0 : i32
    %eq3A_73 = arith.cmpi eq, %arg0, %eq3A : i32
    %convert_element_type3A = arith.extui %eq3A_73 : i1 to i32
    %cond3A = arith.constant 0 : i32
    %cond3A_74 = arith.cmpi ne, %convert_element_type3A, %cond3A : i32
    scf.if %cond3A_74 {
      %dma_wait3A_104 = arith.constant 0 : i32
      %dma_wait3A_105 = tpu.memref_slice %arg11[%dma_wait3A_104] : memref<10752xf32, #tpu.memory_space<vmem_shared>> -> memref<10752xf32, #tpu.memory_space<vmem_shared>>
      tpu.wait_indirect_dma semaphore(%arg32 : memref<!tpu.dma_semaphore, #tpu.memory_space<semaphore_mem>>) src(%arg24 : memref<96xf32, #tpu.memory_space<vmem>>) dst(%dma_wait3A_105 : memref<10752xf32, #tpu.memory_space<vmem_shared>>)
    } else {
    }
    %dma_wait3A_75 = arith.constant 0 : i32
    %dma_wait3A_76 = arith.constant 0 : i32
    %dma_wait3A_77 = tpu.memref_slice %arg10[%dma_wait3A_75, %dma_wait3A_76] : memref<10752x128xf32, #tpu.memory_space<vmem_shared>> -> memref<10752x128xf32, #tpu.memory_space<vmem_shared>>
    tpu.wait_indirect_dma semaphore(%arg33 : memref<!tpu.dma_semaphore, #tpu.memory_space<semaphore_mem>>) src(%arg17 : memref<96x128xf32, #tpu.memory_space<vmem>>) dst(%dma_wait3A_77 : memref<10752x128xf32, #tpu.memory_space<vmem_shared>>)
    %eq3A_78 = arith.constant 0 : i32
    %eq3A_79 = arith.cmpi eq, %arg0, %eq3A_78 : i32
    %convert_element_type3A_80 = arith.extui %eq3A_79 : i1 to i32
    %cond3A_81 = arith.constant 0 : i32
    %cond3A_82 = arith.cmpi ne, %convert_element_type3A_80, %cond3A_81 : i32
    scf.if %cond3A_82 {
      %dma_wait3A_104 = arith.constant 0 : i32
      %dma_wait3A_105 = tpu.memref_slice %arg11[%dma_wait3A_104] : memref<10752xf32, #tpu.memory_space<vmem_shared>> -> memref<10752xf32, #tpu.memory_space<vmem_shared>>
      tpu.wait_indirect_dma semaphore(%arg33 : memref<!tpu.dma_semaphore, #tpu.memory_space<semaphore_mem>>) src(%arg24 : memref<96xf32, #tpu.memory_space<vmem>>) dst(%dma_wait3A_105 : memref<10752xf32, #tpu.memory_space<vmem_shared>>)
    } else {
    }
    %dma_wait3A_83 = arith.constant 0 : i32
    %dma_wait3A_84 = arith.constant 0 : i32
    %dma_wait3A_85 = tpu.memref_slice %arg10[%dma_wait3A_83, %dma_wait3A_84] : memref<10752x128xf32, #tpu.memory_space<vmem_shared>> -> memref<10752x128xf32, #tpu.memory_space<vmem_shared>>
    tpu.wait_indirect_dma semaphore(%arg34 : memref<!tpu.dma_semaphore, #tpu.memory_space<semaphore_mem>>) src(%arg20 : memref<96x128xf32, #tpu.memory_space<vmem>>) dst(%dma_wait3A_85 : memref<10752x128xf32, #tpu.memory_space<vmem_shared>>)
    %eq3A_86 = arith.constant 0 : i32
    %eq3A_87 = arith.cmpi eq, %arg0, %eq3A_86 : i32
    %convert_element_type3A_88 = arith.extui %eq3A_87 : i1 to i32
    %cond3A_89 = arith.constant 0 : i32
    %cond3A_90 = arith.cmpi ne, %convert_element_type3A_88, %cond3A_89 : i32
    scf.if %cond3A_90 {
      %dma_wait3A_104 = arith.constant 0 : i32
      %dma_wait3A_105 = tpu.memref_slice %arg11[%dma_wait3A_104] : memref<10752xf32, #tpu.memory_space<vmem_shared>> -> memref<10752xf32, #tpu.memory_space<vmem_shared>>
      tpu.wait_indirect_dma semaphore(%arg34 : memref<!tpu.dma_semaphore, #tpu.memory_space<semaphore_mem>>) src(%arg24 : memref<96xf32, #tpu.memory_space<vmem>>) dst(%dma_wait3A_105 : memref<10752xf32, #tpu.memory_space<vmem_shared>>)
    } else {
    }
    %barrier3A_91 = arith.constant 0 : index
    tpu.barrier barrier_id(%barrier3A_91)
    %mul3A_92 = arith.constant 672 : i32
    %mul3A_93 = arith.muli %arg1, %mul3A_92 : i32
    %mul3A_94 = arith.constant 10752 : i32
    %mul3A_95 = arith.muli %arg0, %mul3A_94 : i32
    %mul3A_96 = arith.constant 672 : i32
    %mul3A_97 = arith.muli %arg1, %mul3A_96 : i32
    %add3A_98 = arith.addi %mul3A_95, %mul3A_97 : i32
    "tpu.region"() ({
      %run_scoped3A = tpu.sem_alloc : memref<!tpu.dma_semaphore, #tpu.memory_space<semaphore_mem>>
      %dma_start3A_104 = arith.constant 0 : i32
      %dma_start3A_105 = tpu.memref_slice %arg8[%add3A_98, %dma_start3A_104] : memref<21504x128xf32, #tpu.memory_space<hbm>> -> memref<672x128xf32, #tpu.memory_space<hbm>>
      %dma_start3A_106 = arith.constant 0 : i32
      %dma_start3A_107 = tpu.memref_slice %arg10[%mul3A_93, %dma_start3A_106] : memref<10752x128xf32, #tpu.memory_space<vmem_shared>> -> memref<672x128xf32, #tpu.memory_space<vmem_shared>>
      tpu.enqueue_dma source(%dma_start3A_107 : memref<672x128xf32, #tpu.memory_space<vmem_shared>>) target(%dma_start3A_105 : memref<672x128xf32, #tpu.memory_space<hbm>>) target_semaphore(%run_scoped3A : memref<!tpu.dma_semaphore, #tpu.memory_space<semaphore_mem>>)
      %dma_wait3A_108 = arith.constant 0 : i32
      %dma_wait3A_109 = tpu.memref_slice %arg8[%add3A_98, %dma_wait3A_108] : memref<21504x128xf32, #tpu.memory_space<hbm>> -> memref<672x128xf32, #tpu.memory_space<hbm>>
      %dma_wait3A_110 = arith.constant 0 : i32
      %dma_wait3A_111 = tpu.memref_slice %arg10[%mul3A_93, %dma_wait3A_110] : memref<10752x128xf32, #tpu.memory_space<vmem_shared>> -> memref<672x128xf32, #tpu.memory_space<vmem_shared>>
      tpu.wait_dma2 semaphore(%run_scoped3A : memref<!tpu.dma_semaphore, #tpu.memory_space<semaphore_mem>>) src(%dma_wait3A_111 : memref<672x128xf32, #tpu.memory_space<vmem_shared>>) dst(%dma_wait3A_109 : memref<672x128xf32, #tpu.memory_space<hbm>>)
      tpu.yield
    }) : () -> ()
    %eq3A_99 = arith.constant 0 : i32
    %eq3A_100 = arith.cmpi eq, %arg0, %eq3A_99 : i32
    %convert_element_type3A_101 = arith.extui %eq3A_100 : i1 to i32
    %cond3A_102 = arith.constant 0 : i32
    %cond3A_103 = arith.cmpi ne, %convert_element_type3A_101, %cond3A_102 : i32
    scf.if %cond3A_103 {
      %mul3A_104 = arith.constant 672 : i32
      %mul3A_105 = arith.muli %arg1, %mul3A_104 : i32
      "tpu.region"() ({
        %run_scoped3A = tpu.sem_alloc : memref<!tpu.dma_semaphore, #tpu.memory_space<semaphore_mem>>
        %dma_start3A_108 = tpu.memref_slice %arg11[%mul3A_105] : memref<10752xf32, #tpu.memory_space<vmem_shared>> -> memref<672xf32, #tpu.memory_space<vmem_shared>>
        %dma_start3A_109 = tpu.memref_slice %arg11[%mul3A_105] : memref<10752xf32, #tpu.memory_space<vmem_shared>> -> memref<672xf32, #tpu.memory_space<vmem_shared>>
        tpu.enqueue_dma source(%dma_start3A_109 : memref<672xf32, #tpu.memory_space<vmem_shared>>) target(%arg25 : memref<672xf32, #tpu.memory_space<vmem>>) target_semaphore(%run_scoped3A : memref<!tpu.dma_semaphore, #tpu.memory_space<semaphore_mem>>)
        %dma_wait3A_110 = tpu.memref_slice %arg11[%mul3A_105] : memref<10752xf32, #tpu.memory_space<vmem_shared>> -> memref<672xf32, #tpu.memory_space<vmem_shared>>
        %dma_wait3A_111 = tpu.memref_slice %arg11[%mul3A_105] : memref<10752xf32, #tpu.memory_space<vmem_shared>> -> memref<672xf32, #tpu.memory_space<vmem_shared>>
        tpu.wait_dma2 semaphore(%run_scoped3A : memref<!tpu.dma_semaphore, #tpu.memory_space<semaphore_mem>>) src(%dma_wait3A_111 : memref<672xf32, #tpu.memory_space<vmem_shared>>) dst(%arg25 : memref<672xf32, #tpu.memory_space<vmem>>)
        tpu.yield
      }) : () -> ()
      %mul3A_106 = arith.constant 672 : i32
      %mul3A_107 = arith.muli %arg1, %mul3A_106 : i32
      "tpu.region"() ({
        %run_scoped3A = tpu.sem_alloc : memref<!tpu.dma_semaphore, #tpu.memory_space<semaphore_mem>>
        %dma_start3A_108 = tpu.memref_slice %arg9[%mul3A_107] : memref<10752xf32, #tpu.memory_space<hbm>> -> memref<672xf32, #tpu.memory_space<hbm>>
        %dma_start3A_109 = tpu.memref_slice %arg9[%mul3A_107] : memref<10752xf32, #tpu.memory_space<hbm>> -> memref<672xf32, #tpu.memory_space<hbm>>
        tpu.enqueue_dma source(%arg25 : memref<672xf32, #tpu.memory_space<vmem>>) target(%dma_start3A_109 : memref<672xf32, #tpu.memory_space<hbm>>) target_semaphore(%run_scoped3A : memref<!tpu.dma_semaphore, #tpu.memory_space<semaphore_mem>>)
        %dma_wait3A_110 = tpu.memref_slice %arg9[%mul3A_107] : memref<10752xf32, #tpu.memory_space<hbm>> -> memref<672xf32, #tpu.memory_space<hbm>>
        %dma_wait3A_111 = tpu.memref_slice %arg9[%mul3A_107] : memref<10752xf32, #tpu.memory_space<hbm>> -> memref<672xf32, #tpu.memory_space<hbm>>
        tpu.wait_dma2 semaphore(%run_scoped3A : memref<!tpu.dma_semaphore, #tpu.memory_space<semaphore_mem>>) src(%arg25 : memref<672xf32, #tpu.memory_space<vmem>>) dst(%dma_wait3A_111 : memref<672xf32, #tpu.memory_space<hbm>>)
        tpu.yield
      }) : () -> ()
    } else {
    }
    return
  }
}

#map = affine_map<(d0, d1) -> (0, 0)>
#map1 = affine_map<(d0, d1) -> (0)>
module attributes {stable_mosaic.version = 14 : i64} {
  func.func @gsa(%arg0: i32, %arg1: i32, %arg2: memref<21504x128xf32, #tpu.memory_space<hbm>>, %arg3: memref<322560xi32, #tpu.memory_space<hbm>>, %arg4: memref<161280xi32, #tpu.memory_space<hbm>>, %arg5: memref<10752x128xf32, #tpu.memory_space<hbm>>, %arg6: memref<10752xf32, #tpu.memory_space<hbm>>, %arg7: memref<96xf32, #tpu.memory_space<hbm>>, %arg8: memref<21504x128xf32, #tpu.memory_space<hbm>>, %arg9: memref<10752xf32, #tpu.memory_space<hbm>>, %arg10: memref<10752x128xf32, #tpu.memory_space<vmem_shared>>, %arg11: memref<10752xf32, #tpu.memory_space<vmem_shared>>, %arg12: memref<96xi32, #tpu.memory_space<vmem>>, %arg13: memref<96xi32, #tpu.memory_space<vmem>>, %arg14: memref<96x128xf32, #tpu.memory_space<vmem>>, %arg15: memref<96xi32, #tpu.memory_space<vmem>>, %arg16: memref<96xi32, #tpu.memory_space<vmem>>, %arg17: memref<96x128xf32, #tpu.memory_space<vmem>>, %arg18: memref<96xi32, #tpu.memory_space<vmem>>, %arg19: memref<96xi32, #tpu.memory_space<vmem>>, %arg20: memref<96x128xf32, #tpu.memory_space<vmem>>, %arg21: memref<96xi32, #tpu.memory_space<vmem>>, %arg22: memref<96xi32, #tpu.memory_space<vmem>>, %arg23: memref<96xi32, #tpu.memory_space<vmem>>, %arg24: memref<96xf32, #tpu.memory_space<vmem>>, %arg25: memref<672xf32, #tpu.memory_space<vmem>>, %arg26: memref<!tpu.dma_semaphore, #tpu.memory_space<semaphore_mem>>, %arg27: memref<!tpu.dma_semaphore, #tpu.memory_space<semaphore_mem>>, %arg28: memref<!tpu.dma_semaphore, #tpu.memory_space<semaphore_mem>>, %arg29: memref<!tpu.dma_semaphore, #tpu.memory_space<semaphore_mem>>, %arg30: memref<!tpu.dma_semaphore, #tpu.memory_space<semaphore_mem>>, %arg31: memref<!tpu.dma_semaphore, #tpu.memory_space<semaphore_mem>>, %arg32: memref<!tpu.dma_semaphore, #tpu.memory_space<semaphore_mem>>, %arg33: memref<!tpu.dma_semaphore, #tpu.memory_space<semaphore_mem>>, %arg34: memref<!tpu.dma_semaphore, #tpu.memory_space<semaphore_mem>>) attributes {dimension_semantics = [#tpu.dimension_semantics<core_parallel>, #tpu.dimension_semantics<subcore_parallel>], iteration_bounds = array<i64: 2, 16>, scalar_prefetch = 0 : i64, scratch_operands = 25 : i64, tpu.core_type = #tpu.core_type<sc_vector_subcore>, window_params = [{transform_indices = #map}, {transform_indices = #map1}, {transform_indices = #map1}, {transform_indices = #map}, {transform_indices = #map1}, {transform_indices = #map1}, {transform_indices = #map}, {transform_indices = #map1}]} {
    %mul3A = arith.constant 672 : i32
    %mul3A_0 = arith.muli %arg1, %mul3A : i32
    %mul3A_1 = arith.constant 672 : i32
    %mul3A_2 = arith.muli %arg1, %mul3A_1 : i32
    "tpu.region"() ({
      %run_scoped3A = tpu.sem_alloc : memref<!tpu.dma_semaphore, #tpu.memory_space<semaphore_mem>>
      %dma_start3A_104 = arith.constant 0 : i32
      %dma_start3A_105 = tpu.memref_slice %arg10[%mul3A_2, %dma_start3A_104] : memref<10752x128xf32, #tpu.memory_space<vmem_shared>> -> memref<672x128xf32, #tpu.memory_space<vmem_shared>>
      %dma_start3A_106 = arith.constant 0 : i32
      %dma_start3A_107 = tpu.memref_slice %arg5[%mul3A_0, %dma_start3A_106] : memref<10752x128xf32, #tpu.memory_space<hbm>> -> memref<672x128xf32, #tpu.memory_space<hbm>>
      tpu.enqueue_dma source(%dma_start3A_107 : memref<672x128xf32, #tpu.memory_space<hbm>>) target(%dma_start3A_105 : memref<672x128xf32, #tpu.memory_space<vmem_shared>>) target_semaphore(%run_scoped3A : memref<!tpu.dma_semaphore, #tpu.memory_space<semaphore_mem>>)
      %dma_wait3A_108 = arith.constant 0 : i32
      %dma_wait3A_109 = tpu.memref_slice %arg10[%mul3A_2, %dma_wait3A_108] : memref<10752x128xf32, #tpu.memory_space<vmem_shared>> -> memref<672x128xf32, #tpu.memory_space<vmem_shared>>
      %dma_wait3A_110 = arith.constant 0 : i32
      %dma_wait3A_111 = tpu.memref_slice %arg5[%mul3A_0, %dma_wait3A_110] : memref<10752x128xf32, #tpu.memory_space<hbm>> -> memref<672x128xf32, #tpu.memory_space<hbm>>
      tpu.wait_dma2 semaphore(%run_scoped3A : memref<!tpu.dma_semaphore, #tpu.memory_space<semaphore_mem>>) src(%dma_wait3A_111 : memref<672x128xf32, #tpu.memory_space<hbm>>) dst(%dma_wait3A_109 : memref<672x128xf32, #tpu.memory_space<vmem_shared>>)
      tpu.yield
    }) : () -> ()
    %mul3A_3 = arith.constant 672 : i32
    %mul3A_4 = arith.muli %arg1, %mul3A_3 : i32
    "tpu.region"() ({
      %run_scoped3A = tpu.sem_alloc : memref<!tpu.dma_semaphore, #tpu.memory_space<semaphore_mem>>
      %dma_start3A_104 = tpu.memref_slice %arg6[%mul3A_4] : memref<10752xf32, #tpu.memory_space<hbm>> -> memref<672xf32, #tpu.memory_space<hbm>>
      %dma_start3A_105 = tpu.memref_slice %arg6[%mul3A_4] : memref<10752xf32, #tpu.memory_space<hbm>> -> memref<672xf32, #tpu.memory_space<hbm>>
      tpu.enqueue_dma source(%dma_start3A_105 : memref<672xf32, #tpu.memory_space<hbm>>) target(%arg25 : memref<672xf32, #tpu.memory_space<vmem>>) target_semaphore(%run_scoped3A : memref<!tpu.dma_semaphore, #tpu.memory_space<semaphore_mem>>)
      %dma_wait3A_106 = tpu.memref_slice %arg6[%mul3A_4] : memref<10752xf32, #tpu.memory_space<hbm>> -> memref<672xf32, #tpu.memory_space<hbm>>
      %dma_wait3A_107 = tpu.memref_slice %arg6[%mul3A_4] : memref<10752xf32, #tpu.memory_space<hbm>> -> memref<672xf32, #tpu.memory_space<hbm>>
      tpu.wait_dma2 semaphore(%run_scoped3A : memref<!tpu.dma_semaphore, #tpu.memory_space<semaphore_mem>>) src(%dma_wait3A_107 : memref<672xf32, #tpu.memory_space<hbm>>) dst(%arg25 : memref<672xf32, #tpu.memory_space<vmem>>)
      tpu.yield
    }) : () -> ()
    %mul3A_5 = arith.constant 672 : i32
    %mul3A_6 = arith.muli %arg1, %mul3A_5 : i32
    "tpu.region"() ({
      %run_scoped3A = tpu.sem_alloc : memref<!tpu.dma_semaphore, #tpu.memory_space<semaphore_mem>>
      %dma_start3A_104 = tpu.memref_slice %arg11[%mul3A_6] : memref<10752xf32, #tpu.memory_space<vmem_shared>> -> memref<672xf32, #tpu.memory_space<vmem_shared>>
      %dma_start3A_105 = tpu.memref_slice %arg11[%mul3A_6] : memref<10752xf32, #tpu.memory_space<vmem_shared>> -> memref<672xf32, #tpu.memory_space<vmem_shared>>
      tpu.enqueue_dma source(%arg25 : memref<672xf32, #tpu.memory_space<vmem>>) target(%dma_start3A_105 : memref<672xf32, #tpu.memory_space<vmem_shared>>) target_semaphore(%run_scoped3A : memref<!tpu.dma_semaphore, #tpu.memory_space<semaphore_mem>>)
      %dma_wait3A_106 = tpu.memref_slice %arg11[%mul3A_6] : memref<10752xf32, #tpu.memory_space<vmem_shared>> -> memref<672xf32, #tpu.memory_space<vmem_shared>>
      %dma_wait3A_107 = tpu.memref_slice %arg11[%mul3A_6] : memref<10752xf32, #tpu.memory_space<vmem_shared>> -> memref<672xf32, #tpu.memory_space<vmem_shared>>
      tpu.wait_dma2 semaphore(%run_scoped3A : memref<!tpu.dma_semaphore, #tpu.memory_space<semaphore_mem>>) src(%arg25 : memref<672xf32, #tpu.memory_space<vmem>>) dst(%dma_wait3A_107 : memref<672xf32, #tpu.memory_space<vmem_shared>>)
      tpu.yield
    }) : () -> ()
    "tpu.region"() ({
      %run_scoped3A = tpu.sem_alloc : memref<!tpu.dma_semaphore, #tpu.memory_space<semaphore_mem>>
      tpu.enqueue_dma source(%arg7 : memref<96xf32, #tpu.memory_space<hbm>>) target(%arg24 : memref<96xf32, #tpu.memory_space<vmem>>) target_semaphore(%run_scoped3A : memref<!tpu.dma_semaphore, #tpu.memory_space<semaphore_mem>>)
      tpu.wait_dma2 semaphore(%run_scoped3A : memref<!tpu.dma_semaphore, #tpu.memory_space<semaphore_mem>>) src(%arg7 : memref<96xf32, #tpu.memory_space<hbm>>) dst(%arg24 : memref<96xf32, #tpu.memory_space<vmem>>)
      tpu.yield
    }) : () -> ()
    %barrier3A = arith.constant 0 : index
    tpu.barrier barrier_id(%barrier3A)
    %mul3A_7 = arith.constant 10080 : i32
    %mul3A_8 = arith.muli %arg1, %mul3A_7 : i32
    %add3A = arith.constant 0 : i32
    %add3A_9 = arith.addi %mul3A_8, %add3A : i32
    %multiple_of3A = tpu.assume_multiple %add3A_9, 8 : i32
    %mul3A_10 = arith.constant 161280 : i32
    %mul3A_11 = arith.muli %arg0, %mul3A_10 : i32
    %add3A_12 = arith.addi %mul3A_11, %multiple_of3A : i32
    %multiple_of3A_13 = tpu.assume_multiple %add3A_12, 8 : i32
    %dma_start3A = tpu.memref_slice %arg3[%multiple_of3A_13] : memref<322560xi32, #tpu.memory_space<hbm>> -> memref<96xi32, #tpu.memory_space<hbm>>
    %dma_start3A_14 = tpu.memref_slice %arg3[%multiple_of3A_13] : memref<322560xi32, #tpu.memory_space<hbm>> -> memref<96xi32, #tpu.memory_space<hbm>>
    tpu.enqueue_dma source(%dma_start3A_14 : memref<96xi32, #tpu.memory_space<hbm>>) target(%arg12 : memref<96xi32, #tpu.memory_space<vmem>>) target_semaphore(%arg29 : memref<!tpu.dma_semaphore, #tpu.memory_space<semaphore_mem>>)
    %dma_start3A_15 = tpu.memref_slice %arg4[%multiple_of3A] : memref<161280xi32, #tpu.memory_space<hbm>> -> memref<96xi32, #tpu.memory_space<hbm>>
    %dma_start3A_16 = tpu.memref_slice %arg4[%multiple_of3A] : memref<161280xi32, #tpu.memory_space<hbm>> -> memref<96xi32, #tpu.memory_space<hbm>>
    tpu.enqueue_dma source(%dma_start3A_16 : memref<96xi32, #tpu.memory_space<hbm>>) target(%arg13 : memref<96xi32, #tpu.memory_space<vmem>>) target_semaphore(%arg29 : memref<!tpu.dma_semaphore, #tpu.memory_space<semaphore_mem>>)
    %mul3A_17 = arith.constant 10080 : i32
    %mul3A_18 = arith.muli %arg1, %mul3A_17 : i32
    %add3A_19 = arith.constant 96 : i32
    %add3A_20 = arith.addi %mul3A_18, %add3A_19 : i32
    %multiple_of3A_21 = tpu.assume_multiple %add3A_20, 8 : i32
    %mul3A_22 = arith.constant 161280 : i32
    %mul3A_23 = arith.muli %arg0, %mul3A_22 : i32
    %add3A_24 = arith.addi %mul3A_23, %multiple_of3A_21 : i32
    %multiple_of3A_25 = tpu.assume_multiple %add3A_24, 8 : i32
    %dma_start3A_26 = tpu.memref_slice %arg3[%multiple_of3A_25] : memref<322560xi32, #tpu.memory_space<hbm>> -> memref<96xi32, #tpu.memory_space<hbm>>
    %dma_start3A_27 = tpu.memref_slice %arg3[%multiple_of3A_25] : memref<322560xi32, #tpu.memory_space<hbm>> -> memref<96xi32, #tpu.memory_space<hbm>>
    tpu.enqueue_dma source(%dma_start3A_27 : memref<96xi32, #tpu.memory_space<hbm>>) target(%arg15 : memref<96xi32, #tpu.memory_space<vmem>>) target_semaphore(%arg30 : memref<!tpu.dma_semaphore, #tpu.memory_space<semaphore_mem>>)
    %dma_start3A_28 = tpu.memref_slice %arg4[%multiple_of3A_21] : memref<161280xi32, #tpu.memory_space<hbm>> -> memref<96xi32, #tpu.memory_space<hbm>>
    %dma_start3A_29 = tpu.memref_slice %arg4[%multiple_of3A_21] : memref<161280xi32, #tpu.memory_space<hbm>> -> memref<96xi32, #tpu.memory_space<hbm>>
    tpu.enqueue_dma source(%dma_start3A_29 : memref<96xi32, #tpu.memory_space<hbm>>) target(%arg16 : memref<96xi32, #tpu.memory_space<vmem>>) target_semaphore(%arg30 : memref<!tpu.dma_semaphore, #tpu.memory_space<semaphore_mem>>)
    %dma_wait3A = arith.constant 0 : i32
    %dma_wait3A_30 = tpu.memref_slice %arg3[%dma_wait3A] : memref<322560xi32, #tpu.memory_space<hbm>> -> memref<96xi32, #tpu.memory_space<hbm>>
    %dma_wait3A_31 = arith.constant 0 : i32
    %dma_wait3A_32 = tpu.memref_slice %arg3[%dma_wait3A_31] : memref<322560xi32, #tpu.memory_space<hbm>> -> memref<96xi32, #tpu.memory_space<hbm>>
    tpu.wait_dma2 semaphore(%arg29 : memref<!tpu.dma_semaphore, #tpu.memory_space<semaphore_mem>>) src(%dma_wait3A_32 : memref<96xi32, #tpu.memory_space<hbm>>) dst(%arg12 : memref<96xi32, #tpu.memory_space<vmem>>)
    %dma_wait3A_33 = arith.constant 0 : i32
    %dma_wait3A_34 = tpu.memref_slice %arg4[%dma_wait3A_33] : memref<161280xi32, #tpu.memory_space<hbm>> -> memref<96xi32, #tpu.memory_space<hbm>>
    %dma_wait3A_35 = arith.constant 0 : i32
    %dma_wait3A_36 = tpu.memref_slice %arg4[%dma_wait3A_35] : memref<161280xi32, #tpu.memory_space<hbm>> -> memref<96xi32, #tpu.memory_space<hbm>>
    tpu.wait_dma2 semaphore(%arg29 : memref<!tpu.dma_semaphore, #tpu.memory_space<semaphore_mem>>) src(%dma_wait3A_36 : memref<96xi32, #tpu.memory_space<hbm>>) dst(%arg13 : memref<96xi32, #tpu.memory_space<vmem>>)
    %dma_start3A_37 = arith.constant 0 : i32
    %dma_start3A_38 = arith.constant 0 : i32
    %dma_start3A_39 = tpu.memref_slice %arg2[%dma_start3A_37, %dma_start3A_38] : memref<21504x128xf32, #tpu.memory_space<hbm>> -> memref<21504x128xf32, #tpu.memory_space<hbm>>
    tpu.enqueue_indirect_dma source(%dma_start3A_39 : memref<21504x128xf32, #tpu.memory_space<hbm>>) target(%arg14 : memref<96x128xf32, #tpu.memory_space<vmem>>) offsets(%arg12 : memref<96xi32, #tpu.memory_space<vmem>>) semaphore(%arg26 : memref<!tpu.dma_semaphore, #tpu.memory_space<semaphore_mem>>)
    %mul3A_40 = arith.constant 10080 : i32
    %mul3A_41 = arith.muli %arg1, %mul3A_40 : i32
    %add3A_42 = arith.constant 192 : i32
    %add3A_43 = arith.addi %mul3A_41, %add3A_42 : i32
    %multiple_of3A_44 = tpu.assume_multiple %add3A_43, 8 : i32
    %mul3A_45 = arith.constant 161280 : i32
    %mul3A_46 = arith.muli %arg0, %mul3A_45 : i32
    %add3A_47 = arith.addi %mul3A_46, %multiple_of3A_44 : i32
    %multiple_of3A_48 = tpu.assume_multiple %add3A_47, 8 : i32
    %dma_start3A_49 = tpu.memref_slice %arg3[%multiple_of3A_48] : memref<322560xi32, #tpu.memory_space<hbm>> -> memref<96xi32, #tpu.memory_space<hbm>>
    %dma_start3A_50 = tpu.memref_slice %arg3[%multiple_of3A_48] : memref<322560xi32, #tpu.memory_space<hbm>> -> memref<96xi32, #tpu.memory_space<hbm>>
    tpu.enqueue_dma source(%dma_start3A_50 : memref<96xi32, #tpu.memory_space<hbm>>) target(%arg18 : memref<96xi32, #tpu.memory_space<vmem>>) target_semaphore(%arg31 : memref<!tpu.dma_semaphore, #tpu.memory_space<semaphore_mem>>)
    %dma_start3A_51 = tpu.memref_slice %arg4[%multiple_of3A_44] : memref<161280xi32, #tpu.memory_space<hbm>> -> memref<96xi32, #tpu.memory_space<hbm>>
    %dma_start3A_52 = tpu.memref_slice %arg4[%multiple_of3A_44] : memref<161280xi32, #tpu.memory_space<hbm>> -> memref<96xi32, #tpu.memory_space<hbm>>
    tpu.enqueue_dma source(%dma_start3A_52 : memref<96xi32, #tpu.memory_space<hbm>>) target(%arg19 : memref<96xi32, #tpu.memory_space<vmem>>) target_semaphore(%arg31 : memref<!tpu.dma_semaphore, #tpu.memory_space<semaphore_mem>>)
    %dma_wait3A_53 = arith.constant 0 : i32
    %dma_wait3A_54 = tpu.memref_slice %arg3[%dma_wait3A_53] : memref<322560xi32, #tpu.memory_space<hbm>> -> memref<96xi32, #tpu.memory_space<hbm>>
    %dma_wait3A_55 = arith.constant 0 : i32
    %dma_wait3A_56 = tpu.memref_slice %arg3[%dma_wait3A_55] : memref<322560xi32, #tpu.memory_space<hbm>> -> memref<96xi32, #tpu.memory_space<hbm>>
    tpu.wait_dma2 semaphore(%arg30 : memref<!tpu.dma_semaphore, #tpu.memory_space<semaphore_mem>>) src(%dma_wait3A_56 : memref<96xi32, #tpu.memory_space<hbm>>) dst(%arg15 : memref<96xi32, #tpu.memory_space<vmem>>)
    %dma_wait3A_57 = arith.constant 0 : i32
    %dma_wait3A_58 = tpu.memref_slice %arg4[%dma_wait3A_57] : memref<161280xi32, #tpu.memory_space<hbm>> -> memref<96xi32, #tpu.memory_space<hbm>>
    %dma_wait3A_59 = arith.constant 0 : i32
    %dma_wait3A_60 = tpu.memref_slice %arg4[%dma_wait3A_59] : memref<161280xi32, #tpu.memory_space<hbm>> -> memref<96xi32, #tpu.memory_space<hbm>>
    tpu.wait_dma2 semaphore(%arg30 : memref<!tpu.dma_semaphore, #tpu.memory_space<semaphore_mem>>) src(%dma_wait3A_60 : memref<96xi32, #tpu.memory_space<hbm>>) dst(%arg16 : memref<96xi32, #tpu.memory_space<vmem>>)
    %dma_start3A_61 = arith.constant 0 : i32
    %dma_start3A_62 = arith.constant 0 : i32
    %dma_start3A_63 = tpu.memref_slice %arg2[%dma_start3A_61, %dma_start3A_62] : memref<21504x128xf32, #tpu.memory_space<hbm>> -> memref<21504x128xf32, #tpu.memory_space<hbm>>
    tpu.enqueue_indirect_dma source(%dma_start3A_63 : memref<21504x128xf32, #tpu.memory_space<hbm>>) target(%arg17 : memref<96x128xf32, #tpu.memory_space<vmem>>) offsets(%arg15 : memref<96xi32, #tpu.memory_space<vmem>>) semaphore(%arg27 : memref<!tpu.dma_semaphore, #tpu.memory_space<semaphore_mem>>)
    %scan3A = arith.constant 0 : i32
    %scan3A_64 = arith.constant 0 : i32
    %scan3A_65 = arith.constant 35 : i32
    %scan3A_66 = arith.addi %scan3A_64, %scan3A_65 : i32
    %scan3A_67 = arith.constant 1 : i32
    %scan3A_68 = scf.for %scan3A_104 = %scan3A_64 to %scan3A_66 step %scan3A_67 iter_args(%scan3A_105 = %scan3A) -> (i32)  : i32 {
      %mul3A_106 = arith.constant 3 : i32
      %mul3A_107 = arith.muli %mul3A_106, %scan3A_104 : i32
      %gt3A = arith.constant 0 : i32
      %gt3A_108 = arith.cmpi sgt, %scan3A_104, %gt3A : i32
      %convert_element_type3A_109 = arith.extui %gt3A_108 : i1 to i32
      %cond3A_110 = arith.constant 0 : i32
      %cond3A_111 = arith.cmpi ne, %convert_element_type3A_109, %cond3A_110 : i32
      scf.if %cond3A_111 {
        %dma_wait3A_315 = arith.constant 0 : i32
        %dma_wait3A_316 = arith.constant 0 : i32
        %dma_wait3A_317 = tpu.memref_slice %arg10[%dma_wait3A_315, %dma_wait3A_316] : memref<10752x128xf32, #tpu.memory_space<vmem_shared>> -> memref<10752x128xf32, #tpu.memory_space<vmem_shared>>
        tpu.wait_indirect_dma semaphore(%arg34 : memref<!tpu.dma_semaphore, #tpu.memory_space<semaphore_mem>>) src(%arg20 : memref<96x128xf32, #tpu.memory_space<vmem>>) dst(%dma_wait3A_317 : memref<10752x128xf32, #tpu.memory_space<vmem_shared>>)
        %eq3A_318 = arith.constant 0 : i32
        %eq3A_319 = arith.cmpi eq, %arg0, %eq3A_318 : i32
        %convert_element_type3A_320 = arith.extui %eq3A_319 : i1 to i32
        %cond3A_321 = arith.constant 0 : i32
        %cond3A_322 = arith.cmpi ne, %convert_element_type3A_320, %cond3A_321 : i32
        scf.if %cond3A_322 {
          %dma_wait3A_323 = arith.constant 0 : i32
          %dma_wait3A_324 = tpu.memref_slice %arg11[%dma_wait3A_323] : memref<10752xf32, #tpu.memory_space<vmem_shared>> -> memref<10752xf32, #tpu.memory_space<vmem_shared>>
          tpu.wait_indirect_dma semaphore(%arg34 : memref<!tpu.dma_semaphore, #tpu.memory_space<semaphore_mem>>) src(%arg24 : memref<96xf32, #tpu.memory_space<vmem>>) dst(%dma_wait3A_324 : memref<10752xf32, #tpu.memory_space<vmem_shared>>)
        } else {
        }
      } else {
      }
      %dma_wait3A_112 = arith.constant 0 : i32
      %dma_wait3A_113 = tpu.memref_slice %arg3[%dma_wait3A_112] : memref<322560xi32, #tpu.memory_space<hbm>> -> memref<96xi32, #tpu.memory_space<hbm>>
      %dma_wait3A_114 = arith.constant 0 : i32
      %dma_wait3A_115 = tpu.memref_slice %arg3[%dma_wait3A_114] : memref<322560xi32, #tpu.memory_space<hbm>> -> memref<96xi32, #tpu.memory_space<hbm>>
      tpu.wait_dma2 semaphore(%arg31 : memref<!tpu.dma_semaphore, #tpu.memory_space<semaphore_mem>>) src(%dma_wait3A_115 : memref<96xi32, #tpu.memory_space<hbm>>) dst(%arg18 : memref<96xi32, #tpu.memory_space<vmem>>)
      %dma_wait3A_116 = arith.constant 0 : i32
      %dma_wait3A_117 = tpu.memref_slice %arg4[%dma_wait3A_116] : memref<161280xi32, #tpu.memory_space<hbm>> -> memref<96xi32, #tpu.memory_space<hbm>>
      %dma_wait3A_118 = arith.constant 0 : i32
      %dma_wait3A_119 = tpu.memref_slice %arg4[%dma_wait3A_118] : memref<161280xi32, #tpu.memory_space<hbm>> -> memref<96xi32, #tpu.memory_space<hbm>>
      tpu.wait_dma2 semaphore(%arg31 : memref<!tpu.dma_semaphore, #tpu.memory_space<semaphore_mem>>) src(%dma_wait3A_119 : memref<96xi32, #tpu.memory_space<hbm>>) dst(%arg19 : memref<96xi32, #tpu.memory_space<vmem>>)
      %dma_start3A_120 = arith.constant 0 : i32
      %dma_start3A_121 = arith.constant 0 : i32
      %dma_start3A_122 = tpu.memref_slice %arg2[%dma_start3A_120, %dma_start3A_121] : memref<21504x128xf32, #tpu.memory_space<hbm>> -> memref<21504x128xf32, #tpu.memory_space<hbm>>
      tpu.enqueue_indirect_dma source(%dma_start3A_122 : memref<21504x128xf32, #tpu.memory_space<hbm>>) target(%arg20 : memref<96x128xf32, #tpu.memory_space<vmem>>) offsets(%arg18 : memref<96xi32, #tpu.memory_space<vmem>>) semaphore(%arg28 : memref<!tpu.dma_semaphore, #tpu.memory_space<semaphore_mem>>)
      %dma_wait3A_123 = arith.constant 0 : i32
      %dma_wait3A_124 = arith.constant 0 : i32
      %dma_wait3A_125 = tpu.memref_slice %arg2[%dma_wait3A_123, %dma_wait3A_124] : memref<21504x128xf32, #tpu.memory_space<hbm>> -> memref<21504x128xf32, #tpu.memory_space<hbm>>
      tpu.wait_indirect_dma semaphore(%arg26 : memref<!tpu.dma_semaphore, #tpu.memory_space<semaphore_mem>>) src(%dma_wait3A_125 : memref<21504x128xf32, #tpu.memory_space<hbm>>) dst(%arg14 : memref<96x128xf32, #tpu.memory_space<vmem>>)
      %get3A = arith.constant 0 : index
      %get3A_126 = tpu.vector_load %arg13[%get3A] {strides = array<i32>} : memref<96xi32, #tpu.memory_space<vmem>>, vector<16xi32>,
      %get3A_127 = vector.shape_cast %get3A_126 : vector<16xi32> to vector<16xi32>
      %swap3A = arith.constant 0 : index
      %swap3A_128 = tpu.vector_load %arg21[%swap3A] {strides = array<i32>} : memref<96xi32, #tpu.memory_space<vmem>>, vector<16xi32>,
      %swap3A_129 = vector.shape_cast %swap3A_128 : vector<16xi32> to vector<16xi32>
      %swap3A_130 = vector.shape_cast %get3A_127 : vector<16xi32> to vector<16xi32>
      tpu.vector_store %arg21[%swap3A], %swap3A_130 {strides = array<i32>} : memref<96xi32, #tpu.memory_space<vmem>>, vector<16xi32>,
      %get3A_131 = arith.constant 16 : index
      %get3A_132 = tpu.vector_load %arg13[%get3A_131] {strides = array<i32>} : memref<96xi32, #tpu.memory_space<vmem>>, vector<16xi32>,
      %get3A_133 = vector.shape_cast %get3A_132 : vector<16xi32> to vector<16xi32>
      %swap3A_134 = arith.constant 16 : index
      %swap3A_135 = tpu.vector_load %arg21[%swap3A_134] {strides = array<i32>} : memref<96xi32, #tpu.memory_space<vmem>>, vector<16xi32>,
      %swap3A_136 = vector.shape_cast %swap3A_135 : vector<16xi32> to vector<16xi32>
      %swap3A_137 = vector.shape_cast %get3A_133 : vector<16xi32> to vector<16xi32>
      tpu.vector_store %arg21[%swap3A_134], %swap3A_137 {strides = array<i32>} : memref<96xi32, #tpu.memory_space<vmem>>, vector<16xi32>,
      %get3A_138 = arith.constant 32 : index
      %get3A_139 = tpu.vector_load %arg13[%get3A_138] {strides = array<i32>} : memref<96xi32, #tpu.memory_space<vmem>>, vector<16xi32>,
      %get3A_140 = vector.shape_cast %get3A_139 : vector<16xi32> to vector<16xi32>
      %swap3A_141 = arith.constant 32 : index
      %swap3A_142 = tpu.vector_load %arg21[%swap3A_141] {strides = array<i32>} : memref<96xi32, #tpu.memory_space<vmem>>, vector<16xi32>,
      %swap3A_143 = vector.shape_cast %swap3A_142 : vector<16xi32> to vector<16xi32>
      %swap3A_144 = vector.shape_cast %get3A_140 : vector<16xi32> to vector<16xi32>
      tpu.vector_store %arg21[%swap3A_141], %swap3A_144 {strides = array<i32>} : memref<96xi32, #tpu.memory_space<vmem>>, vector<16xi32>,
      %get3A_145 = arith.constant 48 : index
      %get3A_146 = tpu.vector_load %arg13[%get3A_145] {strides = array<i32>} : memref<96xi32, #tpu.memory_space<vmem>>, vector<16xi32>,
      %get3A_147 = vector.shape_cast %get3A_146 : vector<16xi32> to vector<16xi32>
      %swap3A_148 = arith.constant 48 : index
      %swap3A_149 = tpu.vector_load %arg21[%swap3A_148] {strides = array<i32>} : memref<96xi32, #tpu.memory_space<vmem>>, vector<16xi32>,
      %swap3A_150 = vector.shape_cast %swap3A_149 : vector<16xi32> to vector<16xi32>
      %swap3A_151 = vector.shape_cast %get3A_147 : vector<16xi32> to vector<16xi32>
      tpu.vector_store %arg21[%swap3A_148], %swap3A_151 {strides = array<i32>} : memref<96xi32, #tpu.memory_space<vmem>>, vector<16xi32>,
      %get3A_152 = arith.constant 64 : index
      %get3A_153 = tpu.vector_load %arg13[%get3A_152] {strides = array<i32>} : memref<96xi32, #tpu.memory_space<vmem>>, vector<16xi32>,
      %get3A_154 = vector.shape_cast %get3A_153 : vector<16xi32> to vector<16xi32>
      %swap3A_155 = arith.constant 64 : index
      %swap3A_156 = tpu.vector_load %arg21[%swap3A_155] {strides = array<i32>} : memref<96xi32, #tpu.memory_space<vmem>>, vector<16xi32>,
      %swap3A_157 = vector.shape_cast %swap3A_156 : vector<16xi32> to vector<16xi32>
      %swap3A_158 = vector.shape_cast %get3A_154 : vector<16xi32> to vector<16xi32>
      tpu.vector_store %arg21[%swap3A_155], %swap3A_158 {strides = array<i32>} : memref<96xi32, #tpu.memory_space<vmem>>, vector<16xi32>,
      %get3A_159 = arith.constant 80 : index
      %get3A_160 = tpu.vector_load %arg13[%get3A_159] {strides = array<i32>} : memref<96xi32, #tpu.memory_space<vmem>>, vector<16xi32>,
      %get3A_161 = vector.shape_cast %get3A_160 : vector<16xi32> to vector<16xi32>
      %swap3A_162 = arith.constant 80 : index
      %swap3A_163 = tpu.vector_load %arg21[%swap3A_162] {strides = array<i32>} : memref<96xi32, #tpu.memory_space<vmem>>, vector<16xi32>,
      %swap3A_164 = vector.shape_cast %swap3A_163 : vector<16xi32> to vector<16xi32>
      %swap3A_165 = vector.shape_cast %get3A_161 : vector<16xi32> to vector<16xi32>
      tpu.vector_store %arg21[%swap3A_162], %swap3A_165 {strides = array<i32>} : memref<96xi32, #tpu.memory_space<vmem>>, vector<16xi32>,
      %dma_start3A_166 = arith.constant 0 : i32
      %dma_start3A_167 = arith.constant 0 : i32
      %dma_start3A_168 = tpu.memref_slice %arg10[%dma_start3A_166, %dma_start3A_167] : memref<10752x128xf32, #tpu.memory_space<vmem_shared>> -> memref<10752x128xf32, #tpu.memory_space<vmem_shared>>
      tpu.enqueue_indirect_dma source(%arg14 : memref<96x128xf32, #tpu.memory_space<vmem>>) target(%dma_start3A_168 : memref<10752x128xf32, #tpu.memory_space<vmem_shared>>) offsets(%arg21 : memref<96xi32, #tpu.memory_space<vmem>>) semaphore(%arg32 : memref<!tpu.dma_semaphore, #tpu.memory_space<semaphore_mem>>) {add = true}
      %eq3A_169 = arith.constant 0 : i32
      %eq3A_170 = arith.cmpi eq, %arg0, %eq3A_169 : i32
      %convert_element_type3A_171 = arith.extui %eq3A_170 : i1 to i32
      %cond3A_172 = arith.constant 0 : i32
      %cond3A_173 = arith.cmpi ne, %convert_element_type3A_171, %cond3A_172 : i32
      scf.if %cond3A_173 {
        %dma_start3A_315 = arith.constant 0 : i32
        %dma_start3A_316 = tpu.memref_slice %arg11[%dma_start3A_315] : memref<10752xf32, #tpu.memory_space<vmem_shared>> -> memref<10752xf32, #tpu.memory_space<vmem_shared>>
        tpu.enqueue_indirect_dma source(%arg24 : memref<96xf32, #tpu.memory_space<vmem>>) target(%dma_start3A_316 : memref<10752xf32, #tpu.memory_space<vmem_shared>>) offsets(%arg21 : memref<96xi32, #tpu.memory_space<vmem>>) semaphore(%arg32 : memref<!tpu.dma_semaphore, #tpu.memory_space<semaphore_mem>>) {add = true}
      } else {
      }
      %add3A_174 = arith.constant 3 : i32
      %add3A_175 = arith.addi %mul3A_107, %add3A_174 : i32
      %lt3A = arith.constant 105 : i32
      %lt3A_176 = arith.cmpi slt, %add3A_175, %lt3A : i32
      %convert_element_type3A_177 = arith.extui %lt3A_176 : i1 to i32
      %cond3A_178 = arith.constant 0 : i32
      %cond3A_179 = arith.cmpi ne, %convert_element_type3A_177, %cond3A_178 : i32
      scf.if %cond3A_179 {
        %add3A_315 = arith.constant 3 : i32
        %add3A_316 = arith.addi %mul3A_107, %add3A_315 : i32
        %mul3A_317 = arith.constant 10080 : i32
        %mul3A_318 = arith.muli %arg1, %mul3A_317 : i32
        %mul3A_319 = arith.constant 96 : i32
        %mul3A_320 = arith.muli %add3A_316, %mul3A_319 : i32
        %add3A_321 = arith.addi %mul3A_318, %mul3A_320 : i32
        %multiple_of3A_322 = tpu.assume_multiple %add3A_321, 8 : i32
        %mul3A_323 = arith.constant 161280 : i32
        %mul3A_324 = arith.muli %arg0, %mul3A_323 : i32
        %add3A_325 = arith.addi %mul3A_324, %multiple_of3A_322 : i32
        %multiple_of3A_326 = tpu.assume_multiple %add3A_325, 8 : i32
        %dma_start3A_327 = tpu.memref_slice %arg3[%multiple_of3A_326] : memref<322560xi32, #tpu.memory_space<hbm>> -> memref<96xi32, #tpu.memory_space<hbm>>
        %dma_start3A_328 = tpu.memref_slice %arg3[%multiple_of3A_326] : memref<322560xi32, #tpu.memory_space<hbm>> -> memref<96xi32, #tpu.memory_space<hbm>>
        tpu.enqueue_dma source(%dma_start3A_328 : memref<96xi32, #tpu.memory_space<hbm>>) target(%arg12 : memref<96xi32, #tpu.memory_space<vmem>>) target_semaphore(%arg29 : memref<!tpu.dma_semaphore, #tpu.memory_space<semaphore_mem>>)
        %dma_start3A_329 = tpu.memref_slice %arg4[%multiple_of3A_322] : memref<161280xi32, #tpu.memory_space<hbm>> -> memref<96xi32, #tpu.memory_space<hbm>>
        %dma_start3A_330 = tpu.memref_slice %arg4[%multiple_of3A_322] : memref<161280xi32, #tpu.memory_space<hbm>> -> memref<96xi32, #tpu.memory_space<hbm>>
        tpu.enqueue_dma source(%dma_start3A_330 : memref<96xi32, #tpu.memory_space<hbm>>) target(%arg13 : memref<96xi32, #tpu.memory_space<vmem>>) target_semaphore(%arg29 : memref<!tpu.dma_semaphore, #tpu.memory_space<semaphore_mem>>)
      } else {
      }
      %dma_wait3A_180 = arith.constant 0 : i32
      %dma_wait3A_181 = arith.constant 0 : i32
      %dma_wait3A_182 = tpu.memref_slice %arg2[%dma_wait3A_180, %dma_wait3A_181] : memref<21504x128xf32, #tpu.memory_space<hbm>> -> memref<21504x128xf32, #tpu.memory_space<hbm>>
      tpu.wait_indirect_dma semaphore(%arg27 : memref<!tpu.dma_semaphore, #tpu.memory_space<semaphore_mem>>) src(%dma_wait3A_182 : memref<21504x128xf32, #tpu.memory_space<hbm>>) dst(%arg17 : memref<96x128xf32, #tpu.memory_space<vmem>>)
      %get3A_183 = arith.constant 0 : index
      %get3A_184 = tpu.vector_load %arg16[%get3A_183] {strides = array<i32>} : memref<96xi32, #tpu.memory_space<vmem>>, vector<16xi32>,
      %get3A_185 = vector.shape_cast %get3A_184 : vector<16xi32> to vector<16xi32>
      %swap3A_186 = arith.constant 0 : index
      %swap3A_187 = tpu.vector_load %arg22[%swap3A_186] {strides = array<i32>} : memref<96xi32, #tpu.memory_space<vmem>>, vector<16xi32>,
      %swap3A_188 = vector.shape_cast %swap3A_187 : vector<16xi32> to vector<16xi32>
      %swap3A_189 = vector.shape_cast %get3A_185 : vector<16xi32> to vector<16xi32>
      tpu.vector_store %arg22[%swap3A_186], %swap3A_189 {strides = array<i32>} : memref<96xi32, #tpu.memory_space<vmem>>, vector<16xi32>,
      %get3A_190 = arith.constant 16 : index
      %get3A_191 = tpu.vector_load %arg16[%get3A_190] {strides = array<i32>} : memref<96xi32, #tpu.memory_space<vmem>>, vector<16xi32>,
      %get3A_192 = vector.shape_cast %get3A_191 : vector<16xi32> to vector<16xi32>
      %swap3A_193 = arith.constant 16 : index
      %swap3A_194 = tpu.vector_load %arg22[%swap3A_193] {strides = array<i32>} : memref<96xi32, #tpu.memory_space<vmem>>, vector<16xi32>,
      %swap3A_195 = vector.shape_cast %swap3A_194 : vector<16xi32> to vector<16xi32>
      %swap3A_196 = vector.shape_cast %get3A_192 : vector<16xi32> to vector<16xi32>
      tpu.vector_store %arg22[%swap3A_193], %swap3A_196 {strides = array<i32>} : memref<96xi32, #tpu.memory_space<vmem>>, vector<16xi32>,
      %get3A_197 = arith.constant 32 : index
      %get3A_198 = tpu.vector_load %arg16[%get3A_197] {strides = array<i32>} : memref<96xi32, #tpu.memory_space<vmem>>, vector<16xi32>,
      %get3A_199 = vector.shape_cast %get3A_198 : vector<16xi32> to vector<16xi32>
      %swap3A_200 = arith.constant 32 : index
      %swap3A_201 = tpu.vector_load %arg22[%swap3A_200] {strides = array<i32>} : memref<96xi32, #tpu.memory_space<vmem>>, vector<16xi32>,
      %swap3A_202 = vector.shape_cast %swap3A_201 : vector<16xi32> to vector<16xi32>
      %swap3A_203 = vector.shape_cast %get3A_199 : vector<16xi32> to vector<16xi32>
      tpu.vector_store %arg22[%swap3A_200], %swap3A_203 {strides = array<i32>} : memref<96xi32, #tpu.memory_space<vmem>>, vector<16xi32>,
      %get3A_204 = arith.constant 48 : index
      %get3A_205 = tpu.vector_load %arg16[%get3A_204] {strides = array<i32>} : memref<96xi32, #tpu.memory_space<vmem>>, vector<16xi32>,
      %get3A_206 = vector.shape_cast %get3A_205 : vector<16xi32> to vector<16xi32>
      %swap3A_207 = arith.constant 48 : index
      %swap3A_208 = tpu.vector_load %arg22[%swap3A_207] {strides = array<i32>} : memref<96xi32, #tpu.memory_space<vmem>>, vector<16xi32>,
      %swap3A_209 = vector.shape_cast %swap3A_208 : vector<16xi32> to vector<16xi32>
      %swap3A_210 = vector.shape_cast %get3A_206 : vector<16xi32> to vector<16xi32>
      tpu.vector_store %arg22[%swap3A_207], %swap3A_210 {strides = array<i32>} : memref<96xi32, #tpu.memory_space<vmem>>, vector<16xi32>,
      %get3A_211 = arith.constant 64 : index
      %get3A_212 = tpu.vector_load %arg16[%get3A_211] {strides = array<i32>} : memref<96xi32, #tpu.memory_space<vmem>>, vector<16xi32>,
      %get3A_213 = vector.shape_cast %get3A_212 : vector<16xi32> to vector<16xi32>
      %swap3A_214 = arith.constant 64 : index
      %swap3A_215 = tpu.vector_load %arg22[%swap3A_214] {strides = array<i32>} : memref<96xi32, #tpu.memory_space<vmem>>, vector<16xi32>,
      %swap3A_216 = vector.shape_cast %swap3A_215 : vector<16xi32> to vector<16xi32>
      %swap3A_217 = vector.shape_cast %get3A_213 : vector<16xi32> to vector<16xi32>
      tpu.vector_store %arg22[%swap3A_214], %swap3A_217 {strides = array<i32>} : memref<96xi32, #tpu.memory_space<vmem>>, vector<16xi32>,
      %get3A_218 = arith.constant 80 : index
      %get3A_219 = tpu.vector_load %arg16[%get3A_218] {strides = array<i32>} : memref<96xi32, #tpu.memory_space<vmem>>, vector<16xi32>,
      %get3A_220 = vector.shape_cast %get3A_219 : vector<16xi32> to vector<16xi32>
      %swap3A_221 = arith.constant 80 : index
      %swap3A_222 = tpu.vector_load %arg22[%swap3A_221] {strides = array<i32>} : memref<96xi32, #tpu.memory_space<vmem>>, vector<16xi32>,
      %swap3A_223 = vector.shape_cast %swap3A_222 : vector<16xi32> to vector<16xi32>
      %swap3A_224 = vector.shape_cast %get3A_220 : vector<16xi32> to vector<16xi32>
      tpu.vector_store %arg22[%swap3A_221], %swap3A_224 {strides = array<i32>} : memref<96xi32, #tpu.memory_space<vmem>>, vector<16xi32>,
      %dma_start3A_225 = arith.constant 0 : i32
      %dma_start3A_226 = arith.constant 0 : i32
      %dma_start3A_227 = tpu.memref_slice %arg10[%dma_start3A_225, %dma_start3A_226] : memref<10752x128xf32, #tpu.memory_space<vmem_shared>> -> memref<10752x128xf32, #tpu.memory_space<vmem_shared>>
      tpu.enqueue_indirect_dma source(%arg17 : memref<96x128xf32, #tpu.memory_space<vmem>>) target(%dma_start3A_227 : memref<10752x128xf32, #tpu.memory_space<vmem_shared>>) offsets(%arg22 : memref<96xi32, #tpu.memory_space<vmem>>) semaphore(%arg33 : memref<!tpu.dma_semaphore, #tpu.memory_space<semaphore_mem>>) {add = true}
      %eq3A_228 = arith.constant 0 : i32
      %eq3A_229 = arith.cmpi eq, %arg0, %eq3A_228 : i32
      %convert_element_type3A_230 = arith.extui %eq3A_229 : i1 to i32
      %cond3A_231 = arith.constant 0 : i32
      %cond3A_232 = arith.cmpi ne, %convert_element_type3A_230, %cond3A_231 : i32
      scf.if %cond3A_232 {
        %dma_start3A_315 = arith.constant 0 : i32
        %dma_start3A_316 = tpu.memref_slice %arg11[%dma_start3A_315] : memref<10752xf32, #tpu.memory_space<vmem_shared>> -> memref<10752xf32, #tpu.memory_space<vmem_shared>>
        tpu.enqueue_indirect_dma source(%arg24 : memref<96xf32, #tpu.memory_space<vmem>>) target(%dma_start3A_316 : memref<10752xf32, #tpu.memory_space<vmem_shared>>) offsets(%arg22 : memref<96xi32, #tpu.memory_space<vmem>>) semaphore(%arg33 : memref<!tpu.dma_semaphore, #tpu.memory_space<semaphore_mem>>) {add = true}
      } else {
      }
      %add3A_233 = arith.constant 3 : i32
      %add3A_234 = arith.addi %mul3A_107, %add3A_233 : i32
      %lt3A_235 = arith.constant 105 : i32
      %lt3A_236 = arith.cmpi slt, %add3A_234, %lt3A_235 : i32
      %convert_element_type3A_237 = arith.extui %lt3A_236 : i1 to i32
      %cond3A_238 = arith.constant 0 : i32
      %cond3A_239 = arith.cmpi ne, %convert_element_type3A_237, %cond3A_238 : i32
      scf.if %cond3A_239 {
        %dma_wait3A_315 = arith.constant 0 : i32
        %dma_wait3A_316 = arith.constant 0 : i32
        %dma_wait3A_317 = tpu.memref_slice %arg10[%dma_wait3A_315, %dma_wait3A_316] : memref<10752x128xf32, #tpu.memory_space<vmem_shared>> -> memref<10752x128xf32, #tpu.memory_space<vmem_shared>>
        tpu.wait_indirect_dma semaphore(%arg32 : memref<!tpu.dma_semaphore, #tpu.memory_space<semaphore_mem>>) src(%arg14 : memref<96x128xf32, #tpu.memory_space<vmem>>) dst(%dma_wait3A_317 : memref<10752x128xf32, #tpu.memory_space<vmem_shared>>)
        %eq3A_318 = arith.constant 0 : i32
        %eq3A_319 = arith.cmpi eq, %arg0, %eq3A_318 : i32
        %convert_element_type3A_320 = arith.extui %eq3A_319 : i1 to i32
        %cond3A_321 = arith.constant 0 : i32
        %cond3A_322 = arith.cmpi ne, %convert_element_type3A_320, %cond3A_321 : i32
        scf.if %cond3A_322 {
          %dma_wait3A_334 = arith.constant 0 : i32
          %dma_wait3A_335 = tpu.memref_slice %arg11[%dma_wait3A_334] : memref<10752xf32, #tpu.memory_space<vmem_shared>> -> memref<10752xf32, #tpu.memory_space<vmem_shared>>
          tpu.wait_indirect_dma semaphore(%arg32 : memref<!tpu.dma_semaphore, #tpu.memory_space<semaphore_mem>>) src(%arg24 : memref<96xf32, #tpu.memory_space<vmem>>) dst(%dma_wait3A_335 : memref<10752xf32, #tpu.memory_space<vmem_shared>>)
        } else {
        }
        %dma_wait3A_323 = arith.constant 0 : i32
        %dma_wait3A_324 = tpu.memref_slice %arg3[%dma_wait3A_323] : memref<322560xi32, #tpu.memory_space<hbm>> -> memref<96xi32, #tpu.memory_space<hbm>>
        %dma_wait3A_325 = arith.constant 0 : i32
        %dma_wait3A_326 = tpu.memref_slice %arg3[%dma_wait3A_325] : memref<322560xi32, #tpu.memory_space<hbm>> -> memref<96xi32, #tpu.memory_space<hbm>>
        tpu.wait_dma2 semaphore(%arg29 : memref<!tpu.dma_semaphore, #tpu.memory_space<semaphore_mem>>) src(%dma_wait3A_326 : memref<96xi32, #tpu.memory_space<hbm>>) dst(%arg12 : memref<96xi32, #tpu.memory_space<vmem>>)
        %dma_wait3A_327 = arith.constant 0 : i32
        %dma_wait3A_328 = tpu.memref_slice %arg4[%dma_wait3A_327] : memref<161280xi32, #tpu.memory_space<hbm>> -> memref<96xi32, #tpu.memory_space<hbm>>
        %dma_wait3A_329 = arith.constant 0 : i32
        %dma_wait3A_330 = tpu.memref_slice %arg4[%dma_wait3A_329] : memref<161280xi32, #tpu.memory_space<hbm>> -> memref<96xi32, #tpu.memory_space<hbm>>
        tpu.wait_dma2 semaphore(%arg29 : memref<!tpu.dma_semaphore, #tpu.memory_space<semaphore_mem>>) src(%dma_wait3A_330 : memref<96xi32, #tpu.memory_space<hbm>>) dst(%arg13 : memref<96xi32, #tpu.memory_space<vmem>>)
        %dma_start3A_331 = arith.constant 0 : i32
        %dma_start3A_332 = arith.constant 0 : i32
        %dma_start3A_333 = tpu.memref_slice %arg2[%dma_start3A_331, %dma_start3A_332] : memref<21504x128xf32, #tpu.memory_space<hbm>> -> memref<21504x128xf32, #tpu.memory_space<hbm>>
        tpu.enqueue_indirect_dma source(%dma_start3A_333 : memref<21504x128xf32, #tpu.memory_space<hbm>>) target(%arg14 : memref<96x128xf32, #tpu.memory_space<vmem>>) offsets(%arg12 : memref<96xi32, #tpu.memory_space<vmem>>) semaphore(%arg26 : memref<!tpu.dma_semaphore, #tpu.memory_space<semaphore_mem>>)
      } else {
      }
      %add3A_240 = arith.constant 4 : i32
      %add3A_241 = arith.addi %mul3A_107, %add3A_240 : i32
      %lt3A_242 = arith.constant 105 : i32
      %lt3A_243 = arith.cmpi slt, %add3A_241, %lt3A_242 : i32
      %convert_element_type3A_244 = arith.extui %lt3A_243 : i1 to i32
      %cond3A_245 = arith.constant 0 : i32
      %cond3A_246 = arith.cmpi ne, %convert_element_type3A_244, %cond3A_245 : i32
      scf.if %cond3A_246 {
        %add3A_315 = arith.constant 4 : i32
        %add3A_316 = arith.addi %mul3A_107, %add3A_315 : i32
        %mul3A_317 = arith.constant 10080 : i32
        %mul3A_318 = arith.muli %arg1, %mul3A_317 : i32
        %mul3A_319 = arith.constant 96 : i32
        %mul3A_320 = arith.muli %add3A_316, %mul3A_319 : i32
        %add3A_321 = arith.addi %mul3A_318, %mul3A_320 : i32
        %multiple_of3A_322 = tpu.assume_multiple %add3A_321, 8 : i32
        %mul3A_323 = arith.constant 161280 : i32
        %mul3A_324 = arith.muli %arg0, %mul3A_323 : i32
        %add3A_325 = arith.addi %mul3A_324, %multiple_of3A_322 : i32
        %multiple_of3A_326 = tpu.assume_multiple %add3A_325, 8 : i32
        %dma_start3A_327 = tpu.memref_slice %arg3[%multiple_of3A_326] : memref<322560xi32, #tpu.memory_space<hbm>> -> memref<96xi32, #tpu.memory_space<hbm>>
        %dma_start3A_328 = tpu.memref_slice %arg3[%multiple_of3A_326] : memref<322560xi32, #tpu.memory_space<hbm>> -> memref<96xi32, #tpu.memory_space<hbm>>
        tpu.enqueue_dma source(%dma_start3A_328 : memref<96xi32, #tpu.memory_space<hbm>>) target(%arg15 : memref<96xi32, #tpu.memory_space<vmem>>) target_semaphore(%arg30 : memref<!tpu.dma_semaphore, #tpu.memory_space<semaphore_mem>>)
        %dma_start3A_329 = tpu.memref_slice %arg4[%multiple_of3A_322] : memref<161280xi32, #tpu.memory_space<hbm>> -> memref<96xi32, #tpu.memory_space<hbm>>
        %dma_start3A_330 = tpu.memref_slice %arg4[%multiple_of3A_322] : memref<161280xi32, #tpu.memory_space<hbm>> -> memref<96xi32, #tpu.memory_space<hbm>>
        tpu.enqueue_dma source(%dma_start3A_330 : memref<96xi32, #tpu.memory_space<hbm>>) target(%arg16 : memref<96xi32, #tpu.memory_space<vmem>>) target_semaphore(%arg30 : memref<!tpu.dma_semaphore, #tpu.memory_space<semaphore_mem>>)
      } else {
      }
      %dma_wait3A_247 = arith.constant 0 : i32
      %dma_wait3A_248 = arith.constant 0 : i32
      %dma_wait3A_249 = tpu.memref_slice %arg2[%dma_wait3A_247, %dma_wait3A_248] : memref<21504x128xf32, #tpu.memory_space<hbm>> -> memref<21504x128xf32, #tpu.memory_space<hbm>>
      tpu.wait_indirect_dma semaphore(%arg28 : memref<!tpu.dma_semaphore, #tpu.memory_space<semaphore_mem>>) src(%dma_wait3A_249 : memref<21504x128xf32, #tpu.memory_space<hbm>>) dst(%arg20 : memref<96x128xf32, #tpu.memory_space<vmem>>)
      %get3A_250 = arith.constant 0 : index
      %get3A_251 = tpu.vector_load %arg19[%get3A_250] {strides = array<i32>} : memref<96xi32, #tpu.memory_space<vmem>>, vector<16xi32>,
      %get3A_252 = vector.shape_cast %get3A_251 : vector<16xi32> to vector<16xi32>
      %swap3A_253 = arith.constant 0 : index
      %swap3A_254 = tpu.vector_load %arg23[%swap3A_253] {strides = array<i32>} : memref<96xi32, #tpu.memory_space<vmem>>, vector<16xi32>,
      %swap3A_255 = vector.shape_cast %swap3A_254 : vector<16xi32> to vector<16xi32>
      %swap3A_256 = vector.shape_cast %get3A_252 : vector<16xi32> to vector<16xi32>
      tpu.vector_store %arg23[%swap3A_253], %swap3A_256 {strides = array<i32>} : memref<96xi32, #tpu.memory_space<vmem>>, vector<16xi32>,
      %get3A_257 = arith.constant 16 : index
      %get3A_258 = tpu.vector_load %arg19[%get3A_257] {strides = array<i32>} : memref<96xi32, #tpu.memory_space<vmem>>, vector<16xi32>,
      %get3A_259 = vector.shape_cast %get3A_258 : vector<16xi32> to vector<16xi32>
      %swap3A_260 = arith.constant 16 : index
      %swap3A_261 = tpu.vector_load %arg23[%swap3A_260] {strides = array<i32>} : memref<96xi32, #tpu.memory_space<vmem>>, vector<16xi32>,
      %swap3A_262 = vector.shape_cast %swap3A_261 : vector<16xi32> to vector<16xi32>
      %swap3A_263 = vector.shape_cast %get3A_259 : vector<16xi32> to vector<16xi32>
      tpu.vector_store %arg23[%swap3A_260], %swap3A_263 {strides = array<i32>} : memref<96xi32, #tpu.memory_space<vmem>>, vector<16xi32>,
      %get3A_264 = arith.constant 32 : index
      %get3A_265 = tpu.vector_load %arg19[%get3A_264] {strides = array<i32>} : memref<96xi32, #tpu.memory_space<vmem>>, vector<16xi32>,
      %get3A_266 = vector.shape_cast %get3A_265 : vector<16xi32> to vector<16xi32>
      %swap3A_267 = arith.constant 32 : index
      %swap3A_268 = tpu.vector_load %arg23[%swap3A_267] {strides = array<i32>} : memref<96xi32, #tpu.memory_space<vmem>>, vector<16xi32>,
      %swap3A_269 = vector.shape_cast %swap3A_268 : vector<16xi32> to vector<16xi32>
      %swap3A_270 = vector.shape_cast %get3A_266 : vector<16xi32> to vector<16xi32>
      tpu.vector_store %arg23[%swap3A_267], %swap3A_270 {strides = array<i32>} : memref<96xi32, #tpu.memory_space<vmem>>, vector<16xi32>,
      %get3A_271 = arith.constant 48 : index
      %get3A_272 = tpu.vector_load %arg19[%get3A_271] {strides = array<i32>} : memref<96xi32, #tpu.memory_space<vmem>>, vector<16xi32>,
      %get3A_273 = vector.shape_cast %get3A_272 : vector<16xi32> to vector<16xi32>
      %swap3A_274 = arith.constant 48 : index
      %swap3A_275 = tpu.vector_load %arg23[%swap3A_274] {strides = array<i32>} : memref<96xi32, #tpu.memory_space<vmem>>, vector<16xi32>,
      %swap3A_276 = vector.shape_cast %swap3A_275 : vector<16xi32> to vector<16xi32>
      %swap3A_277 = vector.shape_cast %get3A_273 : vector<16xi32> to vector<16xi32>
      tpu.vector_store %arg23[%swap3A_274], %swap3A_277 {strides = array<i32>} : memref<96xi32, #tpu.memory_space<vmem>>, vector<16xi32>,
      %get3A_278 = arith.constant 64 : index
      %get3A_279 = tpu.vector_load %arg19[%get3A_278] {strides = array<i32>} : memref<96xi32, #tpu.memory_space<vmem>>, vector<16xi32>,
      %get3A_280 = vector.shape_cast %get3A_279 : vector<16xi32> to vector<16xi32>
      %swap3A_281 = arith.constant 64 : index
      %swap3A_282 = tpu.vector_load %arg23[%swap3A_281] {strides = array<i32>} : memref<96xi32, #tpu.memory_space<vmem>>, vector<16xi32>,
      %swap3A_283 = vector.shape_cast %swap3A_282 : vector<16xi32> to vector<16xi32>
      %swap3A_284 = vector.shape_cast %get3A_280 : vector<16xi32> to vector<16xi32>
      tpu.vector_store %arg23[%swap3A_281], %swap3A_284 {strides = array<i32>} : memref<96xi32, #tpu.memory_space<vmem>>, vector<16xi32>,
      %get3A_285 = arith.constant 80 : index
      %get3A_286 = tpu.vector_load %arg19[%get3A_285] {strides = array<i32>} : memref<96xi32, #tpu.memory_space<vmem>>, vector<16xi32>,
      %get3A_287 = vector.shape_cast %get3A_286 : vector<16xi32> to vector<16xi32>
      %swap3A_288 = arith.constant 80 : index
      %swap3A_289 = tpu.vector_load %arg23[%swap3A_288] {strides = array<i32>} : memref<96xi32, #tpu.memory_space<vmem>>, vector<16xi32>,
      %swap3A_290 = vector.shape_cast %swap3A_289 : vector<16xi32> to vector<16xi32>
      %swap3A_291 = vector.shape_cast %get3A_287 : vector<16xi32> to vector<16xi32>
      tpu.vector_store %arg23[%swap3A_288], %swap3A_291 {strides = array<i32>} : memref<96xi32, #tpu.memory_space<vmem>>, vector<16xi32>,
      %dma_start3A_292 = arith.constant 0 : i32
      %dma_start3A_293 = arith.constant 0 : i32
      %dma_start3A_294 = tpu.memref_slice %arg10[%dma_start3A_292, %dma_start3A_293] : memref<10752x128xf32, #tpu.memory_space<vmem_shared>> -> memref<10752x128xf32, #tpu.memory_space<vmem_shared>>
      tpu.enqueue_indirect_dma source(%arg20 : memref<96x128xf32, #tpu.memory_space<vmem>>) target(%dma_start3A_294 : memref<10752x128xf32, #tpu.memory_space<vmem_shared>>) offsets(%arg23 : memref<96xi32, #tpu.memory_space<vmem>>) semaphore(%arg34 : memref<!tpu.dma_semaphore, #tpu.memory_space<semaphore_mem>>) {add = true}
      %eq3A_295 = arith.constant 0 : i32
      %eq3A_296 = arith.cmpi eq, %arg0, %eq3A_295 : i32
      %convert_element_type3A_297 = arith.extui %eq3A_296 : i1 to i32
      %cond3A_298 = arith.constant 0 : i32
      %cond3A_299 = arith.cmpi ne, %convert_element_type3A_297, %cond3A_298 : i32
      scf.if %cond3A_299 {
        %dma_start3A_315 = arith.constant 0 : i32
        %dma_start3A_316 = tpu.memref_slice %arg11[%dma_start3A_315] : memref<10752xf32, #tpu.memory_space<vmem_shared>> -> memref<10752xf32, #tpu.memory_space<vmem_shared>>
        tpu.enqueue_indirect_dma source(%arg24 : memref<96xf32, #tpu.memory_space<vmem>>) target(%dma_start3A_316 : memref<10752xf32, #tpu.memory_space<vmem_shared>>) offsets(%arg23 : memref<96xi32, #tpu.memory_space<vmem>>) semaphore(%arg34 : memref<!tpu.dma_semaphore, #tpu.memory_space<semaphore_mem>>) {add = true}
      } else {
      }
      %add3A_300 = arith.constant 4 : i32
      %add3A_301 = arith.addi %mul3A_107, %add3A_300 : i32
      %lt3A_302 = arith.constant 105 : i32
      %lt3A_303 = arith.cmpi slt, %add3A_301, %lt3A_302 : i32
      %convert_element_type3A_304 = arith.extui %lt3A_303 : i1 to i32
      %cond3A_305 = arith.constant 0 : i32
      %cond3A_306 = arith.cmpi ne, %convert_element_type3A_304, %cond3A_305 : i32
      scf.if %cond3A_306 {
        %dma_wait3A_315 = arith.constant 0 : i32
        %dma_wait3A_316 = arith.constant 0 : i32
        %dma_wait3A_317 = tpu.memref_slice %arg10[%dma_wait3A_315, %dma_wait3A_316] : memref<10752x128xf32, #tpu.memory_space<vmem_shared>> -> memref<10752x128xf32, #tpu.memory_space<vmem_shared>>
        tpu.wait_indirect_dma semaphore(%arg33 : memref<!tpu.dma_semaphore, #tpu.memory_space<semaphore_mem>>) src(%arg17 : memref<96x128xf32, #tpu.memory_space<vmem>>) dst(%dma_wait3A_317 : memref<10752x128xf32, #tpu.memory_space<vmem_shared>>)
        %eq3A_318 = arith.constant 0 : i32
        %eq3A_319 = arith.cmpi eq, %arg0, %eq3A_318 : i32
        %convert_element_type3A_320 = arith.extui %eq3A_319 : i1 to i32
        %cond3A_321 = arith.constant 0 : i32
        %cond3A_322 = arith.cmpi ne, %convert_element_type3A_320, %cond3A_321 : i32
        scf.if %cond3A_322 {
          %dma_wait3A_334 = arith.constant 0 : i32
          %dma_wait3A_335 = tpu.memref_slice %arg11[%dma_wait3A_334] : memref<10752xf32, #tpu.memory_space<vmem_shared>> -> memref<10752xf32, #tpu.memory_space<vmem_shared>>
          tpu.wait_indirect_dma semaphore(%arg33 : memref<!tpu.dma_semaphore, #tpu.memory_space<semaphore_mem>>) src(%arg24 : memref<96xf32, #tpu.memory_space<vmem>>) dst(%dma_wait3A_335 : memref<10752xf32, #tpu.memory_space<vmem_shared>>)
        } else {
        }
        %dma_wait3A_323 = arith.constant 0 : i32
        %dma_wait3A_324 = tpu.memref_slice %arg3[%dma_wait3A_323] : memref<322560xi32, #tpu.memory_space<hbm>> -> memref<96xi32, #tpu.memory_space<hbm>>
        %dma_wait3A_325 = arith.constant 0 : i32
        %dma_wait3A_326 = tpu.memref_slice %arg3[%dma_wait3A_325] : memref<322560xi32, #tpu.memory_space<hbm>> -> memref<96xi32, #tpu.memory_space<hbm>>
        tpu.wait_dma2 semaphore(%arg30 : memref<!tpu.dma_semaphore, #tpu.memory_space<semaphore_mem>>) src(%dma_wait3A_326 : memref<96xi32, #tpu.memory_space<hbm>>) dst(%arg15 : memref<96xi32, #tpu.memory_space<vmem>>)
        %dma_wait3A_327 = arith.constant 0 : i32
        %dma_wait3A_328 = tpu.memref_slice %arg4[%dma_wait3A_327] : memref<161280xi32, #tpu.memory_space<hbm>> -> memref<96xi32, #tpu.memory_space<hbm>>
        %dma_wait3A_329 = arith.constant 0 : i32
        %dma_wait3A_330 = tpu.memref_slice %arg4[%dma_wait3A_329] : memref<161280xi32, #tpu.memory_space<hbm>> -> memref<96xi32, #tpu.memory_space<hbm>>
        tpu.wait_dma2 semaphore(%arg30 : memref<!tpu.dma_semaphore, #tpu.memory_space<semaphore_mem>>) src(%dma_wait3A_330 : memref<96xi32, #tpu.memory_space<hbm>>) dst(%arg16 : memref<96xi32, #tpu.memory_space<vmem>>)
        %dma_start3A_331 = arith.constant 0 : i32
        %dma_start3A_332 = arith.constant 0 : i32
        %dma_start3A_333 = tpu.memref_slice %arg2[%dma_start3A_331, %dma_start3A_332] : memref<21504x128xf32, #tpu.memory_space<hbm>> -> memref<21504x128xf32, #tpu.memory_space<hbm>>
        tpu.enqueue_indirect_dma source(%dma_start3A_333 : memref<21504x128xf32, #tpu.memory_space<hbm>>) target(%arg17 : memref<96x128xf32, #tpu.memory_space<vmem>>) offsets(%arg15 : memref<96xi32, #tpu.memory_space<vmem>>) semaphore(%arg27 : memref<!tpu.dma_semaphore, #tpu.memory_space<semaphore_mem>>)
      } else {
      }
      %add3A_307 = arith.constant 5 : i32
      %add3A_308 = arith.addi %mul3A_107, %add3A_307 : i32
      %lt3A_309 = arith.constant 105 : i32
      %lt3A_310 = arith.cmpi slt, %add3A_308, %lt3A_309 : i32
      %convert_element_type3A_311 = arith.extui %lt3A_310 : i1 to i32
      %cond3A_312 = arith.constant 0 : i32
      %cond3A_313 = arith.cmpi ne, %convert_element_type3A_311, %cond3A_312 : i32
      scf.if %cond3A_313 {
        %add3A_315 = arith.constant 5 : i32
        %add3A_316 = arith.addi %mul3A_107, %add3A_315 : i32
        %mul3A_317 = arith.constant 10080 : i32
        %mul3A_318 = arith.muli %arg1, %mul3A_317 : i32
        %mul3A_319 = arith.constant 96 : i32
        %mul3A_320 = arith.muli %add3A_316, %mul3A_319 : i32
        %add3A_321 = arith.addi %mul3A_318, %mul3A_320 : i32
        %multiple_of3A_322 = tpu.assume_multiple %add3A_321, 8 : i32
        %mul3A_323 = arith.constant 161280 : i32
        %mul3A_324 = arith.muli %arg0, %mul3A_323 : i32
        %add3A_325 = arith.addi %mul3A_324, %multiple_of3A_322 : i32
        %multiple_of3A_326 = tpu.assume_multiple %add3A_325, 8 : i32
        %dma_start3A_327 = tpu.memref_slice %arg3[%multiple_of3A_326] : memref<322560xi32, #tpu.memory_space<hbm>> -> memref<96xi32, #tpu.memory_space<hbm>>
        %dma_start3A_328 = tpu.memref_slice %arg3[%multiple_of3A_326] : memref<322560xi32, #tpu.memory_space<hbm>> -> memref<96xi32, #tpu.memory_space<hbm>>
        tpu.enqueue_dma source(%dma_start3A_328 : memref<96xi32, #tpu.memory_space<hbm>>) target(%arg18 : memref<96xi32, #tpu.memory_space<vmem>>) target_semaphore(%arg31 : memref<!tpu.dma_semaphore, #tpu.memory_space<semaphore_mem>>)
        %dma_start3A_329 = tpu.memref_slice %arg4[%multiple_of3A_322] : memref<161280xi32, #tpu.memory_space<hbm>> -> memref<96xi32, #tpu.memory_space<hbm>>
        %dma_start3A_330 = tpu.memref_slice %arg4[%multiple_of3A_322] : memref<161280xi32, #tpu.memory_space<hbm>> -> memref<96xi32, #tpu.memory_space<hbm>>
        tpu.enqueue_dma source(%dma_start3A_330 : memref<96xi32, #tpu.memory_space<hbm>>) target(%arg19 : memref<96xi32, #tpu.memory_space<vmem>>) target_semaphore(%arg31 : memref<!tpu.dma_semaphore, #tpu.memory_space<semaphore_mem>>)
      } else {
      }
      %scan3A_314 = arith.constant 0 : i32
      scf.yield %scan3A_314 : i32
    }
    %scan3A_69 = arith.constant 35 : i32
    %dma_wait3A_70 = arith.constant 0 : i32
    %dma_wait3A_71 = arith.constant 0 : i32
    %dma_wait3A_72 = tpu.memref_slice %arg10[%dma_wait3A_70, %dma_wait3A_71] : memref<10752x128xf32, #tpu.memory_space<vmem_shared>> -> memref<10752x128xf32, #tpu.memory_space<vmem_shared>>
    tpu.wait_indirect_dma semaphore(%arg32 : memref<!tpu.dma_semaphore, #tpu.memory_space<semaphore_mem>>) src(%arg14 : memref<96x128xf32, #tpu.memory_space<vmem>>) dst(%dma_wait3A_72 : memref<10752x128xf32, #tpu.memory_space<vmem_shared>>)
    %eq3A = arith.constant 0 : i32
    %eq3A_73 = arith.cmpi eq, %arg0, %eq3A : i32
    %convert_element_type3A = arith.extui %eq3A_73 : i1 to i32
    %cond3A = arith.constant 0 : i32
    %cond3A_74 = arith.cmpi ne, %convert_element_type3A, %cond3A : i32
    scf.if %cond3A_74 {
      %dma_wait3A_104 = arith.constant 0 : i32
      %dma_wait3A_105 = tpu.memref_slice %arg11[%dma_wait3A_104] : memref<10752xf32, #tpu.memory_space<vmem_shared>> -> memref<10752xf32, #tpu.memory_space<vmem_shared>>
      tpu.wait_indirect_dma semaphore(%arg32 : memref<!tpu.dma_semaphore, #tpu.memory_space<semaphore_mem>>) src(%arg24 : memref<96xf32, #tpu.memory_space<vmem>>) dst(%dma_wait3A_105 : memref<10752xf32, #tpu.memory_space<vmem_shared>>)
    } else {
    }
    %dma_wait3A_75 = arith.constant 0 : i32
    %dma_wait3A_76 = arith.constant 0 : i32
    %dma_wait3A_77 = tpu.memref_slice %arg10[%dma_wait3A_75, %dma_wait3A_76] : memref<10752x128xf32, #tpu.memory_space<vmem_shared>> -> memref<10752x128xf32, #tpu.memory_space<vmem_shared>>
    tpu.wait_indirect_dma semaphore(%arg33 : memref<!tpu.dma_semaphore, #tpu.memory_space<semaphore_mem>>) src(%arg17 : memref<96x128xf32, #tpu.memory_space<vmem>>) dst(%dma_wait3A_77 : memref<10752x128xf32, #tpu.memory_space<vmem_shared>>)
    %eq3A_78 = arith.constant 0 : i32
    %eq3A_79 = arith.cmpi eq, %arg0, %eq3A_78 : i32
    %convert_element_type3A_80 = arith.extui %eq3A_79 : i1 to i32
    %cond3A_81 = arith.constant 0 : i32
    %cond3A_82 = arith.cmpi ne, %convert_element_type3A_80, %cond3A_81 : i32
    scf.if %cond3A_82 {
      %dma_wait3A_104 = arith.constant 0 : i32
      %dma_wait3A_105 = tpu.memref_slice %arg11[%dma_wait3A_104] : memref<10752xf32, #tpu.memory_space<vmem_shared>> -> memref<10752xf32, #tpu.memory_space<vmem_shared>>
      tpu.wait_indirect_dma semaphore(%arg33 : memref<!tpu.dma_semaphore, #tpu.memory_space<semaphore_mem>>) src(%arg24 : memref<96xf32, #tpu.memory_space<vmem>>) dst(%dma_wait3A_105 : memref<10752xf32, #tpu.memory_space<vmem_shared>>)
    } else {
    }
    %dma_wait3A_83 = arith.constant 0 : i32
    %dma_wait3A_84 = arith.constant 0 : i32
    %dma_wait3A_85 = tpu.memref_slice %arg10[%dma_wait3A_83, %dma_wait3A_84] : memref<10752x128xf32, #tpu.memory_space<vmem_shared>> -> memref<10752x128xf32, #tpu.memory_space<vmem_shared>>
    tpu.wait_indirect_dma semaphore(%arg34 : memref<!tpu.dma_semaphore, #tpu.memory_space<semaphore_mem>>) src(%arg20 : memref<96x128xf32, #tpu.memory_space<vmem>>) dst(%dma_wait3A_85 : memref<10752x128xf32, #tpu.memory_space<vmem_shared>>)
    %eq3A_86 = arith.constant 0 : i32
    %eq3A_87 = arith.cmpi eq, %arg0, %eq3A_86 : i32
    %convert_element_type3A_88 = arith.extui %eq3A_87 : i1 to i32
    %cond3A_89 = arith.constant 0 : i32
    %cond3A_90 = arith.cmpi ne, %convert_element_type3A_88, %cond3A_89 : i32
    scf.if %cond3A_90 {
      %dma_wait3A_104 = arith.constant 0 : i32
      %dma_wait3A_105 = tpu.memref_slice %arg11[%dma_wait3A_104] : memref<10752xf32, #tpu.memory_space<vmem_shared>> -> memref<10752xf32, #tpu.memory_space<vmem_shared>>
      tpu.wait_indirect_dma semaphore(%arg34 : memref<!tpu.dma_semaphore, #tpu.memory_space<semaphore_mem>>) src(%arg24 : memref<96xf32, #tpu.memory_space<vmem>>) dst(%dma_wait3A_105 : memref<10752xf32, #tpu.memory_space<vmem_shared>>)
    } else {
    }
    %barrier3A_91 = arith.constant 0 : index
    tpu.barrier barrier_id(%barrier3A_91)
    %mul3A_92 = arith.constant 672 : i32
    %mul3A_93 = arith.muli %arg1, %mul3A_92 : i32
    %mul3A_94 = arith.constant 10752 : i32
    %mul3A_95 = arith.muli %arg0, %mul3A_94 : i32
    %mul3A_96 = arith.constant 672 : i32
    %mul3A_97 = arith.muli %arg1, %mul3A_96 : i32
    %add3A_98 = arith.addi %mul3A_95, %mul3A_97 : i32
    "tpu.region"() ({
      %run_scoped3A = tpu.sem_alloc : memref<!tpu.dma_semaphore, #tpu.memory_space<semaphore_mem>>
      %dma_start3A_104 = arith.constant 0 : i32
      %dma_start3A_105 = tpu.memref_slice %arg8[%add3A_98, %dma_start3A_104] : memref<21504x128xf32, #tpu.memory_space<hbm>> -> memref<672x128xf32, #tpu.memory_space<hbm>>
      %dma_start3A_106 = arith.constant 0 : i32
      %dma_start3A_107 = tpu.memref_slice %arg10[%mul3A_93, %dma_start3A_106] : memref<10752x128xf32, #tpu.memory_space<vmem_shared>> -> memref<672x128xf32, #tpu.memory_space<vmem_shared>>
      tpu.enqueue_dma source(%dma_start3A_107 : memref<672x128xf32, #tpu.memory_space<vmem_shared>>) target(%dma_start3A_105 : memref<672x128xf32, #tpu.memory_space<hbm>>) target_semaphore(%run_scoped3A : memref<!tpu.dma_semaphore, #tpu.memory_space<semaphore_mem>>)
      %dma_wait3A_108 = arith.constant 0 : i32
      %dma_wait3A_109 = tpu.memref_slice %arg8[%add3A_98, %dma_wait3A_108] : memref<21504x128xf32, #tpu.memory_space<hbm>> -> memref<672x128xf32, #tpu.memory_space<hbm>>
      %dma_wait3A_110 = arith.constant 0 : i32
      %dma_wait3A_111 = tpu.memref_slice %arg10[%mul3A_93, %dma_wait3A_110] : memref<10752x128xf32, #tpu.memory_space<vmem_shared>> -> memref<672x128xf32, #tpu.memory_space<vmem_shared>>
      tpu.wait_dma2 semaphore(%run_scoped3A : memref<!tpu.dma_semaphore, #tpu.memory_space<semaphore_mem>>) src(%dma_wait3A_111 : memref<672x128xf32, #tpu.memory_space<vmem_shared>>) dst(%dma_wait3A_109 : memref<672x128xf32, #tpu.memory_space<hbm>>)
      tpu.yield
    }) : () -> ()
    %eq3A_99 = arith.constant 0 : i32
    %eq3A_100 = arith.cmpi eq, %arg0, %eq3A_99 : i32
    %convert_element_type3A_101 = arith.extui %eq3A_100 : i1 to i32
    %cond3A_102 = arith.constant 0 : i32
    %cond3A_103 = arith.cmpi ne, %convert_element_type3A_101, %cond3A_102 : i32
    scf.if %cond3A_103 {
      %mul3A_104 = arith.constant 672 : i32
      %mul3A_105 = arith.muli %arg1, %mul3A_104 : i32
      "tpu.region"() ({
        %run_scoped3A = tpu.sem_alloc : memref<!tpu.dma_semaphore, #tpu.memory_space<semaphore_mem>>
        %dma_start3A_108 = tpu.memref_slice %arg11[%mul3A_105] : memref<10752xf32, #tpu.memory_space<vmem_shared>> -> memref<672xf32, #tpu.memory_space<vmem_shared>>
        %dma_start3A_109 = tpu.memref_slice %arg11[%mul3A_105] : memref<10752xf32, #tpu.memory_space<vmem_shared>> -> memref<672xf32, #tpu.memory_space<vmem_shared>>
        tpu.enqueue_dma source(%dma_start3A_109 : memref<672xf32, #tpu.memory_space<vmem_shared>>) target(%arg25 : memref<672xf32, #tpu.memory_space<vmem>>) target_semaphore(%run_scoped3A : memref<!tpu.dma_semaphore, #tpu.memory_space<semaphore_mem>>)
        %dma_wait3A_110 = tpu.memref_slice %arg11[%mul3A_105] : memref<10752xf32, #tpu.memory_space<vmem_shared>> -> memref<672xf32, #tpu.memory_space<vmem_shared>>
        %dma_wait3A_111 = tpu.memref_slice %arg11[%mul3A_105] : memref<10752xf32, #tpu.memory_space<vmem_shared>> -> memref<672xf32, #tpu.memory_space<vmem_shared>>
        tpu.wait_dma2 semaphore(%run_scoped3A : memref<!tpu.dma_semaphore, #tpu.memory_space<semaphore_mem>>) src(%dma_wait3A_111 : memref<672xf32, #tpu.memory_space<vmem_shared>>) dst(%arg25 : memref<672xf32, #tpu.memory_space<vmem>>)
        tpu.yield
      }) : () -> ()
      %mul3A_106 = arith.constant 672 : i32
      %mul3A_107 = arith.muli %arg1, %mul3A_106 : i32
      "tpu.region"() ({
        %run_scoped3A = tpu.sem_alloc : memref<!tpu.dma_semaphore, #tpu.memory_space<semaphore_mem>>
        %dma_start3A_108 = tpu.memref_slice %arg9[%mul3A_107] : memref<10752xf32, #tpu.memory_space<hbm>> -> memref<672xf32, #tpu.memory_space<hbm>>
        %dma_start3A_109 = tpu.memref_slice %arg9[%mul3A_107] : memref<10752xf32, #tpu.memory_space<hbm>> -> memref<672xf32, #tpu.memory_space<hbm>>
        tpu.enqueue_dma source(%arg25 : memref<672xf32, #tpu.memory_space<vmem>>) target(%dma_start3A_109 : memref<672xf32, #tpu.memory_space<hbm>>) target_semaphore(%run_scoped3A : memref<!tpu.dma_semaphore, #tpu.memory_space<semaphore_mem>>)
        %dma_wait3A_110 = tpu.memref_slice %arg9[%mul3A_107] : memref<10752xf32, #tpu.memory_space<hbm>> -> memref<672xf32, #tpu.memory_space<hbm>>
        %dma_wait3A_111 = tpu.memref_slice %arg9[%mul3A_107] : memref<10752xf32, #tpu.memory_space<hbm>> -> memref<672xf32, #tpu.memory_space<hbm>>
        tpu.wait_dma2 semaphore(%run_scoped3A : memref<!tpu.dma_semaphore, #tpu.memory_space<semaphore_mem>>) src(%arg25 : memref<672xf32, #tpu.memory_space<vmem>>) dst(%dma_wait3A_111 : memref<672xf32, #tpu.memory_space<hbm>>)
        tpu.yield
      }) : () -> ()
    } else {
    }
    return
  }
}

#map = affine_map<(d0, d1) -> (0, 0)>
#map1 = affine_map<(d0, d1) -> (0)>
module attributes {stable_mosaic.version = 14 : i64} {
  func.func @gsa(%arg0: i32, %arg1: i32, %arg2: memref<21504x128xf32, #tpu.memory_space<hbm>>, %arg3: memref<322560xi32, #tpu.memory_space<hbm>>, %arg4: memref<161280xi32, #tpu.memory_space<hbm>>, %arg5: memref<10752x128xf32, #tpu.memory_space<hbm>>, %arg6: memref<10752xf32, #tpu.memory_space<hbm>>, %arg7: memref<96xf32, #tpu.memory_space<hbm>>, %arg8: memref<21504x128xf32, #tpu.memory_space<hbm>>, %arg9: memref<10752xf32, #tpu.memory_space<hbm>>, %arg10: memref<10752x128xf32, #tpu.memory_space<vmem_shared>>, %arg11: memref<10752xf32, #tpu.memory_space<vmem_shared>>, %arg12: memref<96xi32, #tpu.memory_space<vmem>>, %arg13: memref<96xi32, #tpu.memory_space<vmem>>, %arg14: memref<96x128xf32, #tpu.memory_space<vmem>>, %arg15: memref<96xi32, #tpu.memory_space<vmem>>, %arg16: memref<96xi32, #tpu.memory_space<vmem>>, %arg17: memref<96x128xf32, #tpu.memory_space<vmem>>, %arg18: memref<96xi32, #tpu.memory_space<vmem>>, %arg19: memref<96xi32, #tpu.memory_space<vmem>>, %arg20: memref<96x128xf32, #tpu.memory_space<vmem>>, %arg21: memref<96xi32, #tpu.memory_space<vmem>>, %arg22: memref<96xi32, #tpu.memory_space<vmem>>, %arg23: memref<96xi32, #tpu.memory_space<vmem>>, %arg24: memref<96xf32, #tpu.memory_space<vmem>>, %arg25: memref<672xf32, #tpu.memory_space<vmem>>, %arg26: memref<!tpu.dma_semaphore, #tpu.memory_space<semaphore_mem>>, %arg27: memref<!tpu.dma_semaphore, #tpu.memory_space<semaphore_mem>>, %arg28: memref<!tpu.dma_semaphore, #tpu.memory_space<semaphore_mem>>, %arg29: memref<!tpu.dma_semaphore, #tpu.memory_space<semaphore_mem>>, %arg30: memref<!tpu.dma_semaphore, #tpu.memory_space<semaphore_mem>>, %arg31: memref<!tpu.dma_semaphore, #tpu.memory_space<semaphore_mem>>, %arg32: memref<!tpu.dma_semaphore, #tpu.memory_space<semaphore_mem>>, %arg33: memref<!tpu.dma_semaphore, #tpu.memory_space<semaphore_mem>>, %arg34: memref<!tpu.dma_semaphore, #tpu.memory_space<semaphore_mem>>) attributes {dimension_semantics = [#tpu.dimension_semantics<core_parallel>, #tpu.dimension_semantics<subcore_parallel>], iteration_bounds = array<i64: 2, 16>, scalar_prefetch = 0 : i64, scratch_operands = 25 : i64, tpu.core_type = #tpu.core_type<sc_vector_subcore>, window_params = [{transform_indices = #map}, {transform_indices = #map1}, {transform_indices = #map1}, {transform_indices = #map}, {transform_indices = #map1}, {transform_indices = #map1}, {transform_indices = #map}, {transform_indices = #map1}]} {
    %mul3A = arith.constant 672 : i32
    %mul3A_0 = arith.muli %arg1, %mul3A : i32
    %mul3A_1 = arith.constant 672 : i32
    %mul3A_2 = arith.muli %arg1, %mul3A_1 : i32
    "tpu.region"() ({
      %run_scoped3A = tpu.sem_alloc : memref<!tpu.dma_semaphore, #tpu.memory_space<semaphore_mem>>
      %dma_start3A_104 = arith.constant 0 : i32
      %dma_start3A_105 = tpu.memref_slice %arg10[%mul3A_2, %dma_start3A_104] : memref<10752x128xf32, #tpu.memory_space<vmem_shared>> -> memref<672x128xf32, #tpu.memory_space<vmem_shared>>
      %dma_start3A_106 = arith.constant 0 : i32
      %dma_start3A_107 = tpu.memref_slice %arg5[%mul3A_0, %dma_start3A_106] : memref<10752x128xf32, #tpu.memory_space<hbm>> -> memref<672x128xf32, #tpu.memory_space<hbm>>
      tpu.enqueue_dma source(%dma_start3A_107 : memref<672x128xf32, #tpu.memory_space<hbm>>) target(%dma_start3A_105 : memref<672x128xf32, #tpu.memory_space<vmem_shared>>) target_semaphore(%run_scoped3A : memref<!tpu.dma_semaphore, #tpu.memory_space<semaphore_mem>>)
      %dma_wait3A_108 = arith.constant 0 : i32
      %dma_wait3A_109 = tpu.memref_slice %arg10[%mul3A_2, %dma_wait3A_108] : memref<10752x128xf32, #tpu.memory_space<vmem_shared>> -> memref<672x128xf32, #tpu.memory_space<vmem_shared>>
      %dma_wait3A_110 = arith.constant 0 : i32
      %dma_wait3A_111 = tpu.memref_slice %arg5[%mul3A_0, %dma_wait3A_110] : memref<10752x128xf32, #tpu.memory_space<hbm>> -> memref<672x128xf32, #tpu.memory_space<hbm>>
      tpu.wait_dma2 semaphore(%run_scoped3A : memref<!tpu.dma_semaphore, #tpu.memory_space<semaphore_mem>>) src(%dma_wait3A_111 : memref<672x128xf32, #tpu.memory_space<hbm>>) dst(%dma_wait3A_109 : memref<672x128xf32, #tpu.memory_space<vmem_shared>>)
      tpu.yield
    }) : () -> ()
    %mul3A_3 = arith.constant 672 : i32
    %mul3A_4 = arith.muli %arg1, %mul3A_3 : i32
    "tpu.region"() ({
      %run_scoped3A = tpu.sem_alloc : memref<!tpu.dma_semaphore, #tpu.memory_space<semaphore_mem>>
      %dma_start3A_104 = tpu.memref_slice %arg6[%mul3A_4] : memref<10752xf32, #tpu.memory_space<hbm>> -> memref<672xf32, #tpu.memory_space<hbm>>
      %dma_start3A_105 = tpu.memref_slice %arg6[%mul3A_4] : memref<10752xf32, #tpu.memory_space<hbm>> -> memref<672xf32, #tpu.memory_space<hbm>>
      tpu.enqueue_dma source(%dma_start3A_105 : memref<672xf32, #tpu.memory_space<hbm>>) target(%arg25 : memref<672xf32, #tpu.memory_space<vmem>>) target_semaphore(%run_scoped3A : memref<!tpu.dma_semaphore, #tpu.memory_space<semaphore_mem>>)
      %dma_wait3A_106 = tpu.memref_slice %arg6[%mul3A_4] : memref<10752xf32, #tpu.memory_space<hbm>> -> memref<672xf32, #tpu.memory_space<hbm>>
      %dma_wait3A_107 = tpu.memref_slice %arg6[%mul3A_4] : memref<10752xf32, #tpu.memory_space<hbm>> -> memref<672xf32, #tpu.memory_space<hbm>>
      tpu.wait_dma2 semaphore(%run_scoped3A : memref<!tpu.dma_semaphore, #tpu.memory_space<semaphore_mem>>) src(%dma_wait3A_107 : memref<672xf32, #tpu.memory_space<hbm>>) dst(%arg25 : memref<672xf32, #tpu.memory_space<vmem>>)
      tpu.yield
    }) : () -> ()
    %mul3A_5 = arith.constant 672 : i32
    %mul3A_6 = arith.muli %arg1, %mul3A_5 : i32
    "tpu.region"() ({
      %run_scoped3A = tpu.sem_alloc : memref<!tpu.dma_semaphore, #tpu.memory_space<semaphore_mem>>
      %dma_start3A_104 = tpu.memref_slice %arg11[%mul3A_6] : memref<10752xf32, #tpu.memory_space<vmem_shared>> -> memref<672xf32, #tpu.memory_space<vmem_shared>>
      %dma_start3A_105 = tpu.memref_slice %arg11[%mul3A_6] : memref<10752xf32, #tpu.memory_space<vmem_shared>> -> memref<672xf32, #tpu.memory_space<vmem_shared>>
      tpu.enqueue_dma source(%arg25 : memref<672xf32, #tpu.memory_space<vmem>>) target(%dma_start3A_105 : memref<672xf32, #tpu.memory_space<vmem_shared>>) target_semaphore(%run_scoped3A : memref<!tpu.dma_semaphore, #tpu.memory_space<semaphore_mem>>)
      %dma_wait3A_106 = tpu.memref_slice %arg11[%mul3A_6] : memref<10752xf32, #tpu.memory_space<vmem_shared>> -> memref<672xf32, #tpu.memory_space<vmem_shared>>
      %dma_wait3A_107 = tpu.memref_slice %arg11[%mul3A_6] : memref<10752xf32, #tpu.memory_space<vmem_shared>> -> memref<672xf32, #tpu.memory_space<vmem_shared>>
      tpu.wait_dma2 semaphore(%run_scoped3A : memref<!tpu.dma_semaphore, #tpu.memory_space<semaphore_mem>>) src(%arg25 : memref<672xf32, #tpu.memory_space<vmem>>) dst(%dma_wait3A_107 : memref<672xf32, #tpu.memory_space<vmem_shared>>)
      tpu.yield
    }) : () -> ()
    "tpu.region"() ({
      %run_scoped3A = tpu.sem_alloc : memref<!tpu.dma_semaphore, #tpu.memory_space<semaphore_mem>>
      tpu.enqueue_dma source(%arg7 : memref<96xf32, #tpu.memory_space<hbm>>) target(%arg24 : memref<96xf32, #tpu.memory_space<vmem>>) target_semaphore(%run_scoped3A : memref<!tpu.dma_semaphore, #tpu.memory_space<semaphore_mem>>)
      tpu.wait_dma2 semaphore(%run_scoped3A : memref<!tpu.dma_semaphore, #tpu.memory_space<semaphore_mem>>) src(%arg7 : memref<96xf32, #tpu.memory_space<hbm>>) dst(%arg24 : memref<96xf32, #tpu.memory_space<vmem>>)
      tpu.yield
    }) : () -> ()
    %barrier3A = arith.constant 0 : index
    tpu.barrier barrier_id(%barrier3A)
    %mul3A_7 = arith.constant 10080 : i32
    %mul3A_8 = arith.muli %arg1, %mul3A_7 : i32
    %add3A = arith.constant 0 : i32
    %add3A_9 = arith.addi %mul3A_8, %add3A : i32
    %multiple_of3A = tpu.assume_multiple %add3A_9, 8 : i32
    %mul3A_10 = arith.constant 161280 : i32
    %mul3A_11 = arith.muli %arg0, %mul3A_10 : i32
    %add3A_12 = arith.addi %mul3A_11, %multiple_of3A : i32
    %multiple_of3A_13 = tpu.assume_multiple %add3A_12, 8 : i32
    %dma_start3A = tpu.memref_slice %arg3[%multiple_of3A_13] : memref<322560xi32, #tpu.memory_space<hbm>> -> memref<96xi32, #tpu.memory_space<hbm>>
    %dma_start3A_14 = tpu.memref_slice %arg3[%multiple_of3A_13] : memref<322560xi32, #tpu.memory_space<hbm>> -> memref<96xi32, #tpu.memory_space<hbm>>
    tpu.enqueue_dma source(%dma_start3A_14 : memref<96xi32, #tpu.memory_space<hbm>>) target(%arg12 : memref<96xi32, #tpu.memory_space<vmem>>) target_semaphore(%arg29 : memref<!tpu.dma_semaphore, #tpu.memory_space<semaphore_mem>>)
    %dma_start3A_15 = tpu.memref_slice %arg4[%multiple_of3A] : memref<161280xi32, #tpu.memory_space<hbm>> -> memref<96xi32, #tpu.memory_space<hbm>>
    %dma_start3A_16 = tpu.memref_slice %arg4[%multiple_of3A] : memref<161280xi32, #tpu.memory_space<hbm>> -> memref<96xi32, #tpu.memory_space<hbm>>
    tpu.enqueue_dma source(%dma_start3A_16 : memref<96xi32, #tpu.memory_space<hbm>>) target(%arg13 : memref<96xi32, #tpu.memory_space<vmem>>) target_semaphore(%arg29 : memref<!tpu.dma_semaphore, #tpu.memory_space<semaphore_mem>>)
    %mul3A_17 = arith.constant 10080 : i32
    %mul3A_18 = arith.muli %arg1, %mul3A_17 : i32
    %add3A_19 = arith.constant 96 : i32
    %add3A_20 = arith.addi %mul3A_18, %add3A_19 : i32
    %multiple_of3A_21 = tpu.assume_multiple %add3A_20, 8 : i32
    %mul3A_22 = arith.constant 161280 : i32
    %mul3A_23 = arith.muli %arg0, %mul3A_22 : i32
    %add3A_24 = arith.addi %mul3A_23, %multiple_of3A_21 : i32
    %multiple_of3A_25 = tpu.assume_multiple %add3A_24, 8 : i32
    %dma_start3A_26 = tpu.memref_slice %arg3[%multiple_of3A_25] : memref<322560xi32, #tpu.memory_space<hbm>> -> memref<96xi32, #tpu.memory_space<hbm>>
    %dma_start3A_27 = tpu.memref_slice %arg3[%multiple_of3A_25] : memref<322560xi32, #tpu.memory_space<hbm>> -> memref<96xi32, #tpu.memory_space<hbm>>
    tpu.enqueue_dma source(%dma_start3A_27 : memref<96xi32, #tpu.memory_space<hbm>>) target(%arg15 : memref<96xi32, #tpu.memory_space<vmem>>) target_semaphore(%arg30 : memref<!tpu.dma_semaphore, #tpu.memory_space<semaphore_mem>>)
    %dma_start3A_28 = tpu.memref_slice %arg4[%multiple_of3A_21] : memref<161280xi32, #tpu.memory_space<hbm>> -> memref<96xi32, #tpu.memory_space<hbm>>
    %dma_start3A_29 = tpu.memref_slice %arg4[%multiple_of3A_21] : memref<161280xi32, #tpu.memory_space<hbm>> -> memref<96xi32, #tpu.memory_space<hbm>>
    tpu.enqueue_dma source(%dma_start3A_29 : memref<96xi32, #tpu.memory_space<hbm>>) target(%arg16 : memref<96xi32, #tpu.memory_space<vmem>>) target_semaphore(%arg30 : memref<!tpu.dma_semaphore, #tpu.memory_space<semaphore_mem>>)
    %dma_wait3A = arith.constant 0 : i32
    %dma_wait3A_30 = tpu.memref_slice %arg3[%dma_wait3A] : memref<322560xi32, #tpu.memory_space<hbm>> -> memref<96xi32, #tpu.memory_space<hbm>>
    %dma_wait3A_31 = arith.constant 0 : i32
    %dma_wait3A_32 = tpu.memref_slice %arg3[%dma_wait3A_31] : memref<322560xi32, #tpu.memory_space<hbm>> -> memref<96xi32, #tpu.memory_space<hbm>>
    tpu.wait_dma2 semaphore(%arg29 : memref<!tpu.dma_semaphore, #tpu.memory_space<semaphore_mem>>) src(%dma_wait3A_32 : memref<96xi32, #tpu.memory_space<hbm>>) dst(%arg12 : memref<96xi32, #tpu.memory_space<vmem>>)
    %dma_wait3A_33 = arith.constant 0 : i32
    %dma_wait3A_34 = tpu.memref_slice %arg4[%dma_wait3A_33] : memref<161280xi32, #tpu.memory_space<hbm>> -> memref<96xi32, #tpu.memory_space<hbm>>
    %dma_wait3A_35 = arith.constant 0 : i32
    %dma_wait3A_36 = tpu.memref_slice %arg4[%dma_wait3A_35] : memref<161280xi32, #tpu.memory_space<hbm>> -> memref<96xi32, #tpu.memory_space<hbm>>
    tpu.wait_dma2 semaphore(%arg29 : memref<!tpu.dma_semaphore, #tpu.memory_space<semaphore_mem>>) src(%dma_wait3A_36 : memref<96xi32, #tpu.memory_space<hbm>>) dst(%arg13 : memref<96xi32, #tpu.memory_space<vmem>>)
    %dma_start3A_37 = arith.constant 0 : i32
    %dma_start3A_38 = arith.constant 0 : i32
    %dma_start3A_39 = tpu.memref_slice %arg2[%dma_start3A_37, %dma_start3A_38] : memref<21504x128xf32, #tpu.memory_space<hbm>> -> memref<21504x128xf32, #tpu.memory_space<hbm>>
    tpu.enqueue_indirect_dma source(%dma_start3A_39 : memref<21504x128xf32, #tpu.memory_space<hbm>>) target(%arg14 : memref<96x128xf32, #tpu.memory_space<vmem>>) offsets(%arg12 : memref<96xi32, #tpu.memory_space<vmem>>) semaphore(%arg26 : memref<!tpu.dma_semaphore, #tpu.memory_space<semaphore_mem>>)
    %mul3A_40 = arith.constant 10080 : i32
    %mul3A_41 = arith.muli %arg1, %mul3A_40 : i32
    %add3A_42 = arith.constant 192 : i32
    %add3A_43 = arith.addi %mul3A_41, %add3A_42 : i32
    %multiple_of3A_44 = tpu.assume_multiple %add3A_43, 8 : i32
    %mul3A_45 = arith.constant 161280 : i32
    %mul3A_46 = arith.muli %arg0, %mul3A_45 : i32
    %add3A_47 = arith.addi %mul3A_46, %multiple_of3A_44 : i32
    %multiple_of3A_48 = tpu.assume_multiple %add3A_47, 8 : i32
    %dma_start3A_49 = tpu.memref_slice %arg3[%multiple_of3A_48] : memref<322560xi32, #tpu.memory_space<hbm>> -> memref<96xi32, #tpu.memory_space<hbm>>
    %dma_start3A_50 = tpu.memref_slice %arg3[%multiple_of3A_48] : memref<322560xi32, #tpu.memory_space<hbm>> -> memref<96xi32, #tpu.memory_space<hbm>>
    tpu.enqueue_dma source(%dma_start3A_50 : memref<96xi32, #tpu.memory_space<hbm>>) target(%arg18 : memref<96xi32, #tpu.memory_space<vmem>>) target_semaphore(%arg31 : memref<!tpu.dma_semaphore, #tpu.memory_space<semaphore_mem>>)
    %dma_start3A_51 = tpu.memref_slice %arg4[%multiple_of3A_44] : memref<161280xi32, #tpu.memory_space<hbm>> -> memref<96xi32, #tpu.memory_space<hbm>>
    %dma_start3A_52 = tpu.memref_slice %arg4[%multiple_of3A_44] : memref<161280xi32, #tpu.memory_space<hbm>> -> memref<96xi32, #tpu.memory_space<hbm>>
    tpu.enqueue_dma source(%dma_start3A_52 : memref<96xi32, #tpu.memory_space<hbm>>) target(%arg19 : memref<96xi32, #tpu.memory_space<vmem>>) target_semaphore(%arg31 : memref<!tpu.dma_semaphore, #tpu.memory_space<semaphore_mem>>)
    %dma_wait3A_53 = arith.constant 0 : i32
    %dma_wait3A_54 = tpu.memref_slice %arg3[%dma_wait3A_53] : memref<322560xi32, #tpu.memory_space<hbm>> -> memref<96xi32, #tpu.memory_space<hbm>>
    %dma_wait3A_55 = arith.constant 0 : i32
    %dma_wait3A_56 = tpu.memref_slice %arg3[%dma_wait3A_55] : memref<322560xi32, #tpu.memory_space<hbm>> -> memref<96xi32, #tpu.memory_space<hbm>>
    tpu.wait_dma2 semaphore(%arg30 : memref<!tpu.dma_semaphore, #tpu.memory_space<semaphore_mem>>) src(%dma_wait3A_56 : memref<96xi32, #tpu.memory_space<hbm>>) dst(%arg15 : memref<96xi32, #tpu.memory_space<vmem>>)
    %dma_wait3A_57 = arith.constant 0 : i32
    %dma_wait3A_58 = tpu.memref_slice %arg4[%dma_wait3A_57] : memref<161280xi32, #tpu.memory_space<hbm>> -> memref<96xi32, #tpu.memory_space<hbm>>
    %dma_wait3A_59 = arith.constant 0 : i32
    %dma_wait3A_60 = tpu.memref_slice %arg4[%dma_wait3A_59] : memref<161280xi32, #tpu.memory_space<hbm>> -> memref<96xi32, #tpu.memory_space<hbm>>
    tpu.wait_dma2 semaphore(%arg30 : memref<!tpu.dma_semaphore, #tpu.memory_space<semaphore_mem>>) src(%dma_wait3A_60 : memref<96xi32, #tpu.memory_space<hbm>>) dst(%arg16 : memref<96xi32, #tpu.memory_space<vmem>>)
    %dma_start3A_61 = arith.constant 0 : i32
    %dma_start3A_62 = arith.constant 0 : i32
    %dma_start3A_63 = tpu.memref_slice %arg2[%dma_start3A_61, %dma_start3A_62] : memref<21504x128xf32, #tpu.memory_space<hbm>> -> memref<21504x128xf32, #tpu.memory_space<hbm>>
    tpu.enqueue_indirect_dma source(%dma_start3A_63 : memref<21504x128xf32, #tpu.memory_space<hbm>>) target(%arg17 : memref<96x128xf32, #tpu.memory_space<vmem>>) offsets(%arg15 : memref<96xi32, #tpu.memory_space<vmem>>) semaphore(%arg27 : memref<!tpu.dma_semaphore, #tpu.memory_space<semaphore_mem>>)
    %scan3A = arith.constant 0 : i32
    %scan3A_64 = arith.constant 0 : i32
    %scan3A_65 = arith.constant 35 : i32
    %scan3A_66 = arith.addi %scan3A_64, %scan3A_65 : i32
    %scan3A_67 = arith.constant 1 : i32
    %scan3A_68 = scf.for %scan3A_104 = %scan3A_64 to %scan3A_66 step %scan3A_67 iter_args(%scan3A_105 = %scan3A) -> (i32)  : i32 {
      %mul3A_106 = arith.constant 3 : i32
      %mul3A_107 = arith.muli %mul3A_106, %scan3A_104 : i32
      %gt3A = arith.constant 0 : i32
      %gt3A_108 = arith.cmpi sgt, %scan3A_104, %gt3A : i32
      %convert_element_type3A_109 = arith.extui %gt3A_108 : i1 to i32
      %cond3A_110 = arith.constant 0 : i32
      %cond3A_111 = arith.cmpi ne, %convert_element_type3A_109, %cond3A_110 : i32
      scf.if %cond3A_111 {
        %dma_wait3A_315 = arith.constant 0 : i32
        %dma_wait3A_316 = arith.constant 0 : i32
        %dma_wait3A_317 = tpu.memref_slice %arg10[%dma_wait3A_315, %dma_wait3A_316] : memref<10752x128xf32, #tpu.memory_space<vmem_shared>> -> memref<10752x128xf32, #tpu.memory_space<vmem_shared>>
        tpu.wait_indirect_dma semaphore(%arg34 : memref<!tpu.dma_semaphore, #tpu.memory_space<semaphore_mem>>) src(%arg20 : memref<96x128xf32, #tpu.memory_space<vmem>>) dst(%dma_wait3A_317 : memref<10752x128xf32, #tpu.memory_space<vmem_shared>>)
        %eq3A_318 = arith.constant 0 : i32
        %eq3A_319 = arith.cmpi eq, %arg0, %eq3A_318 : i32
        %convert_element_type3A_320 = arith.extui %eq3A_319 : i1 to i32
        %cond3A_321 = arith.constant 0 : i32
        %cond3A_322 = arith.cmpi ne, %convert_element_type3A_320, %cond3A_321 : i32
        scf.if %cond3A_322 {
          %dma_wait3A_323 = arith.constant 0 : i32
          %dma_wait3A_324 = tpu.memref_slice %arg11[%dma_wait3A_323] : memref<10752xf32, #tpu.memory_space<vmem_shared>> -> memref<10752xf32, #tpu.memory_space<vmem_shared>>
          tpu.wait_indirect_dma semaphore(%arg34 : memref<!tpu.dma_semaphore, #tpu.memory_space<semaphore_mem>>) src(%arg24 : memref<96xf32, #tpu.memory_space<vmem>>) dst(%dma_wait3A_324 : memref<10752xf32, #tpu.memory_space<vmem_shared>>)
        } else {
        }
      } else {
      }
      %dma_wait3A_112 = arith.constant 0 : i32
      %dma_wait3A_113 = tpu.memref_slice %arg3[%dma_wait3A_112] : memref<322560xi32, #tpu.memory_space<hbm>> -> memref<96xi32, #tpu.memory_space<hbm>>
      %dma_wait3A_114 = arith.constant 0 : i32
      %dma_wait3A_115 = tpu.memref_slice %arg3[%dma_wait3A_114] : memref<322560xi32, #tpu.memory_space<hbm>> -> memref<96xi32, #tpu.memory_space<hbm>>
      tpu.wait_dma2 semaphore(%arg31 : memref<!tpu.dma_semaphore, #tpu.memory_space<semaphore_mem>>) src(%dma_wait3A_115 : memref<96xi32, #tpu.memory_space<hbm>>) dst(%arg18 : memref<96xi32, #tpu.memory_space<vmem>>)
      %dma_wait3A_116 = arith.constant 0 : i32
      %dma_wait3A_117 = tpu.memref_slice %arg4[%dma_wait3A_116] : memref<161280xi32, #tpu.memory_space<hbm>> -> memref<96xi32, #tpu.memory_space<hbm>>
      %dma_wait3A_118 = arith.constant 0 : i32
      %dma_wait3A_119 = tpu.memref_slice %arg4[%dma_wait3A_118] : memref<161280xi32, #tpu.memory_space<hbm>> -> memref<96xi32, #tpu.memory_space<hbm>>
      tpu.wait_dma2 semaphore(%arg31 : memref<!tpu.dma_semaphore, #tpu.memory_space<semaphore_mem>>) src(%dma_wait3A_119 : memref<96xi32, #tpu.memory_space<hbm>>) dst(%arg19 : memref<96xi32, #tpu.memory_space<vmem>>)
      %dma_start3A_120 = arith.constant 0 : i32
      %dma_start3A_121 = arith.constant 0 : i32
      %dma_start3A_122 = tpu.memref_slice %arg2[%dma_start3A_120, %dma_start3A_121] : memref<21504x128xf32, #tpu.memory_space<hbm>> -> memref<21504x128xf32, #tpu.memory_space<hbm>>
      tpu.enqueue_indirect_dma source(%dma_start3A_122 : memref<21504x128xf32, #tpu.memory_space<hbm>>) target(%arg20 : memref<96x128xf32, #tpu.memory_space<vmem>>) offsets(%arg18 : memref<96xi32, #tpu.memory_space<vmem>>) semaphore(%arg28 : memref<!tpu.dma_semaphore, #tpu.memory_space<semaphore_mem>>)
      %dma_wait3A_123 = arith.constant 0 : i32
      %dma_wait3A_124 = arith.constant 0 : i32
      %dma_wait3A_125 = tpu.memref_slice %arg2[%dma_wait3A_123, %dma_wait3A_124] : memref<21504x128xf32, #tpu.memory_space<hbm>> -> memref<21504x128xf32, #tpu.memory_space<hbm>>
      tpu.wait_indirect_dma semaphore(%arg26 : memref<!tpu.dma_semaphore, #tpu.memory_space<semaphore_mem>>) src(%dma_wait3A_125 : memref<21504x128xf32, #tpu.memory_space<hbm>>) dst(%arg14 : memref<96x128xf32, #tpu.memory_space<vmem>>)
      %get3A = arith.constant 0 : index
      %get3A_126 = tpu.vector_load %arg13[%get3A] {strides = array<i32>} : memref<96xi32, #tpu.memory_space<vmem>>, vector<16xi32>,
      %get3A_127 = vector.shape_cast %get3A_126 : vector<16xi32> to vector<16xi32>
      %swap3A = arith.constant 0 : index
      %swap3A_128 = tpu.vector_load %arg21[%swap3A] {strides = array<i32>} : memref<96xi32, #tpu.memory_space<vmem>>, vector<16xi32>,
      %swap3A_129 = vector.shape_cast %swap3A_128 : vector<16xi32> to vector<16xi32>
      %swap3A_130 = vector.shape_cast %get3A_127 : vector<16xi32> to vector<16xi32>
      tpu.vector_store %arg21[%swap3A], %swap3A_130 {strides = array<i32>} : memref<96xi32, #tpu.memory_space<vmem>>, vector<16xi32>,
      %get3A_131 = arith.constant 16 : index
      %get3A_132 = tpu.vector_load %arg13[%get3A_131] {strides = array<i32>} : memref<96xi32, #tpu.memory_space<vmem>>, vector<16xi32>,
      %get3A_133 = vector.shape_cast %get3A_132 : vector<16xi32> to vector<16xi32>
      %swap3A_134 = arith.constant 16 : index
      %swap3A_135 = tpu.vector_load %arg21[%swap3A_134] {strides = array<i32>} : memref<96xi32, #tpu.memory_space<vmem>>, vector<16xi32>,
      %swap3A_136 = vector.shape_cast %swap3A_135 : vector<16xi32> to vector<16xi32>
      %swap3A_137 = vector.shape_cast %get3A_133 : vector<16xi32> to vector<16xi32>
      tpu.vector_store %arg21[%swap3A_134], %swap3A_137 {strides = array<i32>} : memref<96xi32, #tpu.memory_space<vmem>>, vector<16xi32>,
      %get3A_138 = arith.constant 32 : index
      %get3A_139 = tpu.vector_load %arg13[%get3A_138] {strides = array<i32>} : memref<96xi32, #tpu.memory_space<vmem>>, vector<16xi32>,
      %get3A_140 = vector.shape_cast %get3A_139 : vector<16xi32> to vector<16xi32>
      %swap3A_141 = arith.constant 32 : index
      %swap3A_142 = tpu.vector_load %arg21[%swap3A_141] {strides = array<i32>} : memref<96xi32, #tpu.memory_space<vmem>>, vector<16xi32>,
      %swap3A_143 = vector.shape_cast %swap3A_142 : vector<16xi32> to vector<16xi32>
      %swap3A_144 = vector.shape_cast %get3A_140 : vector<16xi32> to vector<16xi32>
      tpu.vector_store %arg21[%swap3A_141], %swap3A_144 {strides = array<i32>} : memref<96xi32, #tpu.memory_space<vmem>>, vector<16xi32>,
      %get3A_145 = arith.constant 48 : index
      %get3A_146 = tpu.vector_load %arg13[%get3A_145] {strides = array<i32>} : memref<96xi32, #tpu.memory_space<vmem>>, vector<16xi32>,
      %get3A_147 = vector.shape_cast %get3A_146 : vector<16xi32> to vector<16xi32>
      %swap3A_148 = arith.constant 48 : index
      %swap3A_149 = tpu.vector_load %arg21[%swap3A_148] {strides = array<i32>} : memref<96xi32, #tpu.memory_space<vmem>>, vector<16xi32>,
      %swap3A_150 = vector.shape_cast %swap3A_149 : vector<16xi32> to vector<16xi32>
      %swap3A_151 = vector.shape_cast %get3A_147 : vector<16xi32> to vector<16xi32>
      tpu.vector_store %arg21[%swap3A_148], %swap3A_151 {strides = array<i32>} : memref<96xi32, #tpu.memory_space<vmem>>, vector<16xi32>,
      %get3A_152 = arith.constant 64 : index
      %get3A_153 = tpu.vector_load %arg13[%get3A_152] {strides = array<i32>} : memref<96xi32, #tpu.memory_space<vmem>>, vector<16xi32>,
      %get3A_154 = vector.shape_cast %get3A_153 : vector<16xi32> to vector<16xi32>
      %swap3A_155 = arith.constant 64 : index
      %swap3A_156 = tpu.vector_load %arg21[%swap3A_155] {strides = array<i32>} : memref<96xi32, #tpu.memory_space<vmem>>, vector<16xi32>,
      %swap3A_157 = vector.shape_cast %swap3A_156 : vector<16xi32> to vector<16xi32>
      %swap3A_158 = vector.shape_cast %get3A_154 : vector<16xi32> to vector<16xi32>
      tpu.vector_store %arg21[%swap3A_155], %swap3A_158 {strides = array<i32>} : memref<96xi32, #tpu.memory_space<vmem>>, vector<16xi32>,
      %get3A_159 = arith.constant 80 : index
      %get3A_160 = tpu.vector_load %arg13[%get3A_159] {strides = array<i32>} : memref<96xi32, #tpu.memory_space<vmem>>, vector<16xi32>,
      %get3A_161 = vector.shape_cast %get3A_160 : vector<16xi32> to vector<16xi32>
      %swap3A_162 = arith.constant 80 : index
      %swap3A_163 = tpu.vector_load %arg21[%swap3A_162] {strides = array<i32>} : memref<96xi32, #tpu.memory_space<vmem>>, vector<16xi32>,
      %swap3A_164 = vector.shape_cast %swap3A_163 : vector<16xi32> to vector<16xi32>
      %swap3A_165 = vector.shape_cast %get3A_161 : vector<16xi32> to vector<16xi32>
      tpu.vector_store %arg21[%swap3A_162], %swap3A_165 {strides = array<i32>} : memref<96xi32, #tpu.memory_space<vmem>>, vector<16xi32>,
      %dma_start3A_166 = arith.constant 0 : i32
      %dma_start3A_167 = arith.constant 0 : i32
      %dma_start3A_168 = tpu.memref_slice %arg10[%dma_start3A_166, %dma_start3A_167] : memref<10752x128xf32, #tpu.memory_space<vmem_shared>> -> memref<10752x128xf32, #tpu.memory_space<vmem_shared>>
      tpu.enqueue_indirect_dma source(%arg14 : memref<96x128xf32, #tpu.memory_space<vmem>>) target(%dma_start3A_168 : memref<10752x128xf32, #tpu.memory_space<vmem_shared>>) offsets(%arg21 : memref<96xi32, #tpu.memory_space<vmem>>) semaphore(%arg32 : memref<!tpu.dma_semaphore, #tpu.memory_space<semaphore_mem>>) {add = true}
      %eq3A_169 = arith.constant 0 : i32
      %eq3A_170 = arith.cmpi eq, %arg0, %eq3A_169 : i32
      %convert_element_type3A_171 = arith.extui %eq3A_170 : i1 to i32
      %cond3A_172 = arith.constant 0 : i32
      %cond3A_173 = arith.cmpi ne, %convert_element_type3A_171, %cond3A_172 : i32
      scf.if %cond3A_173 {
        %dma_start3A_315 = arith.constant 0 : i32
        %dma_start3A_316 = tpu.memref_slice %arg11[%dma_start3A_315] : memref<10752xf32, #tpu.memory_space<vmem_shared>> -> memref<10752xf32, #tpu.memory_space<vmem_shared>>
        tpu.enqueue_indirect_dma source(%arg24 : memref<96xf32, #tpu.memory_space<vmem>>) target(%dma_start3A_316 : memref<10752xf32, #tpu.memory_space<vmem_shared>>) offsets(%arg21 : memref<96xi32, #tpu.memory_space<vmem>>) semaphore(%arg32 : memref<!tpu.dma_semaphore, #tpu.memory_space<semaphore_mem>>) {add = true}
      } else {
      }
      %add3A_174 = arith.constant 3 : i32
      %add3A_175 = arith.addi %mul3A_107, %add3A_174 : i32
      %lt3A = arith.constant 105 : i32
      %lt3A_176 = arith.cmpi slt, %add3A_175, %lt3A : i32
      %convert_element_type3A_177 = arith.extui %lt3A_176 : i1 to i32
      %cond3A_178 = arith.constant 0 : i32
      %cond3A_179 = arith.cmpi ne, %convert_element_type3A_177, %cond3A_178 : i32
      scf.if %cond3A_179 {
        %add3A_315 = arith.constant 3 : i32
        %add3A_316 = arith.addi %mul3A_107, %add3A_315 : i32
        %mul3A_317 = arith.constant 10080 : i32
        %mul3A_318 = arith.muli %arg1, %mul3A_317 : i32
        %mul3A_319 = arith.constant 96 : i32
        %mul3A_320 = arith.muli %add3A_316, %mul3A_319 : i32
        %add3A_321 = arith.addi %mul3A_318, %mul3A_320 : i32
        %multiple_of3A_322 = tpu.assume_multiple %add3A_321, 8 : i32
        %mul3A_323 = arith.constant 161280 : i32
        %mul3A_324 = arith.muli %arg0, %mul3A_323 : i32
        %add3A_325 = arith.addi %mul3A_324, %multiple_of3A_322 : i32
        %multiple_of3A_326 = tpu.assume_multiple %add3A_325, 8 : i32
        %dma_start3A_327 = tpu.memref_slice %arg3[%multiple_of3A_326] : memref<322560xi32, #tpu.memory_space<hbm>> -> memref<96xi32, #tpu.memory_space<hbm>>
        %dma_start3A_328 = tpu.memref_slice %arg3[%multiple_of3A_326] : memref<322560xi32, #tpu.memory_space<hbm>> -> memref<96xi32, #tpu.memory_space<hbm>>
        tpu.enqueue_dma source(%dma_start3A_328 : memref<96xi32, #tpu.memory_space<hbm>>) target(%arg12 : memref<96xi32, #tpu.memory_space<vmem>>) target_semaphore(%arg29 : memref<!tpu.dma_semaphore, #tpu.memory_space<semaphore_mem>>)
        %dma_start3A_329 = tpu.memref_slice %arg4[%multiple_of3A_322] : memref<161280xi32, #tpu.memory_space<hbm>> -> memref<96xi32, #tpu.memory_space<hbm>>
        %dma_start3A_330 = tpu.memref_slice %arg4[%multiple_of3A_322] : memref<161280xi32, #tpu.memory_space<hbm>> -> memref<96xi32, #tpu.memory_space<hbm>>
        tpu.enqueue_dma source(%dma_start3A_330 : memref<96xi32, #tpu.memory_space<hbm>>) target(%arg13 : memref<96xi32, #tpu.memory_space<vmem>>) target_semaphore(%arg29 : memref<!tpu.dma_semaphore, #tpu.memory_space<semaphore_mem>>)
      } else {
      }
      %dma_wait3A_180 = arith.constant 0 : i32
      %dma_wait3A_181 = arith.constant 0 : i32
      %dma_wait3A_182 = tpu.memref_slice %arg2[%dma_wait3A_180, %dma_wait3A_181] : memref<21504x128xf32, #tpu.memory_space<hbm>> -> memref<21504x128xf32, #tpu.memory_space<hbm>>
      tpu.wait_indirect_dma semaphore(%arg27 : memref<!tpu.dma_semaphore, #tpu.memory_space<semaphore_mem>>) src(%dma_wait3A_182 : memref<21504x128xf32, #tpu.memory_space<hbm>>) dst(%arg17 : memref<96x128xf32, #tpu.memory_space<vmem>>)
      %get3A_183 = arith.constant 0 : index
      %get3A_184 = tpu.vector_load %arg16[%get3A_183] {strides = array<i32>} : memref<96xi32, #tpu.memory_space<vmem>>, vector<16xi32>,
      %get3A_185 = vector.shape_cast %get3A_184 : vector<16xi32> to vector<16xi32>
      %swap3A_186 = arith.constant 0 : index
      %swap3A_187 = tpu.vector_load %arg22[%swap3A_186] {strides = array<i32>} : memref<96xi32, #tpu.memory_space<vmem>>, vector<16xi32>,
      %swap3A_188 = vector.shape_cast %swap3A_187 : vector<16xi32> to vector<16xi32>
      %swap3A_189 = vector.shape_cast %get3A_185 : vector<16xi32> to vector<16xi32>
      tpu.vector_store %arg22[%swap3A_186], %swap3A_189 {strides = array<i32>} : memref<96xi32, #tpu.memory_space<vmem>>, vector<16xi32>,
      %get3A_190 = arith.constant 16 : index
      %get3A_191 = tpu.vector_load %arg16[%get3A_190] {strides = array<i32>} : memref<96xi32, #tpu.memory_space<vmem>>, vector<16xi32>,
      %get3A_192 = vector.shape_cast %get3A_191 : vector<16xi32> to vector<16xi32>
      %swap3A_193 = arith.constant 16 : index
      %swap3A_194 = tpu.vector_load %arg22[%swap3A_193] {strides = array<i32>} : memref<96xi32, #tpu.memory_space<vmem>>, vector<16xi32>,
      %swap3A_195 = vector.shape_cast %swap3A_194 : vector<16xi32> to vector<16xi32>
      %swap3A_196 = vector.shape_cast %get3A_192 : vector<16xi32> to vector<16xi32>
      tpu.vector_store %arg22[%swap3A_193], %swap3A_196 {strides = array<i32>} : memref<96xi32, #tpu.memory_space<vmem>>, vector<16xi32>,
      %get3A_197 = arith.constant 32 : index
      %get3A_198 = tpu.vector_load %arg16[%get3A_197] {strides = array<i32>} : memref<96xi32, #tpu.memory_space<vmem>>, vector<16xi32>,
      %get3A_199 = vector.shape_cast %get3A_198 : vector<16xi32> to vector<16xi32>
      %swap3A_200 = arith.constant 32 : index
      %swap3A_201 = tpu.vector_load %arg22[%swap3A_200] {strides = array<i32>} : memref<96xi32, #tpu.memory_space<vmem>>, vector<16xi32>,
      %swap3A_202 = vector.shape_cast %swap3A_201 : vector<16xi32> to vector<16xi32>
      %swap3A_203 = vector.shape_cast %get3A_199 : vector<16xi32> to vector<16xi32>
      tpu.vector_store %arg22[%swap3A_200], %swap3A_203 {strides = array<i32>} : memref<96xi32, #tpu.memory_space<vmem>>, vector<16xi32>,
      %get3A_204 = arith.constant 48 : index
      %get3A_205 = tpu.vector_load %arg16[%get3A_204] {strides = array<i32>} : memref<96xi32, #tpu.memory_space<vmem>>, vector<16xi32>,
      %get3A_206 = vector.shape_cast %get3A_205 : vector<16xi32> to vector<16xi32>
      %swap3A_207 = arith.constant 48 : index
      %swap3A_208 = tpu.vector_load %arg22[%swap3A_207] {strides = array<i32>} : memref<96xi32, #tpu.memory_space<vmem>>, vector<16xi32>,
      %swap3A_209 = vector.shape_cast %swap3A_208 : vector<16xi32> to vector<16xi32>
      %swap3A_210 = vector.shape_cast %get3A_206 : vector<16xi32> to vector<16xi32>
      tpu.vector_store %arg22[%swap3A_207], %swap3A_210 {strides = array<i32>} : memref<96xi32, #tpu.memory_space<vmem>>, vector<16xi32>,
      %get3A_211 = arith.constant 64 : index
      %get3A_212 = tpu.vector_load %arg16[%get3A_211] {strides = array<i32>} : memref<96xi32, #tpu.memory_space<vmem>>, vector<16xi32>,
      %get3A_213 = vector.shape_cast %get3A_212 : vector<16xi32> to vector<16xi32>
      %swap3A_214 = arith.constant 64 : index
      %swap3A_215 = tpu.vector_load %arg22[%swap3A_214] {strides = array<i32>} : memref<96xi32, #tpu.memory_space<vmem>>, vector<16xi32>,
      %swap3A_216 = vector.shape_cast %swap3A_215 : vector<16xi32> to vector<16xi32>
      %swap3A_217 = vector.shape_cast %get3A_213 : vector<16xi32> to vector<16xi32>
      tpu.vector_store %arg22[%swap3A_214], %swap3A_217 {strides = array<i32>} : memref<96xi32, #tpu.memory_space<vmem>>, vector<16xi32>,
      %get3A_218 = arith.constant 80 : index
      %get3A_219 = tpu.vector_load %arg16[%get3A_218] {strides = array<i32>} : memref<96xi32, #tpu.memory_space<vmem>>, vector<16xi32>,
      %get3A_220 = vector.shape_cast %get3A_219 : vector<16xi32> to vector<16xi32>
      %swap3A_221 = arith.constant 80 : index
      %swap3A_222 = tpu.vector_load %arg22[%swap3A_221] {strides = array<i32>} : memref<96xi32, #tpu.memory_space<vmem>>, vector<16xi32>,
      %swap3A_223 = vector.shape_cast %swap3A_222 : vector<16xi32> to vector<16xi32>
      %swap3A_224 = vector.shape_cast %get3A_220 : vector<16xi32> to vector<16xi32>
      tpu.vector_store %arg22[%swap3A_221], %swap3A_224 {strides = array<i32>} : memref<96xi32, #tpu.memory_space<vmem>>, vector<16xi32>,
      %dma_start3A_225 = arith.constant 0 : i32
      %dma_start3A_226 = arith.constant 0 : i32
      %dma_start3A_227 = tpu.memref_slice %arg10[%dma_start3A_225, %dma_start3A_226] : memref<10752x128xf32, #tpu.memory_space<vmem_shared>> -> memref<10752x128xf32, #tpu.memory_space<vmem_shared>>
      tpu.enqueue_indirect_dma source(%arg17 : memref<96x128xf32, #tpu.memory_space<vmem>>) target(%dma_start3A_227 : memref<10752x128xf32, #tpu.memory_space<vmem_shared>>) offsets(%arg22 : memref<96xi32, #tpu.memory_space<vmem>>) semaphore(%arg33 : memref<!tpu.dma_semaphore, #tpu.memory_space<semaphore_mem>>) {add = true}
      %eq3A_228 = arith.constant 0 : i32
      %eq3A_229 = arith.cmpi eq, %arg0, %eq3A_228 : i32
      %convert_element_type3A_230 = arith.extui %eq3A_229 : i1 to i32
      %cond3A_231 = arith.constant 0 : i32
      %cond3A_232 = arith.cmpi ne, %convert_element_type3A_230, %cond3A_231 : i32
      scf.if %cond3A_232 {
        %dma_start3A_315 = arith.constant 0 : i32
        %dma_start3A_316 = tpu.memref_slice %arg11[%dma_start3A_315] : memref<10752xf32, #tpu.memory_space<vmem_shared>> -> memref<10752xf32, #tpu.memory_space<vmem_shared>>
        tpu.enqueue_indirect_dma source(%arg24 : memref<96xf32, #tpu.memory_space<vmem>>) target(%dma_start3A_316 : memref<10752xf32, #tpu.memory_space<vmem_shared>>) offsets(%arg22 : memref<96xi32, #tpu.memory_space<vmem>>) semaphore(%arg33 : memref<!tpu.dma_semaphore, #tpu.memory_space<semaphore_mem>>) {add = true}
      } else {
      }
      %add3A_233 = arith.constant 3 : i32
      %add3A_234 = arith.addi %mul3A_107, %add3A_233 : i32
      %lt3A_235 = arith.constant 105 : i32
      %lt3A_236 = arith.cmpi slt, %add3A_234, %lt3A_235 : i32
      %convert_element_type3A_237 = arith.extui %lt3A_236 : i1 to i32
      %cond3A_238 = arith.constant 0 : i32
      %cond3A_239 = arith.cmpi ne, %convert_element_type3A_237, %cond3A_238 : i32
      scf.if %cond3A_239 {
        %dma_wait3A_315 = arith.constant 0 : i32
        %dma_wait3A_316 = arith.constant 0 : i32
        %dma_wait3A_317 = tpu.memref_slice %arg10[%dma_wait3A_315, %dma_wait3A_316] : memref<10752x128xf32, #tpu.memory_space<vmem_shared>> -> memref<10752x128xf32, #tpu.memory_space<vmem_shared>>
        tpu.wait_indirect_dma semaphore(%arg32 : memref<!tpu.dma_semaphore, #tpu.memory_space<semaphore_mem>>) src(%arg14 : memref<96x128xf32, #tpu.memory_space<vmem>>) dst(%dma_wait3A_317 : memref<10752x128xf32, #tpu.memory_space<vmem_shared>>)
        %eq3A_318 = arith.constant 0 : i32
        %eq3A_319 = arith.cmpi eq, %arg0, %eq3A_318 : i32
        %convert_element_type3A_320 = arith.extui %eq3A_319 : i1 to i32
        %cond3A_321 = arith.constant 0 : i32
        %cond3A_322 = arith.cmpi ne, %convert_element_type3A_320, %cond3A_321 : i32
        scf.if %cond3A_322 {
          %dma_wait3A_334 = arith.constant 0 : i32
          %dma_wait3A_335 = tpu.memref_slice %arg11[%dma_wait3A_334] : memref<10752xf32, #tpu.memory_space<vmem_shared>> -> memref<10752xf32, #tpu.memory_space<vmem_shared>>
          tpu.wait_indirect_dma semaphore(%arg32 : memref<!tpu.dma_semaphore, #tpu.memory_space<semaphore_mem>>) src(%arg24 : memref<96xf32, #tpu.memory_space<vmem>>) dst(%dma_wait3A_335 : memref<10752xf32, #tpu.memory_space<vmem_shared>>)
        } else {
        }
        %dma_wait3A_323 = arith.constant 0 : i32
        %dma_wait3A_324 = tpu.memref_slice %arg3[%dma_wait3A_323] : memref<322560xi32, #tpu.memory_space<hbm>> -> memref<96xi32, #tpu.memory_space<hbm>>
        %dma_wait3A_325 = arith.constant 0 : i32
        %dma_wait3A_326 = tpu.memref_slice %arg3[%dma_wait3A_325] : memref<322560xi32, #tpu.memory_space<hbm>> -> memref<96xi32, #tpu.memory_space<hbm>>
        tpu.wait_dma2 semaphore(%arg29 : memref<!tpu.dma_semaphore, #tpu.memory_space<semaphore_mem>>) src(%dma_wait3A_326 : memref<96xi32, #tpu.memory_space<hbm>>) dst(%arg12 : memref<96xi32, #tpu.memory_space<vmem>>)
        %dma_wait3A_327 = arith.constant 0 : i32
        %dma_wait3A_328 = tpu.memref_slice %arg4[%dma_wait3A_327] : memref<161280xi32, #tpu.memory_space<hbm>> -> memref<96xi32, #tpu.memory_space<hbm>>
        %dma_wait3A_329 = arith.constant 0 : i32
        %dma_wait3A_330 = tpu.memref_slice %arg4[%dma_wait3A_329] : memref<161280xi32, #tpu.memory_space<hbm>> -> memref<96xi32, #tpu.memory_space<hbm>>
        tpu.wait_dma2 semaphore(%arg29 : memref<!tpu.dma_semaphore, #tpu.memory_space<semaphore_mem>>) src(%dma_wait3A_330 : memref<96xi32, #tpu.memory_space<hbm>>) dst(%arg13 : memref<96xi32, #tpu.memory_space<vmem>>)
        %dma_start3A_331 = arith.constant 0 : i32
        %dma_start3A_332 = arith.constant 0 : i32
        %dma_start3A_333 = tpu.memref_slice %arg2[%dma_start3A_331, %dma_start3A_332] : memref<21504x128xf32, #tpu.memory_space<hbm>> -> memref<21504x128xf32, #tpu.memory_space<hbm>>
        tpu.enqueue_indirect_dma source(%dma_start3A_333 : memref<21504x128xf32, #tpu.memory_space<hbm>>) target(%arg14 : memref<96x128xf32, #tpu.memory_space<vmem>>) offsets(%arg12 : memref<96xi32, #tpu.memory_space<vmem>>) semaphore(%arg26 : memref<!tpu.dma_semaphore, #tpu.memory_space<semaphore_mem>>)
      } else {
      }
      %add3A_240 = arith.constant 4 : i32
      %add3A_241 = arith.addi %mul3A_107, %add3A_240 : i32
      %lt3A_242 = arith.constant 105 : i32
      %lt3A_243 = arith.cmpi slt, %add3A_241, %lt3A_242 : i32
      %convert_element_type3A_244 = arith.extui %lt3A_243 : i1 to i32
      %cond3A_245 = arith.constant 0 : i32
      %cond3A_246 = arith.cmpi ne, %convert_element_type3A_244, %cond3A_245 : i32
      scf.if %cond3A_246 {
        %add3A_315 = arith.constant 4 : i32
        %add3A_316 = arith.addi %mul3A_107, %add3A_315 : i32
        %mul3A_317 = arith.constant 10080 : i32
        %mul3A_318 = arith.muli %arg1, %mul3A_317 : i32
        %mul3A_319 = arith.constant 96 : i32
        %mul3A_320 = arith.muli %add3A_316, %mul3A_319 : i32
        %add3A_321 = arith.addi %mul3A_318, %mul3A_320 : i32
        %multiple_of3A_322 = tpu.assume_multiple %add3A_321, 8 : i32
        %mul3A_323 = arith.constant 161280 : i32
        %mul3A_324 = arith.muli %arg0, %mul3A_323 : i32
        %add3A_325 = arith.addi %mul3A_324, %multiple_of3A_322 : i32
        %multiple_of3A_326 = tpu.assume_multiple %add3A_325, 8 : i32
        %dma_start3A_327 = tpu.memref_slice %arg3[%multiple_of3A_326] : memref<322560xi32, #tpu.memory_space<hbm>> -> memref<96xi32, #tpu.memory_space<hbm>>
        %dma_start3A_328 = tpu.memref_slice %arg3[%multiple_of3A_326] : memref<322560xi32, #tpu.memory_space<hbm>> -> memref<96xi32, #tpu.memory_space<hbm>>
        tpu.enqueue_dma source(%dma_start3A_328 : memref<96xi32, #tpu.memory_space<hbm>>) target(%arg15 : memref<96xi32, #tpu.memory_space<vmem>>) target_semaphore(%arg30 : memref<!tpu.dma_semaphore, #tpu.memory_space<semaphore_mem>>)
        %dma_start3A_329 = tpu.memref_slice %arg4[%multiple_of3A_322] : memref<161280xi32, #tpu.memory_space<hbm>> -> memref<96xi32, #tpu.memory_space<hbm>>
        %dma_start3A_330 = tpu.memref_slice %arg4[%multiple_of3A_322] : memref<161280xi32, #tpu.memory_space<hbm>> -> memref<96xi32, #tpu.memory_space<hbm>>
        tpu.enqueue_dma source(%dma_start3A_330 : memref<96xi32, #tpu.memory_space<hbm>>) target(%arg16 : memref<96xi32, #tpu.memory_space<vmem>>) target_semaphore(%arg30 : memref<!tpu.dma_semaphore, #tpu.memory_space<semaphore_mem>>)
      } else {
      }
      %dma_wait3A_247 = arith.constant 0 : i32
      %dma_wait3A_248 = arith.constant 0 : i32
      %dma_wait3A_249 = tpu.memref_slice %arg2[%dma_wait3A_247, %dma_wait3A_248] : memref<21504x128xf32, #tpu.memory_space<hbm>> -> memref<21504x128xf32, #tpu.memory_space<hbm>>
      tpu.wait_indirect_dma semaphore(%arg28 : memref<!tpu.dma_semaphore, #tpu.memory_space<semaphore_mem>>) src(%dma_wait3A_249 : memref<21504x128xf32, #tpu.memory_space<hbm>>) dst(%arg20 : memref<96x128xf32, #tpu.memory_space<vmem>>)
      %get3A_250 = arith.constant 0 : index
      %get3A_251 = tpu.vector_load %arg19[%get3A_250] {strides = array<i32>} : memref<96xi32, #tpu.memory_space<vmem>>, vector<16xi32>,
      %get3A_252 = vector.shape_cast %get3A_251 : vector<16xi32> to vector<16xi32>
      %swap3A_253 = arith.constant 0 : index
      %swap3A_254 = tpu.vector_load %arg23[%swap3A_253] {strides = array<i32>} : memref<96xi32, #tpu.memory_space<vmem>>, vector<16xi32>,
      %swap3A_255 = vector.shape_cast %swap3A_254 : vector<16xi32> to vector<16xi32>
      %swap3A_256 = vector.shape_cast %get3A_252 : vector<16xi32> to vector<16xi32>
      tpu.vector_store %arg23[%swap3A_253], %swap3A_256 {strides = array<i32>} : memref<96xi32, #tpu.memory_space<vmem>>, vector<16xi32>,
      %get3A_257 = arith.constant 16 : index
      %get3A_258 = tpu.vector_load %arg19[%get3A_257] {strides = array<i32>} : memref<96xi32, #tpu.memory_space<vmem>>, vector<16xi32>,
      %get3A_259 = vector.shape_cast %get3A_258 : vector<16xi32> to vector<16xi32>
      %swap3A_260 = arith.constant 16 : index
      %swap3A_261 = tpu.vector_load %arg23[%swap3A_260] {strides = array<i32>} : memref<96xi32, #tpu.memory_space<vmem>>, vector<16xi32>,
      %swap3A_262 = vector.shape_cast %swap3A_261 : vector<16xi32> to vector<16xi32>
      %swap3A_263 = vector.shape_cast %get3A_259 : vector<16xi32> to vector<16xi32>
      tpu.vector_store %arg23[%swap3A_260], %swap3A_263 {strides = array<i32>} : memref<96xi32, #tpu.memory_space<vmem>>, vector<16xi32>,
      %get3A_264 = arith.constant 32 : index
      %get3A_265 = tpu.vector_load %arg19[%get3A_264] {strides = array<i32>} : memref<96xi32, #tpu.memory_space<vmem>>, vector<16xi32>,
      %get3A_266 = vector.shape_cast %get3A_265 : vector<16xi32> to vector<16xi32>
      %swap3A_267 = arith.constant 32 : index
      %swap3A_268 = tpu.vector_load %arg23[%swap3A_267] {strides = array<i32>} : memref<96xi32, #tpu.memory_space<vmem>>, vector<16xi32>,
      %swap3A_269 = vector.shape_cast %swap3A_268 : vector<16xi32> to vector<16xi32>
      %swap3A_270 = vector.shape_cast %get3A_266 : vector<16xi32> to vector<16xi32>
      tpu.vector_store %arg23[%swap3A_267], %swap3A_270 {strides = array<i32>} : memref<96xi32, #tpu.memory_space<vmem>>, vector<16xi32>,
      %get3A_271 = arith.constant 48 : index
      %get3A_272 = tpu.vector_load %arg19[%get3A_271] {strides = array<i32>} : memref<96xi32, #tpu.memory_space<vmem>>, vector<16xi32>,
      %get3A_273 = vector.shape_cast %get3A_272 : vector<16xi32> to vector<16xi32>
      %swap3A_274 = arith.constant 48 : index
      %swap3A_275 = tpu.vector_load %arg23[%swap3A_274] {strides = array<i32>} : memref<96xi32, #tpu.memory_space<vmem>>, vector<16xi32>,
      %swap3A_276 = vector.shape_cast %swap3A_275 : vector<16xi32> to vector<16xi32>
      %swap3A_277 = vector.shape_cast %get3A_273 : vector<16xi32> to vector<16xi32>
      tpu.vector_store %arg23[%swap3A_274], %swap3A_277 {strides = array<i32>} : memref<96xi32, #tpu.memory_space<vmem>>, vector<16xi32>,
      %get3A_278 = arith.constant 64 : index
      %get3A_279 = tpu.vector_load %arg19[%get3A_278] {strides = array<i32>} : memref<96xi32, #tpu.memory_space<vmem>>, vector<16xi32>,
      %get3A_280 = vector.shape_cast %get3A_279 : vector<16xi32> to vector<16xi32>
      %swap3A_281 = arith.constant 64 : index
      %swap3A_282 = tpu.vector_load %arg23[%swap3A_281] {strides = array<i32>} : memref<96xi32, #tpu.memory_space<vmem>>, vector<16xi32>,
      %swap3A_283 = vector.shape_cast %swap3A_282 : vector<16xi32> to vector<16xi32>
      %swap3A_284 = vector.shape_cast %get3A_280 : vector<16xi32> to vector<16xi32>
      tpu.vector_store %arg23[%swap3A_281], %swap3A_284 {strides = array<i32>} : memref<96xi32, #tpu.memory_space<vmem>>, vector<16xi32>,
      %get3A_285 = arith.constant 80 : index
      %get3A_286 = tpu.vector_load %arg19[%get3A_285] {strides = array<i32>} : memref<96xi32, #tpu.memory_space<vmem>>, vector<16xi32>,
      %get3A_287 = vector.shape_cast %get3A_286 : vector<16xi32> to vector<16xi32>
      %swap3A_288 = arith.constant 80 : index
      %swap3A_289 = tpu.vector_load %arg23[%swap3A_288] {strides = array<i32>} : memref<96xi32, #tpu.memory_space<vmem>>, vector<16xi32>,
      %swap3A_290 = vector.shape_cast %swap3A_289 : vector<16xi32> to vector<16xi32>
      %swap3A_291 = vector.shape_cast %get3A_287 : vector<16xi32> to vector<16xi32>
      tpu.vector_store %arg23[%swap3A_288], %swap3A_291 {strides = array<i32>} : memref<96xi32, #tpu.memory_space<vmem>>, vector<16xi32>,
      %dma_start3A_292 = arith.constant 0 : i32
      %dma_start3A_293 = arith.constant 0 : i32
      %dma_start3A_294 = tpu.memref_slice %arg10[%dma_start3A_292, %dma_start3A_293] : memref<10752x128xf32, #tpu.memory_space<vmem_shared>> -> memref<10752x128xf32, #tpu.memory_space<vmem_shared>>
      tpu.enqueue_indirect_dma source(%arg20 : memref<96x128xf32, #tpu.memory_space<vmem>>) target(%dma_start3A_294 : memref<10752x128xf32, #tpu.memory_space<vmem_shared>>) offsets(%arg23 : memref<96xi32, #tpu.memory_space<vmem>>) semaphore(%arg34 : memref<!tpu.dma_semaphore, #tpu.memory_space<semaphore_mem>>) {add = true}
      %eq3A_295 = arith.constant 0 : i32
      %eq3A_296 = arith.cmpi eq, %arg0, %eq3A_295 : i32
      %convert_element_type3A_297 = arith.extui %eq3A_296 : i1 to i32
      %cond3A_298 = arith.constant 0 : i32
      %cond3A_299 = arith.cmpi ne, %convert_element_type3A_297, %cond3A_298 : i32
      scf.if %cond3A_299 {
        %dma_start3A_315 = arith.constant 0 : i32
        %dma_start3A_316 = tpu.memref_slice %arg11[%dma_start3A_315] : memref<10752xf32, #tpu.memory_space<vmem_shared>> -> memref<10752xf32, #tpu.memory_space<vmem_shared>>
        tpu.enqueue_indirect_dma source(%arg24 : memref<96xf32, #tpu.memory_space<vmem>>) target(%dma_start3A_316 : memref<10752xf32, #tpu.memory_space<vmem_shared>>) offsets(%arg23 : memref<96xi32, #tpu.memory_space<vmem>>) semaphore(%arg34 : memref<!tpu.dma_semaphore, #tpu.memory_space<semaphore_mem>>) {add = true}
      } else {
      }
      %add3A_300 = arith.constant 4 : i32
      %add3A_301 = arith.addi %mul3A_107, %add3A_300 : i32
      %lt3A_302 = arith.constant 105 : i32
      %lt3A_303 = arith.cmpi slt, %add3A_301, %lt3A_302 : i32
      %convert_element_type3A_304 = arith.extui %lt3A_303 : i1 to i32
      %cond3A_305 = arith.constant 0 : i32
      %cond3A_306 = arith.cmpi ne, %convert_element_type3A_304, %cond3A_305 : i32
      scf.if %cond3A_306 {
        %dma_wait3A_315 = arith.constant 0 : i32
        %dma_wait3A_316 = arith.constant 0 : i32
        %dma_wait3A_317 = tpu.memref_slice %arg10[%dma_wait3A_315, %dma_wait3A_316] : memref<10752x128xf32, #tpu.memory_space<vmem_shared>> -> memref<10752x128xf32, #tpu.memory_space<vmem_shared>>
        tpu.wait_indirect_dma semaphore(%arg33 : memref<!tpu.dma_semaphore, #tpu.memory_space<semaphore_mem>>) src(%arg17 : memref<96x128xf32, #tpu.memory_space<vmem>>) dst(%dma_wait3A_317 : memref<10752x128xf32, #tpu.memory_space<vmem_shared>>)
        %eq3A_318 = arith.constant 0 : i32
        %eq3A_319 = arith.cmpi eq, %arg0, %eq3A_318 : i32
        %convert_element_type3A_320 = arith.extui %eq3A_319 : i1 to i32
        %cond3A_321 = arith.constant 0 : i32
        %cond3A_322 = arith.cmpi ne, %convert_element_type3A_320, %cond3A_321 : i32
        scf.if %cond3A_322 {
          %dma_wait3A_334 = arith.constant 0 : i32
          %dma_wait3A_335 = tpu.memref_slice %arg11[%dma_wait3A_334] : memref<10752xf32, #tpu.memory_space<vmem_shared>> -> memref<10752xf32, #tpu.memory_space<vmem_shared>>
          tpu.wait_indirect_dma semaphore(%arg33 : memref<!tpu.dma_semaphore, #tpu.memory_space<semaphore_mem>>) src(%arg24 : memref<96xf32, #tpu.memory_space<vmem>>) dst(%dma_wait3A_335 : memref<10752xf32, #tpu.memory_space<vmem_shared>>)
        } else {
        }
        %dma_wait3A_323 = arith.constant 0 : i32
        %dma_wait3A_324 = tpu.memref_slice %arg3[%dma_wait3A_323] : memref<322560xi32, #tpu.memory_space<hbm>> -> memref<96xi32, #tpu.memory_space<hbm>>
        %dma_wait3A_325 = arith.constant 0 : i32
        %dma_wait3A_326 = tpu.memref_slice %arg3[%dma_wait3A_325] : memref<322560xi32, #tpu.memory_space<hbm>> -> memref<96xi32, #tpu.memory_space<hbm>>
        tpu.wait_dma2 semaphore(%arg30 : memref<!tpu.dma_semaphore, #tpu.memory_space<semaphore_mem>>) src(%dma_wait3A_326 : memref<96xi32, #tpu.memory_space<hbm>>) dst(%arg15 : memref<96xi32, #tpu.memory_space<vmem>>)
        %dma_wait3A_327 = arith.constant 0 : i32
        %dma_wait3A_328 = tpu.memref_slice %arg4[%dma_wait3A_327] : memref<161280xi32, #tpu.memory_space<hbm>> -> memref<96xi32, #tpu.memory_space<hbm>>
        %dma_wait3A_329 = arith.constant 0 : i32
        %dma_wait3A_330 = tpu.memref_slice %arg4[%dma_wait3A_329] : memref<161280xi32, #tpu.memory_space<hbm>> -> memref<96xi32, #tpu.memory_space<hbm>>
        tpu.wait_dma2 semaphore(%arg30 : memref<!tpu.dma_semaphore, #tpu.memory_space<semaphore_mem>>) src(%dma_wait3A_330 : memref<96xi32, #tpu.memory_space<hbm>>) dst(%arg16 : memref<96xi32, #tpu.memory_space<vmem>>)
        %dma_start3A_331 = arith.constant 0 : i32
        %dma_start3A_332 = arith.constant 0 : i32
        %dma_start3A_333 = tpu.memref_slice %arg2[%dma_start3A_331, %dma_start3A_332] : memref<21504x128xf32, #tpu.memory_space<hbm>> -> memref<21504x128xf32, #tpu.memory_space<hbm>>
        tpu.enqueue_indirect_dma source(%dma_start3A_333 : memref<21504x128xf32, #tpu.memory_space<hbm>>) target(%arg17 : memref<96x128xf32, #tpu.memory_space<vmem>>) offsets(%arg15 : memref<96xi32, #tpu.memory_space<vmem>>) semaphore(%arg27 : memref<!tpu.dma_semaphore, #tpu.memory_space<semaphore_mem>>)
      } else {
      }
      %add3A_307 = arith.constant 5 : i32
      %add3A_308 = arith.addi %mul3A_107, %add3A_307 : i32
      %lt3A_309 = arith.constant 105 : i32
      %lt3A_310 = arith.cmpi slt, %add3A_308, %lt3A_309 : i32
      %convert_element_type3A_311 = arith.extui %lt3A_310 : i1 to i32
      %cond3A_312 = arith.constant 0 : i32
      %cond3A_313 = arith.cmpi ne, %convert_element_type3A_311, %cond3A_312 : i32
      scf.if %cond3A_313 {
        %add3A_315 = arith.constant 5 : i32
        %add3A_316 = arith.addi %mul3A_107, %add3A_315 : i32
        %mul3A_317 = arith.constant 10080 : i32
        %mul3A_318 = arith.muli %arg1, %mul3A_317 : i32
        %mul3A_319 = arith.constant 96 : i32
        %mul3A_320 = arith.muli %add3A_316, %mul3A_319 : i32
        %add3A_321 = arith.addi %mul3A_318, %mul3A_320 : i32
        %multiple_of3A_322 = tpu.assume_multiple %add3A_321, 8 : i32
        %mul3A_323 = arith.constant 161280 : i32
        %mul3A_324 = arith.muli %arg0, %mul3A_323 : i32
        %add3A_325 = arith.addi %mul3A_324, %multiple_of3A_322 : i32
        %multiple_of3A_326 = tpu.assume_multiple %add3A_325, 8 : i32
        %dma_start3A_327 = tpu.memref_slice %arg3[%multiple_of3A_326] : memref<322560xi32, #tpu.memory_space<hbm>> -> memref<96xi32, #tpu.memory_space<hbm>>
        %dma_start3A_328 = tpu.memref_slice %arg3[%multiple_of3A_326] : memref<322560xi32, #tpu.memory_space<hbm>> -> memref<96xi32, #tpu.memory_space<hbm>>
        tpu.enqueue_dma source(%dma_start3A_328 : memref<96xi32, #tpu.memory_space<hbm>>) target(%arg18 : memref<96xi32, #tpu.memory_space<vmem>>) target_semaphore(%arg31 : memref<!tpu.dma_semaphore, #tpu.memory_space<semaphore_mem>>)
        %dma_start3A_329 = tpu.memref_slice %arg4[%multiple_of3A_322] : memref<161280xi32, #tpu.memory_space<hbm>> -> memref<96xi32, #tpu.memory_space<hbm>>
        %dma_start3A_330 = tpu.memref_slice %arg4[%multiple_of3A_322] : memref<161280xi32, #tpu.memory_space<hbm>> -> memref<96xi32, #tpu.memory_space<hbm>>
        tpu.enqueue_dma source(%dma_start3A_330 : memref<96xi32, #tpu.memory_space<hbm>>) target(%arg19 : memref<96xi32, #tpu.memory_space<vmem>>) target_semaphore(%arg31 : memref<!tpu.dma_semaphore, #tpu.memory_space<semaphore_mem>>)
      } else {
      }
      %scan3A_314 = arith.constant 0 : i32
      scf.yield %scan3A_314 : i32
    }
    %scan3A_69 = arith.constant 35 : i32
    %dma_wait3A_70 = arith.constant 0 : i32
    %dma_wait3A_71 = arith.constant 0 : i32
    %dma_wait3A_72 = tpu.memref_slice %arg10[%dma_wait3A_70, %dma_wait3A_71] : memref<10752x128xf32, #tpu.memory_space<vmem_shared>> -> memref<10752x128xf32, #tpu.memory_space<vmem_shared>>
    tpu.wait_indirect_dma semaphore(%arg32 : memref<!tpu.dma_semaphore, #tpu.memory_space<semaphore_mem>>) src(%arg14 : memref<96x128xf32, #tpu.memory_space<vmem>>) dst(%dma_wait3A_72 : memref<10752x128xf32, #tpu.memory_space<vmem_shared>>)
    %eq3A = arith.constant 0 : i32
    %eq3A_73 = arith.cmpi eq, %arg0, %eq3A : i32
    %convert_element_type3A = arith.extui %eq3A_73 : i1 to i32
    %cond3A = arith.constant 0 : i32
    %cond3A_74 = arith.cmpi ne, %convert_element_type3A, %cond3A : i32
    scf.if %cond3A_74 {
      %dma_wait3A_104 = arith.constant 0 : i32
      %dma_wait3A_105 = tpu.memref_slice %arg11[%dma_wait3A_104] : memref<10752xf32, #tpu.memory_space<vmem_shared>> -> memref<10752xf32, #tpu.memory_space<vmem_shared>>
      tpu.wait_indirect_dma semaphore(%arg32 : memref<!tpu.dma_semaphore, #tpu.memory_space<semaphore_mem>>) src(%arg24 : memref<96xf32, #tpu.memory_space<vmem>>) dst(%dma_wait3A_105 : memref<10752xf32, #tpu.memory_space<vmem_shared>>)
    } else {
    }
    %dma_wait3A_75 = arith.constant 0 : i32
    %dma_wait3A_76 = arith.constant 0 : i32
    %dma_wait3A_77 = tpu.memref_slice %arg10[%dma_wait3A_75, %dma_wait3A_76] : memref<10752x128xf32, #tpu.memory_space<vmem_shared>> -> memref<10752x128xf32, #tpu.memory_space<vmem_shared>>
    tpu.wait_indirect_dma semaphore(%arg33 : memref<!tpu.dma_semaphore, #tpu.memory_space<semaphore_mem>>) src(%arg17 : memref<96x128xf32, #tpu.memory_space<vmem>>) dst(%dma_wait3A_77 : memref<10752x128xf32, #tpu.memory_space<vmem_shared>>)
    %eq3A_78 = arith.constant 0 : i32
    %eq3A_79 = arith.cmpi eq, %arg0, %eq3A_78 : i32
    %convert_element_type3A_80 = arith.extui %eq3A_79 : i1 to i32
    %cond3A_81 = arith.constant 0 : i32
    %cond3A_82 = arith.cmpi ne, %convert_element_type3A_80, %cond3A_81 : i32
    scf.if %cond3A_82 {
      %dma_wait3A_104 = arith.constant 0 : i32
      %dma_wait3A_105 = tpu.memref_slice %arg11[%dma_wait3A_104] : memref<10752xf32, #tpu.memory_space<vmem_shared>> -> memref<10752xf32, #tpu.memory_space<vmem_shared>>
      tpu.wait_indirect_dma semaphore(%arg33 : memref<!tpu.dma_semaphore, #tpu.memory_space<semaphore_mem>>) src(%arg24 : memref<96xf32, #tpu.memory_space<vmem>>) dst(%dma_wait3A_105 : memref<10752xf32, #tpu.memory_space<vmem_shared>>)
    } else {
    }
    %dma_wait3A_83 = arith.constant 0 : i32
    %dma_wait3A_84 = arith.constant 0 : i32
    %dma_wait3A_85 = tpu.memref_slice %arg10[%dma_wait3A_83, %dma_wait3A_84] : memref<10752x128xf32, #tpu.memory_space<vmem_shared>> -> memref<10752x128xf32, #tpu.memory_space<vmem_shared>>
    tpu.wait_indirect_dma semaphore(%arg34 : memref<!tpu.dma_semaphore, #tpu.memory_space<semaphore_mem>>) src(%arg20 : memref<96x128xf32, #tpu.memory_space<vmem>>) dst(%dma_wait3A_85 : memref<10752x128xf32, #tpu.memory_space<vmem_shared>>)
    %eq3A_86 = arith.constant 0 : i32
    %eq3A_87 = arith.cmpi eq, %arg0, %eq3A_86 : i32
    %convert_element_type3A_88 = arith.extui %eq3A_87 : i1 to i32
    %cond3A_89 = arith.constant 0 : i32
    %cond3A_90 = arith.cmpi ne, %convert_element_type3A_88, %cond3A_89 : i32
    scf.if %cond3A_90 {
      %dma_wait3A_104 = arith.constant 0 : i32
      %dma_wait3A_105 = tpu.memref_slice %arg11[%dma_wait3A_104] : memref<10752xf32, #tpu.memory_space<vmem_shared>> -> memref<10752xf32, #tpu.memory_space<vmem_shared>>
      tpu.wait_indirect_dma semaphore(%arg34 : memref<!tpu.dma_semaphore, #tpu.memory_space<semaphore_mem>>) src(%arg24 : memref<96xf32, #tpu.memory_space<vmem>>) dst(%dma_wait3A_105 : memref<10752xf32, #tpu.memory_space<vmem_shared>>)
    } else {
    }
    %barrier3A_91 = arith.constant 0 : index
    tpu.barrier barrier_id(%barrier3A_91)
    %mul3A_92 = arith.constant 672 : i32
    %mul3A_93 = arith.muli %arg1, %mul3A_92 : i32
    %mul3A_94 = arith.constant 10752 : i32
    %mul3A_95 = arith.muli %arg0, %mul3A_94 : i32
    %mul3A_96 = arith.constant 672 : i32
    %mul3A_97 = arith.muli %arg1, %mul3A_96 : i32
    %add3A_98 = arith.addi %mul3A_95, %mul3A_97 : i32
    "tpu.region"() ({
      %run_scoped3A = tpu.sem_alloc : memref<!tpu.dma_semaphore, #tpu.memory_space<semaphore_mem>>
      %dma_start3A_104 = arith.constant 0 : i32
      %dma_start3A_105 = tpu.memref_slice %arg8[%add3A_98, %dma_start3A_104] : memref<21504x128xf32, #tpu.memory_space<hbm>> -> memref<672x128xf32, #tpu.memory_space<hbm>>
      %dma_start3A_106 = arith.constant 0 : i32
      %dma_start3A_107 = tpu.memref_slice %arg10[%mul3A_93, %dma_start3A_106] : memref<10752x128xf32, #tpu.memory_space<vmem_shared>> -> memref<672x128xf32, #tpu.memory_space<vmem_shared>>
      tpu.enqueue_dma source(%dma_start3A_107 : memref<672x128xf32, #tpu.memory_space<vmem_shared>>) target(%dma_start3A_105 : memref<672x128xf32, #tpu.memory_space<hbm>>) target_semaphore(%run_scoped3A : memref<!tpu.dma_semaphore, #tpu.memory_space<semaphore_mem>>)
      %dma_wait3A_108 = arith.constant 0 : i32
      %dma_wait3A_109 = tpu.memref_slice %arg8[%add3A_98, %dma_wait3A_108] : memref<21504x128xf32, #tpu.memory_space<hbm>> -> memref<672x128xf32, #tpu.memory_space<hbm>>
      %dma_wait3A_110 = arith.constant 0 : i32
      %dma_wait3A_111 = tpu.memref_slice %arg10[%mul3A_93, %dma_wait3A_110] : memref<10752x128xf32, #tpu.memory_space<vmem_shared>> -> memref<672x128xf32, #tpu.memory_space<vmem_shared>>
      tpu.wait_dma2 semaphore(%run_scoped3A : memref<!tpu.dma_semaphore, #tpu.memory_space<semaphore_mem>>) src(%dma_wait3A_111 : memref<672x128xf32, #tpu.memory_space<vmem_shared>>) dst(%dma_wait3A_109 : memref<672x128xf32, #tpu.memory_space<hbm>>)
      tpu.yield
    }) : () -> ()
    %eq3A_99 = arith.constant 0 : i32
    %eq3A_100 = arith.cmpi eq, %arg0, %eq3A_99 : i32
    %convert_element_type3A_101 = arith.extui %eq3A_100 : i1 to i32
    %cond3A_102 = arith.constant 0 : i32
    %cond3A_103 = arith.cmpi ne, %convert_element_type3A_101, %cond3A_102 : i32
    scf.if %cond3A_103 {
      %mul3A_104 = arith.constant 672 : i32
      %mul3A_105 = arith.muli %arg1, %mul3A_104 : i32
      "tpu.region"() ({
        %run_scoped3A = tpu.sem_alloc : memref<!tpu.dma_semaphore, #tpu.memory_space<semaphore_mem>>
        %dma_start3A_108 = tpu.memref_slice %arg11[%mul3A_105] : memref<10752xf32, #tpu.memory_space<vmem_shared>> -> memref<672xf32, #tpu.memory_space<vmem_shared>>
        %dma_start3A_109 = tpu.memref_slice %arg11[%mul3A_105] : memref<10752xf32, #tpu.memory_space<vmem_shared>> -> memref<672xf32, #tpu.memory_space<vmem_shared>>
        tpu.enqueue_dma source(%dma_start3A_109 : memref<672xf32, #tpu.memory_space<vmem_shared>>) target(%arg25 : memref<672xf32, #tpu.memory_space<vmem>>) target_semaphore(%run_scoped3A : memref<!tpu.dma_semaphore, #tpu.memory_space<semaphore_mem>>)
        %dma_wait3A_110 = tpu.memref_slice %arg11[%mul3A_105] : memref<10752xf32, #tpu.memory_space<vmem_shared>> -> memref<672xf32, #tpu.memory_space<vmem_shared>>
        %dma_wait3A_111 = tpu.memref_slice %arg11[%mul3A_105] : memref<10752xf32, #tpu.memory_space<vmem_shared>> -> memref<672xf32, #tpu.memory_space<vmem_shared>>
        tpu.wait_dma2 semaphore(%run_scoped3A : memref<!tpu.dma_semaphore, #tpu.memory_space<semaphore_mem>>) src(%dma_wait3A_111 : memref<672xf32, #tpu.memory_space<vmem_shared>>) dst(%arg25 : memref<672xf32, #tpu.memory_space<vmem>>)
        tpu.yield
      }) : () -> ()
      %mul3A_106 = arith.constant 672 : i32
      %mul3A_107 = arith.muli %arg1, %mul3A_106 : i32
      "tpu.region"() ({
        %run_scoped3A = tpu.sem_alloc : memref<!tpu.dma_semaphore, #tpu.memory_space<semaphore_mem>>
        %dma_start3A_108 = tpu.memref_slice %arg9[%mul3A_107] : memref<10752xf32, #tpu.memory_space<hbm>> -> memref<672xf32, #tpu.memory_space<hbm>>
        %dma_start3A_109 = tpu.memref_slice %arg9[%mul3A_107] : memref<10752xf32, #tpu.memory_space<hbm>> -> memref<672xf32, #tpu.memory_space<hbm>>
        tpu.enqueue_dma source(%arg25 : memref<672xf32, #tpu.memory_space<vmem>>) target(%dma_start3A_109 : memref<672xf32, #tpu.memory_space<hbm>>) target_semaphore(%run_scoped3A : memref<!tpu.dma_semaphore, #tpu.memory_space<semaphore_mem>>)
        %dma_wait3A_110 = tpu.memref_slice %arg9[%mul3A_107] : memref<10752xf32, #tpu.memory_space<hbm>> -> memref<672xf32, #tpu.memory_space<hbm>>
        %dma_wait3A_111 = tpu.memref_slice %arg9[%mul3A_107] : memref<10752xf32, #tpu.memory_space<hbm>> -> memref<672xf32, #tpu.memory_space<hbm>>
        tpu.wait_dma2 semaphore(%run_scoped3A : memref<!tpu.dma_semaphore, #tpu.memory_space<semaphore_mem>>) src(%arg25 : memref<672xf32, #tpu.memory_space<vmem>>) dst(%dma_wait3A_111 : memref<672xf32, #tpu.memory_space<hbm>>)
        tpu.yield
      }) : () -> ()
    } else {
    }
    return
  }
}

#map = affine_map<(d0, d1) -> (0, 0)>
#map1 = affine_map<(d0, d1) -> (0)>
module attributes {stable_mosaic.version = 14 : i64} {
  func.func @gsa_tail(%arg0: i32, %arg1: i32, %arg2: memref<21504x128xf32, #tpu.memory_space<hbm>>, %arg3: memref<322560xi32, #tpu.memory_space<hbm>>, %arg4: memref<161280xi32, #tpu.memory_space<hbm>>, %arg5: memref<768x128xf32, #tpu.memory_space<hbm>>, %arg6: memref<1024x128xf32, #tpu.memory_space<hbm>>, %arg7: memref<768x128xf32, #tpu.memory_space<vmem_shared>>, %arg8: memref<1680xi32, #tpu.memory_space<vmem>>, %arg9: memref<1680xi32, #tpu.memory_space<vmem>>, %arg10: memref<848xi32, #tpu.memory_space<vmem>>, %arg11: memref<848xi32, #tpu.memory_space<vmem>>, %arg12: memref<848x128xf32, #tpu.memory_space<vmem>>, %arg13: memref<!tpu.dma_semaphore, #tpu.memory_space<semaphore_mem>>) attributes {dimension_semantics = [#tpu.dimension_semantics<core_parallel>, #tpu.dimension_semantics<subcore_parallel>], iteration_bounds = array<i64: 2, 16>, scalar_prefetch = 0 : i64, scratch_operands = 7 : i64, tpu.core_type = #tpu.core_type<sc_vector_subcore>, window_params = [{transform_indices = #map}, {transform_indices = #map1}, {transform_indices = #map1}, {transform_indices = #map}, {transform_indices = #map}]} {
    %iota3A = tpu.iota {dimensions = array<i32: 0>} : vector<16xi32>
    %add3A = arith.constant 0 : i32
    %add3A_0 = vector.broadcast %add3A : i32 to vector<16xi32>
    %add3A_1 = arith.addi %iota3A, %add3A_0 : vector<16xi32>
    %and3A = arith.constant 8191 : i32
    %and3A_2 = vector.broadcast %and3A : i32 to vector<16xi32>
    %and3A_3 = arith.andi %add3A_1, %and3A_2 : vector<16xi32>
    %mul3A = arith.constant 10752 : i32
    %mul3A_4 = arith.muli %arg0, %mul3A : i32
    %add3A_5 = vector.broadcast %mul3A_4 : i32 to vector<16xi32>
    %add3A_6 = arith.addi %and3A_3, %add3A_5 : vector<16xi32>
    %swap3A = arith.constant 0 : index
    %swap3A_7 = tpu.vector_load %arg10[%swap3A] {strides = array<i32>} : memref<848xi32, #tpu.memory_space<vmem>>, vector<16xi32>,
    tpu.vector_store %arg10[%swap3A], %add3A_6 {strides = array<i32>} : memref<848xi32, #tpu.memory_space<vmem>>, vector<16xi32>,
    %and3A_8 = arith.constant 255 : i32
    %and3A_9 = vector.broadcast %and3A_8 : i32 to vector<16xi32>
    %and3A_10 = arith.andi %add3A_1, %and3A_9 : vector<16xi32>
    %add3A_11 = arith.constant 512 : i32
    %add3A_12 = vector.broadcast %add3A_11 : i32 to vector<16xi32>
    %add3A_13 = arith.addi %add3A_12, %and3A_10 : vector<16xi32>
    %swap3A_14 = arith.constant 0 : index
    %swap3A_15 = tpu.vector_load %arg11[%swap3A_14] {strides = array<i32>} : memref<848xi32, #tpu.memory_space<vmem>>, vector<16xi32>,
    tpu.vector_store %arg11[%swap3A_14], %add3A_13 {strides = array<i32>} : memref<848xi32, #tpu.memory_space<vmem>>, vector<16xi32>,
    %iota3A_16 = tpu.iota {dimensions = array<i32: 0>} : vector<16xi32>
    %add3A_17 = arith.constant 16 : i32
    %add3A_18 = vector.broadcast %add3A_17 : i32 to vector<16xi32>
    %add3A_19 = arith.addi %iota3A_16, %add3A_18 : vector<16xi32>
    %and3A_20 = arith.constant 8191 : i32
    %and3A_21 = vector.broadcast %and3A_20 : i32 to vector<16xi32>
    %and3A_22 = arith.andi %add3A_19, %and3A_21 : vector<16xi32>
    %mul3A_23 = arith.constant 10752 : i32
    %mul3A_24 = arith.muli %arg0, %mul3A_23 : i32
    %add3A_25 = vector.broadcast %mul3A_24 : i32 to vector<16xi32>
    %add3A_26 = arith.addi %and3A_22, %add3A_25 : vector<16xi32>
    %swap3A_27 = arith.constant 16 : index
    %swap3A_28 = tpu.vector_load %arg10[%swap3A_27] {strides = array<i32>} : memref<848xi32, #tpu.memory_space<vmem>>, vector<16xi32>,
    tpu.vector_store %arg10[%swap3A_27], %add3A_26 {strides = array<i32>} : memref<848xi32, #tpu.memory_space<vmem>>, vector<16xi32>,
    %and3A_29 = arith.constant 255 : i32
    %and3A_30 = vector.broadcast %and3A_29 : i32 to vector<16xi32>
    %and3A_31 = arith.andi %add3A_19, %and3A_30 : vector<16xi32>
    %add3A_32 = arith.constant 512 : i32
    %add3A_33 = vector.broadcast %add3A_32 : i32 to vector<16xi32>
    %add3A_34 = arith.addi %add3A_33, %and3A_31 : vector<16xi32>
    %swap3A_35 = arith.constant 16 : index
    %swap3A_36 = tpu.vector_load %arg11[%swap3A_35] {strides = array<i32>} : memref<848xi32, #tpu.memory_space<vmem>>, vector<16xi32>,
    tpu.vector_store %arg11[%swap3A_35], %add3A_34 {strides = array<i32>} : memref<848xi32, #tpu.memory_space<vmem>>, vector<16xi32>,
    %iota3A_37 = tpu.iota {dimensions = array<i32: 0>} : vector<16xi32>
    %add3A_38 = arith.constant 32 : i32
    %add3A_39 = vector.broadcast %add3A_38 : i32 to vector<16xi32>
    %add3A_40 = arith.addi %iota3A_37, %add3A_39 : vector<16xi32>
    %and3A_41 = arith.constant 8191 : i32
    %and3A_42 = vector.broadcast %and3A_41 : i32 to vector<16xi32>
    %and3A_43 = arith.andi %add3A_40, %and3A_42 : vector<16xi32>
    %mul3A_44 = arith.constant 10752 : i32
    %mul3A_45 = arith.muli %arg0, %mul3A_44 : i32
    %add3A_46 = vector.broadcast %mul3A_45 : i32 to vector<16xi32>
    %add3A_47 = arith.addi %and3A_43, %add3A_46 : vector<16xi32>
    %swap3A_48 = arith.constant 32 : index
    %swap3A_49 = tpu.vector_load %arg10[%swap3A_48] {strides = array<i32>} : memref<848xi32, #tpu.memory_space<vmem>>, vector<16xi32>,
    tpu.vector_store %arg10[%swap3A_48], %add3A_47 {strides = array<i32>} : memref<848xi32, #tpu.memory_space<vmem>>, vector<16xi32>,
    %and3A_50 = arith.constant 255 : i32
    %and3A_51 = vector.broadcast %and3A_50 : i32 to vector<16xi32>
    %and3A_52 = arith.andi %add3A_40, %and3A_51 : vector<16xi32>
    %add3A_53 = arith.constant 512 : i32
    %add3A_54 = vector.broadcast %add3A_53 : i32 to vector<16xi32>
    %add3A_55 = arith.addi %add3A_54, %and3A_52 : vector<16xi32>
    %swap3A_56 = arith.constant 32 : index
    %swap3A_57 = tpu.vector_load %arg11[%swap3A_56] {strides = array<i32>} : memref<848xi32, #tpu.memory_space<vmem>>, vector<16xi32>,
    tpu.vector_store %arg11[%swap3A_56], %add3A_55 {strides = array<i32>} : memref<848xi32, #tpu.memory_space<vmem>>, vector<16xi32>,
    %iota3A_58 = tpu.iota {dimensions = array<i32: 0>} : vector<16xi32>
    %add3A_59 = arith.constant 48 : i32
    %add3A_60 = vector.broadcast %add3A_59 : i32 to vector<16xi32>
    %add3A_61 = arith.addi %iota3A_58, %add3A_60 : vector<16xi32>
    %and3A_62 = arith.constant 8191 : i32
    %and3A_63 = vector.broadcast %and3A_62 : i32 to vector<16xi32>
    %and3A_64 = arith.andi %add3A_61, %and3A_63 : vector<16xi32>
    %mul3A_65 = arith.constant 10752 : i32
    %mul3A_66 = arith.muli %arg0, %mul3A_65 : i32
    %add3A_67 = vector.broadcast %mul3A_66 : i32 to vector<16xi32>
    %add3A_68 = arith.addi %and3A_64, %add3A_67 : vector<16xi32>
    %swap3A_69 = arith.constant 48 : index
    %swap3A_70 = tpu.vector_load %arg10[%swap3A_69] {strides = array<i32>} : memref<848xi32, #tpu.memory_space<vmem>>, vector<16xi32>,
    tpu.vector_store %arg10[%swap3A_69], %add3A_68 {strides = array<i32>} : memref<848xi32, #tpu.memory_space<vmem>>, vector<16xi32>,
    %and3A_71 = arith.constant 255 : i32
    %and3A_72 = vector.broadcast %and3A_71 : i32 to vector<16xi32>
    %and3A_73 = arith.andi %add3A_61, %and3A_72 : vector<16xi32>
    %add3A_74 = arith.constant 512 : i32
    %add3A_75 = vector.broadcast %add3A_74 : i32 to vector<16xi32>
    %add3A_76 = arith.addi %add3A_75, %and3A_73 : vector<16xi32>
    %swap3A_77 = arith.constant 48 : index
    %swap3A_78 = tpu.vector_load %arg11[%swap3A_77] {strides = array<i32>} : memref<848xi32, #tpu.memory_space<vmem>>, vector<16xi32>,
    tpu.vector_store %arg11[%swap3A_77], %add3A_76 {strides = array<i32>} : memref<848xi32, #tpu.memory_space<vmem>>, vector<16xi32>,
    %iota3A_79 = tpu.iota {dimensions = array<i32: 0>} : vector<16xi32>
    %add3A_80 = arith.constant 64 : i32
    %add3A_81 = vector.broadcast %add3A_80 : i32 to vector<16xi32>
    %add3A_82 = arith.addi %iota3A_79, %add3A_81 : vector<16xi32>
    %and3A_83 = arith.constant 8191 : i32
    %and3A_84 = vector.broadcast %and3A_83 : i32 to vector<16xi32>
    %and3A_85 = arith.andi %add3A_82, %and3A_84 : vector<16xi32>
    %mul3A_86 = arith.constant 10752 : i32
    %mul3A_87 = arith.muli %arg0, %mul3A_86 : i32
    %add3A_88 = vector.broadcast %mul3A_87 : i32 to vector<16xi32>
    %add3A_89 = arith.addi %and3A_85, %add3A_88 : vector<16xi32>
    %swap3A_90 = arith.constant 64 : index
    %swap3A_91 = tpu.vector_load %arg10[%swap3A_90] {strides = array<i32>} : memref<848xi32, #tpu.memory_space<vmem>>, vector<16xi32>,
    tpu.vector_store %arg10[%swap3A_90], %add3A_89 {strides = array<i32>} : memref<848xi32, #tpu.memory_space<vmem>>, vector<16xi32>,
    %and3A_92 = arith.constant 255 : i32
    %and3A_93 = vector.broadcast %and3A_92 : i32 to vector<16xi32>
    %and3A_94 = arith.andi %add3A_82, %and3A_93 : vector<16xi32>
    %add3A_95 = arith.constant 512 : i32
    %add3A_96 = vector.broadcast %add3A_95 : i32 to vector<16xi32>
    %add3A_97 = arith.addi %add3A_96, %and3A_94 : vector<16xi32>
    %swap3A_98 = arith.constant 64 : index
    %swap3A_99 = tpu.vector_load %arg11[%swap3A_98] {strides = array<i32>} : memref<848xi32, #tpu.memory_space<vmem>>, vector<16xi32>,
    tpu.vector_store %arg11[%swap3A_98], %add3A_97 {strides = array<i32>} : memref<848xi32, #tpu.memory_space<vmem>>, vector<16xi32>,
    %iota3A_100 = tpu.iota {dimensions = array<i32: 0>} : vector<16xi32>
    %add3A_101 = arith.constant 80 : i32
    %add3A_102 = vector.broadcast %add3A_101 : i32 to vector<16xi32>
    %add3A_103 = arith.addi %iota3A_100, %add3A_102 : vector<16xi32>
    %and3A_104 = arith.constant 8191 : i32
    %and3A_105 = vector.broadcast %and3A_104 : i32 to vector<16xi32>
    %and3A_106 = arith.andi %add3A_103, %and3A_105 : vector<16xi32>
    %mul3A_107 = arith.constant 10752 : i32
    %mul3A_108 = arith.muli %arg0, %mul3A_107 : i32
    %add3A_109 = vector.broadcast %mul3A_108 : i32 to vector<16xi32>
    %add3A_110 = arith.addi %and3A_106, %add3A_109 : vector<16xi32>
    %swap3A_111 = arith.constant 80 : index
    %swap3A_112 = tpu.vector_load %arg10[%swap3A_111] {strides = array<i32>} : memref<848xi32, #tpu.memory_space<vmem>>, vector<16xi32>,
    tpu.vector_store %arg10[%swap3A_111], %add3A_110 {strides = array<i32>} : memref<848xi32, #tpu.memory_space<vmem>>, vector<16xi32>,
    %and3A_113 = arith.constant 255 : i32
    %and3A_114 = vector.broadcast %and3A_113 : i32 to vector<16xi32>
    %and3A_115 = arith.andi %add3A_103, %and3A_114 : vector<16xi32>
    %add3A_116 = arith.constant 512 : i32
    %add3A_117 = vector.broadcast %add3A_116 : i32 to vector<16xi32>
    %add3A_118 = arith.addi %add3A_117, %and3A_115 : vector<16xi32>
    %swap3A_119 = arith.constant 80 : index
    %swap3A_120 = tpu.vector_load %arg11[%swap3A_119] {strides = array<i32>} : memref<848xi32, #tpu.memory_space<vmem>>, vector<16xi32>,
    tpu.vector_store %arg11[%swap3A_119], %add3A_118 {strides = array<i32>} : memref<848xi32, #tpu.memory_space<vmem>>, vector<16xi32>,
    %iota3A_121 = tpu.iota {dimensions = array<i32: 0>} : vector<16xi32>
    %add3A_122 = arith.constant 96 : i32
    %add3A_123 = vector.broadcast %add3A_122 : i32 to vector<16xi32>
    %add3A_124 = arith.addi %iota3A_121, %add3A_123 : vector<16xi32>
    %and3A_125 = arith.constant 8191 : i32
    %and3A_126 = vector.broadcast %and3A_125 : i32 to vector<16xi32>
    %and3A_127 = arith.andi %add3A_124, %and3A_126 : vector<16xi32>
    %mul3A_128 = arith.constant 10752 : i32
    %mul3A_129 = arith.muli %arg0, %mul3A_128 : i32
    %add3A_130 = vector.broadcast %mul3A_129 : i32 to vector<16xi32>
    %add3A_131 = arith.addi %and3A_127, %add3A_130 : vector<16xi32>
    %swap3A_132 = arith.constant 96 : index
    %swap3A_133 = tpu.vector_load %arg10[%swap3A_132] {strides = array<i32>} : memref<848xi32, #tpu.memory_space<vmem>>, vector<16xi32>,
    tpu.vector_store %arg10[%swap3A_132], %add3A_131 {strides = array<i32>} : memref<848xi32, #tpu.memory_space<vmem>>, vector<16xi32>,
    %and3A_134 = arith.constant 255 : i32
    %and3A_135 = vector.broadcast %and3A_134 : i32 to vector<16xi32>
    %and3A_136 = arith.andi %add3A_124, %and3A_135 : vector<16xi32>
    %add3A_137 = arith.constant 512 : i32
    %add3A_138 = vector.broadcast %add3A_137 : i32 to vector<16xi32>
    %add3A_139 = arith.addi %add3A_138, %and3A_136 : vector<16xi32>
    %swap3A_140 = arith.constant 96 : index
    %swap3A_141 = tpu.vector_load %arg11[%swap3A_140] {strides = array<i32>} : memref<848xi32, #tpu.memory_space<vmem>>, vector<16xi32>,
    tpu.vector_store %arg11[%swap3A_140], %add3A_139 {strides = array<i32>} : memref<848xi32, #tpu.memory_space<vmem>>, vector<16xi32>,
    %iota3A_142 = tpu.iota {dimensions = array<i32: 0>} : vector<16xi32>
    %add3A_143 = arith.constant 112 : i32
    %add3A_144 = vector.broadcast %add3A_143 : i32 to vector<16xi32>
    %add3A_145 = arith.addi %iota3A_142, %add3A_144 : vector<16xi32>
    %and3A_146 = arith.constant 8191 : i32
    %and3A_147 = vector.broadcast %and3A_146 : i32 to vector<16xi32>
    %and3A_148 = arith.andi %add3A_145, %and3A_147 : vector<16xi32>
    %mul3A_149 = arith.constant 10752 : i32
    %mul3A_150 = arith.muli %arg0, %mul3A_149 : i32
    %add3A_151 = vector.broadcast %mul3A_150 : i32 to vector<16xi32>
    %add3A_152 = arith.addi %and3A_148, %add3A_151 : vector<16xi32>
    %swap3A_153 = arith.constant 112 : index
    %swap3A_154 = tpu.vector_load %arg10[%swap3A_153] {strides = array<i32>} : memref<848xi32, #tpu.memory_space<vmem>>, vector<16xi32>,
    tpu.vector_store %arg10[%swap3A_153], %add3A_152 {strides = array<i32>} : memref<848xi32, #tpu.memory_space<vmem>>, vector<16xi32>,
    %and3A_155 = arith.constant 255 : i32
    %and3A_156 = vector.broadcast %and3A_155 : i32 to vector<16xi32>
    %and3A_157 = arith.andi %add3A_145, %and3A_156 : vector<16xi32>
    %add3A_158 = arith.constant 512 : i32
    %add3A_159 = vector.broadcast %add3A_158 : i32 to vector<16xi32>
    %add3A_160 = arith.addi %add3A_159, %and3A_157 : vector<16xi32>
    %swap3A_161 = arith.constant 112 : index
    %swap3A_162 = tpu.vector_load %arg11[%swap3A_161] {strides = array<i32>} : memref<848xi32, #tpu.memory_space<vmem>>, vector<16xi32>,
    tpu.vector_store %arg11[%swap3A_161], %add3A_160 {strides = array<i32>} : memref<848xi32, #tpu.memory_space<vmem>>, vector<16xi32>,
    %iota3A_163 = tpu.iota {dimensions = array<i32: 0>} : vector<16xi32>
    %add3A_164 = arith.constant 128 : i32
    %add3A_165 = vector.broadcast %add3A_164 : i32 to vector<16xi32>
    %add3A_166 = arith.addi %iota3A_163, %add3A_165 : vector<16xi32>
    %and3A_167 = arith.constant 8191 : i32
    %and3A_168 = vector.broadcast %and3A_167 : i32 to vector<16xi32>
    %and3A_169 = arith.andi %add3A_166, %and3A_168 : vector<16xi32>
    %mul3A_170 = arith.constant 10752 : i32
    %mul3A_171 = arith.muli %arg0, %mul3A_170 : i32
    %add3A_172 = vector.broadcast %mul3A_171 : i32 to vector<16xi32>
    %add3A_173 = arith.addi %and3A_169, %add3A_172 : vector<16xi32>
    %swap3A_174 = arith.constant 128 : index
    %swap3A_175 = tpu.vector_load %arg10[%swap3A_174] {strides = array<i32>} : memref<848xi32, #tpu.memory_space<vmem>>, vector<16xi32>,
    tpu.vector_store %arg10[%swap3A_174], %add3A_173 {strides = array<i32>} : memref<848xi32, #tpu.memory_space<vmem>>, vector<16xi32>,
    %and3A_176 = arith.constant 255 : i32
    %and3A_177 = vector.broadcast %and3A_176 : i32 to vector<16xi32>
    %and3A_178 = arith.andi %add3A_166, %and3A_177 : vector<16xi32>
    %add3A_179 = arith.constant 512 : i32
    %add3A_180 = vector.broadcast %add3A_179 : i32 to vector<16xi32>
    %add3A_181 = arith.addi %add3A_180, %and3A_178 : vector<16xi32>
    %swap3A_182 = arith.constant 128 : index
    %swap3A_183 = tpu.vector_load %arg11[%swap3A_182] {strides = array<i32>} : memref<848xi32, #tpu.memory_space<vmem>>, vector<16xi32>,
    tpu.vector_store %arg11[%swap3A_182], %add3A_181 {strides = array<i32>} : memref<848xi32, #tpu.memory_space<vmem>>, vector<16xi32>,
    %iota3A_184 = tpu.iota {dimensions = array<i32: 0>} : vector<16xi32>
    %add3A_185 = arith.constant 144 : i32
    %add3A_186 = vector.broadcast %add3A_185 : i32 to vector<16xi32>
    %add3A_187 = arith.addi %iota3A_184, %add3A_186 : vector<16xi32>
    %and3A_188 = arith.constant 8191 : i32
    %and3A_189 = vector.broadcast %and3A_188 : i32 to vector<16xi32>
    %and3A_190 = arith.andi %add3A_187, %and3A_189 : vector<16xi32>
    %mul3A_191 = arith.constant 10752 : i32
    %mul3A_192 = arith.muli %arg0, %mul3A_191 : i32
    %add3A_193 = vector.broadcast %mul3A_192 : i32 to vector<16xi32>
    %add3A_194 = arith.addi %and3A_190, %add3A_193 : vector<16xi32>
    %swap3A_195 = arith.constant 144 : index
    %swap3A_196 = tpu.vector_load %arg10[%swap3A_195] {strides = array<i32>} : memref<848xi32, #tpu.memory_space<vmem>>, vector<16xi32>,
    tpu.vector_store %arg10[%swap3A_195], %add3A_194 {strides = array<i32>} : memref<848xi32, #tpu.memory_space<vmem>>, vector<16xi32>,
    %and3A_197 = arith.constant 255 : i32
    %and3A_198 = vector.broadcast %and3A_197 : i32 to vector<16xi32>
    %and3A_199 = arith.andi %add3A_187, %and3A_198 : vector<16xi32>
    %add3A_200 = arith.constant 512 : i32
    %add3A_201 = vector.broadcast %add3A_200 : i32 to vector<16xi32>
    %add3A_202 = arith.addi %add3A_201, %and3A_199 : vector<16xi32>
    %swap3A_203 = arith.constant 144 : index
    %swap3A_204 = tpu.vector_load %arg11[%swap3A_203] {strides = array<i32>} : memref<848xi32, #tpu.memory_space<vmem>>, vector<16xi32>,
    tpu.vector_store %arg11[%swap3A_203], %add3A_202 {strides = array<i32>} : memref<848xi32, #tpu.memory_space<vmem>>, vector<16xi32>,
    %iota3A_205 = tpu.iota {dimensions = array<i32: 0>} : vector<16xi32>
    %add3A_206 = arith.constant 160 : i32
    %add3A_207 = vector.broadcast %add3A_206 : i32 to vector<16xi32>
    %add3A_208 = arith.addi %iota3A_205, %add3A_207 : vector<16xi32>
    %and3A_209 = arith.constant 8191 : i32
    %and3A_210 = vector.broadcast %and3A_209 : i32 to vector<16xi32>
    %and3A_211 = arith.andi %add3A_208, %and3A_210 : vector<16xi32>
    %mul3A_212 = arith.constant 10752 : i32
    %mul3A_213 = arith.muli %arg0, %mul3A_212 : i32
    %add3A_214 = vector.broadcast %mul3A_213 : i32 to vector<16xi32>
    %add3A_215 = arith.addi %and3A_211, %add3A_214 : vector<16xi32>
    %swap3A_216 = arith.constant 160 : index
    %swap3A_217 = tpu.vector_load %arg10[%swap3A_216] {strides = array<i32>} : memref<848xi32, #tpu.memory_space<vmem>>, vector<16xi32>,
    tpu.vector_store %arg10[%swap3A_216], %add3A_215 {strides = array<i32>} : memref<848xi32, #tpu.memory_space<vmem>>, vector<16xi32>,
    %and3A_218 = arith.constant 255 : i32
    %and3A_219 = vector.broadcast %and3A_218 : i32 to vector<16xi32>
    %and3A_220 = arith.andi %add3A_208, %and3A_219 : vector<16xi32>
    %add3A_221 = arith.constant 512 : i32
    %add3A_222 = vector.broadcast %add3A_221 : i32 to vector<16xi32>
    %add3A_223 = arith.addi %add3A_222, %and3A_220 : vector<16xi32>
    %swap3A_224 = arith.constant 160 : index
    %swap3A_225 = tpu.vector_load %arg11[%swap3A_224] {strides = array<i32>} : memref<848xi32, #tpu.memory_space<vmem>>, vector<16xi32>,
    tpu.vector_store %arg11[%swap3A_224], %add3A_223 {strides = array<i32>} : memref<848xi32, #tpu.memory_space<vmem>>, vector<16xi32>,
    %iota3A_226 = tpu.iota {dimensions = array<i32: 0>} : vector<16xi32>
    %add3A_227 = arith.constant 176 : i32
    %add3A_228 = vector.broadcast %add3A_227 : i32 to vector<16xi32>
    %add3A_229 = arith.addi %iota3A_226, %add3A_228 : vector<16xi32>
    %and3A_230 = arith.constant 8191 : i32
    %and3A_231 = vector.broadcast %and3A_230 : i32 to vector<16xi32>
    %and3A_232 = arith.andi %add3A_229, %and3A_231 : vector<16xi32>
    %mul3A_233 = arith.constant 10752 : i32
    %mul3A_234 = arith.muli %arg0, %mul3A_233 : i32
    %add3A_235 = vector.broadcast %mul3A_234 : i32 to vector<16xi32>
    %add3A_236 = arith.addi %and3A_232, %add3A_235 : vector<16xi32>
    %swap3A_237 = arith.constant 176 : index
    %swap3A_238 = tpu.vector_load %arg10[%swap3A_237] {strides = array<i32>} : memref<848xi32, #tpu.memory_space<vmem>>, vector<16xi32>,
    tpu.vector_store %arg10[%swap3A_237], %add3A_236 {strides = array<i32>} : memref<848xi32, #tpu.memory_space<vmem>>, vector<16xi32>,
    %and3A_239 = arith.constant 255 : i32
    %and3A_240 = vector.broadcast %and3A_239 : i32 to vector<16xi32>
    %and3A_241 = arith.andi %add3A_229, %and3A_240 : vector<16xi32>
    %add3A_242 = arith.constant 512 : i32
    %add3A_243 = vector.broadcast %add3A_242 : i32 to vector<16xi32>
    %add3A_244 = arith.addi %add3A_243, %and3A_241 : vector<16xi32>
    %swap3A_245 = arith.constant 176 : index
    %swap3A_246 = tpu.vector_load %arg11[%swap3A_245] {strides = array<i32>} : memref<848xi32, #tpu.memory_space<vmem>>, vector<16xi32>,
    tpu.vector_store %arg11[%swap3A_245], %add3A_244 {strides = array<i32>} : memref<848xi32, #tpu.memory_space<vmem>>, vector<16xi32>,
    %iota3A_247 = tpu.iota {dimensions = array<i32: 0>} : vector<16xi32>
    %add3A_248 = arith.constant 192 : i32
    %add3A_249 = vector.broadcast %add3A_248 : i32 to vector<16xi32>
    %add3A_250 = arith.addi %iota3A_247, %add3A_249 : vector<16xi32>
    %and3A_251 = arith.constant 8191 : i32
    %and3A_252 = vector.broadcast %and3A_251 : i32 to vector<16xi32>
    %and3A_253 = arith.andi %add3A_250, %and3A_252 : vector<16xi32>
    %mul3A_254 = arith.constant 10752 : i32
    %mul3A_255 = arith.muli %arg0, %mul3A_254 : i32
    %add3A_256 = vector.broadcast %mul3A_255 : i32 to vector<16xi32>
    %add3A_257 = arith.addi %and3A_253, %add3A_256 : vector<16xi32>
    %swap3A_258 = arith.constant 192 : index
    %swap3A_259 = tpu.vector_load %arg10[%swap3A_258] {strides = array<i32>} : memref<848xi32, #tpu.memory_space<vmem>>, vector<16xi32>,
    tpu.vector_store %arg10[%swap3A_258], %add3A_257 {strides = array<i32>} : memref<848xi32, #tpu.memory_space<vmem>>, vector<16xi32>,
    %and3A_260 = arith.constant 255 : i32
    %and3A_261 = vector.broadcast %and3A_260 : i32 to vector<16xi32>
    %and3A_262 = arith.andi %add3A_250, %and3A_261 : vector<16xi32>
    %add3A_263 = arith.constant 512 : i32
    %add3A_264 = vector.broadcast %add3A_263 : i32 to vector<16xi32>
    %add3A_265 = arith.addi %add3A_264, %and3A_262 : vector<16xi32>
    %swap3A_266 = arith.constant 192 : index
    %swap3A_267 = tpu.vector_load %arg11[%swap3A_266] {strides = array<i32>} : memref<848xi32, #tpu.memory_space<vmem>>, vector<16xi32>,
    tpu.vector_store %arg11[%swap3A_266], %add3A_265 {strides = array<i32>} : memref<848xi32, #tpu.memory_space<vmem>>, vector<16xi32>,
    %iota3A_268 = tpu.iota {dimensions = array<i32: 0>} : vector<16xi32>
    %add3A_269 = arith.constant 208 : i32
    %add3A_270 = vector.broadcast %add3A_269 : i32 to vector<16xi32>
    %add3A_271 = arith.addi %iota3A_268, %add3A_270 : vector<16xi32>
    %and3A_272 = arith.constant 8191 : i32
    %and3A_273 = vector.broadcast %and3A_272 : i32 to vector<16xi32>
    %and3A_274 = arith.andi %add3A_271, %and3A_273 : vector<16xi32>
    %mul3A_275 = arith.constant 10752 : i32
    %mul3A_276 = arith.muli %arg0, %mul3A_275 : i32
    %add3A_277 = vector.broadcast %mul3A_276 : i32 to vector<16xi32>
    %add3A_278 = arith.addi %and3A_274, %add3A_277 : vector<16xi32>
    %swap3A_279 = arith.constant 208 : index
    %swap3A_280 = tpu.vector_load %arg10[%swap3A_279] {strides = array<i32>} : memref<848xi32, #tpu.memory_space<vmem>>, vector<16xi32>,
    tpu.vector_store %arg10[%swap3A_279], %add3A_278 {strides = array<i32>} : memref<848xi32, #tpu.memory_space<vmem>>, vector<16xi32>,
    %and3A_281 = arith.constant 255 : i32
    %and3A_282 = vector.broadcast %and3A_281 : i32 to vector<16xi32>
    %and3A_283 = arith.andi %add3A_271, %and3A_282 : vector<16xi32>
    %add3A_284 = arith.constant 512 : i32
    %add3A_285 = vector.broadcast %add3A_284 : i32 to vector<16xi32>
    %add3A_286 = arith.addi %add3A_285, %and3A_283 : vector<16xi32>
    %swap3A_287 = arith.constant 208 : index
    %swap3A_288 = tpu.vector_load %arg11[%swap3A_287] {strides = array<i32>} : memref<848xi32, #tpu.memory_space<vmem>>, vector<16xi32>,
    tpu.vector_store %arg11[%swap3A_287], %add3A_286 {strides = array<i32>} : memref<848xi32, #tpu.memory_space<vmem>>, vector<16xi32>,
    %iota3A_289 = tpu.iota {dimensions = array<i32: 0>} : vector<16xi32>
    %add3A_290 = arith.constant 224 : i32
    %add3A_291 = vector.broadcast %add3A_290 : i32 to vector<16xi32>
    %add3A_292 = arith.addi %iota3A_289, %add3A_291 : vector<16xi32>
    %and3A_293 = arith.constant 8191 : i32
    %and3A_294 = vector.broadcast %and3A_293 : i32 to vector<16xi32>
    %and3A_295 = arith.andi %add3A_292, %and3A_294 : vector<16xi32>
    %mul3A_296 = arith.constant 10752 : i32
    %mul3A_297 = arith.muli %arg0, %mul3A_296 : i32
    %add3A_298 = vector.broadcast %mul3A_297 : i32 to vector<16xi32>
    %add3A_299 = arith.addi %and3A_295, %add3A_298 : vector<16xi32>
    %swap3A_300 = arith.constant 224 : index
    %swap3A_301 = tpu.vector_load %arg10[%swap3A_300] {strides = array<i32>} : memref<848xi32, #tpu.memory_space<vmem>>, vector<16xi32>,
    tpu.vector_store %arg10[%swap3A_300], %add3A_299 {strides = array<i32>} : memref<848xi32, #tpu.memory_space<vmem>>, vector<16xi32>,
    %and3A_302 = arith.constant 255 : i32
    %and3A_303 = vector.broadcast %and3A_302 : i32 to vector<16xi32>
    %and3A_304 = arith.andi %add3A_292, %and3A_303 : vector<16xi32>
    %add3A_305 = arith.constant 512 : i32
    %add3A_306 = vector.broadcast %add3A_305 : i32 to vector<16xi32>
    %add3A_307 = arith.addi %add3A_306, %and3A_304 : vector<16xi32>
    %swap3A_308 = arith.constant 224 : index
    %swap3A_309 = tpu.vector_load %arg11[%swap3A_308] {strides = array<i32>} : memref<848xi32, #tpu.memory_space<vmem>>, vector<16xi32>,
    tpu.vector_store %arg11[%swap3A_308], %add3A_307 {strides = array<i32>} : memref<848xi32, #tpu.memory_space<vmem>>, vector<16xi32>,
    %iota3A_310 = tpu.iota {dimensions = array<i32: 0>} : vector<16xi32>
    %add3A_311 = arith.constant 240 : i32
    %add3A_312 = vector.broadcast %add3A_311 : i32 to vector<16xi32>
    %add3A_313 = arith.addi %iota3A_310, %add3A_312 : vector<16xi32>
    %and3A_314 = arith.constant 8191 : i32
    %and3A_315 = vector.broadcast %and3A_314 : i32 to vector<16xi32>
    %and3A_316 = arith.andi %add3A_313, %and3A_315 : vector<16xi32>
    %mul3A_317 = arith.constant 10752 : i32
    %mul3A_318 = arith.muli %arg0, %mul3A_317 : i32
    %add3A_319 = vector.broadcast %mul3A_318 : i32 to vector<16xi32>
    %add3A_320 = arith.addi %and3A_316, %add3A_319 : vector<16xi32>
    %swap3A_321 = arith.constant 240 : index
    %swap3A_322 = tpu.vector_load %arg10[%swap3A_321] {strides = array<i32>} : memref<848xi32, #tpu.memory_space<vmem>>, vector<16xi32>,
    tpu.vector_store %arg10[%swap3A_321], %add3A_320 {strides = array<i32>} : memref<848xi32, #tpu.memory_space<vmem>>, vector<16xi32>,
    %and3A_323 = arith.constant 255 : i32
    %and3A_324 = vector.broadcast %and3A_323 : i32 to vector<16xi32>
    %and3A_325 = arith.andi %add3A_313, %and3A_324 : vector<16xi32>
    %add3A_326 = arith.constant 512 : i32
    %add3A_327 = vector.broadcast %add3A_326 : i32 to vector<16xi32>
    %add3A_328 = arith.addi %add3A_327, %and3A_325 : vector<16xi32>
    %swap3A_329 = arith.constant 240 : index
    %swap3A_330 = tpu.vector_load %arg11[%swap3A_329] {strides = array<i32>} : memref<848xi32, #tpu.memory_space<vmem>>, vector<16xi32>,
    tpu.vector_store %arg11[%swap3A_329], %add3A_328 {strides = array<i32>} : memref<848xi32, #tpu.memory_space<vmem>>, vector<16xi32>,
    %iota3A_331 = tpu.iota {dimensions = array<i32: 0>} : vector<16xi32>
    %add3A_332 = arith.constant 256 : i32
    %add3A_333 = vector.broadcast %add3A_332 : i32 to vector<16xi32>
    %add3A_334 = arith.addi %iota3A_331, %add3A_333 : vector<16xi32>
    %and3A_335 = arith.constant 8191 : i32
    %and3A_336 = vector.broadcast %and3A_335 : i32 to vector<16xi32>
    %and3A_337 = arith.andi %add3A_334, %and3A_336 : vector<16xi32>
    %mul3A_338 = arith.constant 10752 : i32
    %mul3A_339 = arith.muli %arg0, %mul3A_338 : i32
    %add3A_340 = vector.broadcast %mul3A_339 : i32 to vector<16xi32>
    %add3A_341 = arith.addi %and3A_337, %add3A_340 : vector<16xi32>
    %swap3A_342 = arith.constant 256 : index
    %swap3A_343 = tpu.vector_load %arg10[%swap3A_342] {strides = array<i32>} : memref<848xi32, #tpu.memory_space<vmem>>, vector<16xi32>,
    tpu.vector_store %arg10[%swap3A_342], %add3A_341 {strides = array<i32>} : memref<848xi32, #tpu.memory_space<vmem>>, vector<16xi32>,
    %and3A_344 = arith.constant 255 : i32
    %and3A_345 = vector.broadcast %and3A_344 : i32 to vector<16xi32>
    %and3A_346 = arith.andi %add3A_334, %and3A_345 : vector<16xi32>
    %add3A_347 = arith.constant 512 : i32
    %add3A_348 = vector.broadcast %add3A_347 : i32 to vector<16xi32>
    %add3A_349 = arith.addi %add3A_348, %and3A_346 : vector<16xi32>
    %swap3A_350 = arith.constant 256 : index
    %swap3A_351 = tpu.vector_load %arg11[%swap3A_350] {strides = array<i32>} : memref<848xi32, #tpu.memory_space<vmem>>, vector<16xi32>,
    tpu.vector_store %arg11[%swap3A_350], %add3A_349 {strides = array<i32>} : memref<848xi32, #tpu.memory_space<vmem>>, vector<16xi32>,
    %iota3A_352 = tpu.iota {dimensions = array<i32: 0>} : vector<16xi32>
    %add3A_353 = arith.constant 272 : i32
    %add3A_354 = vector.broadcast %add3A_353 : i32 to vector<16xi32>
    %add3A_355 = arith.addi %iota3A_352, %add3A_354 : vector<16xi32>
    %and3A_356 = arith.constant 8191 : i32
    %and3A_357 = vector.broadcast %and3A_356 : i32 to vector<16xi32>
    %and3A_358 = arith.andi %add3A_355, %and3A_357 : vector<16xi32>
    %mul3A_359 = arith.constant 10752 : i32
    %mul3A_360 = arith.muli %arg0, %mul3A_359 : i32
    %add3A_361 = vector.broadcast %mul3A_360 : i32 to vector<16xi32>
    %add3A_362 = arith.addi %and3A_358, %add3A_361 : vector<16xi32>
    %swap3A_363 = arith.constant 272 : index
    %swap3A_364 = tpu.vector_load %arg10[%swap3A_363] {strides = array<i32>} : memref<848xi32, #tpu.memory_space<vmem>>, vector<16xi32>,
    tpu.vector_store %arg10[%swap3A_363], %add3A_362 {strides = array<i32>} : memref<848xi32, #tpu.memory_space<vmem>>, vector<16xi32>,
    %and3A_365 = arith.constant 255 : i32
    %and3A_366 = vector.broadcast %and3A_365 : i32 to vector<16xi32>
    %and3A_367 = arith.andi %add3A_355, %and3A_366 : vector<16xi32>
    %add3A_368 = arith.constant 512 : i32
    %add3A_369 = vector.broadcast %add3A_368 : i32 to vector<16xi32>
    %add3A_370 = arith.addi %add3A_369, %and3A_367 : vector<16xi32>
    %swap3A_371 = arith.constant 272 : index
    %swap3A_372 = tpu.vector_load %arg11[%swap3A_371] {strides = array<i32>} : memref<848xi32, #tpu.memory_space<vmem>>, vector<16xi32>,
    tpu.vector_store %arg11[%swap3A_371], %add3A_370 {strides = array<i32>} : memref<848xi32, #tpu.memory_space<vmem>>, vector<16xi32>,
    %iota3A_373 = tpu.iota {dimensions = array<i32: 0>} : vector<16xi32>
    %add3A_374 = arith.constant 288 : i32
    %add3A_375 = vector.broadcast %add3A_374 : i32 to vector<16xi32>
    %add3A_376 = arith.addi %iota3A_373, %add3A_375 : vector<16xi32>
    %and3A_377 = arith.constant 8191 : i32
    %and3A_378 = vector.broadcast %and3A_377 : i32 to vector<16xi32>
    %and3A_379 = arith.andi %add3A_376, %and3A_378 : vector<16xi32>
    %mul3A_380 = arith.constant 10752 : i32
    %mul3A_381 = arith.muli %arg0, %mul3A_380 : i32
    %add3A_382 = vector.broadcast %mul3A_381 : i32 to vector<16xi32>
    %add3A_383 = arith.addi %and3A_379, %add3A_382 : vector<16xi32>
    %swap3A_384 = arith.constant 288 : index
    %swap3A_385 = tpu.vector_load %arg10[%swap3A_384] {strides = array<i32>} : memref<848xi32, #tpu.memory_space<vmem>>, vector<16xi32>,
    tpu.vector_store %arg10[%swap3A_384], %add3A_383 {strides = array<i32>} : memref<848xi32, #tpu.memory_space<vmem>>, vector<16xi32>,
    %and3A_386 = arith.constant 255 : i32
    %and3A_387 = vector.broadcast %and3A_386 : i32 to vector<16xi32>
    %and3A_388 = arith.andi %add3A_376, %and3A_387 : vector<16xi32>
    %add3A_389 = arith.constant 512 : i32
    %add3A_390 = vector.broadcast %add3A_389 : i32 to vector<16xi32>
    %add3A_391 = arith.addi %add3A_390, %and3A_388 : vector<16xi32>
    %swap3A_392 = arith.constant 288 : index
    %swap3A_393 = tpu.vector_load %arg11[%swap3A_392] {strides = array<i32>} : memref<848xi32, #tpu.memory_space<vmem>>, vector<16xi32>,
    tpu.vector_store %arg11[%swap3A_392], %add3A_391 {strides = array<i32>} : memref<848xi32, #tpu.memory_space<vmem>>, vector<16xi32>,
    %iota3A_394 = tpu.iota {dimensions = array<i32: 0>} : vector<16xi32>
    %add3A_395 = arith.constant 304 : i32
    %add3A_396 = vector.broadcast %add3A_395 : i32 to vector<16xi32>
    %add3A_397 = arith.addi %iota3A_394, %add3A_396 : vector<16xi32>
    %and3A_398 = arith.constant 8191 : i32
    %and3A_399 = vector.broadcast %and3A_398 : i32 to vector<16xi32>
    %and3A_400 = arith.andi %add3A_397, %and3A_399 : vector<16xi32>
    %mul3A_401 = arith.constant 10752 : i32
    %mul3A_402 = arith.muli %arg0, %mul3A_401 : i32
    %add3A_403 = vector.broadcast %mul3A_402 : i32 to vector<16xi32>
    %add3A_404 = arith.addi %and3A_400, %add3A_403 : vector<16xi32>
    %swap3A_405 = arith.constant 304 : index
    %swap3A_406 = tpu.vector_load %arg10[%swap3A_405] {strides = array<i32>} : memref<848xi32, #tpu.memory_space<vmem>>, vector<16xi32>,
    tpu.vector_store %arg10[%swap3A_405], %add3A_404 {strides = array<i32>} : memref<848xi32, #tpu.memory_space<vmem>>, vector<16xi32>,
    %and3A_407 = arith.constant 255 : i32
    %and3A_408 = vector.broadcast %and3A_407 : i32 to vector<16xi32>
    %and3A_409 = arith.andi %add3A_397, %and3A_408 : vector<16xi32>
    %add3A_410 = arith.constant 512 : i32
    %add3A_411 = vector.broadcast %add3A_410 : i32 to vector<16xi32>
    %add3A_412 = arith.addi %add3A_411, %and3A_409 : vector<16xi32>
    %swap3A_413 = arith.constant 304 : index
    %swap3A_414 = tpu.vector_load %arg11[%swap3A_413] {strides = array<i32>} : memref<848xi32, #tpu.memory_space<vmem>>, vector<16xi32>,
    tpu.vector_store %arg11[%swap3A_413], %add3A_412 {strides = array<i32>} : memref<848xi32, #tpu.memory_space<vmem>>, vector<16xi32>,
    %iota3A_415 = tpu.iota {dimensions = array<i32: 0>} : vector<16xi32>
    %add3A_416 = arith.constant 320 : i32
    %add3A_417 = vector.broadcast %add3A_416 : i32 to vector<16xi32>
    %add3A_418 = arith.addi %iota3A_415, %add3A_417 : vector<16xi32>
    %and3A_419 = arith.constant 8191 : i32
    %and3A_420 = vector.broadcast %and3A_419 : i32 to vector<16xi32>
    %and3A_421 = arith.andi %add3A_418, %and3A_420 : vector<16xi32>
    %mul3A_422 = arith.constant 10752 : i32
    %mul3A_423 = arith.muli %arg0, %mul3A_422 : i32
    %add3A_424 = vector.broadcast %mul3A_423 : i32 to vector<16xi32>
    %add3A_425 = arith.addi %and3A_421, %add3A_424 : vector<16xi32>
    %swap3A_426 = arith.constant 320 : index
    %swap3A_427 = tpu.vector_load %arg10[%swap3A_426] {strides = array<i32>} : memref<848xi32, #tpu.memory_space<vmem>>, vector<16xi32>,
    tpu.vector_store %arg10[%swap3A_426], %add3A_425 {strides = array<i32>} : memref<848xi32, #tpu.memory_space<vmem>>, vector<16xi32>,
    %and3A_428 = arith.constant 255 : i32
    %and3A_429 = vector.broadcast %and3A_428 : i32 to vector<16xi32>
    %and3A_430 = arith.andi %add3A_418, %and3A_429 : vector<16xi32>
    %add3A_431 = arith.constant 512 : i32
    %add3A_432 = vector.broadcast %add3A_431 : i32 to vector<16xi32>
    %add3A_433 = arith.addi %add3A_432, %and3A_430 : vector<16xi32>
    %swap3A_434 = arith.constant 320 : index
    %swap3A_435 = tpu.vector_load %arg11[%swap3A_434] {strides = array<i32>} : memref<848xi32, #tpu.memory_space<vmem>>, vector<16xi32>,
    tpu.vector_store %arg11[%swap3A_434], %add3A_433 {strides = array<i32>} : memref<848xi32, #tpu.memory_space<vmem>>, vector<16xi32>,
    %iota3A_436 = tpu.iota {dimensions = array<i32: 0>} : vector<16xi32>
    %add3A_437 = arith.constant 336 : i32
    %add3A_438 = vector.broadcast %add3A_437 : i32 to vector<16xi32>
    %add3A_439 = arith.addi %iota3A_436, %add3A_438 : vector<16xi32>
    %and3A_440 = arith.constant 8191 : i32
    %and3A_441 = vector.broadcast %and3A_440 : i32 to vector<16xi32>
    %and3A_442 = arith.andi %add3A_439, %and3A_441 : vector<16xi32>
    %mul3A_443 = arith.constant 10752 : i32
    %mul3A_444 = arith.muli %arg0, %mul3A_443 : i32
    %add3A_445 = vector.broadcast %mul3A_444 : i32 to vector<16xi32>
    %add3A_446 = arith.addi %and3A_442, %add3A_445 : vector<16xi32>
    %swap3A_447 = arith.constant 336 : index
    %swap3A_448 = tpu.vector_load %arg10[%swap3A_447] {strides = array<i32>} : memref<848xi32, #tpu.memory_space<vmem>>, vector<16xi32>,
    tpu.vector_store %arg10[%swap3A_447], %add3A_446 {strides = array<i32>} : memref<848xi32, #tpu.memory_space<vmem>>, vector<16xi32>,
    %and3A_449 = arith.constant 255 : i32
    %and3A_450 = vector.broadcast %and3A_449 : i32 to vector<16xi32>
    %and3A_451 = arith.andi %add3A_439, %and3A_450 : vector<16xi32>
    %add3A_452 = arith.constant 512 : i32
    %add3A_453 = vector.broadcast %add3A_452 : i32 to vector<16xi32>
    %add3A_454 = arith.addi %add3A_453, %and3A_451 : vector<16xi32>
    %swap3A_455 = arith.constant 336 : index
    %swap3A_456 = tpu.vector_load %arg11[%swap3A_455] {strides = array<i32>} : memref<848xi32, #tpu.memory_space<vmem>>, vector<16xi32>,
    tpu.vector_store %arg11[%swap3A_455], %add3A_454 {strides = array<i32>} : memref<848xi32, #tpu.memory_space<vmem>>, vector<16xi32>,
    %iota3A_457 = tpu.iota {dimensions = array<i32: 0>} : vector<16xi32>
    %add3A_458 = arith.constant 352 : i32
    %add3A_459 = vector.broadcast %add3A_458 : i32 to vector<16xi32>
    %add3A_460 = arith.addi %iota3A_457, %add3A_459 : vector<16xi32>
    %and3A_461 = arith.constant 8191 : i32
    %and3A_462 = vector.broadcast %and3A_461 : i32 to vector<16xi32>
    %and3A_463 = arith.andi %add3A_460, %and3A_462 : vector<16xi32>
    %mul3A_464 = arith.constant 10752 : i32
    %mul3A_465 = arith.muli %arg0, %mul3A_464 : i32
    %add3A_466 = vector.broadcast %mul3A_465 : i32 to vector<16xi32>
    %add3A_467 = arith.addi %and3A_463, %add3A_466 : vector<16xi32>
    %swap3A_468 = arith.constant 352 : index
    %swap3A_469 = tpu.vector_load %arg10[%swap3A_468] {strides = array<i32>} : memref<848xi32, #tpu.memory_space<vmem>>, vector<16xi32>,
    tpu.vector_store %arg10[%swap3A_468], %add3A_467 {strides = array<i32>} : memref<848xi32, #tpu.memory_space<vmem>>, vector<16xi32>,
    %and3A_470 = arith.constant 255 : i32
    %and3A_471 = vector.broadcast %and3A_470 : i32 to vector<16xi32>
    %and3A_472 = arith.andi %add3A_460, %and3A_471 : vector<16xi32>
    %add3A_473 = arith.constant 512 : i32
    %add3A_474 = vector.broadcast %add3A_473 : i32 to vector<16xi32>
    %add3A_475 = arith.addi %add3A_474, %and3A_472 : vector<16xi32>
    %swap3A_476 = arith.constant 352 : index
    %swap3A_477 = tpu.vector_load %arg11[%swap3A_476] {strides = array<i32>} : memref<848xi32, #tpu.memory_space<vmem>>, vector<16xi32>,
    tpu.vector_store %arg11[%swap3A_476], %add3A_475 {strides = array<i32>} : memref<848xi32, #tpu.memory_space<vmem>>, vector<16xi32>,
    %iota3A_478 = tpu.iota {dimensions = array<i32: 0>} : vector<16xi32>
    %add3A_479 = arith.constant 368 : i32
    %add3A_480 = vector.broadcast %add3A_479 : i32 to vector<16xi32>
    %add3A_481 = arith.addi %iota3A_478, %add3A_480 : vector<16xi32>
    %and3A_482 = arith.constant 8191 : i32
    %and3A_483 = vector.broadcast %and3A_482 : i32 to vector<16xi32>
    %and3A_484 = arith.andi %add3A_481, %and3A_483 : vector<16xi32>
    %mul3A_485 = arith.constant 10752 : i32
    %mul3A_486 = arith.muli %arg0, %mul3A_485 : i32
    %add3A_487 = vector.broadcast %mul3A_486 : i32 to vector<16xi32>
    %add3A_488 = arith.addi %and3A_484, %add3A_487 : vector<16xi32>
    %swap3A_489 = arith.constant 368 : index
    %swap3A_490 = tpu.vector_load %arg10[%swap3A_489] {strides = array<i32>} : memref<848xi32, #tpu.memory_space<vmem>>, vector<16xi32>,
    tpu.vector_store %arg10[%swap3A_489], %add3A_488 {strides = array<i32>} : memref<848xi32, #tpu.memory_space<vmem>>, vector<16xi32>,
    %and3A_491 = arith.constant 255 : i32
    %and3A_492 = vector.broadcast %and3A_491 : i32 to vector<16xi32>
    %and3A_493 = arith.andi %add3A_481, %and3A_492 : vector<16xi32>
    %add3A_494 = arith.constant 512 : i32
    %add3A_495 = vector.broadcast %add3A_494 : i32 to vector<16xi32>
    %add3A_496 = arith.addi %add3A_495, %and3A_493 : vector<16xi32>
    %swap3A_497 = arith.constant 368 : index
    %swap3A_498 = tpu.vector_load %arg11[%swap3A_497] {strides = array<i32>} : memref<848xi32, #tpu.memory_space<vmem>>, vector<16xi32>,
    tpu.vector_store %arg11[%swap3A_497], %add3A_496 {strides = array<i32>} : memref<848xi32, #tpu.memory_space<vmem>>, vector<16xi32>,
    %iota3A_499 = tpu.iota {dimensions = array<i32: 0>} : vector<16xi32>
    %add3A_500 = arith.constant 384 : i32
    %add3A_501 = vector.broadcast %add3A_500 : i32 to vector<16xi32>
    %add3A_502 = arith.addi %iota3A_499, %add3A_501 : vector<16xi32>
    %and3A_503 = arith.constant 8191 : i32
    %and3A_504 = vector.broadcast %and3A_503 : i32 to vector<16xi32>
    %and3A_505 = arith.andi %add3A_502, %and3A_504 : vector<16xi32>
    %mul3A_506 = arith.constant 10752 : i32
    %mul3A_507 = arith.muli %arg0, %mul3A_506 : i32
    %add3A_508 = vector.broadcast %mul3A_507 : i32 to vector<16xi32>
    %add3A_509 = arith.addi %and3A_505, %add3A_508 : vector<16xi32>
    %swap3A_510 = arith.constant 384 : index
    %swap3A_511 = tpu.vector_load %arg10[%swap3A_510] {strides = array<i32>} : memref<848xi32, #tpu.memory_space<vmem>>, vector<16xi32>,
    tpu.vector_store %arg10[%swap3A_510], %add3A_509 {strides = array<i32>} : memref<848xi32, #tpu.memory_space<vmem>>, vector<16xi32>,
    %and3A_512 = arith.constant 255 : i32
    %and3A_513 = vector.broadcast %and3A_512 : i32 to vector<16xi32>
    %and3A_514 = arith.andi %add3A_502, %and3A_513 : vector<16xi32>
    %add3A_515 = arith.constant 512 : i32
    %add3A_516 = vector.broadcast %add3A_515 : i32 to vector<16xi32>
    %add3A_517 = arith.addi %add3A_516, %and3A_514 : vector<16xi32>
    %swap3A_518 = arith.constant 384 : index
    %swap3A_519 = tpu.vector_load %arg11[%swap3A_518] {strides = array<i32>} : memref<848xi32, #tpu.memory_space<vmem>>, vector<16xi32>,
    tpu.vector_store %arg11[%swap3A_518], %add3A_517 {strides = array<i32>} : memref<848xi32, #tpu.memory_space<vmem>>, vector<16xi32>,
    %iota3A_520 = tpu.iota {dimensions = array<i32: 0>} : vector<16xi32>
    %add3A_521 = arith.constant 400 : i32
    %add3A_522 = vector.broadcast %add3A_521 : i32 to vector<16xi32>
    %add3A_523 = arith.addi %iota3A_520, %add3A_522 : vector<16xi32>
    %and3A_524 = arith.constant 8191 : i32
    %and3A_525 = vector.broadcast %and3A_524 : i32 to vector<16xi32>
    %and3A_526 = arith.andi %add3A_523, %and3A_525 : vector<16xi32>
    %mul3A_527 = arith.constant 10752 : i32
    %mul3A_528 = arith.muli %arg0, %mul3A_527 : i32
    %add3A_529 = vector.broadcast %mul3A_528 : i32 to vector<16xi32>
    %add3A_530 = arith.addi %and3A_526, %add3A_529 : vector<16xi32>
    %swap3A_531 = arith.constant 400 : index
    %swap3A_532 = tpu.vector_load %arg10[%swap3A_531] {strides = array<i32>} : memref<848xi32, #tpu.memory_space<vmem>>, vector<16xi32>,
    tpu.vector_store %arg10[%swap3A_531], %add3A_530 {strides = array<i32>} : memref<848xi32, #tpu.memory_space<vmem>>, vector<16xi32>,
    %and3A_533 = arith.constant 255 : i32
    %and3A_534 = vector.broadcast %and3A_533 : i32 to vector<16xi32>
    %and3A_535 = arith.andi %add3A_523, %and3A_534 : vector<16xi32>
    %add3A_536 = arith.constant 512 : i32
    %add3A_537 = vector.broadcast %add3A_536 : i32 to vector<16xi32>
    %add3A_538 = arith.addi %add3A_537, %and3A_535 : vector<16xi32>
    %swap3A_539 = arith.constant 400 : index
    %swap3A_540 = tpu.vector_load %arg11[%swap3A_539] {strides = array<i32>} : memref<848xi32, #tpu.memory_space<vmem>>, vector<16xi32>,
    tpu.vector_store %arg11[%swap3A_539], %add3A_538 {strides = array<i32>} : memref<848xi32, #tpu.memory_space<vmem>>, vector<16xi32>,
    %iota3A_541 = tpu.iota {dimensions = array<i32: 0>} : vector<16xi32>
    %add3A_542 = arith.constant 416 : i32
    %add3A_543 = vector.broadcast %add3A_542 : i32 to vector<16xi32>
    %add3A_544 = arith.addi %iota3A_541, %add3A_543 : vector<16xi32>
    %and3A_545 = arith.constant 8191 : i32
    %and3A_546 = vector.broadcast %and3A_545 : i32 to vector<16xi32>
    %and3A_547 = arith.andi %add3A_544, %and3A_546 : vector<16xi32>
    %mul3A_548 = arith.constant 10752 : i32
    %mul3A_549 = arith.muli %arg0, %mul3A_548 : i32
    %add3A_550 = vector.broadcast %mul3A_549 : i32 to vector<16xi32>
    %add3A_551 = arith.addi %and3A_547, %add3A_550 : vector<16xi32>
    %swap3A_552 = arith.constant 416 : index
    %swap3A_553 = tpu.vector_load %arg10[%swap3A_552] {strides = array<i32>} : memref<848xi32, #tpu.memory_space<vmem>>, vector<16xi32>,
    tpu.vector_store %arg10[%swap3A_552], %add3A_551 {strides = array<i32>} : memref<848xi32, #tpu.memory_space<vmem>>, vector<16xi32>,
    %and3A_554 = arith.constant 255 : i32
    %and3A_555 = vector.broadcast %and3A_554 : i32 to vector<16xi32>
    %and3A_556 = arith.andi %add3A_544, %and3A_555 : vector<16xi32>
    %add3A_557 = arith.constant 512 : i32
    %add3A_558 = vector.broadcast %add3A_557 : i32 to vector<16xi32>
    %add3A_559 = arith.addi %add3A_558, %and3A_556 : vector<16xi32>
    %swap3A_560 = arith.constant 416 : index
    %swap3A_561 = tpu.vector_load %arg11[%swap3A_560] {strides = array<i32>} : memref<848xi32, #tpu.memory_space<vmem>>, vector<16xi32>,
    tpu.vector_store %arg11[%swap3A_560], %add3A_559 {strides = array<i32>} : memref<848xi32, #tpu.memory_space<vmem>>, vector<16xi32>,
    %iota3A_562 = tpu.iota {dimensions = array<i32: 0>} : vector<16xi32>
    %add3A_563 = arith.constant 432 : i32
    %add3A_564 = vector.broadcast %add3A_563 : i32 to vector<16xi32>
    %add3A_565 = arith.addi %iota3A_562, %add3A_564 : vector<16xi32>
    %and3A_566 = arith.constant 8191 : i32
    %and3A_567 = vector.broadcast %and3A_566 : i32 to vector<16xi32>
    %and3A_568 = arith.andi %add3A_565, %and3A_567 : vector<16xi32>
    %mul3A_569 = arith.constant 10752 : i32
    %mul3A_570 = arith.muli %arg0, %mul3A_569 : i32
    %add3A_571 = vector.broadcast %mul3A_570 : i32 to vector<16xi32>
    %add3A_572 = arith.addi %and3A_568, %add3A_571 : vector<16xi32>
    %swap3A_573 = arith.constant 432 : index
    %swap3A_574 = tpu.vector_load %arg10[%swap3A_573] {strides = array<i32>} : memref<848xi32, #tpu.memory_space<vmem>>, vector<16xi32>,
    tpu.vector_store %arg10[%swap3A_573], %add3A_572 {strides = array<i32>} : memref<848xi32, #tpu.memory_space<vmem>>, vector<16xi32>,
    %and3A_575 = arith.constant 255 : i32
    %and3A_576 = vector.broadcast %and3A_575 : i32 to vector<16xi32>
    %and3A_577 = arith.andi %add3A_565, %and3A_576 : vector<16xi32>
    %add3A_578 = arith.constant 512 : i32
    %add3A_579 = vector.broadcast %add3A_578 : i32 to vector<16xi32>
    %add3A_580 = arith.addi %add3A_579, %and3A_577 : vector<16xi32>
    %swap3A_581 = arith.constant 432 : index
    %swap3A_582 = tpu.vector_load %arg11[%swap3A_581] {strides = array<i32>} : memref<848xi32, #tpu.memory_space<vmem>>, vector<16xi32>,
    tpu.vector_store %arg11[%swap3A_581], %add3A_580 {strides = array<i32>} : memref<848xi32, #tpu.memory_space<vmem>>, vector<16xi32>,
    %iota3A_583 = tpu.iota {dimensions = array<i32: 0>} : vector<16xi32>
    %add3A_584 = arith.constant 448 : i32
    %add3A_585 = vector.broadcast %add3A_584 : i32 to vector<16xi32>
    %add3A_586 = arith.addi %iota3A_583, %add3A_585 : vector<16xi32>
    %and3A_587 = arith.constant 8191 : i32
    %and3A_588 = vector.broadcast %and3A_587 : i32 to vector<16xi32>
    %and3A_589 = arith.andi %add3A_586, %and3A_588 : vector<16xi32>
    %mul3A_590 = arith.constant 10752 : i32
    %mul3A_591 = arith.muli %arg0, %mul3A_590 : i32
    %add3A_592 = vector.broadcast %mul3A_591 : i32 to vector<16xi32>
    %add3A_593 = arith.addi %and3A_589, %add3A_592 : vector<16xi32>
    %swap3A_594 = arith.constant 448 : index
    %swap3A_595 = tpu.vector_load %arg10[%swap3A_594] {strides = array<i32>} : memref<848xi32, #tpu.memory_space<vmem>>, vector<16xi32>,
    tpu.vector_store %arg10[%swap3A_594], %add3A_593 {strides = array<i32>} : memref<848xi32, #tpu.memory_space<vmem>>, vector<16xi32>,
    %and3A_596 = arith.constant 255 : i32
    %and3A_597 = vector.broadcast %and3A_596 : i32 to vector<16xi32>
    %and3A_598 = arith.andi %add3A_586, %and3A_597 : vector<16xi32>
    %add3A_599 = arith.constant 512 : i32
    %add3A_600 = vector.broadcast %add3A_599 : i32 to vector<16xi32>
    %add3A_601 = arith.addi %add3A_600, %and3A_598 : vector<16xi32>
    %swap3A_602 = arith.constant 448 : index
    %swap3A_603 = tpu.vector_load %arg11[%swap3A_602] {strides = array<i32>} : memref<848xi32, #tpu.memory_space<vmem>>, vector<16xi32>,
    tpu.vector_store %arg11[%swap3A_602], %add3A_601 {strides = array<i32>} : memref<848xi32, #tpu.memory_space<vmem>>, vector<16xi32>,
    %iota3A_604 = tpu.iota {dimensions = array<i32: 0>} : vector<16xi32>
    %add3A_605 = arith.constant 464 : i32
    %add3A_606 = vector.broadcast %add3A_605 : i32 to vector<16xi32>
    %add3A_607 = arith.addi %iota3A_604, %add3A_606 : vector<16xi32>
    %and3A_608 = arith.constant 8191 : i32
    %and3A_609 = vector.broadcast %and3A_608 : i32 to vector<16xi32>
    %and3A_610 = arith.andi %add3A_607, %and3A_609 : vector<16xi32>
    %mul3A_611 = arith.constant 10752 : i32
    %mul3A_612 = arith.muli %arg0, %mul3A_611 : i32
    %add3A_613 = vector.broadcast %mul3A_612 : i32 to vector<16xi32>
    %add3A_614 = arith.addi %and3A_610, %add3A_613 : vector<16xi32>
    %swap3A_615 = arith.constant 464 : index
    %swap3A_616 = tpu.vector_load %arg10[%swap3A_615] {strides = array<i32>} : memref<848xi32, #tpu.memory_space<vmem>>, vector<16xi32>,
    tpu.vector_store %arg10[%swap3A_615], %add3A_614 {strides = array<i32>} : memref<848xi32, #tpu.memory_space<vmem>>, vector<16xi32>,
    %and3A_617 = arith.constant 255 : i32
    %and3A_618 = vector.broadcast %and3A_617 : i32 to vector<16xi32>
    %and3A_619 = arith.andi %add3A_607, %and3A_618 : vector<16xi32>
    %add3A_620 = arith.constant 512 : i32
    %add3A_621 = vector.broadcast %add3A_620 : i32 to vector<16xi32>
    %add3A_622 = arith.addi %add3A_621, %and3A_619 : vector<16xi32>
    %swap3A_623 = arith.constant 464 : index
    %swap3A_624 = tpu.vector_load %arg11[%swap3A_623] {strides = array<i32>} : memref<848xi32, #tpu.memory_space<vmem>>, vector<16xi32>,
    tpu.vector_store %arg11[%swap3A_623], %add3A_622 {strides = array<i32>} : memref<848xi32, #tpu.memory_space<vmem>>, vector<16xi32>,
    %iota3A_625 = tpu.iota {dimensions = array<i32: 0>} : vector<16xi32>
    %add3A_626 = arith.constant 480 : i32
    %add3A_627 = vector.broadcast %add3A_626 : i32 to vector<16xi32>
    %add3A_628 = arith.addi %iota3A_625, %add3A_627 : vector<16xi32>
    %and3A_629 = arith.constant 8191 : i32
    %and3A_630 = vector.broadcast %and3A_629 : i32 to vector<16xi32>
    %and3A_631 = arith.andi %add3A_628, %and3A_630 : vector<16xi32>
    %mul3A_632 = arith.constant 10752 : i32
    %mul3A_633 = arith.muli %arg0, %mul3A_632 : i32
    %add3A_634 = vector.broadcast %mul3A_633 : i32 to vector<16xi32>
    %add3A_635 = arith.addi %and3A_631, %add3A_634 : vector<16xi32>
    %swap3A_636 = arith.constant 480 : index
    %swap3A_637 = tpu.vector_load %arg10[%swap3A_636] {strides = array<i32>} : memref<848xi32, #tpu.memory_space<vmem>>, vector<16xi32>,
    tpu.vector_store %arg10[%swap3A_636], %add3A_635 {strides = array<i32>} : memref<848xi32, #tpu.memory_space<vmem>>, vector<16xi32>,
    %and3A_638 = arith.constant 255 : i32
    %and3A_639 = vector.broadcast %and3A_638 : i32 to vector<16xi32>
    %and3A_640 = arith.andi %add3A_628, %and3A_639 : vector<16xi32>
    %add3A_641 = arith.constant 512 : i32
    %add3A_642 = vector.broadcast %add3A_641 : i32 to vector<16xi32>
    %add3A_643 = arith.addi %add3A_642, %and3A_640 : vector<16xi32>
    %swap3A_644 = arith.constant 480 : index
    %swap3A_645 = tpu.vector_load %arg11[%swap3A_644] {strides = array<i32>} : memref<848xi32, #tpu.memory_space<vmem>>, vector<16xi32>,
    tpu.vector_store %arg11[%swap3A_644], %add3A_643 {strides = array<i32>} : memref<848xi32, #tpu.memory_space<vmem>>, vector<16xi32>,
    %iota3A_646 = tpu.iota {dimensions = array<i32: 0>} : vector<16xi32>
    %add3A_647 = arith.constant 496 : i32
    %add3A_648 = vector.broadcast %add3A_647 : i32 to vector<16xi32>
    %add3A_649 = arith.addi %iota3A_646, %add3A_648 : vector<16xi32>
    %and3A_650 = arith.constant 8191 : i32
    %and3A_651 = vector.broadcast %and3A_650 : i32 to vector<16xi32>
    %and3A_652 = arith.andi %add3A_649, %and3A_651 : vector<16xi32>
    %mul3A_653 = arith.constant 10752 : i32
    %mul3A_654 = arith.muli %arg0, %mul3A_653 : i32
    %add3A_655 = vector.broadcast %mul3A_654 : i32 to vector<16xi32>
    %add3A_656 = arith.addi %and3A_652, %add3A_655 : vector<16xi32>
    %swap3A_657 = arith.constant 496 : index
    %swap3A_658 = tpu.vector_load %arg10[%swap3A_657] {strides = array<i32>} : memref<848xi32, #tpu.memory_space<vmem>>, vector<16xi32>,
    tpu.vector_store %arg10[%swap3A_657], %add3A_656 {strides = array<i32>} : memref<848xi32, #tpu.memory_space<vmem>>, vector<16xi32>,
    %and3A_659 = arith.constant 255 : i32
    %and3A_660 = vector.broadcast %and3A_659 : i32 to vector<16xi32>
    %and3A_661 = arith.andi %add3A_649, %and3A_660 : vector<16xi32>
    %add3A_662 = arith.constant 512 : i32
    %add3A_663 = vector.broadcast %add3A_662 : i32 to vector<16xi32>
    %add3A_664 = arith.addi %add3A_663, %and3A_661 : vector<16xi32>
    %swap3A_665 = arith.constant 496 : index
    %swap3A_666 = tpu.vector_load %arg11[%swap3A_665] {strides = array<i32>} : memref<848xi32, #tpu.memory_space<vmem>>, vector<16xi32>,
    tpu.vector_store %arg11[%swap3A_665], %add3A_664 {strides = array<i32>} : memref<848xi32, #tpu.memory_space<vmem>>, vector<16xi32>,
    %iota3A_667 = tpu.iota {dimensions = array<i32: 0>} : vector<16xi32>
    %add3A_668 = arith.constant 512 : i32
    %add3A_669 = vector.broadcast %add3A_668 : i32 to vector<16xi32>
    %add3A_670 = arith.addi %iota3A_667, %add3A_669 : vector<16xi32>
    %and3A_671 = arith.constant 8191 : i32
    %and3A_672 = vector.broadcast %and3A_671 : i32 to vector<16xi32>
    %and3A_673 = arith.andi %add3A_670, %and3A_672 : vector<16xi32>
    %mul3A_674 = arith.constant 10752 : i32
    %mul3A_675 = arith.muli %arg0, %mul3A_674 : i32
    %add3A_676 = vector.broadcast %mul3A_675 : i32 to vector<16xi32>
    %add3A_677 = arith.addi %and3A_673, %add3A_676 : vector<16xi32>
    %swap3A_678 = arith.constant 512 : index
    %swap3A_679 = tpu.vector_load %arg10[%swap3A_678] {strides = array<i32>} : memref<848xi32, #tpu.memory_space<vmem>>, vector<16xi32>,
    tpu.vector_store %arg10[%swap3A_678], %add3A_677 {strides = array<i32>} : memref<848xi32, #tpu.memory_space<vmem>>, vector<16xi32>,
    %and3A_680 = arith.constant 255 : i32
    %and3A_681 = vector.broadcast %and3A_680 : i32 to vector<16xi32>
    %and3A_682 = arith.andi %add3A_670, %and3A_681 : vector<16xi32>
    %add3A_683 = arith.constant 512 : i32
    %add3A_684 = vector.broadcast %add3A_683 : i32 to vector<16xi32>
    %add3A_685 = arith.addi %add3A_684, %and3A_682 : vector<16xi32>
    %swap3A_686 = arith.constant 512 : index
    %swap3A_687 = tpu.vector_load %arg11[%swap3A_686] {strides = array<i32>} : memref<848xi32, #tpu.memory_space<vmem>>, vector<16xi32>,
    tpu.vector_store %arg11[%swap3A_686], %add3A_685 {strides = array<i32>} : memref<848xi32, #tpu.memory_space<vmem>>, vector<16xi32>,
    %iota3A_688 = tpu.iota {dimensions = array<i32: 0>} : vector<16xi32>
    %add3A_689 = arith.constant 528 : i32
    %add3A_690 = vector.broadcast %add3A_689 : i32 to vector<16xi32>
    %add3A_691 = arith.addi %iota3A_688, %add3A_690 : vector<16xi32>
    %and3A_692 = arith.constant 8191 : i32
    %and3A_693 = vector.broadcast %and3A_692 : i32 to vector<16xi32>
    %and3A_694 = arith.andi %add3A_691, %and3A_693 : vector<16xi32>
    %mul3A_695 = arith.constant 10752 : i32
    %mul3A_696 = arith.muli %arg0, %mul3A_695 : i32
    %add3A_697 = vector.broadcast %mul3A_696 : i32 to vector<16xi32>
    %add3A_698 = arith.addi %and3A_694, %add3A_697 : vector<16xi32>
    %swap3A_699 = arith.constant 528 : index
    %swap3A_700 = tpu.vector_load %arg10[%swap3A_699] {strides = array<i32>} : memref<848xi32, #tpu.memory_space<vmem>>, vector<16xi32>,
    tpu.vector_store %arg10[%swap3A_699], %add3A_698 {strides = array<i32>} : memref<848xi32, #tpu.memory_space<vmem>>, vector<16xi32>,
    %and3A_701 = arith.constant 255 : i32
    %and3A_702 = vector.broadcast %and3A_701 : i32 to vector<16xi32>
    %and3A_703 = arith.andi %add3A_691, %and3A_702 : vector<16xi32>
    %add3A_704 = arith.constant 512 : i32
    %add3A_705 = vector.broadcast %add3A_704 : i32 to vector<16xi32>
    %add3A_706 = arith.addi %add3A_705, %and3A_703 : vector<16xi32>
    %swap3A_707 = arith.constant 528 : index
    %swap3A_708 = tpu.vector_load %arg11[%swap3A_707] {strides = array<i32>} : memref<848xi32, #tpu.memory_space<vmem>>, vector<16xi32>,
    tpu.vector_store %arg11[%swap3A_707], %add3A_706 {strides = array<i32>} : memref<848xi32, #tpu.memory_space<vmem>>, vector<16xi32>,
    %iota3A_709 = tpu.iota {dimensions = array<i32: 0>} : vector<16xi32>
    %add3A_710 = arith.constant 544 : i32
    %add3A_711 = vector.broadcast %add3A_710 : i32 to vector<16xi32>
    %add3A_712 = arith.addi %iota3A_709, %add3A_711 : vector<16xi32>
    %and3A_713 = arith.constant 8191 : i32
    %and3A_714 = vector.broadcast %and3A_713 : i32 to vector<16xi32>
    %and3A_715 = arith.andi %add3A_712, %and3A_714 : vector<16xi32>
    %mul3A_716 = arith.constant 10752 : i32
    %mul3A_717 = arith.muli %arg0, %mul3A_716 : i32
    %add3A_718 = vector.broadcast %mul3A_717 : i32 to vector<16xi32>
    %add3A_719 = arith.addi %and3A_715, %add3A_718 : vector<16xi32>
    %swap3A_720 = arith.constant 544 : index
    %swap3A_721 = tpu.vector_load %arg10[%swap3A_720] {strides = array<i32>} : memref<848xi32, #tpu.memory_space<vmem>>, vector<16xi32>,
    tpu.vector_store %arg10[%swap3A_720], %add3A_719 {strides = array<i32>} : memref<848xi32, #tpu.memory_space<vmem>>, vector<16xi32>,
    %and3A_722 = arith.constant 255 : i32
    %and3A_723 = vector.broadcast %and3A_722 : i32 to vector<16xi32>
    %and3A_724 = arith.andi %add3A_712, %and3A_723 : vector<16xi32>
    %add3A_725 = arith.constant 512 : i32
    %add3A_726 = vector.broadcast %add3A_725 : i32 to vector<16xi32>
    %add3A_727 = arith.addi %add3A_726, %and3A_724 : vector<16xi32>
    %swap3A_728 = arith.constant 544 : index
    %swap3A_729 = tpu.vector_load %arg11[%swap3A_728] {strides = array<i32>} : memref<848xi32, #tpu.memory_space<vmem>>, vector<16xi32>,
    tpu.vector_store %arg11[%swap3A_728], %add3A_727 {strides = array<i32>} : memref<848xi32, #tpu.memory_space<vmem>>, vector<16xi32>,
    %iota3A_730 = tpu.iota {dimensions = array<i32: 0>} : vector<16xi32>
    %add3A_731 = arith.constant 560 : i32
    %add3A_732 = vector.broadcast %add3A_731 : i32 to vector<16xi32>
    %add3A_733 = arith.addi %iota3A_730, %add3A_732 : vector<16xi32>
    %and3A_734 = arith.constant 8191 : i32
    %and3A_735 = vector.broadcast %and3A_734 : i32 to vector<16xi32>
    %and3A_736 = arith.andi %add3A_733, %and3A_735 : vector<16xi32>
    %mul3A_737 = arith.constant 10752 : i32
    %mul3A_738 = arith.muli %arg0, %mul3A_737 : i32
    %add3A_739 = vector.broadcast %mul3A_738 : i32 to vector<16xi32>
    %add3A_740 = arith.addi %and3A_736, %add3A_739 : vector<16xi32>
    %swap3A_741 = arith.constant 560 : index
    %swap3A_742 = tpu.vector_load %arg10[%swap3A_741] {strides = array<i32>} : memref<848xi32, #tpu.memory_space<vmem>>, vector<16xi32>,
    tpu.vector_store %arg10[%swap3A_741], %add3A_740 {strides = array<i32>} : memref<848xi32, #tpu.memory_space<vmem>>, vector<16xi32>,
    %and3A_743 = arith.constant 255 : i32
    %and3A_744 = vector.broadcast %and3A_743 : i32 to vector<16xi32>
    %and3A_745 = arith.andi %add3A_733, %and3A_744 : vector<16xi32>
    %add3A_746 = arith.constant 512 : i32
    %add3A_747 = vector.broadcast %add3A_746 : i32 to vector<16xi32>
    %add3A_748 = arith.addi %add3A_747, %and3A_745 : vector<16xi32>
    %swap3A_749 = arith.constant 560 : index
    %swap3A_750 = tpu.vector_load %arg11[%swap3A_749] {strides = array<i32>} : memref<848xi32, #tpu.memory_space<vmem>>, vector<16xi32>,
    tpu.vector_store %arg11[%swap3A_749], %add3A_748 {strides = array<i32>} : memref<848xi32, #tpu.memory_space<vmem>>, vector<16xi32>,
    %iota3A_751 = tpu.iota {dimensions = array<i32: 0>} : vector<16xi32>
    %add3A_752 = arith.constant 576 : i32
    %add3A_753 = vector.broadcast %add3A_752 : i32 to vector<16xi32>
    %add3A_754 = arith.addi %iota3A_751, %add3A_753 : vector<16xi32>
    %and3A_755 = arith.constant 8191 : i32
    %and3A_756 = vector.broadcast %and3A_755 : i32 to vector<16xi32>
    %and3A_757 = arith.andi %add3A_754, %and3A_756 : vector<16xi32>
    %mul3A_758 = arith.constant 10752 : i32
    %mul3A_759 = arith.muli %arg0, %mul3A_758 : i32
    %add3A_760 = vector.broadcast %mul3A_759 : i32 to vector<16xi32>
    %add3A_761 = arith.addi %and3A_757, %add3A_760 : vector<16xi32>
    %swap3A_762 = arith.constant 576 : index
    %swap3A_763 = tpu.vector_load %arg10[%swap3A_762] {strides = array<i32>} : memref<848xi32, #tpu.memory_space<vmem>>, vector<16xi32>,
    tpu.vector_store %arg10[%swap3A_762], %add3A_761 {strides = array<i32>} : memref<848xi32, #tpu.memory_space<vmem>>, vector<16xi32>,
    %and3A_764 = arith.constant 255 : i32
    %and3A_765 = vector.broadcast %and3A_764 : i32 to vector<16xi32>
    %and3A_766 = arith.andi %add3A_754, %and3A_765 : vector<16xi32>
    %add3A_767 = arith.constant 512 : i32
    %add3A_768 = vector.broadcast %add3A_767 : i32 to vector<16xi32>
    %add3A_769 = arith.addi %add3A_768, %and3A_766 : vector<16xi32>
    %swap3A_770 = arith.constant 576 : index
    %swap3A_771 = tpu.vector_load %arg11[%swap3A_770] {strides = array<i32>} : memref<848xi32, #tpu.memory_space<vmem>>, vector<16xi32>,
    tpu.vector_store %arg11[%swap3A_770], %add3A_769 {strides = array<i32>} : memref<848xi32, #tpu.memory_space<vmem>>, vector<16xi32>,
    %iota3A_772 = tpu.iota {dimensions = array<i32: 0>} : vector<16xi32>
    %add3A_773 = arith.constant 592 : i32
    %add3A_774 = vector.broadcast %add3A_773 : i32 to vector<16xi32>
    %add3A_775 = arith.addi %iota3A_772, %add3A_774 : vector<16xi32>
    %and3A_776 = arith.constant 8191 : i32
    %and3A_777 = vector.broadcast %and3A_776 : i32 to vector<16xi32>
    %and3A_778 = arith.andi %add3A_775, %and3A_777 : vector<16xi32>
    %mul3A_779 = arith.constant 10752 : i32
    %mul3A_780 = arith.muli %arg0, %mul3A_779 : i32
    %add3A_781 = vector.broadcast %mul3A_780 : i32 to vector<16xi32>
    %add3A_782 = arith.addi %and3A_778, %add3A_781 : vector<16xi32>
    %swap3A_783 = arith.constant 592 : index
    %swap3A_784 = tpu.vector_load %arg10[%swap3A_783] {strides = array<i32>} : memref<848xi32, #tpu.memory_space<vmem>>, vector<16xi32>,
    tpu.vector_store %arg10[%swap3A_783], %add3A_782 {strides = array<i32>} : memref<848xi32, #tpu.memory_space<vmem>>, vector<16xi32>,
    %and3A_785 = arith.constant 255 : i32
    %and3A_786 = vector.broadcast %and3A_785 : i32 to vector<16xi32>
    %and3A_787 = arith.andi %add3A_775, %and3A_786 : vector<16xi32>
    %add3A_788 = arith.constant 512 : i32
    %add3A_789 = vector.broadcast %add3A_788 : i32 to vector<16xi32>
    %add3A_790 = arith.addi %add3A_789, %and3A_787 : vector<16xi32>
    %swap3A_791 = arith.constant 592 : index
    %swap3A_792 = tpu.vector_load %arg11[%swap3A_791] {strides = array<i32>} : memref<848xi32, #tpu.memory_space<vmem>>, vector<16xi32>,
    tpu.vector_store %arg11[%swap3A_791], %add3A_790 {strides = array<i32>} : memref<848xi32, #tpu.memory_space<vmem>>, vector<16xi32>,
    %iota3A_793 = tpu.iota {dimensions = array<i32: 0>} : vector<16xi32>
    %add3A_794 = arith.constant 608 : i32
    %add3A_795 = vector.broadcast %add3A_794 : i32 to vector<16xi32>
    %add3A_796 = arith.addi %iota3A_793, %add3A_795 : vector<16xi32>
    %and3A_797 = arith.constant 8191 : i32
    %and3A_798 = vector.broadcast %and3A_797 : i32 to vector<16xi32>
    %and3A_799 = arith.andi %add3A_796, %and3A_798 : vector<16xi32>
    %mul3A_800 = arith.constant 10752 : i32
    %mul3A_801 = arith.muli %arg0, %mul3A_800 : i32
    %add3A_802 = vector.broadcast %mul3A_801 : i32 to vector<16xi32>
    %add3A_803 = arith.addi %and3A_799, %add3A_802 : vector<16xi32>
    %swap3A_804 = arith.constant 608 : index
    %swap3A_805 = tpu.vector_load %arg10[%swap3A_804] {strides = array<i32>} : memref<848xi32, #tpu.memory_space<vmem>>, vector<16xi32>,
    tpu.vector_store %arg10[%swap3A_804], %add3A_803 {strides = array<i32>} : memref<848xi32, #tpu.memory_space<vmem>>, vector<16xi32>,
    %and3A_806 = arith.constant 255 : i32
    %and3A_807 = vector.broadcast %and3A_806 : i32 to vector<16xi32>
    %and3A_808 = arith.andi %add3A_796, %and3A_807 : vector<16xi32>
    %add3A_809 = arith.constant 512 : i32
    %add3A_810 = vector.broadcast %add3A_809 : i32 to vector<16xi32>
    %add3A_811 = arith.addi %add3A_810, %and3A_808 : vector<16xi32>
    %swap3A_812 = arith.constant 608 : index
    %swap3A_813 = tpu.vector_load %arg11[%swap3A_812] {strides = array<i32>} : memref<848xi32, #tpu.memory_space<vmem>>, vector<16xi32>,
    tpu.vector_store %arg11[%swap3A_812], %add3A_811 {strides = array<i32>} : memref<848xi32, #tpu.memory_space<vmem>>, vector<16xi32>,
    %iota3A_814 = tpu.iota {dimensions = array<i32: 0>} : vector<16xi32>
    %add3A_815 = arith.constant 624 : i32
    %add3A_816 = vector.broadcast %add3A_815 : i32 to vector<16xi32>
    %add3A_817 = arith.addi %iota3A_814, %add3A_816 : vector<16xi32>
    %and3A_818 = arith.constant 8191 : i32
    %and3A_819 = vector.broadcast %and3A_818 : i32 to vector<16xi32>
    %and3A_820 = arith.andi %add3A_817, %and3A_819 : vector<16xi32>
    %mul3A_821 = arith.constant 10752 : i32
    %mul3A_822 = arith.muli %arg0, %mul3A_821 : i32
    %add3A_823 = vector.broadcast %mul3A_822 : i32 to vector<16xi32>
    %add3A_824 = arith.addi %and3A_820, %add3A_823 : vector<16xi32>
    %swap3A_825 = arith.constant 624 : index
    %swap3A_826 = tpu.vector_load %arg10[%swap3A_825] {strides = array<i32>} : memref<848xi32, #tpu.memory_space<vmem>>, vector<16xi32>,
    tpu.vector_store %arg10[%swap3A_825], %add3A_824 {strides = array<i32>} : memref<848xi32, #tpu.memory_space<vmem>>, vector<16xi32>,
    %and3A_827 = arith.constant 255 : i32
    %and3A_828 = vector.broadcast %and3A_827 : i32 to vector<16xi32>
    %and3A_829 = arith.andi %add3A_817, %and3A_828 : vector<16xi32>
    %add3A_830 = arith.constant 512 : i32
    %add3A_831 = vector.broadcast %add3A_830 : i32 to vector<16xi32>
    %add3A_832 = arith.addi %add3A_831, %and3A_829 : vector<16xi32>
    %swap3A_833 = arith.constant 624 : index
    %swap3A_834 = tpu.vector_load %arg11[%swap3A_833] {strides = array<i32>} : memref<848xi32, #tpu.memory_space<vmem>>, vector<16xi32>,
    tpu.vector_store %arg11[%swap3A_833], %add3A_832 {strides = array<i32>} : memref<848xi32, #tpu.memory_space<vmem>>, vector<16xi32>,
    %iota3A_835 = tpu.iota {dimensions = array<i32: 0>} : vector<16xi32>
    %add3A_836 = arith.constant 640 : i32
    %add3A_837 = vector.broadcast %add3A_836 : i32 to vector<16xi32>
    %add3A_838 = arith.addi %iota3A_835, %add3A_837 : vector<16xi32>
    %and3A_839 = arith.constant 8191 : i32
    %and3A_840 = vector.broadcast %and3A_839 : i32 to vector<16xi32>
    %and3A_841 = arith.andi %add3A_838, %and3A_840 : vector<16xi32>
    %mul3A_842 = arith.constant 10752 : i32
    %mul3A_843 = arith.muli %arg0, %mul3A_842 : i32
    %add3A_844 = vector.broadcast %mul3A_843 : i32 to vector<16xi32>
    %add3A_845 = arith.addi %and3A_841, %add3A_844 : vector<16xi32>
    %swap3A_846 = arith.constant 640 : index
    %swap3A_847 = tpu.vector_load %arg10[%swap3A_846] {strides = array<i32>} : memref<848xi32, #tpu.memory_space<vmem>>, vector<16xi32>,
    tpu.vector_store %arg10[%swap3A_846], %add3A_845 {strides = array<i32>} : memref<848xi32, #tpu.memory_space<vmem>>, vector<16xi32>,
    %and3A_848 = arith.constant 255 : i32
    %and3A_849 = vector.broadcast %and3A_848 : i32 to vector<16xi32>
    %and3A_850 = arith.andi %add3A_838, %and3A_849 : vector<16xi32>
    %add3A_851 = arith.constant 512 : i32
    %add3A_852 = vector.broadcast %add3A_851 : i32 to vector<16xi32>
    %add3A_853 = arith.addi %add3A_852, %and3A_850 : vector<16xi32>
    %swap3A_854 = arith.constant 640 : index
    %swap3A_855 = tpu.vector_load %arg11[%swap3A_854] {strides = array<i32>} : memref<848xi32, #tpu.memory_space<vmem>>, vector<16xi32>,
    tpu.vector_store %arg11[%swap3A_854], %add3A_853 {strides = array<i32>} : memref<848xi32, #tpu.memory_space<vmem>>, vector<16xi32>,
    %iota3A_856 = tpu.iota {dimensions = array<i32: 0>} : vector<16xi32>
    %add3A_857 = arith.constant 656 : i32
    %add3A_858 = vector.broadcast %add3A_857 : i32 to vector<16xi32>
    %add3A_859 = arith.addi %iota3A_856, %add3A_858 : vector<16xi32>
    %and3A_860 = arith.constant 8191 : i32
    %and3A_861 = vector.broadcast %and3A_860 : i32 to vector<16xi32>
    %and3A_862 = arith.andi %add3A_859, %and3A_861 : vector<16xi32>
    %mul3A_863 = arith.constant 10752 : i32
    %mul3A_864 = arith.muli %arg0, %mul3A_863 : i32
    %add3A_865 = vector.broadcast %mul3A_864 : i32 to vector<16xi32>
    %add3A_866 = arith.addi %and3A_862, %add3A_865 : vector<16xi32>
    %swap3A_867 = arith.constant 656 : index
    %swap3A_868 = tpu.vector_load %arg10[%swap3A_867] {strides = array<i32>} : memref<848xi32, #tpu.memory_space<vmem>>, vector<16xi32>,
    tpu.vector_store %arg10[%swap3A_867], %add3A_866 {strides = array<i32>} : memref<848xi32, #tpu.memory_space<vmem>>, vector<16xi32>,
    %and3A_869 = arith.constant 255 : i32
    %and3A_870 = vector.broadcast %and3A_869 : i32 to vector<16xi32>
    %and3A_871 = arith.andi %add3A_859, %and3A_870 : vector<16xi32>
    %add3A_872 = arith.constant 512 : i32
    %add3A_873 = vector.broadcast %add3A_872 : i32 to vector<16xi32>
    %add3A_874 = arith.addi %add3A_873, %and3A_871 : vector<16xi32>
    %swap3A_875 = arith.constant 656 : index
    %swap3A_876 = tpu.vector_load %arg11[%swap3A_875] {strides = array<i32>} : memref<848xi32, #tpu.memory_space<vmem>>, vector<16xi32>,
    tpu.vector_store %arg11[%swap3A_875], %add3A_874 {strides = array<i32>} : memref<848xi32, #tpu.memory_space<vmem>>, vector<16xi32>,
    %iota3A_877 = tpu.iota {dimensions = array<i32: 0>} : vector<16xi32>
    %add3A_878 = arith.constant 672 : i32
    %add3A_879 = vector.broadcast %add3A_878 : i32 to vector<16xi32>
    %add3A_880 = arith.addi %iota3A_877, %add3A_879 : vector<16xi32>
    %and3A_881 = arith.constant 8191 : i32
    %and3A_882 = vector.broadcast %and3A_881 : i32 to vector<16xi32>
    %and3A_883 = arith.andi %add3A_880, %and3A_882 : vector<16xi32>
    %mul3A_884 = arith.constant 10752 : i32
    %mul3A_885 = arith.muli %arg0, %mul3A_884 : i32
    %add3A_886 = vector.broadcast %mul3A_885 : i32 to vector<16xi32>
    %add3A_887 = arith.addi %and3A_883, %add3A_886 : vector<16xi32>
    %swap3A_888 = arith.constant 672 : index
    %swap3A_889 = tpu.vector_load %arg10[%swap3A_888] {strides = array<i32>} : memref<848xi32, #tpu.memory_space<vmem>>, vector<16xi32>,
    tpu.vector_store %arg10[%swap3A_888], %add3A_887 {strides = array<i32>} : memref<848xi32, #tpu.memory_space<vmem>>, vector<16xi32>,
    %and3A_890 = arith.constant 255 : i32
    %and3A_891 = vector.broadcast %and3A_890 : i32 to vector<16xi32>
    %and3A_892 = arith.andi %add3A_880, %and3A_891 : vector<16xi32>
    %add3A_893 = arith.constant 512 : i32
    %add3A_894 = vector.broadcast %add3A_893 : i32 to vector<16xi32>
    %add3A_895 = arith.addi %add3A_894, %and3A_892 : vector<16xi32>
    %swap3A_896 = arith.constant 672 : index
    %swap3A_897 = tpu.vector_load %arg11[%swap3A_896] {strides = array<i32>} : memref<848xi32, #tpu.memory_space<vmem>>, vector<16xi32>,
    tpu.vector_store %arg11[%swap3A_896], %add3A_895 {strides = array<i32>} : memref<848xi32, #tpu.memory_space<vmem>>, vector<16xi32>,
    %iota3A_898 = tpu.iota {dimensions = array<i32: 0>} : vector<16xi32>
    %add3A_899 = arith.constant 688 : i32
    %add3A_900 = vector.broadcast %add3A_899 : i32 to vector<16xi32>
    %add3A_901 = arith.addi %iota3A_898, %add3A_900 : vector<16xi32>
    %and3A_902 = arith.constant 8191 : i32
    %and3A_903 = vector.broadcast %and3A_902 : i32 to vector<16xi32>
    %and3A_904 = arith.andi %add3A_901, %and3A_903 : vector<16xi32>
    %mul3A_905 = arith.constant 10752 : i32
    %mul3A_906 = arith.muli %arg0, %mul3A_905 : i32
    %add3A_907 = vector.broadcast %mul3A_906 : i32 to vector<16xi32>
    %add3A_908 = arith.addi %and3A_904, %add3A_907 : vector<16xi32>
    %swap3A_909 = arith.constant 688 : index
    %swap3A_910 = tpu.vector_load %arg10[%swap3A_909] {strides = array<i32>} : memref<848xi32, #tpu.memory_space<vmem>>, vector<16xi32>,
    tpu.vector_store %arg10[%swap3A_909], %add3A_908 {strides = array<i32>} : memref<848xi32, #tpu.memory_space<vmem>>, vector<16xi32>,
    %and3A_911 = arith.constant 255 : i32
    %and3A_912 = vector.broadcast %and3A_911 : i32 to vector<16xi32>
    %and3A_913 = arith.andi %add3A_901, %and3A_912 : vector<16xi32>
    %add3A_914 = arith.constant 512 : i32
    %add3A_915 = vector.broadcast %add3A_914 : i32 to vector<16xi32>
    %add3A_916 = arith.addi %add3A_915, %and3A_913 : vector<16xi32>
    %swap3A_917 = arith.constant 688 : index
    %swap3A_918 = tpu.vector_load %arg11[%swap3A_917] {strides = array<i32>} : memref<848xi32, #tpu.memory_space<vmem>>, vector<16xi32>,
    tpu.vector_store %arg11[%swap3A_917], %add3A_916 {strides = array<i32>} : memref<848xi32, #tpu.memory_space<vmem>>, vector<16xi32>,
    %iota3A_919 = tpu.iota {dimensions = array<i32: 0>} : vector<16xi32>
    %add3A_920 = arith.constant 704 : i32
    %add3A_921 = vector.broadcast %add3A_920 : i32 to vector<16xi32>
    %add3A_922 = arith.addi %iota3A_919, %add3A_921 : vector<16xi32>
    %and3A_923 = arith.constant 8191 : i32
    %and3A_924 = vector.broadcast %and3A_923 : i32 to vector<16xi32>
    %and3A_925 = arith.andi %add3A_922, %and3A_924 : vector<16xi32>
    %mul3A_926 = arith.constant 10752 : i32
    %mul3A_927 = arith.muli %arg0, %mul3A_926 : i32
    %add3A_928 = vector.broadcast %mul3A_927 : i32 to vector<16xi32>
    %add3A_929 = arith.addi %and3A_925, %add3A_928 : vector<16xi32>
    %swap3A_930 = arith.constant 704 : index
    %swap3A_931 = tpu.vector_load %arg10[%swap3A_930] {strides = array<i32>} : memref<848xi32, #tpu.memory_space<vmem>>, vector<16xi32>,
    tpu.vector_store %arg10[%swap3A_930], %add3A_929 {strides = array<i32>} : memref<848xi32, #tpu.memory_space<vmem>>, vector<16xi32>,
    %and3A_932 = arith.constant 255 : i32
    %and3A_933 = vector.broadcast %and3A_932 : i32 to vector<16xi32>
    %and3A_934 = arith.andi %add3A_922, %and3A_933 : vector<16xi32>
    %add3A_935 = arith.constant 512 : i32
    %add3A_936 = vector.broadcast %add3A_935 : i32 to vector<16xi32>
    %add3A_937 = arith.addi %add3A_936, %and3A_934 : vector<16xi32>
    %swap3A_938 = arith.constant 704 : index
    %swap3A_939 = tpu.vector_load %arg11[%swap3A_938] {strides = array<i32>} : memref<848xi32, #tpu.memory_space<vmem>>, vector<16xi32>,
    tpu.vector_store %arg11[%swap3A_938], %add3A_937 {strides = array<i32>} : memref<848xi32, #tpu.memory_space<vmem>>, vector<16xi32>,
    %iota3A_940 = tpu.iota {dimensions = array<i32: 0>} : vector<16xi32>
    %add3A_941 = arith.constant 720 : i32
    %add3A_942 = vector.broadcast %add3A_941 : i32 to vector<16xi32>
    %add3A_943 = arith.addi %iota3A_940, %add3A_942 : vector<16xi32>
    %and3A_944 = arith.constant 8191 : i32
    %and3A_945 = vector.broadcast %and3A_944 : i32 to vector<16xi32>
    %and3A_946 = arith.andi %add3A_943, %and3A_945 : vector<16xi32>
    %mul3A_947 = arith.constant 10752 : i32
    %mul3A_948 = arith.muli %arg0, %mul3A_947 : i32
    %add3A_949 = vector.broadcast %mul3A_948 : i32 to vector<16xi32>
    %add3A_950 = arith.addi %and3A_946, %add3A_949 : vector<16xi32>
    %swap3A_951 = arith.constant 720 : index
    %swap3A_952 = tpu.vector_load %arg10[%swap3A_951] {strides = array<i32>} : memref<848xi32, #tpu.memory_space<vmem>>, vector<16xi32>,
    tpu.vector_store %arg10[%swap3A_951], %add3A_950 {strides = array<i32>} : memref<848xi32, #tpu.memory_space<vmem>>, vector<16xi32>,
    %and3A_953 = arith.constant 255 : i32
    %and3A_954 = vector.broadcast %and3A_953 : i32 to vector<16xi32>
    %and3A_955 = arith.andi %add3A_943, %and3A_954 : vector<16xi32>
    %add3A_956 = arith.constant 512 : i32
    %add3A_957 = vector.broadcast %add3A_956 : i32 to vector<16xi32>
    %add3A_958 = arith.addi %add3A_957, %and3A_955 : vector<16xi32>
    %swap3A_959 = arith.constant 720 : index
    %swap3A_960 = tpu.vector_load %arg11[%swap3A_959] {strides = array<i32>} : memref<848xi32, #tpu.memory_space<vmem>>, vector<16xi32>,
    tpu.vector_store %arg11[%swap3A_959], %add3A_958 {strides = array<i32>} : memref<848xi32, #tpu.memory_space<vmem>>, vector<16xi32>,
    %iota3A_961 = tpu.iota {dimensions = array<i32: 0>} : vector<16xi32>
    %add3A_962 = arith.constant 736 : i32
    %add3A_963 = vector.broadcast %add3A_962 : i32 to vector<16xi32>
    %add3A_964 = arith.addi %iota3A_961, %add3A_963 : vector<16xi32>
    %and3A_965 = arith.constant 8191 : i32
    %and3A_966 = vector.broadcast %and3A_965 : i32 to vector<16xi32>
    %and3A_967 = arith.andi %add3A_964, %and3A_966 : vector<16xi32>
    %mul3A_968 = arith.constant 10752 : i32
    %mul3A_969 = arith.muli %arg0, %mul3A_968 : i32
    %add3A_970 = vector.broadcast %mul3A_969 : i32 to vector<16xi32>
    %add3A_971 = arith.addi %and3A_967, %add3A_970 : vector<16xi32>
    %swap3A_972 = arith.constant 736 : index
    %swap3A_973 = tpu.vector_load %arg10[%swap3A_972] {strides = array<i32>} : memref<848xi32, #tpu.memory_space<vmem>>, vector<16xi32>,
    tpu.vector_store %arg10[%swap3A_972], %add3A_971 {strides = array<i32>} : memref<848xi32, #tpu.memory_space<vmem>>, vector<16xi32>,
    %and3A_974 = arith.constant 255 : i32
    %and3A_975 = vector.broadcast %and3A_974 : i32 to vector<16xi32>
    %and3A_976 = arith.andi %add3A_964, %and3A_975 : vector<16xi32>
    %add3A_977 = arith.constant 512 : i32
    %add3A_978 = vector.broadcast %add3A_977 : i32 to vector<16xi32>
    %add3A_979 = arith.addi %add3A_978, %and3A_976 : vector<16xi32>
    %swap3A_980 = arith.constant 736 : index
    %swap3A_981 = tpu.vector_load %arg11[%swap3A_980] {strides = array<i32>} : memref<848xi32, #tpu.memory_space<vmem>>, vector<16xi32>,
    tpu.vector_store %arg11[%swap3A_980], %add3A_979 {strides = array<i32>} : memref<848xi32, #tpu.memory_space<vmem>>, vector<16xi32>,
    %iota3A_982 = tpu.iota {dimensions = array<i32: 0>} : vector<16xi32>
    %add3A_983 = arith.constant 752 : i32
    %add3A_984 = vector.broadcast %add3A_983 : i32 to vector<16xi32>
    %add3A_985 = arith.addi %iota3A_982, %add3A_984 : vector<16xi32>
    %and3A_986 = arith.constant 8191 : i32
    %and3A_987 = vector.broadcast %and3A_986 : i32 to vector<16xi32>
    %and3A_988 = arith.andi %add3A_985, %and3A_987 : vector<16xi32>
    %mul3A_989 = arith.constant 10752 : i32
    %mul3A_990 = arith.muli %arg0, %mul3A_989 : i32
    %add3A_991 = vector.broadcast %mul3A_990 : i32 to vector<16xi32>
    %add3A_992 = arith.addi %and3A_988, %add3A_991 : vector<16xi32>
    %swap3A_993 = arith.constant 752 : index
    %swap3A_994 = tpu.vector_load %arg10[%swap3A_993] {strides = array<i32>} : memref<848xi32, #tpu.memory_space<vmem>>, vector<16xi32>,
    tpu.vector_store %arg10[%swap3A_993], %add3A_992 {strides = array<i32>} : memref<848xi32, #tpu.memory_space<vmem>>, vector<16xi32>,
    %and3A_995 = arith.constant 255 : i32
    %and3A_996 = vector.broadcast %and3A_995 : i32 to vector<16xi32>
    %and3A_997 = arith.andi %add3A_985, %and3A_996 : vector<16xi32>
    %add3A_998 = arith.constant 512 : i32
    %add3A_999 = vector.broadcast %add3A_998 : i32 to vector<16xi32>
    %add3A_1000 = arith.addi %add3A_999, %and3A_997 : vector<16xi32>
    %swap3A_1001 = arith.constant 752 : index
    %swap3A_1002 = tpu.vector_load %arg11[%swap3A_1001] {strides = array<i32>} : memref<848xi32, #tpu.memory_space<vmem>>, vector<16xi32>,
    tpu.vector_store %arg11[%swap3A_1001], %add3A_1000 {strides = array<i32>} : memref<848xi32, #tpu.memory_space<vmem>>, vector<16xi32>,
    %iota3A_1003 = tpu.iota {dimensions = array<i32: 0>} : vector<16xi32>
    %add3A_1004 = arith.constant 768 : i32
    %add3A_1005 = vector.broadcast %add3A_1004 : i32 to vector<16xi32>
    %add3A_1006 = arith.addi %iota3A_1003, %add3A_1005 : vector<16xi32>
    %and3A_1007 = arith.constant 8191 : i32
    %and3A_1008 = vector.broadcast %and3A_1007 : i32 to vector<16xi32>
    %and3A_1009 = arith.andi %add3A_1006, %and3A_1008 : vector<16xi32>
    %mul3A_1010 = arith.constant 10752 : i32
    %mul3A_1011 = arith.muli %arg0, %mul3A_1010 : i32
    %add3A_1012 = vector.broadcast %mul3A_1011 : i32 to vector<16xi32>
    %add3A_1013 = arith.addi %and3A_1009, %add3A_1012 : vector<16xi32>
    %swap3A_1014 = arith.constant 768 : index
    %swap3A_1015 = tpu.vector_load %arg10[%swap3A_1014] {strides = array<i32>} : memref<848xi32, #tpu.memory_space<vmem>>, vector<16xi32>,
    tpu.vector_store %arg10[%swap3A_1014], %add3A_1013 {strides = array<i32>} : memref<848xi32, #tpu.memory_space<vmem>>, vector<16xi32>,
    %and3A_1016 = arith.constant 255 : i32
    %and3A_1017 = vector.broadcast %and3A_1016 : i32 to vector<16xi32>
    %and3A_1018 = arith.andi %add3A_1006, %and3A_1017 : vector<16xi32>
    %add3A_1019 = arith.constant 512 : i32
    %add3A_1020 = vector.broadcast %add3A_1019 : i32 to vector<16xi32>
    %add3A_1021 = arith.addi %add3A_1020, %and3A_1018 : vector<16xi32>
    %swap3A_1022 = arith.constant 768 : index
    %swap3A_1023 = tpu.vector_load %arg11[%swap3A_1022] {strides = array<i32>} : memref<848xi32, #tpu.memory_space<vmem>>, vector<16xi32>,
    tpu.vector_store %arg11[%swap3A_1022], %add3A_1021 {strides = array<i32>} : memref<848xi32, #tpu.memory_space<vmem>>, vector<16xi32>,
    %iota3A_1024 = tpu.iota {dimensions = array<i32: 0>} : vector<16xi32>
    %add3A_1025 = arith.constant 784 : i32
    %add3A_1026 = vector.broadcast %add3A_1025 : i32 to vector<16xi32>
    %add3A_1027 = arith.addi %iota3A_1024, %add3A_1026 : vector<16xi32>
    %and3A_1028 = arith.constant 8191 : i32
    %and3A_1029 = vector.broadcast %and3A_1028 : i32 to vector<16xi32>
    %and3A_1030 = arith.andi %add3A_1027, %and3A_1029 : vector<16xi32>
    %mul3A_1031 = arith.constant 10752 : i32
    %mul3A_1032 = arith.muli %arg0, %mul3A_1031 : i32
    %add3A_1033 = vector.broadcast %mul3A_1032 : i32 to vector<16xi32>
    %add3A_1034 = arith.addi %and3A_1030, %add3A_1033 : vector<16xi32>
    %swap3A_1035 = arith.constant 784 : index
    %swap3A_1036 = tpu.vector_load %arg10[%swap3A_1035] {strides = array<i32>} : memref<848xi32, #tpu.memory_space<vmem>>, vector<16xi32>,
    tpu.vector_store %arg10[%swap3A_1035], %add3A_1034 {strides = array<i32>} : memref<848xi32, #tpu.memory_space<vmem>>, vector<16xi32>,
    %and3A_1037 = arith.constant 255 : i32
    %and3A_1038 = vector.broadcast %and3A_1037 : i32 to vector<16xi32>
    %and3A_1039 = arith.andi %add3A_1027, %and3A_1038 : vector<16xi32>
    %add3A_1040 = arith.constant 512 : i32
    %add3A_1041 = vector.broadcast %add3A_1040 : i32 to vector<16xi32>
    %add3A_1042 = arith.addi %add3A_1041, %and3A_1039 : vector<16xi32>
    %swap3A_1043 = arith.constant 784 : index
    %swap3A_1044 = tpu.vector_load %arg11[%swap3A_1043] {strides = array<i32>} : memref<848xi32, #tpu.memory_space<vmem>>, vector<16xi32>,
    tpu.vector_store %arg11[%swap3A_1043], %add3A_1042 {strides = array<i32>} : memref<848xi32, #tpu.memory_space<vmem>>, vector<16xi32>,
    %iota3A_1045 = tpu.iota {dimensions = array<i32: 0>} : vector<16xi32>
    %add3A_1046 = arith.constant 800 : i32
    %add3A_1047 = vector.broadcast %add3A_1046 : i32 to vector<16xi32>
    %add3A_1048 = arith.addi %iota3A_1045, %add3A_1047 : vector<16xi32>
    %and3A_1049 = arith.constant 8191 : i32
    %and3A_1050 = vector.broadcast %and3A_1049 : i32 to vector<16xi32>
    %and3A_1051 = arith.andi %add3A_1048, %and3A_1050 : vector<16xi32>
    %mul3A_1052 = arith.constant 10752 : i32
    %mul3A_1053 = arith.muli %arg0, %mul3A_1052 : i32
    %add3A_1054 = vector.broadcast %mul3A_1053 : i32 to vector<16xi32>
    %add3A_1055 = arith.addi %and3A_1051, %add3A_1054 : vector<16xi32>
    %swap3A_1056 = arith.constant 800 : index
    %swap3A_1057 = tpu.vector_load %arg10[%swap3A_1056] {strides = array<i32>} : memref<848xi32, #tpu.memory_space<vmem>>, vector<16xi32>,
    tpu.vector_store %arg10[%swap3A_1056], %add3A_1055 {strides = array<i32>} : memref<848xi32, #tpu.memory_space<vmem>>, vector<16xi32>,
    %and3A_1058 = arith.constant 255 : i32
    %and3A_1059 = vector.broadcast %and3A_1058 : i32 to vector<16xi32>
    %and3A_1060 = arith.andi %add3A_1048, %and3A_1059 : vector<16xi32>
    %add3A_1061 = arith.constant 512 : i32
    %add3A_1062 = vector.broadcast %add3A_1061 : i32 to vector<16xi32>
    %add3A_1063 = arith.addi %add3A_1062, %and3A_1060 : vector<16xi32>
    %swap3A_1064 = arith.constant 800 : index
    %swap3A_1065 = tpu.vector_load %arg11[%swap3A_1064] {strides = array<i32>} : memref<848xi32, #tpu.memory_space<vmem>>, vector<16xi32>,
    tpu.vector_store %arg11[%swap3A_1064], %add3A_1063 {strides = array<i32>} : memref<848xi32, #tpu.memory_space<vmem>>, vector<16xi32>,
    %iota3A_1066 = tpu.iota {dimensions = array<i32: 0>} : vector<16xi32>
    %add3A_1067 = arith.constant 816 : i32
    %add3A_1068 = vector.broadcast %add3A_1067 : i32 to vector<16xi32>
    %add3A_1069 = arith.addi %iota3A_1066, %add3A_1068 : vector<16xi32>
    %and3A_1070 = arith.constant 8191 : i32
    %and3A_1071 = vector.broadcast %and3A_1070 : i32 to vector<16xi32>
    %and3A_1072 = arith.andi %add3A_1069, %and3A_1071 : vector<16xi32>
    %mul3A_1073 = arith.constant 10752 : i32
    %mul3A_1074 = arith.muli %arg0, %mul3A_1073 : i32
    %add3A_1075 = vector.broadcast %mul3A_1074 : i32 to vector<16xi32>
    %add3A_1076 = arith.addi %and3A_1072, %add3A_1075 : vector<16xi32>
    %swap3A_1077 = arith.constant 816 : index
    %swap3A_1078 = tpu.vector_load %arg10[%swap3A_1077] {strides = array<i32>} : memref<848xi32, #tpu.memory_space<vmem>>, vector<16xi32>,
    tpu.vector_store %arg10[%swap3A_1077], %add3A_1076 {strides = array<i32>} : memref<848xi32, #tpu.memory_space<vmem>>, vector<16xi32>,
    %and3A_1079 = arith.constant 255 : i32
    %and3A_1080 = vector.broadcast %and3A_1079 : i32 to vector<16xi32>
    %and3A_1081 = arith.andi %add3A_1069, %and3A_1080 : vector<16xi32>
    %add3A_1082 = arith.constant 512 : i32
    %add3A_1083 = vector.broadcast %add3A_1082 : i32 to vector<16xi32>
    %add3A_1084 = arith.addi %add3A_1083, %and3A_1081 : vector<16xi32>
    %swap3A_1085 = arith.constant 816 : index
    %swap3A_1086 = tpu.vector_load %arg11[%swap3A_1085] {strides = array<i32>} : memref<848xi32, #tpu.memory_space<vmem>>, vector<16xi32>,
    tpu.vector_store %arg11[%swap3A_1085], %add3A_1084 {strides = array<i32>} : memref<848xi32, #tpu.memory_space<vmem>>, vector<16xi32>,
    %iota3A_1087 = tpu.iota {dimensions = array<i32: 0>} : vector<16xi32>
    %add3A_1088 = arith.constant 832 : i32
    %add3A_1089 = vector.broadcast %add3A_1088 : i32 to vector<16xi32>
    %add3A_1090 = arith.addi %iota3A_1087, %add3A_1089 : vector<16xi32>
    %and3A_1091 = arith.constant 8191 : i32
    %and3A_1092 = vector.broadcast %and3A_1091 : i32 to vector<16xi32>
    %and3A_1093 = arith.andi %add3A_1090, %and3A_1092 : vector<16xi32>
    %mul3A_1094 = arith.constant 10752 : i32
    %mul3A_1095 = arith.muli %arg0, %mul3A_1094 : i32
    %add3A_1096 = vector.broadcast %mul3A_1095 : i32 to vector<16xi32>
    %add3A_1097 = arith.addi %and3A_1093, %add3A_1096 : vector<16xi32>
    %swap3A_1098 = arith.constant 832 : index
    %swap3A_1099 = tpu.vector_load %arg10[%swap3A_1098] {strides = array<i32>} : memref<848xi32, #tpu.memory_space<vmem>>, vector<16xi32>,
    tpu.vector_store %arg10[%swap3A_1098], %add3A_1097 {strides = array<i32>} : memref<848xi32, #tpu.memory_space<vmem>>, vector<16xi32>,
    %and3A_1100 = arith.constant 255 : i32
    %and3A_1101 = vector.broadcast %and3A_1100 : i32 to vector<16xi32>
    %and3A_1102 = arith.andi %add3A_1090, %and3A_1101 : vector<16xi32>
    %add3A_1103 = arith.constant 512 : i32
    %add3A_1104 = vector.broadcast %add3A_1103 : i32 to vector<16xi32>
    %add3A_1105 = arith.addi %add3A_1104, %and3A_1102 : vector<16xi32>
    %swap3A_1106 = arith.constant 832 : index
    %swap3A_1107 = tpu.vector_load %arg11[%swap3A_1106] {strides = array<i32>} : memref<848xi32, #tpu.memory_space<vmem>>, vector<16xi32>,
    tpu.vector_store %arg11[%swap3A_1106], %add3A_1105 {strides = array<i32>} : memref<848xi32, #tpu.memory_space<vmem>>, vector<16xi32>,
    %mul3A_1108 = arith.constant 48 : i32
    %mul3A_1109 = arith.muli %arg1, %mul3A_1108 : i32
    %mul3A_1110 = arith.constant 48 : i32
    %mul3A_1111 = arith.muli %arg1, %mul3A_1110 : i32
    "tpu.region"() ({
      %run_scoped3A = tpu.sem_alloc : memref<!tpu.dma_semaphore, #tpu.memory_space<semaphore_mem>>
      %dma_start3A_1214 = arith.constant 0 : i32
      %dma_start3A_1215 = tpu.memref_slice %arg7[%mul3A_1111, %dma_start3A_1214] : memref<768x128xf32, #tpu.memory_space<vmem_shared>> -> memref<48x128xf32, #tpu.memory_space<vmem_shared>>
      %dma_start3A_1216 = arith.constant 0 : i32
      %dma_start3A_1217 = tpu.memref_slice %arg5[%mul3A_1109, %dma_start3A_1216] : memref<768x128xf32, #tpu.memory_space<hbm>> -> memref<48x128xf32, #tpu.memory_space<hbm>>
      tpu.enqueue_dma source(%dma_start3A_1217 : memref<48x128xf32, #tpu.memory_space<hbm>>) target(%dma_start3A_1215 : memref<48x128xf32, #tpu.memory_space<vmem_shared>>) target_semaphore(%run_scoped3A : memref<!tpu.dma_semaphore, #tpu.memory_space<semaphore_mem>>)
      %dma_wait3A_1218 = arith.constant 0 : i32
      %dma_wait3A_1219 = tpu.memref_slice %arg7[%mul3A_1111, %dma_wait3A_1218] : memref<768x128xf32, #tpu.memory_space<vmem_shared>> -> memref<48x128xf32, #tpu.memory_space<vmem_shared>>
      %dma_wait3A_1220 = arith.constant 0 : i32
      %dma_wait3A_1221 = tpu.memref_slice %arg5[%mul3A_1109, %dma_wait3A_1220] : memref<768x128xf32, #tpu.memory_space<hbm>> -> memref<48x128xf32, #tpu.memory_space<hbm>>
      tpu.wait_dma2 semaphore(%run_scoped3A : memref<!tpu.dma_semaphore, #tpu.memory_space<semaphore_mem>>) src(%dma_wait3A_1221 : memref<48x128xf32, #tpu.memory_space<hbm>>) dst(%dma_wait3A_1219 : memref<48x128xf32, #tpu.memory_space<vmem_shared>>)
      tpu.yield
    }) : () -> ()
    %barrier3A = arith.constant 0 : index
    tpu.barrier barrier_id(%barrier3A)
    %iota3A_1112 = tpu.iota {dimensions = array<i32: 0>} : vector<16xi32>
    %mul3A_1113 = arith.constant 10080 : i32
    %mul3A_1114 = arith.muli %arg1, %mul3A_1113 : i32
    %add3A_1115 = arith.constant 0 : i32
    %add3A_1116 = arith.addi %mul3A_1114, %add3A_1115 : i32
    %multiple_of3A = tpu.assume_multiple %add3A_1116, 8 : i32
    %mul3A_1117 = arith.constant 161280 : i32
    %mul3A_1118 = arith.muli %arg0, %mul3A_1117 : i32
    %add3A_1119 = arith.addi %mul3A_1118, %multiple_of3A : i32
    %multiple_of3A_1120 = tpu.assume_multiple %add3A_1119, 8 : i32
    "tpu.region"() ({
      %run_scoped3A = tpu.sem_alloc : memref<!tpu.dma_semaphore, #tpu.memory_space<semaphore_mem>>
      %dma_start3A_1214 = tpu.memref_slice %arg3[%multiple_of3A_1120] : memref<322560xi32, #tpu.memory_space<hbm>> -> memref<1680xi32, #tpu.memory_space<hbm>>
      %dma_start3A_1215 = tpu.memref_slice %arg3[%multiple_of3A_1120] : memref<322560xi32, #tpu.memory_space<hbm>> -> memref<1680xi32, #tpu.memory_space<hbm>>
      tpu.enqueue_dma source(%dma_start3A_1215 : memref<1680xi32, #tpu.memory_space<hbm>>) target(%arg8 : memref<1680xi32, #tpu.memory_space<vmem>>) target_semaphore(%run_scoped3A : memref<!tpu.dma_semaphore, #tpu.memory_space<semaphore_mem>>)
      %dma_wait3A_1216 = tpu.memref_slice %arg3[%multiple_of3A_1120] : memref<322560xi32, #tpu.memory_space<hbm>> -> memref<1680xi32, #tpu.memory_space<hbm>>
      %dma_wait3A_1217 = tpu.memref_slice %arg3[%multiple_of3A_1120] : memref<322560xi32, #tpu.memory_space<hbm>> -> memref<1680xi32, #tpu.memory_space<hbm>>
      tpu.wait_dma2 semaphore(%run_scoped3A : memref<!tpu.dma_semaphore, #tpu.memory_space<semaphore_mem>>) src(%dma_wait3A_1217 : memref<1680xi32, #tpu.memory_space<hbm>>) dst(%arg8 : memref<1680xi32, #tpu.memory_space<vmem>>)
      tpu.yield
    }) : () -> ()
    "tpu.region"() ({
      %run_scoped3A = tpu.sem_alloc : memref<!tpu.dma_semaphore, #tpu.memory_space<semaphore_mem>>
      %dma_start3A_1214 = tpu.memref_slice %arg4[%multiple_of3A] : memref<161280xi32, #tpu.memory_space<hbm>> -> memref<1680xi32, #tpu.memory_space<hbm>>
      %dma_start3A_1215 = tpu.memref_slice %arg4[%multiple_of3A] : memref<161280xi32, #tpu.memory_space<hbm>> -> memref<1680xi32, #tpu.memory_space<hbm>>
      tpu.enqueue_dma source(%dma_start3A_1215 : memref<1680xi32, #tpu.memory_space<hbm>>) target(%arg9 : memref<1680xi32, #tpu.memory_space<vmem>>) target_semaphore(%run_scoped3A : memref<!tpu.dma_semaphore, #tpu.memory_space<semaphore_mem>>)
      %dma_wait3A_1216 = tpu.memref_slice %arg4[%multiple_of3A] : memref<161280xi32, #tpu.memory_space<hbm>> -> memref<1680xi32, #tpu.memory_space<hbm>>
      %dma_wait3A_1217 = tpu.memref_slice %arg4[%multiple_of3A] : memref<161280xi32, #tpu.memory_space<hbm>> -> memref<1680xi32, #tpu.memory_space<hbm>>
      tpu.wait_dma2 semaphore(%run_scoped3A : memref<!tpu.dma_semaphore, #tpu.memory_space<semaphore_mem>>) src(%dma_wait3A_1217 : memref<1680xi32, #tpu.memory_space<hbm>>) dst(%arg9 : memref<1680xi32, #tpu.memory_space<vmem>>)
      tpu.yield
    }) : () -> ()
    %scan3A = arith.constant 0 : i32
    %scan3A_1121 = arith.constant 0 : i32
    %scan3A_1122 = arith.constant 105 : i32
    %scan3A_1123 = arith.addi %scan3A_1121, %scan3A_1122 : i32
    %scan3A_1124 = arith.constant 1 : i32
    %scan3A_1125 = scf.for %scan3A_1214 = %scan3A_1121 to %scan3A_1123 step %scan3A_1124 iter_args(%scan3A_1215 = %scan3A) -> (i32)  : i32 {
      %mul3A_1216 = arith.constant 16 : i32
      %mul3A_1217 = arith.muli %mul3A_1216, %scan3A_1214 : i32
      %multiple_of3A_1218 = tpu.assume_multiple %mul3A_1217, 16 : i32
      %get3A = arith.index_cast %multiple_of3A_1218 : i32 to index
      %get3A_1219 = tpu.vector_load %arg9[%get3A] {strides = array<i32>} : memref<1680xi32, #tpu.memory_space<vmem>>, vector<16xi32>,
      %ge3A = arith.constant 10000 : i32
      %ge3A_1220 = vector.broadcast %ge3A : i32 to vector<16xi32>
      %ge3A_1221 = arith.cmpi sge, %get3A_1219, %ge3A_1220 : vector<16xi32>
      %convert_element_type3A = arith.extui %ge3A_1221 : vector<16xi1> to vector<16xi32>
      %broadcast_in_dim3A = arith.constant true
      %broadcast_in_dim3A_1222 = vector.broadcast %broadcast_in_dim3A : i1 to vector<16xi1>
      %masked_cumsum3A = tpu.scan <sum>, %convert_element_type3A masked %broadcast_in_dim3A_1222 : vector<16xi32>, vector<16xi1> -> vector<16xi32>
      %sub3A = arith.subi %masked_cumsum3A, %convert_element_type3A : vector<16xi32>
      %min3A = arith.constant 816 : i32
      %min3A_1223 = arith.minsi %scan3A_1215, %min3A : i32
      %add3A_1224 = vector.broadcast %min3A_1223 : i32 to vector<16xi32>
      %add3A_1225 = arith.addi %add3A_1224, %sub3A : vector<16xi32>
      %add3A_1226 = arith.constant 832 : i32
      %add3A_1227 = vector.broadcast %add3A_1226 : i32 to vector<16xi32>
      %add3A_1228 = arith.addi %add3A_1227, %iota3A_1112 : vector<16xi32>
      %select_n3A = arith.select %ge3A_1221, %add3A_1225, %add3A_1228 : vector<16xi1>, vector<16xi32>
      %sub3A_1229 = arith.constant 10000 : i32
      %sub3A_1230 = vector.broadcast %sub3A_1229 : i32 to vector<16xi32>
      %sub3A_1231 = arith.subi %get3A_1219, %sub3A_1230 : vector<16xi32>
      %jit3A = arith.constant 512 : i32
      %broadcast_in_dim3A_1232 = vector.broadcast %jit3A : i32 to vector<16xi32>
      %select_n3A_1233 = arith.select %ge3A_1221, %sub3A_1231, %broadcast_in_dim3A_1232 : vector<16xi1>, vector<16xi32>
      %get3A_1234 = arith.index_cast %multiple_of3A_1218 : i32 to index
      %get3A_1235 = tpu.vector_load %arg8[%get3A_1234] {strides = array<i32>} : memref<1680xi32, #tpu.memory_space<vmem>>, vector<16xi32>,
      tpu.vector_store_idx %arg10[%select_n3A], %get3A_1235 : memref<848xi32, #tpu.memory_space<vmem>>[vector<16xi32>], vector<16xi32>,
      tpu.vector_store_idx %arg11[%select_n3A], %select_n3A_1233 : memref<848xi32, #tpu.memory_space<vmem>>[vector<16xi32>], vector<16xi32>,
      %reduce_sum3A = arith.constant true
      %reduce_sum3A_1236 = vector.broadcast %reduce_sum3A : i1 to vector<16xi1>
      %reduce_sum3A_1237 = tpu.scan <sum>, %convert_element_type3A masked %reduce_sum3A_1236 : vector<16xi32>, vector<16xi1> -> vector<16xi32>
      %reduce_sum3A_1238 = vector.extract %reduce_sum3A_1237[15] : i32 from vector<16xi32>
      %add3A_1239 = arith.addi %min3A_1223, %reduce_sum3A_1238 : i32
      scf.yield %add3A_1239 : i32
    }
    %scan3A_1126 = arith.constant 105 : i32
    %mul3A_1127 = arith.constant 10080 : i32
    %mul3A_1128 = arith.muli %arg1, %mul3A_1127 : i32
    %add3A_1129 = arith.constant 1680 : i32
    %add3A_1130 = arith.addi %mul3A_1128, %add3A_1129 : i32
    %multiple_of3A_1131 = tpu.assume_multiple %add3A_1130, 8 : i32
    %mul3A_1132 = arith.constant 161280 : i32
    %mul3A_1133 = arith.muli %arg0, %mul3A_1132 : i32
    %add3A_1134 = arith.addi %mul3A_1133, %multiple_of3A_1131 : i32
    %multiple_of3A_1135 = tpu.assume_multiple %add3A_1134, 8 : i32
    "tpu.region"() ({
      %run_scoped3A = tpu.sem_alloc : memref<!tpu.dma_semaphore, #tpu.memory_space<semaphore_mem>>
      %dma_start3A_1214 = tpu.memref_slice %arg3[%multiple_of3A_1135] : memref<322560xi32, #tpu.memory_space<hbm>> -> memref<1680xi32, #tpu.memory_space<hbm>>
      %dma_start3A_1215 = tpu.memref_slice %arg3[%multiple_of3A_1135] : memref<322560xi32, #tpu.memory_space<hbm>> -> memref<1680xi32, #tpu.memory_space<hbm>>
      tpu.enqueue_dma source(%dma_start3A_1215 : memref<1680xi32, #tpu.memory_space<hbm>>) target(%arg8 : memref<1680xi32, #tpu.memory_space<vmem>>) target_semaphore(%run_scoped3A : memref<!tpu.dma_semaphore, #tpu.memory_space<semaphore_mem>>)
      %dma_wait3A_1216 = tpu.memref_slice %arg3[%multiple_of3A_1135] : memref<322560xi32, #tpu.memory_space<hbm>> -> memref<1680xi32, #tpu.memory_space<hbm>>
      %dma_wait3A_1217 = tpu.memref_slice %arg3[%multiple_of3A_1135] : memref<322560xi32, #tpu.memory_space<hbm>> -> memref<1680xi32, #tpu.memory_space<hbm>>
      tpu.wait_dma2 semaphore(%run_scoped3A : memref<!tpu.dma_semaphore, #tpu.memory_space<semaphore_mem>>) src(%dma_wait3A_1217 : memref<1680xi32, #tpu.memory_space<hbm>>) dst(%arg8 : memref<1680xi32, #tpu.memory_space<vmem>>)
      tpu.yield
    }) : () -> ()
    "tpu.region"() ({
      %run_scoped3A = tpu.sem_alloc : memref<!tpu.dma_semaphore, #tpu.memory_space<semaphore_mem>>
      %dma_start3A_1214 = tpu.memref_slice %arg4[%multiple_of3A_1131] : memref<161280xi32, #tpu.memory_space<hbm>> -> memref<1680xi32, #tpu.memory_space<hbm>>
      %dma_start3A_1215 = tpu.memref_slice %arg4[%multiple_of3A_1131] : memref<161280xi32, #tpu.memory_space<hbm>> -> memref<1680xi32, #tpu.memory_space<hbm>>
      tpu.enqueue_dma source(%dma_start3A_1215 : memref<1680xi32, #tpu.memory_space<hbm>>) target(%arg9 : memref<1680xi32, #tpu.memory_space<vmem>>) target_semaphore(%run_scoped3A : memref<!tpu.dma_semaphore, #tpu.memory_space<semaphore_mem>>)
      %dma_wait3A_1216 = tpu.memref_slice %arg4[%multiple_of3A_1131] : memref<161280xi32, #tpu.memory_space<hbm>> -> memref<1680xi32, #tpu.memory_space<hbm>>
      %dma_wait3A_1217 = tpu.memref_slice %arg4[%multiple_of3A_1131] : memref<161280xi32, #tpu.memory_space<hbm>> -> memref<1680xi32, #tpu.memory_space<hbm>>
      tpu.wait_dma2 semaphore(%run_scoped3A : memref<!tpu.dma_semaphore, #tpu.memory_space<semaphore_mem>>) src(%dma_wait3A_1217 : memref<1680xi32, #tpu.memory_space<hbm>>) dst(%arg9 : memref<1680xi32, #tpu.memory_space<vmem>>)
      tpu.yield
    }) : () -> ()
    %scan3A_1136 = arith.constant 0 : i32
    %scan3A_1137 = arith.constant 105 : i32
    %scan3A_1138 = arith.addi %scan3A_1136, %scan3A_1137 : i32
    %scan3A_1139 = arith.constant 1 : i32
    %scan3A_1140 = scf.for %scan3A_1214 = %scan3A_1136 to %scan3A_1138 step %scan3A_1139 iter_args(%scan3A_1215 = %scan3A_1125) -> (i32)  : i32 {
      %mul3A_1216 = arith.constant 16 : i32
      %mul3A_1217 = arith.muli %mul3A_1216, %scan3A_1214 : i32
      %multiple_of3A_1218 = tpu.assume_multiple %mul3A_1217, 16 : i32
      %get3A = arith.index_cast %multiple_of3A_1218 : i32 to index
      %get3A_1219 = tpu.vector_load %arg9[%get3A] {strides = array<i32>} : memref<1680xi32, #tpu.memory_space<vmem>>, vector<16xi32>,
      %ge3A = arith.constant 10000 : i32
      %ge3A_1220 = vector.broadcast %ge3A : i32 to vector<16xi32>
      %ge3A_1221 = arith.cmpi sge, %get3A_1219, %ge3A_1220 : vector<16xi32>
      %convert_element_type3A = arith.extui %ge3A_1221 : vector<16xi1> to vector<16xi32>
      %broadcast_in_dim3A = arith.constant true
      %broadcast_in_dim3A_1222 = vector.broadcast %broadcast_in_dim3A : i1 to vector<16xi1>
      %masked_cumsum3A = tpu.scan <sum>, %convert_element_type3A masked %broadcast_in_dim3A_1222 : vector<16xi32>, vector<16xi1> -> vector<16xi32>
      %sub3A = arith.subi %masked_cumsum3A, %convert_element_type3A : vector<16xi32>
      %min3A = arith.constant 816 : i32
      %min3A_1223 = arith.minsi %scan3A_1215, %min3A : i32
      %add3A_1224 = vector.broadcast %min3A_1223 : i32 to vector<16xi32>
      %add3A_1225 = arith.addi %add3A_1224, %sub3A : vector<16xi32>
      %add3A_1226 = arith.constant 832 : i32
      %add3A_1227 = vector.broadcast %add3A_1226 : i32 to vector<16xi32>
      %add3A_1228 = arith.addi %add3A_1227, %iota3A_1112 : vector<16xi32>
      %select_n3A = arith.select %ge3A_1221, %add3A_1225, %add3A_1228 : vector<16xi1>, vector<16xi32>
      %sub3A_1229 = arith.constant 10000 : i32
      %sub3A_1230 = vector.broadcast %sub3A_1229 : i32 to vector<16xi32>
      %sub3A_1231 = arith.subi %get3A_1219, %sub3A_1230 : vector<16xi32>
      %jit3A = arith.constant 512 : i32
      %broadcast_in_dim3A_1232 = vector.broadcast %jit3A : i32 to vector<16xi32>
      %select_n3A_1233 = arith.select %ge3A_1221, %sub3A_1231, %broadcast_in_dim3A_1232 : vector<16xi1>, vector<16xi32>
      %get3A_1234 = arith.index_cast %multiple_of3A_1218 : i32 to index
      %get3A_1235 = tpu.vector_load %arg8[%get3A_1234] {strides = array<i32>} : memref<1680xi32, #tpu.memory_space<vmem>>, vector<16xi32>,
      tpu.vector_store_idx %arg10[%select_n3A], %get3A_1235 : memref<848xi32, #tpu.memory_space<vmem>>[vector<16xi32>], vector<16xi32>,
      tpu.vector_store_idx %arg11[%select_n3A], %select_n3A_1233 : memref<848xi32, #tpu.memory_space<vmem>>[vector<16xi32>], vector<16xi32>,
      %reduce_sum3A = arith.constant true
      %reduce_sum3A_1236 = vector.broadcast %reduce_sum3A : i1 to vector<16xi1>
      %reduce_sum3A_1237 = tpu.scan <sum>, %convert_element_type3A masked %reduce_sum3A_1236 : vector<16xi32>, vector<16xi1> -> vector<16xi32>
      %reduce_sum3A_1238 = vector.extract %reduce_sum3A_1237[15] : i32 from vector<16xi32>
      %add3A_1239 = arith.addi %min3A_1223, %reduce_sum3A_1238 : i32
      scf.yield %add3A_1239 : i32
    }
    %scan3A_1141 = arith.constant 105 : i32
    %mul3A_1142 = arith.constant 10080 : i32
    %mul3A_1143 = arith.muli %arg1, %mul3A_1142 : i32
    %add3A_1144 = arith.constant 3360 : i32
    %add3A_1145 = arith.addi %mul3A_1143, %add3A_1144 : i32
    %multiple_of3A_1146 = tpu.assume_multiple %add3A_1145, 8 : i32
    %mul3A_1147 = arith.constant 161280 : i32
    %mul3A_1148 = arith.muli %arg0, %mul3A_1147 : i32
    %add3A_1149 = arith.addi %mul3A_1148, %multiple_of3A_1146 : i32
    %multiple_of3A_1150 = tpu.assume_multiple %add3A_1149, 8 : i32
    "tpu.region"() ({
      %run_scoped3A = tpu.sem_alloc : memref<!tpu.dma_semaphore, #tpu.memory_space<semaphore_mem>>
      %dma_start3A_1214 = tpu.memref_slice %arg3[%multiple_of3A_1150] : memref<322560xi32, #tpu.memory_space<hbm>> -> memref<1680xi32, #tpu.memory_space<hbm>>
      %dma_start3A_1215 = tpu.memref_slice %arg3[%multiple_of3A_1150] : memref<322560xi32, #tpu.memory_space<hbm>> -> memref<1680xi32, #tpu.memory_space<hbm>>
      tpu.enqueue_dma source(%dma_start3A_1215 : memref<1680xi32, #tpu.memory_space<hbm>>) target(%arg8 : memref<1680xi32, #tpu.memory_space<vmem>>) target_semaphore(%run_scoped3A : memref<!tpu.dma_semaphore, #tpu.memory_space<semaphore_mem>>)
      %dma_wait3A_1216 = tpu.memref_slice %arg3[%multiple_of3A_1150] : memref<322560xi32, #tpu.memory_space<hbm>> -> memref<1680xi32, #tpu.memory_space<hbm>>
      %dma_wait3A_1217 = tpu.memref_slice %arg3[%multiple_of3A_1150] : memref<322560xi32, #tpu.memory_space<hbm>> -> memref<1680xi32, #tpu.memory_space<hbm>>
      tpu.wait_dma2 semaphore(%run_scoped3A : memref<!tpu.dma_semaphore, #tpu.memory_space<semaphore_mem>>) src(%dma_wait3A_1217 : memref<1680xi32, #tpu.memory_space<hbm>>) dst(%arg8 : memref<1680xi32, #tpu.memory_space<vmem>>)
      tpu.yield
    }) : () -> ()
    "tpu.region"() ({
      %run_scoped3A = tpu.sem_alloc : memref<!tpu.dma_semaphore, #tpu.memory_space<semaphore_mem>>
      %dma_start3A_1214 = tpu.memref_slice %arg4[%multiple_of3A_1146] : memref<161280xi32, #tpu.memory_space<hbm>> -> memref<1680xi32, #tpu.memory_space<hbm>>
      %dma_start3A_1215 = tpu.memref_slice %arg4[%multiple_of3A_1146] : memref<161280xi32, #tpu.memory_space<hbm>> -> memref<1680xi32, #tpu.memory_space<hbm>>
      tpu.enqueue_dma source(%dma_start3A_1215 : memref<1680xi32, #tpu.memory_space<hbm>>) target(%arg9 : memref<1680xi32, #tpu.memory_space<vmem>>) target_semaphore(%run_scoped3A : memref<!tpu.dma_semaphore, #tpu.memory_space<semaphore_mem>>)
      %dma_wait3A_1216 = tpu.memref_slice %arg4[%multiple_of3A_1146] : memref<161280xi32, #tpu.memory_space<hbm>> -> memref<1680xi32, #tpu.memory_space<hbm>>
      %dma_wait3A_1217 = tpu.memref_slice %arg4[%multiple_of3A_1146] : memref<161280xi32, #tpu.memory_space<hbm>> -> memref<1680xi32, #tpu.memory_space<hbm>>
      tpu.wait_dma2 semaphore(%run_scoped3A : memref<!tpu.dma_semaphore, #tpu.memory_space<semaphore_mem>>) src(%dma_wait3A_1217 : memref<1680xi32, #tpu.memory_space<hbm>>) dst(%arg9 : memref<1680xi32, #tpu.memory_space<vmem>>)
      tpu.yield
    }) : () -> ()
    %scan3A_1151 = arith.constant 0 : i32
    %scan3A_1152 = arith.constant 105 : i32
    %scan3A_1153 = arith.addi %scan3A_1151, %scan3A_1152 : i32
    %scan3A_1154 = arith.constant 1 : i32
    %scan3A_1155 = scf.for %scan3A_1214 = %scan3A_1151 to %scan3A_1153 step %scan3A_1154 iter_args(%scan3A_1215 = %scan3A_1140) -> (i32)  : i32 {
      %mul3A_1216 = arith.constant 16 : i32
      %mul3A_1217 = arith.muli %mul3A_1216, %scan3A_1214 : i32
      %multiple_of3A_1218 = tpu.assume_multiple %mul3A_1217, 16 : i32
      %get3A = arith.index_cast %multiple_of3A_1218 : i32 to index
      %get3A_1219 = tpu.vector_load %arg9[%get3A] {strides = array<i32>} : memref<1680xi32, #tpu.memory_space<vmem>>, vector<16xi32>,
      %ge3A = arith.constant 10000 : i32
      %ge3A_1220 = vector.broadcast %ge3A : i32 to vector<16xi32>
      %ge3A_1221 = arith.cmpi sge, %get3A_1219, %ge3A_1220 : vector<16xi32>
      %convert_element_type3A = arith.extui %ge3A_1221 : vector<16xi1> to vector<16xi32>
      %broadcast_in_dim3A = arith.constant true
      %broadcast_in_dim3A_1222 = vector.broadcast %broadcast_in_dim3A : i1 to vector<16xi1>
      %masked_cumsum3A = tpu.scan <sum>, %convert_element_type3A masked %broadcast_in_dim3A_1222 : vector<16xi32>, vector<16xi1> -> vector<16xi32>
      %sub3A = arith.subi %masked_cumsum3A, %convert_element_type3A : vector<16xi32>
      %min3A = arith.constant 816 : i32
      %min3A_1223 = arith.minsi %scan3A_1215, %min3A : i32
      %add3A_1224 = vector.broadcast %min3A_1223 : i32 to vector<16xi32>
      %add3A_1225 = arith.addi %add3A_1224, %sub3A : vector<16xi32>
      %add3A_1226 = arith.constant 832 : i32
      %add3A_1227 = vector.broadcast %add3A_1226 : i32 to vector<16xi32>
      %add3A_1228 = arith.addi %add3A_1227, %iota3A_1112 : vector<16xi32>
      %select_n3A = arith.select %ge3A_1221, %add3A_1225, %add3A_1228 : vector<16xi1>, vector<16xi32>
      %sub3A_1229 = arith.constant 10000 : i32
      %sub3A_1230 = vector.broadcast %sub3A_1229 : i32 to vector<16xi32>
      %sub3A_1231 = arith.subi %get3A_1219, %sub3A_1230 : vector<16xi32>
      %jit3A = arith.constant 512 : i32
      %broadcast_in_dim3A_1232 = vector.broadcast %jit3A : i32 to vector<16xi32>
      %select_n3A_1233 = arith.select %ge3A_1221, %sub3A_1231, %broadcast_in_dim3A_1232 : vector<16xi1>, vector<16xi32>
      %get3A_1234 = arith.index_cast %multiple_of3A_1218 : i32 to index
      %get3A_1235 = tpu.vector_load %arg8[%get3A_1234] {strides = array<i32>} : memref<1680xi32, #tpu.memory_space<vmem>>, vector<16xi32>,
      tpu.vector_store_idx %arg10[%select_n3A], %get3A_1235 : memref<848xi32, #tpu.memory_space<vmem>>[vector<16xi32>], vector<16xi32>,
      tpu.vector_store_idx %arg11[%select_n3A], %select_n3A_1233 : memref<848xi32, #tpu.memory_space<vmem>>[vector<16xi32>], vector<16xi32>,
      %reduce_sum3A = arith.constant true
      %reduce_sum3A_1236 = vector.broadcast %reduce_sum3A : i1 to vector<16xi1>
      %reduce_sum3A_1237 = tpu.scan <sum>, %convert_element_type3A masked %reduce_sum3A_1236 : vector<16xi32>, vector<16xi1> -> vector<16xi32>
      %reduce_sum3A_1238 = vector.extract %reduce_sum3A_1237[15] : i32 from vector<16xi32>
      %add3A_1239 = arith.addi %min3A_1223, %reduce_sum3A_1238 : i32
      scf.yield %add3A_1239 : i32
    }
    %scan3A_1156 = arith.constant 105 : i32
    %mul3A_1157 = arith.constant 10080 : i32
    %mul3A_1158 = arith.muli %arg1, %mul3A_1157 : i32
    %add3A_1159 = arith.constant 5040 : i32
    %add3A_1160 = arith.addi %mul3A_1158, %add3A_1159 : i32
    %multiple_of3A_1161 = tpu.assume_multiple %add3A_1160, 8 : i32
    %mul3A_1162 = arith.constant 161280 : i32
    %mul3A_1163 = arith.muli %arg0, %mul3A_1162 : i32
    %add3A_1164 = arith.addi %mul3A_1163, %multiple_of3A_1161 : i32
    %multiple_of3A_1165 = tpu.assume_multiple %add3A_1164, 8 : i32
    "tpu.region"() ({
      %run_scoped3A = tpu.sem_alloc : memref<!tpu.dma_semaphore, #tpu.memory_space<semaphore_mem>>
      %dma_start3A_1214 = tpu.memref_slice %arg3[%multiple_of3A_1165] : memref<322560xi32, #tpu.memory_space<hbm>> -> memref<1680xi32, #tpu.memory_space<hbm>>
      %dma_start3A_1215 = tpu.memref_slice %arg3[%multiple_of3A_1165] : memref<322560xi32, #tpu.memory_space<hbm>> -> memref<1680xi32, #tpu.memory_space<hbm>>
      tpu.enqueue_dma source(%dma_start3A_1215 : memref<1680xi32, #tpu.memory_space<hbm>>) target(%arg8 : memref<1680xi32, #tpu.memory_space<vmem>>) target_semaphore(%run_scoped3A : memref<!tpu.dma_semaphore, #tpu.memory_space<semaphore_mem>>)
      %dma_wait3A_1216 = tpu.memref_slice %arg3[%multiple_of3A_1165] : memref<322560xi32, #tpu.memory_space<hbm>> -> memref<1680xi32, #tpu.memory_space<hbm>>
      %dma_wait3A_1217 = tpu.memref_slice %arg3[%multiple_of3A_1165] : memref<322560xi32, #tpu.memory_space<hbm>> -> memref<1680xi32, #tpu.memory_space<hbm>>
      tpu.wait_dma2 semaphore(%run_scoped3A : memref<!tpu.dma_semaphore, #tpu.memory_space<semaphore_mem>>) src(%dma_wait3A_1217 : memref<1680xi32, #tpu.memory_space<hbm>>) dst(%arg8 : memref<1680xi32, #tpu.memory_space<vmem>>)
      tpu.yield
    }) : () -> ()
    "tpu.region"() ({
      %run_scoped3A = tpu.sem_alloc : memref<!tpu.dma_semaphore, #tpu.memory_space<semaphore_mem>>
      %dma_start3A_1214 = tpu.memref_slice %arg4[%multiple_of3A_1161] : memref<161280xi32, #tpu.memory_space<hbm>> -> memref<1680xi32, #tpu.memory_space<hbm>>
      %dma_start3A_1215 = tpu.memref_slice %arg4[%multiple_of3A_1161] : memref<161280xi32, #tpu.memory_space<hbm>> -> memref<1680xi32, #tpu.memory_space<hbm>>
      tpu.enqueue_dma source(%dma_start3A_1215 : memref<1680xi32, #tpu.memory_space<hbm>>) target(%arg9 : memref<1680xi32, #tpu.memory_space<vmem>>) target_semaphore(%run_scoped3A : memref<!tpu.dma_semaphore, #tpu.memory_space<semaphore_mem>>)
      %dma_wait3A_1216 = tpu.memref_slice %arg4[%multiple_of3A_1161] : memref<161280xi32, #tpu.memory_space<hbm>> -> memref<1680xi32, #tpu.memory_space<hbm>>
      %dma_wait3A_1217 = tpu.memref_slice %arg4[%multiple_of3A_1161] : memref<161280xi32, #tpu.memory_space<hbm>> -> memref<1680xi32, #tpu.memory_space<hbm>>
      tpu.wait_dma2 semaphore(%run_scoped3A : memref<!tpu.dma_semaphore, #tpu.memory_space<semaphore_mem>>) src(%dma_wait3A_1217 : memref<1680xi32, #tpu.memory_space<hbm>>) dst(%arg9 : memref<1680xi32, #tpu.memory_space<vmem>>)
      tpu.yield
    }) : () -> ()
    %scan3A_1166 = arith.constant 0 : i32
    %scan3A_1167 = arith.constant 105 : i32
    %scan3A_1168 = arith.addi %scan3A_1166, %scan3A_1167 : i32
    %scan3A_1169 = arith.constant 1 : i32
    %scan3A_1170 = scf.for %scan3A_1214 = %scan3A_1166 to %scan3A_1168 step %scan3A_1169 iter_args(%scan3A_1215 = %scan3A_1155) -> (i32)  : i32 {
      %mul3A_1216 = arith.constant 16 : i32
      %mul3A_1217 = arith.muli %mul3A_1216, %scan3A_1214 : i32
      %multiple_of3A_1218 = tpu.assume_multiple %mul3A_1217, 16 : i32
      %get3A = arith.index_cast %multiple_of3A_1218 : i32 to index
      %get3A_1219 = tpu.vector_load %arg9[%get3A] {strides = array<i32>} : memref<1680xi32, #tpu.memory_space<vmem>>, vector<16xi32>,
      %ge3A = arith.constant 10000 : i32
      %ge3A_1220 = vector.broadcast %ge3A : i32 to vector<16xi32>
      %ge3A_1221 = arith.cmpi sge, %get3A_1219, %ge3A_1220 : vector<16xi32>
      %convert_element_type3A = arith.extui %ge3A_1221 : vector<16xi1> to vector<16xi32>
      %broadcast_in_dim3A = arith.constant true
      %broadcast_in_dim3A_1222 = vector.broadcast %broadcast_in_dim3A : i1 to vector<16xi1>
      %masked_cumsum3A = tpu.scan <sum>, %convert_element_type3A masked %broadcast_in_dim3A_1222 : vector<16xi32>, vector<16xi1> -> vector<16xi32>
      %sub3A = arith.subi %masked_cumsum3A, %convert_element_type3A : vector<16xi32>
      %min3A = arith.constant 816 : i32
      %min3A_1223 = arith.minsi %scan3A_1215, %min3A : i32
      %add3A_1224 = vector.broadcast %min3A_1223 : i32 to vector<16xi32>
      %add3A_1225 = arith.addi %add3A_1224, %sub3A : vector<16xi32>
      %add3A_1226 = arith.constant 832 : i32
      %add3A_1227 = vector.broadcast %add3A_1226 : i32 to vector<16xi32>
      %add3A_1228 = arith.addi %add3A_1227, %iota3A_1112 : vector<16xi32>
      %select_n3A = arith.select %ge3A_1221, %add3A_1225, %add3A_1228 : vector<16xi1>, vector<16xi32>
      %sub3A_1229 = arith.constant 10000 : i32
      %sub3A_1230 = vector.broadcast %sub3A_1229 : i32 to vector<16xi32>
      %sub3A_1231 = arith.subi %get3A_1219, %sub3A_1230 : vector<16xi32>
      %jit3A = arith.constant 512 : i32
      %broadcast_in_dim3A_1232 = vector.broadcast %jit3A : i32 to vector<16xi32>
      %select_n3A_1233 = arith.select %ge3A_1221, %sub3A_1231, %broadcast_in_dim3A_1232 : vector<16xi1>, vector<16xi32>
      %get3A_1234 = arith.index_cast %multiple_of3A_1218 : i32 to index
      %get3A_1235 = tpu.vector_load %arg8[%get3A_1234] {strides = array<i32>} : memref<1680xi32, #tpu.memory_space<vmem>>, vector<16xi32>,
      tpu.vector_store_idx %arg10[%select_n3A], %get3A_1235 : memref<848xi32, #tpu.memory_space<vmem>>[vector<16xi32>], vector<16xi32>,
      tpu.vector_store_idx %arg11[%select_n3A], %select_n3A_1233 : memref<848xi32, #tpu.memory_space<vmem>>[vector<16xi32>], vector<16xi32>,
      %reduce_sum3A = arith.constant true
      %reduce_sum3A_1236 = vector.broadcast %reduce_sum3A : i1 to vector<16xi1>
      %reduce_sum3A_1237 = tpu.scan <sum>, %convert_element_type3A masked %reduce_sum3A_1236 : vector<16xi32>, vector<16xi1> -> vector<16xi32>
      %reduce_sum3A_1238 = vector.extract %reduce_sum3A_1237[15] : i32 from vector<16xi32>
      %add3A_1239 = arith.addi %min3A_1223, %reduce_sum3A_1238 : i32
      scf.yield %add3A_1239 : i32
    }
    %scan3A_1171 = arith.constant 105 : i32
    %mul3A_1172 = arith.constant 10080 : i32
    %mul3A_1173 = arith.muli %arg1, %mul3A_1172 : i32
    %add3A_1174 = arith.constant 6720 : i32
    %add3A_1175 = arith.addi %mul3A_1173, %add3A_1174 : i32
    %multiple_of3A_1176 = tpu.assume_multiple %add3A_1175, 8 : i32
    %mul3A_1177 = arith.constant 161280 : i32
    %mul3A_1178 = arith.muli %arg0, %mul3A_1177 : i32
    %add3A_1179 = arith.addi %mul3A_1178, %multiple_of3A_1176 : i32
    %multiple_of3A_1180 = tpu.assume_multiple %add3A_1179, 8 : i32
    "tpu.region"() ({
      %run_scoped3A = tpu.sem_alloc : memref<!tpu.dma_semaphore, #tpu.memory_space<semaphore_mem>>
      %dma_start3A_1214 = tpu.memref_slice %arg3[%multiple_of3A_1180] : memref<322560xi32, #tpu.memory_space<hbm>> -> memref<1680xi32, #tpu.memory_space<hbm>>
      %dma_start3A_1215 = tpu.memref_slice %arg3[%multiple_of3A_1180] : memref<322560xi32, #tpu.memory_space<hbm>> -> memref<1680xi32, #tpu.memory_space<hbm>>
      tpu.enqueue_dma source(%dma_start3A_1215 : memref<1680xi32, #tpu.memory_space<hbm>>) target(%arg8 : memref<1680xi32, #tpu.memory_space<vmem>>) target_semaphore(%run_scoped3A : memref<!tpu.dma_semaphore, #tpu.memory_space<semaphore_mem>>)
      %dma_wait3A_1216 = tpu.memref_slice %arg3[%multiple_of3A_1180] : memref<322560xi32, #tpu.memory_space<hbm>> -> memref<1680xi32, #tpu.memory_space<hbm>>
      %dma_wait3A_1217 = tpu.memref_slice %arg3[%multiple_of3A_1180] : memref<322560xi32, #tpu.memory_space<hbm>> -> memref<1680xi32, #tpu.memory_space<hbm>>
      tpu.wait_dma2 semaphore(%run_scoped3A : memref<!tpu.dma_semaphore, #tpu.memory_space<semaphore_mem>>) src(%dma_wait3A_1217 : memref<1680xi32, #tpu.memory_space<hbm>>) dst(%arg8 : memref<1680xi32, #tpu.memory_space<vmem>>)
      tpu.yield
    }) : () -> ()
    "tpu.region"() ({
      %run_scoped3A = tpu.sem_alloc : memref<!tpu.dma_semaphore, #tpu.memory_space<semaphore_mem>>
      %dma_start3A_1214 = tpu.memref_slice %arg4[%multiple_of3A_1176] : memref<161280xi32, #tpu.memory_space<hbm>> -> memref<1680xi32, #tpu.memory_space<hbm>>
      %dma_start3A_1215 = tpu.memref_slice %arg4[%multiple_of3A_1176] : memref<161280xi32, #tpu.memory_space<hbm>> -> memref<1680xi32, #tpu.memory_space<hbm>>
      tpu.enqueue_dma source(%dma_start3A_1215 : memref<1680xi32, #tpu.memory_space<hbm>>) target(%arg9 : memref<1680xi32, #tpu.memory_space<vmem>>) target_semaphore(%run_scoped3A : memref<!tpu.dma_semaphore, #tpu.memory_space<semaphore_mem>>)
      %dma_wait3A_1216 = tpu.memref_slice %arg4[%multiple_of3A_1176] : memref<161280xi32, #tpu.memory_space<hbm>> -> memref<1680xi32, #tpu.memory_space<hbm>>
      %dma_wait3A_1217 = tpu.memref_slice %arg4[%multiple_of3A_1176] : memref<161280xi32, #tpu.memory_space<hbm>> -> memref<1680xi32, #tpu.memory_space<hbm>>
      tpu.wait_dma2 semaphore(%run_scoped3A : memref<!tpu.dma_semaphore, #tpu.memory_space<semaphore_mem>>) src(%dma_wait3A_1217 : memref<1680xi32, #tpu.memory_space<hbm>>) dst(%arg9 : memref<1680xi32, #tpu.memory_space<vmem>>)
      tpu.yield
    }) : () -> ()
    %scan3A_1181 = arith.constant 0 : i32
    %scan3A_1182 = arith.constant 105 : i32
    %scan3A_1183 = arith.addi %scan3A_1181, %scan3A_1182 : i32
    %scan3A_1184 = arith.constant 1 : i32
    %scan3A_1185 = scf.for %scan3A_1214 = %scan3A_1181 to %scan3A_1183 step %scan3A_1184 iter_args(%scan3A_1215 = %scan3A_1170) -> (i32)  : i32 {
      %mul3A_1216 = arith.constant 16 : i32
      %mul3A_1217 = arith.muli %mul3A_1216, %scan3A_1214 : i32
      %multiple_of3A_1218 = tpu.assume_multiple %mul3A_1217, 16 : i32
      %get3A = arith.index_cast %multiple_of3A_1218 : i32 to index
      %get3A_1219 = tpu.vector_load %arg9[%get3A] {strides = array<i32>} : memref<1680xi32, #tpu.memory_space<vmem>>, vector<16xi32>,
      %ge3A = arith.constant 10000 : i32
      %ge3A_1220 = vector.broadcast %ge3A : i32 to vector<16xi32>
      %ge3A_1221 = arith.cmpi sge, %get3A_1219, %ge3A_1220 : vector<16xi32>
      %convert_element_type3A = arith.extui %ge3A_1221 : vector<16xi1> to vector<16xi32>
      %broadcast_in_dim3A = arith.constant true
      %broadcast_in_dim3A_1222 = vector.broadcast %broadcast_in_dim3A : i1 to vector<16xi1>
      %masked_cumsum3A = tpu.scan <sum>, %convert_element_type3A masked %broadcast_in_dim3A_1222 : vector<16xi32>, vector<16xi1> -> vector<16xi32>
      %sub3A = arith.subi %masked_cumsum3A, %convert_element_type3A : vector<16xi32>
      %min3A = arith.constant 816 : i32
      %min3A_1223 = arith.minsi %scan3A_1215, %min3A : i32
      %add3A_1224 = vector.broadcast %min3A_1223 : i32 to vector<16xi32>
      %add3A_1225 = arith.addi %add3A_1224, %sub3A : vector<16xi32>
      %add3A_1226 = arith.constant 832 : i32
      %add3A_1227 = vector.broadcast %add3A_1226 : i32 to vector<16xi32>
      %add3A_1228 = arith.addi %add3A_1227, %iota3A_1112 : vector<16xi32>
      %select_n3A = arith.select %ge3A_1221, %add3A_1225, %add3A_1228 : vector<16xi1>, vector<16xi32>
      %sub3A_1229 = arith.constant 10000 : i32
      %sub3A_1230 = vector.broadcast %sub3A_1229 : i32 to vector<16xi32>
      %sub3A_1231 = arith.subi %get3A_1219, %sub3A_1230 : vector<16xi32>
      %jit3A = arith.constant 512 : i32
      %broadcast_in_dim3A_1232 = vector.broadcast %jit3A : i32 to vector<16xi32>
      %select_n3A_1233 = arith.select %ge3A_1221, %sub3A_1231, %broadcast_in_dim3A_1232 : vector<16xi1>, vector<16xi32>
      %get3A_1234 = arith.index_cast %multiple_of3A_1218 : i32 to index
      %get3A_1235 = tpu.vector_load %arg8[%get3A_1234] {strides = array<i32>} : memref<1680xi32, #tpu.memory_space<vmem>>, vector<16xi32>,
      tpu.vector_store_idx %arg10[%select_n3A], %get3A_1235 : memref<848xi32, #tpu.memory_space<vmem>>[vector<16xi32>], vector<16xi32>,
      tpu.vector_store_idx %arg11[%select_n3A], %select_n3A_1233 : memref<848xi32, #tpu.memory_space<vmem>>[vector<16xi32>], vector<16xi32>,
      %reduce_sum3A = arith.constant true
      %reduce_sum3A_1236 = vector.broadcast %reduce_sum3A : i1 to vector<16xi1>
      %reduce_sum3A_1237 = tpu.scan <sum>, %convert_element_type3A masked %reduce_sum3A_1236 : vector<16xi32>, vector<16xi1> -> vector<16xi32>
      %reduce_sum3A_1238 = vector.extract %reduce_sum3A_1237[15] : i32 from vector<16xi32>
      %add3A_1239 = arith.addi %min3A_1223, %reduce_sum3A_1238 : i32
      scf.yield %add3A_1239 : i32
    }
    %scan3A_1186 = arith.constant 105 : i32
    %mul3A_1187 = arith.constant 10080 : i32
    %mul3A_1188 = arith.muli %arg1, %mul3A_1187 : i32
    %add3A_1189 = arith.constant 8400 : i32
    %add3A_1190 = arith.addi %mul3A_1188, %add3A_1189 : i32
    %multiple_of3A_1191 = tpu.assume_multiple %add3A_1190, 8 : i32
    %mul3A_1192 = arith.constant 161280 : i32
    %mul3A_1193 = arith.muli %arg0, %mul3A_1192 : i32
    %add3A_1194 = arith.addi %mul3A_1193, %multiple_of3A_1191 : i32
    %multiple_of3A_1195 = tpu.assume_multiple %add3A_1194, 8 : i32
    "tpu.region"() ({
      %run_scoped3A = tpu.sem_alloc : memref<!tpu.dma_semaphore, #tpu.memory_space<semaphore_mem>>
      %dma_start3A_1214 = tpu.memref_slice %arg3[%multiple_of3A_1195] : memref<322560xi32, #tpu.memory_space<hbm>> -> memref<1680xi32, #tpu.memory_space<hbm>>
      %dma_start3A_1215 = tpu.memref_slice %arg3[%multiple_of3A_1195] : memref<322560xi32, #tpu.memory_space<hbm>> -> memref<1680xi32, #tpu.memory_space<hbm>>
      tpu.enqueue_dma source(%dma_start3A_1215 : memref<1680xi32, #tpu.memory_space<hbm>>) target(%arg8 : memref<1680xi32, #tpu.memory_space<vmem>>) target_semaphore(%run_scoped3A : memref<!tpu.dma_semaphore, #tpu.memory_space<semaphore_mem>>)
      %dma_wait3A_1216 = tpu.memref_slice %arg3[%multiple_of3A_1195] : memref<322560xi32, #tpu.memory_space<hbm>> -> memref<1680xi32, #tpu.memory_space<hbm>>
      %dma_wait3A_1217 = tpu.memref_slice %arg3[%multiple_of3A_1195] : memref<322560xi32, #tpu.memory_space<hbm>> -> memref<1680xi32, #tpu.memory_space<hbm>>
      tpu.wait_dma2 semaphore(%run_scoped3A : memref<!tpu.dma_semaphore, #tpu.memory_space<semaphore_mem>>) src(%dma_wait3A_1217 : memref<1680xi32, #tpu.memory_space<hbm>>) dst(%arg8 : memref<1680xi32, #tpu.memory_space<vmem>>)
      tpu.yield
    }) : () -> ()
    "tpu.region"() ({
      %run_scoped3A = tpu.sem_alloc : memref<!tpu.dma_semaphore, #tpu.memory_space<semaphore_mem>>
      %dma_start3A_1214 = tpu.memref_slice %arg4[%multiple_of3A_1191] : memref<161280xi32, #tpu.memory_space<hbm>> -> memref<1680xi32, #tpu.memory_space<hbm>>
      %dma_start3A_1215 = tpu.memref_slice %arg4[%multiple_of3A_1191] : memref<161280xi32, #tpu.memory_space<hbm>> -> memref<1680xi32, #tpu.memory_space<hbm>>
      tpu.enqueue_dma source(%dma_start3A_1215 : memref<1680xi32, #tpu.memory_space<hbm>>) target(%arg9 : memref<1680xi32, #tpu.memory_space<vmem>>) target_semaphore(%run_scoped3A : memref<!tpu.dma_semaphore, #tpu.memory_space<semaphore_mem>>)
      %dma_wait3A_1216 = tpu.memref_slice %arg4[%multiple_of3A_1191] : memref<161280xi32, #tpu.memory_space<hbm>> -> memref<1680xi32, #tpu.memory_space<hbm>>
      %dma_wait3A_1217 = tpu.memref_slice %arg4[%multiple_of3A_1191] : memref<161280xi32, #tpu.memory_space<hbm>> -> memref<1680xi32, #tpu.memory_space<hbm>>
      tpu.wait_dma2 semaphore(%run_scoped3A : memref<!tpu.dma_semaphore, #tpu.memory_space<semaphore_mem>>) src(%dma_wait3A_1217 : memref<1680xi32, #tpu.memory_space<hbm>>) dst(%arg9 : memref<1680xi32, #tpu.memory_space<vmem>>)
      tpu.yield
    }) : () -> ()
    %scan3A_1196 = arith.constant 0 : i32
    %scan3A_1197 = arith.constant 105 : i32
    %scan3A_1198 = arith.addi %scan3A_1196, %scan3A_1197 : i32
    %scan3A_1199 = arith.constant 1 : i32
    %scan3A_1200 = scf.for %scan3A_1214 = %scan3A_1196 to %scan3A_1198 step %scan3A_1199 iter_args(%scan3A_1215 = %scan3A_1185) -> (i32)  : i32 {
      %mul3A_1216 = arith.constant 16 : i32
      %mul3A_1217 = arith.muli %mul3A_1216, %scan3A_1214 : i32
      %multiple_of3A_1218 = tpu.assume_multiple %mul3A_1217, 16 : i32
      %get3A = arith.index_cast %multiple_of3A_1218 : i32 to index
      %get3A_1219 = tpu.vector_load %arg9[%get3A] {strides = array<i32>} : memref<1680xi32, #tpu.memory_space<vmem>>, vector<16xi32>,
      %ge3A = arith.constant 10000 : i32
      %ge3A_1220 = vector.broadcast %ge3A : i32 to vector<16xi32>
      %ge3A_1221 = arith.cmpi sge, %get3A_1219, %ge3A_1220 : vector<16xi32>
      %convert_element_type3A = arith.extui %ge3A_1221 : vector<16xi1> to vector<16xi32>
      %broadcast_in_dim3A = arith.constant true
      %broadcast_in_dim3A_1222 = vector.broadcast %broadcast_in_dim3A : i1 to vector<16xi1>
      %masked_cumsum3A = tpu.scan <sum>, %convert_element_type3A masked %broadcast_in_dim3A_1222 : vector<16xi32>, vector<16xi1> -> vector<16xi32>
      %sub3A = arith.subi %masked_cumsum3A, %convert_element_type3A : vector<16xi32>
      %min3A = arith.constant 816 : i32
      %min3A_1223 = arith.minsi %scan3A_1215, %min3A : i32
      %add3A_1224 = vector.broadcast %min3A_1223 : i32 to vector<16xi32>
      %add3A_1225 = arith.addi %add3A_1224, %sub3A : vector<16xi32>
      %add3A_1226 = arith.constant 832 : i32
      %add3A_1227 = vector.broadcast %add3A_1226 : i32 to vector<16xi32>
      %add3A_1228 = arith.addi %add3A_1227, %iota3A_1112 : vector<16xi32>
      %select_n3A = arith.select %ge3A_1221, %add3A_1225, %add3A_1228 : vector<16xi1>, vector<16xi32>
      %sub3A_1229 = arith.constant 10000 : i32
      %sub3A_1230 = vector.broadcast %sub3A_1229 : i32 to vector<16xi32>
      %sub3A_1231 = arith.subi %get3A_1219, %sub3A_1230 : vector<16xi32>
      %jit3A = arith.constant 512 : i32
      %broadcast_in_dim3A_1232 = vector.broadcast %jit3A : i32 to vector<16xi32>
      %select_n3A_1233 = arith.select %ge3A_1221, %sub3A_1231, %broadcast_in_dim3A_1232 : vector<16xi1>, vector<16xi32>
      %get3A_1234 = arith.index_cast %multiple_of3A_1218 : i32 to index
      %get3A_1235 = tpu.vector_load %arg8[%get3A_1234] {strides = array<i32>} : memref<1680xi32, #tpu.memory_space<vmem>>, vector<16xi32>,
      tpu.vector_store_idx %arg10[%select_n3A], %get3A_1235 : memref<848xi32, #tpu.memory_space<vmem>>[vector<16xi32>], vector<16xi32>,
      tpu.vector_store_idx %arg11[%select_n3A], %select_n3A_1233 : memref<848xi32, #tpu.memory_space<vmem>>[vector<16xi32>], vector<16xi32>,
      %reduce_sum3A = arith.constant true
      %reduce_sum3A_1236 = vector.broadcast %reduce_sum3A : i1 to vector<16xi1>
      %reduce_sum3A_1237 = tpu.scan <sum>, %convert_element_type3A masked %reduce_sum3A_1236 : vector<16xi32>, vector<16xi1> -> vector<16xi32>
      %reduce_sum3A_1238 = vector.extract %reduce_sum3A_1237[15] : i32 from vector<16xi32>
      %add3A_1239 = arith.addi %min3A_1223, %reduce_sum3A_1238 : i32
      scf.yield %add3A_1239 : i32
    }
    %scan3A_1201 = arith.constant 105 : i32
    %dma_start3A = arith.constant 0 : i32
    %dma_start3A_1202 = arith.constant 0 : i32
    %dma_start3A_1203 = tpu.memref_slice %arg2[%dma_start3A, %dma_start3A_1202] : memref<21504x128xf32, #tpu.memory_space<hbm>> -> memref<21504x128xf32, #tpu.memory_space<hbm>>
    tpu.enqueue_indirect_dma source(%dma_start3A_1203 : memref<21504x128xf32, #tpu.memory_space<hbm>>) target(%arg12 : memref<848x128xf32, #tpu.memory_space<vmem>>) offsets(%arg10 : memref<848xi32, #tpu.memory_space<vmem>>) semaphore(%arg13 : memref<!tpu.dma_semaphore, #tpu.memory_space<semaphore_mem>>)
    %dma_wait3A = arith.constant 0 : i32
    %dma_wait3A_1204 = arith.constant 0 : i32
    %dma_wait3A_1205 = tpu.memref_slice %arg2[%dma_wait3A, %dma_wait3A_1204] : memref<21504x128xf32, #tpu.memory_space<hbm>> -> memref<21504x128xf32, #tpu.memory_space<hbm>>
    tpu.wait_indirect_dma semaphore(%arg13 : memref<!tpu.dma_semaphore, #tpu.memory_space<semaphore_mem>>) src(%dma_wait3A_1205 : memref<21504x128xf32, #tpu.memory_space<hbm>>) dst(%arg12 : memref<848x128xf32, #tpu.memory_space<vmem>>)
    "tpu.region"() ({
      %run_scoped3A = tpu.sem_alloc : memref<!tpu.dma_semaphore, #tpu.memory_space<semaphore_mem>>
      %dma_start3A_1214 = arith.constant 0 : i32
      %dma_start3A_1215 = arith.constant 0 : i32
      %dma_start3A_1216 = tpu.memref_slice %arg7[%dma_start3A_1214, %dma_start3A_1215] : memref<768x128xf32, #tpu.memory_space<vmem_shared>> -> memref<768x128xf32, #tpu.memory_space<vmem_shared>>
      tpu.enqueue_indirect_dma source(%arg12 : memref<848x128xf32, #tpu.memory_space<vmem>>) target(%dma_start3A_1216 : memref<768x128xf32, #tpu.memory_space<vmem_shared>>) offsets(%arg11 : memref<848xi32, #tpu.memory_space<vmem>>) semaphore(%run_scoped3A : memref<!tpu.dma_semaphore, #tpu.memory_space<semaphore_mem>>) {add = true}
      %dma_wait3A_1217 = arith.constant 0 : i32
      %dma_wait3A_1218 = arith.constant 0 : i32
      %dma_wait3A_1219 = tpu.memref_slice %arg7[%dma_wait3A_1217, %dma_wait3A_1218] : memref<768x128xf32, #tpu.memory_space<vmem_shared>> -> memref<768x128xf32, #tpu.memory_space<vmem_shared>>
      tpu.wait_indirect_dma semaphore(%run_scoped3A : memref<!tpu.dma_semaphore, #tpu.memory_space<semaphore_mem>>) src(%arg12 : memref<848x128xf32, #tpu.memory_space<vmem>>) dst(%dma_wait3A_1219 : memref<768x128xf32, #tpu.memory_space<vmem_shared>>)
      tpu.yield
    }) : () -> ()
    %barrier3A_1206 = arith.constant 0 : index
    tpu.barrier barrier_id(%barrier3A_1206)
    %mul3A_1207 = arith.constant 32 : i32
    %mul3A_1208 = arith.muli %arg1, %mul3A_1207 : i32
    %mul3A_1209 = arith.constant 512 : i32
    %mul3A_1210 = arith.muli %arg0, %mul3A_1209 : i32
    %mul3A_1211 = arith.constant 32 : i32
    %mul3A_1212 = arith.muli %arg1, %mul3A_1211 : i32
    %add3A_1213 = arith.addi %mul3A_1210, %mul3A_1212 : i32
    "tpu.region"() ({
      %run_scoped3A = tpu.sem_alloc : memref<!tpu.dma_semaphore, #tpu.memory_space<semaphore_mem>>
      %dma_start3A_1214 = arith.constant 0 : i32
      %dma_start3A_1215 = tpu.memref_slice %arg6[%add3A_1213, %dma_start3A_1214] : memref<1024x128xf32, #tpu.memory_space<hbm>> -> memref<32x128xf32, #tpu.memory_space<hbm>>
      %dma_start3A_1216 = arith.constant 0 : i32
      %dma_start3A_1217 = tpu.memref_slice %arg7[%mul3A_1208, %dma_start3A_1216] : memref<768x128xf32, #tpu.memory_space<vmem_shared>> -> memref<32x128xf32, #tpu.memory_space<vmem_shared>>
      tpu.enqueue_dma source(%dma_start3A_1217 : memref<32x128xf32, #tpu.memory_space<vmem_shared>>) target(%dma_start3A_1215 : memref<32x128xf32, #tpu.memory_space<hbm>>) target_semaphore(%run_scoped3A : memref<!tpu.dma_semaphore, #tpu.memory_space<semaphore_mem>>)
      %dma_wait3A_1218 = arith.constant 0 : i32
      %dma_wait3A_1219 = tpu.memref_slice %arg6[%add3A_1213, %dma_wait3A_1218] : memref<1024x128xf32, #tpu.memory_space<hbm>> -> memref<32x128xf32, #tpu.memory_space<hbm>>
      %dma_wait3A_1220 = arith.constant 0 : i32
      %dma_wait3A_1221 = tpu.memref_slice %arg7[%mul3A_1208, %dma_wait3A_1220] : memref<768x128xf32, #tpu.memory_space<vmem_shared>> -> memref<32x128xf32, #tpu.memory_space<vmem_shared>>
      tpu.wait_dma2 semaphore(%run_scoped3A : memref<!tpu.dma_semaphore, #tpu.memory_space<semaphore_mem>>) src(%dma_wait3A_1221 : memref<32x128xf32, #tpu.memory_space<vmem_shared>>) dst(%dma_wait3A_1219 : memref<32x128xf32, #tpu.memory_space<hbm>>)
      tpu.yield
    }) : () -> ()
    return
  }
}

module attributes {stable_mosaic.version = 14 : i64} {
  func.func @_mlp2_body(%arg0: i32, %arg1: memref<512x256xf32, #tpu.memory_space<vmem>>, %arg2: memref<256x512xf32, #tpu.memory_space<vmem>>, %arg3: memref<1x512xf32, #tpu.memory_space<vmem>>, %arg4: memref<512x256xf32, #tpu.memory_space<vmem>>, %arg5: memref<1x256xf32, #tpu.memory_space<vmem>>, %arg6: memref<2x512x128xf32, #tpu.memory_space<vmem>>) attributes {dimension_semantics = [#tpu.dimension_semantics<arbitrary>], iteration_bounds = array<i64: 21>, scalar_prefetch = 0 : i64, scratch_operands = 0 : i64, tpu.core_type = #tpu.core_type<tc>, window_params = [{transform_indices = @transform_0, window_bounds = array<i64: 512, 256>}, {pipeline_mode = #tpu.pipeline_mode<synchronous>, transform_indices = @transform_1, window_bounds = array<i64: 256, 512>}, {pipeline_mode = #tpu.pipeline_mode<synchronous>, transform_indices = @transform_2, window_bounds = array<i64: 1, 512>}, {pipeline_mode = #tpu.pipeline_mode<synchronous>, transform_indices = @transform_3, window_bounds = array<i64: 512, 256>}, {pipeline_mode = #tpu.pipeline_mode<synchronous>, transform_indices = @transform_4, window_bounds = array<i64: 1, 256>}, {transform_indices = @transform_5, window_bounds = array<i64: 2, 512, 128>}]} {
    %get3A = arith.constant 0 : index
    %get3A_0 = arith.constant 0 : index
    %get3A_1 = vector.load %arg1[%get3A, %get3A_0] : memref<512x256xf32, #tpu.memory_space<vmem>>, vector<512x256xf32>
    %get3A_2 = arith.constant 0 : index
    %get3A_3 = arith.constant 0 : index
    %get3A_4 = vector.load %arg2[%get3A_2, %get3A_3] : memref<256x512xf32, #tpu.memory_space<vmem>>, vector<256x512xf32>
    %dot_general3A = arith.constant dense<0.000000e+00> : vector<512x512xf32>
    %dot_general3A_5 = tpu.matmul %get3A_1, %get3A_4, %dot_general3A {dimension_numbers = #tpu.dot_dimension_numbers<[1], [0], [0], [1], [0, 0, 1, 1], [], []>, transpose_lhs_hint = false} : vector<512x256xf32>, vector<256x512xf32>, vector<512x512xf32> -> vector<512x512xf32>
    %get3A_6 = arith.constant 0 : index
    %get3A_7 = arith.constant 0 : index
    %get3A_8 = vector.load %arg3[%get3A_6, %get3A_7] : memref<1x512xf32, #tpu.memory_space<vmem>>, vector<1x512xf32>
    %add3A = vector.broadcast %get3A_8 : vector<1x512xf32> to vector<512x512xf32>
    %add3A_9 = arith.addf %dot_general3A_5, %add3A : vector<512x512xf32>
    %max3A = arith.constant 0.000000e+00 : f32
    %max3A_10 = vector.broadcast %max3A : f32 to vector<512x512xf32>
    %max3A_11 = arith.maximumf %add3A_9, %max3A_10 : vector<512x512xf32>
    %get3A_12 = arith.constant 0 : index
    %get3A_13 = arith.constant 0 : index
    %get3A_14 = vector.load %arg4[%get3A_12, %get3A_13] : memref<512x256xf32, #tpu.memory_space<vmem>>, vector<512x256xf32>
    %dot_general3A_15 = arith.constant dense<0.000000e+00> : vector<512x256xf32>
    %dot_general3A_16 = tpu.matmul %max3A_11, %get3A_14, %dot_general3A_15 {dimension_numbers = #tpu.dot_dimension_numbers<[1], [0], [0], [1], [0, 0, 1, 1], [], []>, transpose_lhs_hint = false} : vector<512x512xf32>, vector<512x256xf32>, vector<512x256xf32> -> vector<512x256xf32>
    %get3A_17 = arith.constant 0 : index
    %get3A_18 = arith.constant 0 : index
    %get3A_19 = vector.load %arg5[%get3A_17, %get3A_18] : memref<1x256xf32, #tpu.memory_space<vmem>>, vector<1x256xf32>
    %add3A_20 = vector.broadcast %get3A_19 : vector<1x256xf32> to vector<512x256xf32>
    %add3A_21 = arith.addf %dot_general3A_16, %add3A_20 : vector<512x256xf32>
    %slice3A = vector.extract_strided_slice %add3A_21 {offsets = [0, 0], sizes = [512, 128], strides = [1, 1]} : vector<512x256xf32> to vector<512x128xf32>
    %swap3A = arith.constant 0 : index
    %swap3A_22 = arith.constant 0 : index
    %swap3A_23 = arith.constant 0 : index
    %swap3A_24 = vector.load %arg6[%swap3A, %swap3A_22, %swap3A_23] : memref<2x512x128xf32, #tpu.memory_space<vmem>>, vector<1x512x128xf32>
    %swap3A_25 = vector.shape_cast %swap3A_24 : vector<1x512x128xf32> to vector<512x128xf32>
    %swap3A_26 = vector.shape_cast %slice3A : vector<512x128xf32> to vector<1x512x128xf32>
    tpu.vector_store %arg6[%swap3A, %swap3A_22, %swap3A_23], %swap3A_26 {strides = array<i32>} : memref<2x512x128xf32, #tpu.memory_space<vmem>>, vector<1x512x128xf32>,
    %slice3A_27 = vector.extract_strided_slice %add3A_21 {offsets = [0, 128], sizes = [512, 128], strides = [1, 1]} : vector<512x256xf32> to vector<512x128xf32>
    %swap3A_28 = arith.constant 1 : index
    %swap3A_29 = arith.constant 0 : index
    %swap3A_30 = arith.constant 0 : index
    %swap3A_31 = vector.load %arg6[%swap3A_28, %swap3A_29, %swap3A_30] : memref<2x512x128xf32, #tpu.memory_space<vmem>>, vector<1x512x128xf32>
    %swap3A_32 = vector.shape_cast %swap3A_31 : vector<1x512x128xf32> to vector<512x128xf32>
    %swap3A_33 = vector.shape_cast %slice3A_27 : vector<512x128xf32> to vector<1x512x128xf32>
    tpu.vector_store %arg6[%swap3A_28, %swap3A_29, %swap3A_30], %swap3A_33 {strides = array<i32>} : memref<2x512x128xf32, #tpu.memory_space<vmem>>, vector<1x512x128xf32>,
    return
  }
  func.func @transform_0(%arg0: i32) -> (i32, i32) {
    %c0_i32 = arith.constant 0 : i32
    %c0_i32_0 = arith.constant 0 : i32
    return %arg0, %c0_i32 : i32, i32
  }
  func.func @transform_1(%arg0: i32) -> (i32, i32) {
    %c0_i32 = arith.constant 0 : i32
    %c0_i32_0 = arith.constant 0 : i32
    %c0_i32_1 = arith.constant 0 : i32
    return %c0_i32, %c0_i32_0 : i32, i32
  }
  func.func @transform_2(%arg0: i32) -> (i32, i32) {
    %c0_i32 = arith.constant 0 : i32
    %c0_i32_0 = arith.constant 0 : i32
    %c0_i32_1 = arith.constant 0 : i32
    return %c0_i32, %c0_i32_0 : i32, i32
  }
  func.func @transform_3(%arg0: i32) -> (i32, i32) {
    %c0_i32 = arith.constant 0 : i32
    %c0_i32_0 = arith.constant 0 : i32
    %c0_i32_1 = arith.constant 0 : i32
    return %c0_i32, %c0_i32_0 : i32, i32
  }
  func.func @transform_4(%arg0: i32) -> (i32, i32) {
    %c0_i32 = arith.constant 0 : i32
    %c0_i32_0 = arith.constant 0 : i32
    %c0_i32_1 = arith.constant 0 : i32
    return %c0_i32, %c0_i32_0 : i32, i32
  }
  func.func @transform_5(%arg0: i32) -> (i32, i32, i32) {
    %c0_i32 = arith.constant 0 : i32
    %c0_i32_0 = arith.constant 0 : i32
    %c0_i32_1 = arith.constant 0 : i32
    return %c0_i32, %arg0, %c0_i32_0 : i32, i32, i32
  }
}

module attributes {stable_mosaic.version = 14 : i64} {
  func.func @_scale_body(%arg0: i32, %arg1: memref<2x512x128xf32, #tpu.memory_space<vmem>>, %arg2: memref<1x1x512xf32, #tpu.memory_space<vmem>>, %arg3: memref<2x512x128xf32, #tpu.memory_space<vmem>>) attributes {dimension_semantics = [#tpu.dimension_semantics<arbitrary>], iteration_bounds = array<i64: 21>, scalar_prefetch = 0 : i64, scratch_operands = 0 : i64, tpu.core_type = #tpu.core_type<tc>, window_params = [{transform_indices = @transform_0, window_bounds = array<i64: 2, 512, 128>}, {transform_indices = @transform_1, window_bounds = array<i64: 1, 1, 512>}, {transform_indices = @transform_2, window_bounds = array<i64: 2, 512, 128>}]} {
    %get3A = arith.constant 0 : index
    %get3A_0 = arith.constant 0 : index
    %get3A_1 = arith.constant 0 : index
    %get3A_2 = vector.load %arg2[%get3A, %get3A_0, %get3A_1] : memref<1x1x512xf32, #tpu.memory_space<vmem>>, vector<1x1x512xf32>
    %get3A_3 = vector.shape_cast %get3A_2 : vector<1x1x512xf32> to vector<512xf32>
    %max3A = arith.constant 1.000000e+00 : f32
    %max3A_4 = vector.broadcast %max3A : f32 to vector<512xf32>
    %max3A_5 = arith.maximumf %get3A_3, %max3A_4 : vector<512xf32>
    %div3A = arith.constant 1.000000e+00 : f32
    %div3A_6 = vector.broadcast %div3A : f32 to vector<512xf32>
    %div3A_7 = arith.divf %div3A_6, %max3A_5 : vector<512xf32>
    %get3A_8 = arith.constant 0 : index
    %get3A_9 = arith.constant 0 : index
    %get3A_10 = arith.constant 0 : index
    %get3A_11 = vector.load %arg1[%get3A_8, %get3A_9, %get3A_10] : memref<2x512x128xf32, #tpu.memory_space<vmem>>, vector<1x512x128xf32>
    %get3A_12 = vector.shape_cast %get3A_11 : vector<1x512x128xf32> to vector<512x128xf32>
    %broadcast_in_dim3A = vector.shape_cast %div3A_7 : vector<512xf32> to vector<512x1xf32>
    %mul3A = vector.broadcast %broadcast_in_dim3A : vector<512x1xf32> to vector<512x128xf32>
    %mul3A_13 = arith.mulf %get3A_12, %mul3A : vector<512x128xf32>
    %swap3A = arith.constant 0 : index
    %swap3A_14 = arith.constant 0 : index
    %swap3A_15 = arith.constant 0 : index
    %swap3A_16 = vector.load %arg3[%swap3A, %swap3A_14, %swap3A_15] : memref<2x512x128xf32, #tpu.memory_space<vmem>>, vector<1x512x128xf32>
    %swap3A_17 = vector.shape_cast %swap3A_16 : vector<1x512x128xf32> to vector<512x128xf32>
    %swap3A_18 = vector.shape_cast %mul3A_13 : vector<512x128xf32> to vector<1x512x128xf32>
    tpu.vector_store %arg3[%swap3A, %swap3A_14, %swap3A_15], %swap3A_18 {strides = array<i32>} : memref<2x512x128xf32, #tpu.memory_space<vmem>>, vector<1x512x128xf32>,
    %get3A_19 = arith.constant 1 : index
    %get3A_20 = arith.constant 0 : index
    %get3A_21 = arith.constant 0 : index
    %get3A_22 = vector.load %arg1[%get3A_19, %get3A_20, %get3A_21] : memref<2x512x128xf32, #tpu.memory_space<vmem>>, vector<1x512x128xf32>
    %get3A_23 = vector.shape_cast %get3A_22 : vector<1x512x128xf32> to vector<512x128xf32>
    %broadcast_in_dim3A_24 = vector.shape_cast %div3A_7 : vector<512xf32> to vector<512x1xf32>
    %mul3A_25 = vector.broadcast %broadcast_in_dim3A_24 : vector<512x1xf32> to vector<512x128xf32>
    %mul3A_26 = arith.mulf %get3A_23, %mul3A_25 : vector<512x128xf32>
    %swap3A_27 = arith.constant 1 : index
    %swap3A_28 = arith.constant 0 : index
    %swap3A_29 = arith.constant 0 : index
    %swap3A_30 = vector.load %arg3[%swap3A_27, %swap3A_28, %swap3A_29] : memref<2x512x128xf32, #tpu.memory_space<vmem>>, vector<1x512x128xf32>
    %swap3A_31 = vector.shape_cast %swap3A_30 : vector<1x512x128xf32> to vector<512x128xf32>
    %swap3A_32 = vector.shape_cast %mul3A_26 : vector<512x128xf32> to vector<1x512x128xf32>
    tpu.vector_store %arg3[%swap3A_27, %swap3A_28, %swap3A_29], %swap3A_32 {strides = array<i32>} : memref<2x512x128xf32, #tpu.memory_space<vmem>>, vector<1x512x128xf32>,
    return
  }
  func.func @transform_0(%arg0: i32) -> (i32, i32, i32) {
    %c0_i32 = arith.constant 0 : i32
    %c0_i32_0 = arith.constant 0 : i32
    %c0_i32_1 = arith.constant 0 : i32
    return %c0_i32, %arg0, %c0_i32_0 : i32, i32, i32
  }
  func.func @transform_1(%arg0: i32) -> (i32, i32, i32) {
    %c0_i32 = arith.constant 0 : i32
    %c0_i32_0 = arith.constant 0 : i32
    %c0_i32_1 = arith.constant 0 : i32
    return %arg0, %c0_i32, %c0_i32_0 : i32, i32, i32
  }
  func.func @transform_2(%arg0: i32) -> (i32, i32, i32) {
    %c0_i32 = arith.constant 0 : i32
    %c0_i32_0 = arith.constant 0 : i32
    %c0_i32_1 = arith.constant 0 : i32
    return %c0_i32, %arg0, %c0_i32_0 : i32, i32, i32
  }
}

module attributes {stable_mosaic.version = 14 : i64} {
  func.func @_mlp2_body(%arg0: i32, %arg1: memref<512x256xf32, #tpu.memory_space<vmem>>, %arg2: memref<256x512xf32, #tpu.memory_space<vmem>>, %arg3: memref<1x512xf32, #tpu.memory_space<vmem>>, %arg4: memref<512x256xf32, #tpu.memory_space<vmem>>, %arg5: memref<1x256xf32, #tpu.memory_space<vmem>>, %arg6: memref<2x512x128xf32, #tpu.memory_space<vmem>>) attributes {dimension_semantics = [#tpu.dimension_semantics<arbitrary>], iteration_bounds = array<i64: 21>, scalar_prefetch = 0 : i64, scratch_operands = 0 : i64, tpu.core_type = #tpu.core_type<tc>, window_params = [{transform_indices = @transform_0, window_bounds = array<i64: 512, 256>}, {pipeline_mode = #tpu.pipeline_mode<synchronous>, transform_indices = @transform_1, window_bounds = array<i64: 256, 512>}, {pipeline_mode = #tpu.pipeline_mode<synchronous>, transform_indices = @transform_2, window_bounds = array<i64: 1, 512>}, {pipeline_mode = #tpu.pipeline_mode<synchronous>, transform_indices = @transform_3, window_bounds = array<i64: 512, 256>}, {pipeline_mode = #tpu.pipeline_mode<synchronous>, transform_indices = @transform_4, window_bounds = array<i64: 1, 256>}, {transform_indices = @transform_5, window_bounds = array<i64: 2, 512, 128>}]} {
    %get3A = arith.constant 0 : index
    %get3A_0 = arith.constant 0 : index
    %get3A_1 = vector.load %arg1[%get3A, %get3A_0] : memref<512x256xf32, #tpu.memory_space<vmem>>, vector<512x256xf32>
    %get3A_2 = arith.constant 0 : index
    %get3A_3 = arith.constant 0 : index
    %get3A_4 = vector.load %arg2[%get3A_2, %get3A_3] : memref<256x512xf32, #tpu.memory_space<vmem>>, vector<256x512xf32>
    %dot_general3A = arith.constant dense<0.000000e+00> : vector<512x512xf32>
    %dot_general3A_5 = tpu.matmul %get3A_1, %get3A_4, %dot_general3A {dimension_numbers = #tpu.dot_dimension_numbers<[1], [0], [0], [1], [0, 0, 1, 1], [], []>, transpose_lhs_hint = false} : vector<512x256xf32>, vector<256x512xf32>, vector<512x512xf32> -> vector<512x512xf32>
    %get3A_6 = arith.constant 0 : index
    %get3A_7 = arith.constant 0 : index
    %get3A_8 = vector.load %arg3[%get3A_6, %get3A_7] : memref<1x512xf32, #tpu.memory_space<vmem>>, vector<1x512xf32>
    %add3A = vector.broadcast %get3A_8 : vector<1x512xf32> to vector<512x512xf32>
    %add3A_9 = arith.addf %dot_general3A_5, %add3A : vector<512x512xf32>
    %max3A = arith.constant 0.000000e+00 : f32
    %max3A_10 = vector.broadcast %max3A : f32 to vector<512x512xf32>
    %max3A_11 = arith.maximumf %add3A_9, %max3A_10 : vector<512x512xf32>
    %get3A_12 = arith.constant 0 : index
    %get3A_13 = arith.constant 0 : index
    %get3A_14 = vector.load %arg4[%get3A_12, %get3A_13] : memref<512x256xf32, #tpu.memory_space<vmem>>, vector<512x256xf32>
    %dot_general3A_15 = arith.constant dense<0.000000e+00> : vector<512x256xf32>
    %dot_general3A_16 = tpu.matmul %max3A_11, %get3A_14, %dot_general3A_15 {dimension_numbers = #tpu.dot_dimension_numbers<[1], [0], [0], [1], [0, 0, 1, 1], [], []>, transpose_lhs_hint = false} : vector<512x512xf32>, vector<512x256xf32>, vector<512x256xf32> -> vector<512x256xf32>
    %slice3A = vector.extract_strided_slice %dot_general3A_16 {offsets = [0, 0], sizes = [512, 128], strides = [1, 1]} : vector<512x256xf32> to vector<512x128xf32>
    %swap3A = arith.constant 0 : index
    %swap3A_17 = arith.constant 0 : index
    %swap3A_18 = arith.constant 0 : index
    %swap3A_19 = vector.load %arg6[%swap3A, %swap3A_17, %swap3A_18] : memref<2x512x128xf32, #tpu.memory_space<vmem>>, vector<1x512x128xf32>
    %swap3A_20 = vector.shape_cast %swap3A_19 : vector<1x512x128xf32> to vector<512x128xf32>
    %swap3A_21 = vector.shape_cast %slice3A : vector<512x128xf32> to vector<1x512x128xf32>
    tpu.vector_store %arg6[%swap3A, %swap3A_17, %swap3A_18], %swap3A_21 {strides = array<i32>} : memref<2x512x128xf32, #tpu.memory_space<vmem>>, vector<1x512x128xf32>,
    %slice3A_22 = vector.extract_strided_slice %dot_general3A_16 {offsets = [0, 128], sizes = [512, 128], strides = [1, 1]} : vector<512x256xf32> to vector<512x128xf32>
    %swap3A_23 = arith.constant 1 : index
    %swap3A_24 = arith.constant 0 : index
    %swap3A_25 = arith.constant 0 : index
    %swap3A_26 = vector.load %arg6[%swap3A_23, %swap3A_24, %swap3A_25] : memref<2x512x128xf32, #tpu.memory_space<vmem>>, vector<1x512x128xf32>
    %swap3A_27 = vector.shape_cast %swap3A_26 : vector<1x512x128xf32> to vector<512x128xf32>
    %swap3A_28 = vector.shape_cast %slice3A_22 : vector<512x128xf32> to vector<1x512x128xf32>
    tpu.vector_store %arg6[%swap3A_23, %swap3A_24, %swap3A_25], %swap3A_28 {strides = array<i32>} : memref<2x512x128xf32, #tpu.memory_space<vmem>>, vector<1x512x128xf32>,
    return
  }
  func.func @transform_0(%arg0: i32) -> (i32, i32) {
    %c0_i32 = arith.constant 0 : i32
    %c0_i32_0 = arith.constant 0 : i32
    return %arg0, %c0_i32 : i32, i32
  }
  func.func @transform_1(%arg0: i32) -> (i32, i32) {
    %c0_i32 = arith.constant 0 : i32
    %c0_i32_0 = arith.constant 0 : i32
    %c0_i32_1 = arith.constant 0 : i32
    return %c0_i32, %c0_i32_0 : i32, i32
  }
  func.func @transform_2(%arg0: i32) -> (i32, i32) {
    %c0_i32 = arith.constant 0 : i32
    %c0_i32_0 = arith.constant 0 : i32
    %c0_i32_1 = arith.constant 0 : i32
    return %c0_i32, %c0_i32_0 : i32, i32
  }
  func.func @transform_3(%arg0: i32) -> (i32, i32) {
    %c0_i32 = arith.constant 0 : i32
    %c0_i32_0 = arith.constant 0 : i32
    %c0_i32_1 = arith.constant 0 : i32
    return %c0_i32, %c0_i32_0 : i32, i32
  }
  func.func @transform_4(%arg0: i32) -> (i32, i32) {
    %c0_i32 = arith.constant 0 : i32
    %c0_i32_0 = arith.constant 0 : i32
    %c0_i32_1 = arith.constant 0 : i32
    return %c0_i32, %c0_i32_0 : i32, i32
  }
  func.func @transform_5(%arg0: i32) -> (i32, i32, i32) {
    %c0_i32 = arith.constant 0 : i32
    %c0_i32_0 = arith.constant 0 : i32
    %c0_i32_1 = arith.constant 0 : i32
    return %c0_i32, %arg0, %c0_i32_0 : i32, i32, i32
  }
}

module attributes {stable_mosaic.version = 14 : i64} {
  func.func @_pred_body(%arg0: i32, %arg1: memref<2x512x128xf32, #tpu.memory_space<vmem>>, %arg2: memref<2x512x128xf32, #tpu.memory_space<vmem>>, %arg3: memref<1x1x512xf32, #tpu.memory_space<vmem>>, %arg4: memref<256x512xf32, #tpu.memory_space<vmem>>, %arg5: memref<1x512xf32, #tpu.memory_space<vmem>>, %arg6: memref<512x256xf32, #tpu.memory_space<vmem>>, %arg7: memref<1x256xf32, #tpu.memory_space<vmem>>, %arg8: memref<2x512x128xf32, #tpu.memory_space<vmem>>) attributes {dimension_semantics = [#tpu.dimension_semantics<arbitrary>], iteration_bounds = array<i64: 21>, scalar_prefetch = 0 : i64, scratch_operands = 0 : i64, tpu.core_type = #tpu.core_type<tc>, window_params = [{transform_indices = @transform_0, window_bounds = array<i64: 2, 512, 128>}, {transform_indices = @transform_1, window_bounds = array<i64: 2, 512, 128>}, {transform_indices = @transform_2, window_bounds = array<i64: 1, 1, 512>}, {pipeline_mode = #tpu.pipeline_mode<synchronous>, transform_indices = @transform_3, window_bounds = array<i64: 256, 512>}, {pipeline_mode = #tpu.pipeline_mode<synchronous>, transform_indices = @transform_4, window_bounds = array<i64: 1, 512>}, {pipeline_mode = #tpu.pipeline_mode<synchronous>, transform_indices = @transform_5, window_bounds = array<i64: 512, 256>}, {pipeline_mode = #tpu.pipeline_mode<synchronous>, transform_indices = @transform_6, window_bounds = array<i64: 1, 256>}, {transform_indices = @transform_7, window_bounds = array<i64: 2, 512, 128>}]} {
    %get3A = arith.constant 0 : index
    %get3A_0 = arith.constant 0 : index
    %get3A_1 = arith.constant 0 : index
    %get3A_2 = vector.load %arg3[%get3A, %get3A_0, %get3A_1] : memref<1x1x512xf32, #tpu.memory_space<vmem>>, vector<1x1x512xf32>
    %get3A_3 = vector.shape_cast %get3A_2 : vector<1x1x512xf32> to vector<512xf32>
    %max3A = arith.constant 1.000000e+00 : f32
    %max3A_4 = vector.broadcast %max3A : f32 to vector<512xf32>
    %max3A_5 = arith.maximumf %get3A_3, %max3A_4 : vector<512xf32>
    %div3A = arith.constant 1.000000e+00 : f32
    %div3A_6 = vector.broadcast %div3A : f32 to vector<512xf32>
    %div3A_7 = arith.divf %div3A_6, %max3A_5 : vector<512xf32>
    %get3A_8 = arith.constant 0 : index
    %get3A_9 = arith.constant 0 : index
    %get3A_10 = arith.constant 0 : index
    %get3A_11 = vector.load %arg1[%get3A_8, %get3A_9, %get3A_10] : memref<2x512x128xf32, #tpu.memory_space<vmem>>, vector<1x512x128xf32>
    %get3A_12 = vector.shape_cast %get3A_11 : vector<1x512x128xf32> to vector<512x128xf32>
    %get3A_13 = arith.constant 0 : index
    %get3A_14 = arith.constant 0 : index
    %get3A_15 = arith.constant 0 : index
    %get3A_16 = vector.load %arg2[%get3A_13, %get3A_14, %get3A_15] : memref<2x512x128xf32, #tpu.memory_space<vmem>>, vector<1x512x128xf32>
    %get3A_17 = vector.shape_cast %get3A_16 : vector<1x512x128xf32> to vector<512x128xf32>
    %broadcast_in_dim3A = vector.shape_cast %div3A_7 : vector<512xf32> to vector<512x1xf32>
    %mul3A = vector.broadcast %broadcast_in_dim3A : vector<512x1xf32> to vector<512x128xf32>
    %mul3A_18 = arith.mulf %get3A_17, %mul3A : vector<512x128xf32>
    %add3A = arith.addf %get3A_12, %mul3A_18 : vector<512x128xf32>
    %get3A_19 = arith.constant 1 : index
    %get3A_20 = arith.constant 0 : index
    %get3A_21 = arith.constant 0 : index
    %get3A_22 = vector.load %arg1[%get3A_19, %get3A_20, %get3A_21] : memref<2x512x128xf32, #tpu.memory_space<vmem>>, vector<1x512x128xf32>
    %get3A_23 = vector.shape_cast %get3A_22 : vector<1x512x128xf32> to vector<512x128xf32>
    %get3A_24 = arith.constant 1 : index
    %get3A_25 = arith.constant 0 : index
    %get3A_26 = arith.constant 0 : index
    %get3A_27 = vector.load %arg2[%get3A_24, %get3A_25, %get3A_26] : memref<2x512x128xf32, #tpu.memory_space<vmem>>, vector<1x512x128xf32>
    %get3A_28 = vector.shape_cast %get3A_27 : vector<1x512x128xf32> to vector<512x128xf32>
    %broadcast_in_dim3A_29 = vector.shape_cast %div3A_7 : vector<512xf32> to vector<512x1xf32>
    %mul3A_30 = vector.broadcast %broadcast_in_dim3A_29 : vector<512x1xf32> to vector<512x128xf32>
    %mul3A_31 = arith.mulf %get3A_28, %mul3A_30 : vector<512x128xf32>
    %add3A_32 = arith.addf %get3A_23, %mul3A_31 : vector<512x128xf32>
    %concatenate3A = tpu.concatenate %add3A, %add3A_32 in 1 : vector<512x128xf32>, vector<512x128xf32> -> vector<512x256xf32>
    %max3A_33 = arith.constant 0.000000e+00 : f32
    %max3A_34 = vector.broadcast %max3A_33 : f32 to vector<512x256xf32>
    %max3A_35 = arith.maximumf %concatenate3A, %max3A_34 : vector<512x256xf32>
    %get3A_36 = arith.constant 0 : index
    %get3A_37 = arith.constant 0 : index
    %get3A_38 = vector.load %arg4[%get3A_36, %get3A_37] : memref<256x512xf32, #tpu.memory_space<vmem>>, vector<256x512xf32>
    %dot_general3A = arith.constant dense<0.000000e+00> : vector<512x512xf32>
    %dot_general3A_39 = tpu.matmul %max3A_35, %get3A_38, %dot_general3A {dimension_numbers = #tpu.dot_dimension_numbers<[1], [0], [0], [1], [0, 0, 1, 1], [], []>, transpose_lhs_hint = false} : vector<512x256xf32>, vector<256x512xf32>, vector<512x512xf32> -> vector<512x512xf32>
    %get3A_40 = arith.constant 0 : index
    %get3A_41 = arith.constant 0 : index
    %get3A_42 = vector.load %arg5[%get3A_40, %get3A_41] : memref<1x512xf32, #tpu.memory_space<vmem>>, vector<1x512xf32>
    %add3A_43 = vector.broadcast %get3A_42 : vector<1x512xf32> to vector<512x512xf32>
    %add3A_44 = arith.addf %dot_general3A_39, %add3A_43 : vector<512x512xf32>
    %max3A_45 = arith.constant 0.000000e+00 : f32
    %max3A_46 = vector.broadcast %max3A_45 : f32 to vector<512x512xf32>
    %max3A_47 = arith.maximumf %add3A_44, %max3A_46 : vector<512x512xf32>
    %get3A_48 = arith.constant 0 : index
    %get3A_49 = arith.constant 0 : index
    %get3A_50 = vector.load %arg6[%get3A_48, %get3A_49] : memref<512x256xf32, #tpu.memory_space<vmem>>, vector<512x256xf32>
    %dot_general3A_51 = arith.constant dense<0.000000e+00> : vector<512x256xf32>
    %dot_general3A_52 = tpu.matmul %max3A_47, %get3A_50, %dot_general3A_51 {dimension_numbers = #tpu.dot_dimension_numbers<[1], [0], [0], [1], [0, 0, 1, 1], [], []>, transpose_lhs_hint = false} : vector<512x512xf32>, vector<512x256xf32>, vector<512x256xf32> -> vector<512x256xf32>
    %get3A_53 = arith.constant 0 : index
    %get3A_54 = arith.constant 0 : index
    %get3A_55 = vector.load %arg7[%get3A_53, %get3A_54] : memref<1x256xf32, #tpu.memory_space<vmem>>, vector<1x256xf32>
    %add3A_56 = vector.broadcast %get3A_55 : vector<1x256xf32> to vector<512x256xf32>
    %add3A_57 = arith.addf %dot_general3A_52, %add3A_56 : vector<512x256xf32>
    %slice3A = vector.extract_strided_slice %add3A_57 {offsets = [0, 0], sizes = [512, 128], strides = [1, 1]} : vector<512x256xf32> to vector<512x128xf32>
    %swap3A = arith.constant 0 : index
    %swap3A_58 = arith.constant 0 : index
    %swap3A_59 = arith.constant 0 : index
    %swap3A_60 = vector.load %arg8[%swap3A, %swap3A_58, %swap3A_59] : memref<2x512x128xf32, #tpu.memory_space<vmem>>, vector<1x512x128xf32>
    %swap3A_61 = vector.shape_cast %swap3A_60 : vector<1x512x128xf32> to vector<512x128xf32>
    %swap3A_62 = vector.shape_cast %slice3A : vector<512x128xf32> to vector<1x512x128xf32>
    tpu.vector_store %arg8[%swap3A, %swap3A_58, %swap3A_59], %swap3A_62 {strides = array<i32>} : memref<2x512x128xf32, #tpu.memory_space<vmem>>, vector<1x512x128xf32>,
    %slice3A_63 = vector.extract_strided_slice %add3A_57 {offsets = [0, 128], sizes = [512, 128], strides = [1, 1]} : vector<512x256xf32> to vector<512x128xf32>
    %swap3A_64 = arith.constant 1 : index
    %swap3A_65 = arith.constant 0 : index
    %swap3A_66 = arith.constant 0 : index
    %swap3A_67 = vector.load %arg8[%swap3A_64, %swap3A_65, %swap3A_66] : memref<2x512x128xf32, #tpu.memory_space<vmem>>, vector<1x512x128xf32>
    %swap3A_68 = vector.shape_cast %swap3A_67 : vector<1x512x128xf32> to vector<512x128xf32>
    %swap3A_69 = vector.shape_cast %slice3A_63 : vector<512x128xf32> to vector<1x512x128xf32>
    tpu.vector_store %arg8[%swap3A_64, %swap3A_65, %swap3A_66], %swap3A_69 {strides = array<i32>} : memref<2x512x128xf32, #tpu.memory_space<vmem>>, vector<1x512x128xf32>,
    return
  }
  func.func @transform_0(%arg0: i32) -> (i32, i32, i32) {
    %c0_i32 = arith.constant 0 : i32
    %c0_i32_0 = arith.constant 0 : i32
    %c0_i32_1 = arith.constant 0 : i32
    return %c0_i32, %arg0, %c0_i32_0 : i32, i32, i32
  }
  func.func @transform_1(%arg0: i32) -> (i32, i32, i32) {
    %c0_i32 = arith.constant 0 : i32
    %c0_i32_0 = arith.constant 0 : i32
    %c0_i32_1 = arith.constant 0 : i32
    return %c0_i32, %arg0, %c0_i32_0 : i32, i32, i32
  }
  func.func @transform_2(%arg0: i32) -> (i32, i32, i32) {
    %c0_i32 = arith.constant 0 : i32
    %c0_i32_0 = arith.constant 0 : i32
    %c0_i32_1 = arith.constant 0 : i32
    return %arg0, %c0_i32, %c0_i32_0 : i32, i32, i32
  }
  func.func @transform_3(%arg0: i32) -> (i32, i32) {
    %c0_i32 = arith.constant 0 : i32
    %c0_i32_0 = arith.constant 0 : i32
    %c0_i32_1 = arith.constant 0 : i32
    return %c0_i32, %c0_i32_0 : i32, i32
  }
  func.func @transform_4(%arg0: i32) -> (i32, i32) {
    %c0_i32 = arith.constant 0 : i32
    %c0_i32_0 = arith.constant 0 : i32
    %c0_i32_1 = arith.constant 0 : i32
    return %c0_i32, %c0_i32_0 : i32, i32
  }
  func.func @transform_5(%arg0: i32) -> (i32, i32) {
    %c0_i32 = arith.constant 0 : i32
    %c0_i32_0 = arith.constant 0 : i32
    %c0_i32_1 = arith.constant 0 : i32
    return %c0_i32, %c0_i32_0 : i32, i32
  }
  func.func @transform_6(%arg0: i32) -> (i32, i32) {
    %c0_i32 = arith.constant 0 : i32
    %c0_i32_0 = arith.constant 0 : i32
    %c0_i32_1 = arith.constant 0 : i32
    return %c0_i32, %c0_i32_0 : i32, i32
  }
  func.func @transform_7(%arg0: i32) -> (i32, i32, i32) {
    %c0_i32 = arith.constant 0 : i32
    %c0_i32_0 = arith.constant 0 : i32
    %c0_i32_1 = arith.constant 0 : i32
    return %c0_i32, %arg0, %c0_i32_0 : i32, i32, i32
  }
}

module attributes {stable_mosaic.version = 14 : i64} {
  func.func @_readout_body(%arg0: i32, %arg1: memref<2x512x128xf32, #tpu.memory_space<vmem>>, %arg2: memref<2x512x128xf32, #tpu.memory_space<vmem>>, %arg3: memref<1x1x512xf32, #tpu.memory_space<vmem>>, %arg4: memref<1x1x256xf32, #tpu.memory_space<vmem>>, %arg5: memref<1x1x512xi32, #tpu.memory_space<vmem>>, %arg6: memref<512x256xf32, #tpu.memory_space<vmem>>, %arg7: memref<1x512xf32, #tpu.memory_space<vmem>>, %arg8: memref<512x256xf32, #tpu.memory_space<vmem>>) attributes {dimension_semantics = [#tpu.dimension_semantics<arbitrary>], iteration_bounds = array<i64: 20>, scalar_prefetch = 0 : i64, scratch_operands = 0 : i64, tpu.core_type = #tpu.core_type<tc>, window_params = [{transform_indices = @transform_0, window_bounds = array<i64: 2, 512, 128>}, {transform_indices = @transform_1, window_bounds = array<i64: 2, 512, 128>}, {transform_indices = @transform_2, window_bounds = array<i64: 1, 1, 512>}, {pipeline_mode = #tpu.pipeline_mode<synchronous>, transform_indices = @transform_3, window_bounds = array<i64: 1, 1, 256>}, {transform_indices = @transform_4, window_bounds = array<i64: 1, 1, 512>}, {pipeline_mode = #tpu.pipeline_mode<synchronous>, transform_indices = @transform_5, window_bounds = array<i64: 512, 256>}, {pipeline_mode = #tpu.pipeline_mode<synchronous>, transform_indices = @transform_6, window_bounds = array<i64: 1, 512>}, {pipeline_mode = #tpu.pipeline_mode<synchronous>, transform_indices = @transform_7, window_bounds = array<i64: 512, 256>}]} {
    %get3A = arith.constant 0 : index
    %get3A_0 = arith.constant 0 : index
    %get3A_1 = arith.constant 0 : index
    %get3A_2 = vector.load %arg3[%get3A, %get3A_0, %get3A_1] : memref<1x1x512xf32, #tpu.memory_space<vmem>>, vector<1x1x512xf32>
    %get3A_3 = vector.shape_cast %get3A_2 : vector<1x1x512xf32> to vector<512xf32>
    %max3A = arith.constant 1.000000e+00 : f32
    %max3A_4 = vector.broadcast %max3A : f32 to vector<512xf32>
    %max3A_5 = arith.maximumf %get3A_3, %max3A_4 : vector<512xf32>
    %div3A = arith.constant 1.000000e+00 : f32
    %div3A_6 = vector.broadcast %div3A : f32 to vector<512xf32>
    %div3A_7 = arith.divf %div3A_6, %max3A_5 : vector<512xf32>
    %get3A_8 = arith.constant 0 : index
    %get3A_9 = arith.constant 0 : index
    %get3A_10 = arith.constant 0 : index
    %get3A_11 = vector.load %arg1[%get3A_8, %get3A_9, %get3A_10] : memref<2x512x128xf32, #tpu.memory_space<vmem>>, vector<1x512x128xf32>
    %get3A_12 = vector.shape_cast %get3A_11 : vector<1x512x128xf32> to vector<512x128xf32>
    %get3A_13 = arith.constant 0 : index
    %get3A_14 = arith.constant 0 : index
    %get3A_15 = arith.constant 0 : index
    %get3A_16 = vector.load %arg2[%get3A_13, %get3A_14, %get3A_15] : memref<2x512x128xf32, #tpu.memory_space<vmem>>, vector<1x512x128xf32>
    %get3A_17 = vector.shape_cast %get3A_16 : vector<1x512x128xf32> to vector<512x128xf32>
    %broadcast_in_dim3A = vector.shape_cast %div3A_7 : vector<512xf32> to vector<512x1xf32>
    %mul3A = vector.broadcast %broadcast_in_dim3A : vector<512x1xf32> to vector<512x128xf32>
    %mul3A_18 = arith.mulf %get3A_17, %mul3A : vector<512x128xf32>
    %add3A = arith.addf %get3A_12, %mul3A_18 : vector<512x128xf32>
    %get3A_19 = arith.constant 0 : index
    %get3A_20 = arith.constant 0 : index
    %get3A_21 = arith.constant 0 : index
    %get3A_22 = vector.load %arg4[%get3A_19, %get3A_20, %get3A_21] : memref<1x1x256xf32, #tpu.memory_space<vmem>>, vector<1x1x128xf32>
    %get3A_23 = vector.shape_cast %get3A_22 : vector<1x1x128xf32> to vector<128xf32>
    %broadcast_in_dim3A_24 = vector.shape_cast %get3A_23 : vector<128xf32> to vector<1x128xf32>
    %add3A_25 = vector.broadcast %broadcast_in_dim3A_24 : vector<1x128xf32> to vector<512x128xf32>
    %add3A_26 = arith.addf %add3A, %add3A_25 : vector<512x128xf32>
    %get3A_27 = arith.constant 1 : index
    %get3A_28 = arith.constant 0 : index
    %get3A_29 = arith.constant 0 : index
    %get3A_30 = vector.load %arg1[%get3A_27, %get3A_28, %get3A_29] : memref<2x512x128xf32, #tpu.memory_space<vmem>>, vector<1x512x128xf32>
    %get3A_31 = vector.shape_cast %get3A_30 : vector<1x512x128xf32> to vector<512x128xf32>
    %get3A_32 = arith.constant 1 : index
    %get3A_33 = arith.constant 0 : index
    %get3A_34 = arith.constant 0 : index
    %get3A_35 = vector.load %arg2[%get3A_32, %get3A_33, %get3A_34] : memref<2x512x128xf32, #tpu.memory_space<vmem>>, vector<1x512x128xf32>
    %get3A_36 = vector.shape_cast %get3A_35 : vector<1x512x128xf32> to vector<512x128xf32>
    %broadcast_in_dim3A_37 = vector.shape_cast %div3A_7 : vector<512xf32> to vector<512x1xf32>
    %mul3A_38 = vector.broadcast %broadcast_in_dim3A_37 : vector<512x1xf32> to vector<512x128xf32>
    %mul3A_39 = arith.mulf %get3A_36, %mul3A_38 : vector<512x128xf32>
    %add3A_40 = arith.addf %get3A_31, %mul3A_39 : vector<512x128xf32>
    %get3A_41 = arith.constant 0 : index
    %get3A_42 = arith.constant 0 : index
    %get3A_43 = arith.constant 128 : index
    %get3A_44 = vector.load %arg4[%get3A_41, %get3A_42, %get3A_43] : memref<1x1x256xf32, #tpu.memory_space<vmem>>, vector<1x1x128xf32>
    %get3A_45 = vector.shape_cast %get3A_44 : vector<1x1x128xf32> to vector<128xf32>
    %broadcast_in_dim3A_46 = vector.shape_cast %get3A_45 : vector<128xf32> to vector<1x128xf32>
    %add3A_47 = vector.broadcast %broadcast_in_dim3A_46 : vector<1x128xf32> to vector<512x128xf32>
    %add3A_48 = arith.addf %add3A_40, %add3A_47 : vector<512x128xf32>
    %get3A_49 = arith.constant 0 : index
    %get3A_50 = arith.constant 0 : index
    %get3A_51 = arith.constant 0 : index
    %get3A_52 = vector.load %arg5[%get3A_49, %get3A_50, %get3A_51] : memref<1x1x512xi32, #tpu.memory_space<vmem>>, vector<1x1x512xi32>
    %get3A_53 = vector.shape_cast %get3A_52 : vector<1x1x512xi32> to vector<512xi32>
    %broadcast_in_dim3A_54 = vector.shape_cast %get3A_53 : vector<512xi32> to vector<512x1xi32>
    %iota3A = tpu.iota {dimensions = array<i32: 1>} : vector<512x512xi32>
    %eq3A = vector.broadcast %broadcast_in_dim3A_54 : vector<512x1xi32> to vector<512x512xi32>
    %eq3A_55 = arith.cmpi eq, %eq3A, %iota3A : vector<512x512xi32>
    %convert_element_type3A = arith.extui %eq3A_55 : vector<512x512xi1> to vector<512x512xi32>
    %convert_element_type3A_56 = arith.sitofp %convert_element_type3A : vector<512x512xi32> to vector<512x512xf32>
    %dot_general3A = arith.constant dense<0.000000e+00> : vector<512x128xf32>
    %dot_general3A_57 = tpu.matmul %convert_element_type3A_56, %add3A_26, %dot_general3A {dimension_numbers = #tpu.dot_dimension_numbers<[0], [0], [1], [1], [0, 1, 1, 1], [], []>, transpose_lhs_hint = false} : vector<512x512xf32>, vector<512x128xf32>, vector<512x128xf32> -> vector<512x128xf32>
    %dot_general3A_58 = arith.constant dense<0.000000e+00> : vector<512x128xf32>
    %dot_general3A_59 = tpu.matmul %convert_element_type3A_56, %add3A_48, %dot_general3A_58 {dimension_numbers = #tpu.dot_dimension_numbers<[0], [0], [1], [1], [0, 1, 1, 1], [], []>, transpose_lhs_hint = false} : vector<512x512xf32>, vector<512x128xf32>, vector<512x128xf32> -> vector<512x128xf32>
    %reduce_sum3A = arith.constant dense<0.000000e+00> : vector<512xf32>
    %reduce_sum3A_60 = vector.multi_reduction <add>, %convert_element_type3A_56, %reduce_sum3A [0] : vector<512x512xf32> to vector<512xf32>
    %eq3A_61 = arith.constant 0 : i32
    %eq3A_62 = arith.cmpi eq, %arg0, %eq3A_61 : i32
    %convert_element_type3A_63 = arith.extui %eq3A_62 : i1 to i32
    %cond3A = arith.constant 0 : i32
    %cond3A_64 = arith.cmpi ne, %convert_element_type3A_63, %cond3A : i32
    scf.if %cond3A_64 {
      %swap3A = arith.constant 0 : index
      %swap3A_69 = arith.constant 0 : index
      %swap3A_70 = vector.load %arg6[%swap3A, %swap3A_69] : memref<512x256xf32, #tpu.memory_space<vmem>>, vector<512x128xf32>
      tpu.vector_store %arg6[%swap3A, %swap3A_69], %dot_general3A_57 {strides = array<i32>} : memref<512x256xf32, #tpu.memory_space<vmem>>, vector<512x128xf32>,
      %swap3A_71 = arith.constant 0 : index
      %swap3A_72 = arith.constant 128 : index
      %swap3A_73 = vector.load %arg6[%swap3A_71, %swap3A_72] : memref<512x256xf32, #tpu.memory_space<vmem>>, vector<512x128xf32>
      tpu.vector_store %arg6[%swap3A_71, %swap3A_72], %dot_general3A_59 {strides = array<i32>} : memref<512x256xf32, #tpu.memory_space<vmem>>, vector<512x128xf32>,
      %swap3A_74 = arith.constant 0 : index
      %swap3A_75 = arith.constant 0 : index
      %swap3A_76 = vector.load %arg7[%swap3A_74, %swap3A_75] : memref<1x512xf32, #tpu.memory_space<vmem>>, vector<1x512xf32>
      %swap3A_77 = vector.shape_cast %swap3A_76 : vector<1x512xf32> to vector<512xf32>
      %swap3A_78 = vector.shape_cast %reduce_sum3A_60 : vector<512xf32> to vector<1x512xf32>
      tpu.vector_store %arg7[%swap3A_74, %swap3A_75], %swap3A_78 {strides = array<i32>} : memref<1x512xf32, #tpu.memory_space<vmem>>, vector<1x512xf32>,
      %swap3A_79 = arith.constant 0 : index
      %swap3A_80 = arith.constant 0 : index
      %swap3A_81 = vector.load %arg8[%swap3A_79, %swap3A_80] : memref<512x256xf32, #tpu.memory_space<vmem>>, vector<512x128xf32>
      tpu.vector_store %arg8[%swap3A_79, %swap3A_80], %add3A_26 {strides = array<i32>} : memref<512x256xf32, #tpu.memory_space<vmem>>, vector<512x128xf32>,
      %swap3A_82 = arith.constant 0 : index
      %swap3A_83 = arith.constant 128 : index
      %swap3A_84 = vector.load %arg8[%swap3A_82, %swap3A_83] : memref<512x256xf32, #tpu.memory_space<vmem>>, vector<512x128xf32>
      tpu.vector_store %arg8[%swap3A_82, %swap3A_83], %add3A_48 {strides = array<i32>} : memref<512x256xf32, #tpu.memory_space<vmem>>, vector<512x128xf32>,
    } else {
    }
    %gt3A = arith.constant 0 : i32
    %gt3A_65 = arith.cmpi sgt, %arg0, %gt3A : i32
    %convert_element_type3A_66 = arith.extui %gt3A_65 : i1 to i32
    %cond3A_67 = arith.constant 0 : i32
    %cond3A_68 = arith.cmpi ne, %convert_element_type3A_66, %cond3A_67 : i32
    scf.if %cond3A_68 {
      %get3A_69 = arith.constant 0 : index
      %get3A_70 = arith.constant 0 : index
      %get3A_71 = vector.load %arg6[%get3A_69, %get3A_70] : memref<512x256xf32, #tpu.memory_space<vmem>>, vector<512x128xf32>
      %add3A_72 = arith.addf %get3A_71, %dot_general3A_57 : vector<512x128xf32>
      %swap3A = arith.constant 0 : index
      %swap3A_73 = arith.constant 0 : index
      %swap3A_74 = vector.load %arg6[%swap3A, %swap3A_73] : memref<512x256xf32, #tpu.memory_space<vmem>>, vector<512x128xf32>
      tpu.vector_store %arg6[%swap3A, %swap3A_73], %add3A_72 {strides = array<i32>} : memref<512x256xf32, #tpu.memory_space<vmem>>, vector<512x128xf32>,
      %get3A_75 = arith.constant 0 : index
      %get3A_76 = arith.constant 128 : index
      %get3A_77 = vector.load %arg6[%get3A_75, %get3A_76] : memref<512x256xf32, #tpu.memory_space<vmem>>, vector<512x128xf32>
      %add3A_78 = arith.addf %get3A_77, %dot_general3A_59 : vector<512x128xf32>
      %swap3A_79 = arith.constant 0 : index
      %swap3A_80 = arith.constant 128 : index
      %swap3A_81 = vector.load %arg6[%swap3A_79, %swap3A_80] : memref<512x256xf32, #tpu.memory_space<vmem>>, vector<512x128xf32>
      tpu.vector_store %arg6[%swap3A_79, %swap3A_80], %add3A_78 {strides = array<i32>} : memref<512x256xf32, #tpu.memory_space<vmem>>, vector<512x128xf32>,
      %get3A_82 = arith.constant 0 : index
      %get3A_83 = arith.constant 0 : index
      %get3A_84 = vector.load %arg7[%get3A_82, %get3A_83] : memref<1x512xf32, #tpu.memory_space<vmem>>, vector<1x512xf32>
      %get3A_85 = vector.shape_cast %get3A_84 : vector<1x512xf32> to vector<512xf32>
      %add3A_86 = arith.addf %get3A_85, %reduce_sum3A_60 : vector<512xf32>
      %swap3A_87 = arith.constant 0 : index
      %swap3A_88 = arith.constant 0 : index
      %swap3A_89 = vector.load %arg7[%swap3A_87, %swap3A_88] : memref<1x512xf32, #tpu.memory_space<vmem>>, vector<1x512xf32>
      %swap3A_90 = vector.shape_cast %swap3A_89 : vector<1x512xf32> to vector<512xf32>
      %swap3A_91 = vector.shape_cast %add3A_86 : vector<512xf32> to vector<1x512xf32>
      tpu.vector_store %arg7[%swap3A_87, %swap3A_88], %swap3A_91 {strides = array<i32>} : memref<1x512xf32, #tpu.memory_space<vmem>>, vector<1x512xf32>,
    } else {
    }
    return
  }
  func.func @transform_0(%arg0: i32) -> (i32, i32, i32) {
    %c0_i32 = arith.constant 0 : i32
    %c0_i32_0 = arith.constant 0 : i32
    %c0_i32_1 = arith.constant 0 : i32
    return %c0_i32, %arg0, %c0_i32_0 : i32, i32, i32
  }
  func.func @transform_1(%arg0: i32) -> (i32, i32, i32) {
    %c0_i32 = arith.constant 0 : i32
    %c0_i32_0 = arith.constant 0 : i32
    %c0_i32_1 = arith.constant 0 : i32
    return %c0_i32, %arg0, %c0_i32_0 : i32, i32, i32
  }
  func.func @transform_2(%arg0: i32) -> (i32, i32, i32) {
    %c0_i32 = arith.constant 0 : i32
    %c0_i32_0 = arith.constant 0 : i32
    %c0_i32_1 = arith.constant 0 : i32
    return %arg0, %c0_i32, %c0_i32_0 : i32, i32, i32
  }
  func.func @transform_3(%arg0: i32) -> (i32, i32, i32) {
    %c0_i32 = arith.constant 0 : i32
    %c0_i32_0 = arith.constant 0 : i32
    %c0_i32_1 = arith.constant 0 : i32
    %c0_i32_2 = arith.constant 0 : i32
    return %c0_i32, %c0_i32_0, %c0_i32_1 : i32, i32, i32
  }
  func.func @transform_4(%arg0: i32) -> (i32, i32, i32) {
    %c0_i32 = arith.constant 0 : i32
    %c0_i32_0 = arith.constant 0 : i32
    %c0_i32_1 = arith.constant 0 : i32
    return %arg0, %c0_i32, %c0_i32_0 : i32, i32, i32
  }
  func.func @transform_5(%arg0: i32) -> (i32, i32) {
    %c0_i32 = arith.constant 0 : i32
    %c0_i32_0 = arith.constant 0 : i32
    %c0_i32_1 = arith.constant 0 : i32
    return %c0_i32, %c0_i32_0 : i32, i32
  }
  func.func @transform_6(%arg0: i32) -> (i32, i32) {
    %c0_i32 = arith.constant 0 : i32
    %c0_i32_0 = arith.constant 0 : i32
    %c0_i32_1 = arith.constant 0 : i32
    return %c0_i32, %c0_i32_0 : i32, i32
  }
  func.func @transform_7(%arg0: i32) -> (i32, i32) {
    %c0_i32 = arith.constant 0 : i32
    %c0_i32_0 = arith.constant 0 : i32
    %c0_i32_1 = arith.constant 0 : i32
    return %c0_i32, %c0_i32_0 : i32, i32
  }
}

module attributes {stable_mosaic.version = 14 : i64} {
  func.func @_final_body(%arg0: i32, %arg1: memref<2x512x128xf32, #tpu.memory_space<vmem>>, %arg2: memref<1x512xf32, #tpu.memory_space<vmem>>, %arg3: memref<512x256xf32, #tpu.memory_space<vmem>>, %arg4: memref<1x512xf32, #tpu.memory_space<vmem>>, %arg5: memref<512x256xf32, #tpu.memory_space<vmem>>, %arg6: memref<512x256xf32, #tpu.memory_space<vmem>>) attributes {dimension_semantics = [#tpu.dimension_semantics<arbitrary>], iteration_bounds = array<i64: 1>, scalar_prefetch = 0 : i64, scratch_operands = 0 : i64, tpu.core_type = #tpu.core_type<tc>, window_params = [{pipeline_mode = #tpu.pipeline_mode<synchronous>, transform_indices = @transform_0, window_bounds = array<i64: 2, 512, 128>}, {pipeline_mode = #tpu.pipeline_mode<synchronous>, transform_indices = @transform_1, window_bounds = array<i64: 1, 512>}, {pipeline_mode = #tpu.pipeline_mode<synchronous>, transform_indices = @transform_2, window_bounds = array<i64: 512, 256>}, {pipeline_mode = #tpu.pipeline_mode<synchronous>, transform_indices = @transform_3, window_bounds = array<i64: 1, 512>}, {pipeline_mode = #tpu.pipeline_mode<synchronous>, transform_indices = @transform_4, window_bounds = array<i64: 512, 256>}, {pipeline_mode = #tpu.pipeline_mode<synchronous>, transform_indices = @transform_5, window_bounds = array<i64: 512, 256>}]} {
    %get3A = arith.constant 0 : index
    %get3A_0 = arith.constant 0 : index
    %get3A_1 = vector.load %arg2[%get3A, %get3A_0] : memref<1x512xf32, #tpu.memory_space<vmem>>, vector<1x512xf32>
    %get3A_2 = vector.shape_cast %get3A_1 : vector<1x512xf32> to vector<512xf32>
    %add3A = arith.constant 1.000000e+00 : f32
    %add3A_3 = vector.broadcast %add3A : f32 to vector<512xf32>
    %add3A_4 = arith.addf %get3A_2, %add3A_3 : vector<512xf32>
    %div3A = arith.constant 1.000000e+00 : f32
    %div3A_5 = vector.broadcast %div3A : f32 to vector<512xf32>
    %div3A_6 = arith.divf %div3A_5, %add3A_4 : vector<512xf32>
    %get3A_7 = arith.constant 0 : index
    %get3A_8 = arith.constant 0 : index
    %get3A_9 = arith.constant 0 : index
    %get3A_10 = vector.load %arg1[%get3A_7, %get3A_8, %get3A_9] : memref<2x512x128xf32, #tpu.memory_space<vmem>>, vector<1x512x128xf32>
    %get3A_11 = vector.shape_cast %get3A_10 : vector<1x512x128xf32> to vector<512x128xf32>
    %broadcast_in_dim3A = vector.shape_cast %div3A_6 : vector<512xf32> to vector<512x1xf32>
    %mul3A = vector.broadcast %broadcast_in_dim3A : vector<512x1xf32> to vector<512x128xf32>
    %mul3A_12 = arith.mulf %get3A_11, %mul3A : vector<512x128xf32>
    %swap3A = arith.constant 0 : index
    %swap3A_13 = arith.constant 0 : index
    %swap3A_14 = vector.load %arg5[%swap3A, %swap3A_13] : memref<512x256xf32, #tpu.memory_space<vmem>>, vector<512x128xf32>
    tpu.vector_store %arg5[%swap3A, %swap3A_13], %mul3A_12 {strides = array<i32>} : memref<512x256xf32, #tpu.memory_space<vmem>>, vector<512x128xf32>,
    %get3A_15 = arith.constant 1 : index
    %get3A_16 = arith.constant 0 : index
    %get3A_17 = arith.constant 0 : index
    %get3A_18 = vector.load %arg1[%get3A_15, %get3A_16, %get3A_17] : memref<2x512x128xf32, #tpu.memory_space<vmem>>, vector<1x512x128xf32>
    %get3A_19 = vector.shape_cast %get3A_18 : vector<1x512x128xf32> to vector<512x128xf32>
    %broadcast_in_dim3A_20 = vector.shape_cast %div3A_6 : vector<512xf32> to vector<512x1xf32>
    %mul3A_21 = vector.broadcast %broadcast_in_dim3A_20 : vector<512x1xf32> to vector<512x128xf32>
    %mul3A_22 = arith.mulf %get3A_19, %mul3A_21 : vector<512x128xf32>
    %swap3A_23 = arith.constant 0 : index
    %swap3A_24 = arith.constant 128 : index
    %swap3A_25 = vector.load %arg5[%swap3A_23, %swap3A_24] : memref<512x256xf32, #tpu.memory_space<vmem>>, vector<512x128xf32>
    tpu.vector_store %arg5[%swap3A_23, %swap3A_24], %mul3A_22 {strides = array<i32>} : memref<512x256xf32, #tpu.memory_space<vmem>>, vector<512x128xf32>,
    %get3A_26 = arith.constant 0 : index
    %get3A_27 = arith.constant 0 : index
    %get3A_28 = vector.load %arg4[%get3A_26, %get3A_27] : memref<1x512xf32, #tpu.memory_space<vmem>>, vector<1x512xf32>
    %get3A_29 = vector.shape_cast %get3A_28 : vector<1x512xf32> to vector<512xf32>
    %add3A_30 = arith.constant 1.000000e+00 : f32
    %add3A_31 = vector.broadcast %add3A_30 : f32 to vector<512xf32>
    %add3A_32 = arith.addf %get3A_29, %add3A_31 : vector<512xf32>
    %div3A_33 = arith.constant 1.000000e+00 : f32
    %div3A_34 = vector.broadcast %div3A_33 : f32 to vector<512xf32>
    %div3A_35 = arith.divf %div3A_34, %add3A_32 : vector<512xf32>
    %get3A_36 = arith.constant 0 : index
    %get3A_37 = arith.constant 0 : index
    %get3A_38 = vector.load %arg3[%get3A_36, %get3A_37] : memref<512x256xf32, #tpu.memory_space<vmem>>, vector<512x256xf32>
    %broadcast_in_dim3A_39 = vector.shape_cast %div3A_35 : vector<512xf32> to vector<512x1xf32>
    %mul3A_40 = vector.broadcast %broadcast_in_dim3A_39 : vector<512x1xf32> to vector<512x256xf32>
    %mul3A_41 = arith.mulf %get3A_38, %mul3A_40 : vector<512x256xf32>
    %swap3A_42 = arith.constant 0 : index
    %swap3A_43 = arith.constant 0 : index
    %swap3A_44 = vector.load %arg6[%swap3A_42, %swap3A_43] : memref<512x256xf32, #tpu.memory_space<vmem>>, vector<512x256xf32>
    tpu.vector_store %arg6[%swap3A_42, %swap3A_43], %mul3A_41 {strides = array<i32>} : memref<512x256xf32, #tpu.memory_space<vmem>>, vector<512x256xf32>,
    return
  }
  func.func @transform_0(%arg0: i32) -> (i32, i32, i32) {
    %c0_i32 = arith.constant 0 : i32
    %c0_i32_0 = arith.constant 0 : i32
    %c0_i32_1 = arith.constant 0 : i32
    %c0_i32_2 = arith.constant 0 : i32
    return %c0_i32, %c0_i32_0, %c0_i32_1 : i32, i32, i32
  }
  func.func @transform_1(%arg0: i32) -> (i32, i32) {
    %c0_i32 = arith.constant 0 : i32
    %c0_i32_0 = arith.constant 0 : i32
    %c0_i32_1 = arith.constant 0 : i32
    return %c0_i32, %c0_i32_0 : i32, i32
  }
  func.func @transform_2(%arg0: i32) -> (i32, i32) {
    %c0_i32 = arith.constant 0 : i32
    %c0_i32_0 = arith.constant 0 : i32
    %c0_i32_1 = arith.constant 0 : i32
    return %c0_i32, %c0_i32_0 : i32, i32
  }
  func.func @transform_3(%arg0: i32) -> (i32, i32) {
    %c0_i32 = arith.constant 0 : i32
    %c0_i32_0 = arith.constant 0 : i32
    %c0_i32_1 = arith.constant 0 : i32
    return %c0_i32, %c0_i32_0 : i32, i32
  }
  func.func @transform_4(%arg0: i32) -> (i32, i32) {
    %c0_i32 = arith.constant 0 : i32
    %c0_i32_0 = arith.constant 0 : i32
    %c0_i32_1 = arith.constant 0 : i32
    return %c0_i32, %c0_i32_0 : i32, i32
  }
  func.func @transform_5(%arg0: i32) -> (i32, i32) {
    %c0_i32 = arith.constant 0 : i32
    %c0_i32_0 = arith.constant 0 : i32
    %c0_i32_1 = arith.constant 0 : i32
    return %c0_i32, %c0_i32_0 : i32, i32
  }
}

</mosaic_0001>

<sc_bundles>
// kernel: kernel.12.cloned.1.call-start
scs
__scs_entry_jumppad:
0x0: {  	(pc) =	sbr.rel $0x88, $3  }
0x1: {  	(tag) =	ssettag $0x0;
	lr =	simm.s32 $0x1  }
0x2: {  	[smem:$0x3F8F] =	sst lr;
	_ =	strace $0xD0000000  }
0x3: {  	_ = 	snop  }
0x4: {  	_ = 	snop  }
0x5: {  	_ = 	snop  }
0x6: {  	_ = 	snop  }
0x7: {  	_ = 	snop  }
__scs_overlays_trampoline_lowered:
0x8: {  	[smem:$0x3F9E] =	sst s0  }
0x9: {  	[smem:$0x3F9F] =	sst s1  }
0xa: {  	[smem:$0x3FA0] =	sst s2  }
0xb: {  	[smem:$0x3FA1] =	sst s3  }
0xc: {  	[smem:$0x3FA2] =	sst s4  }
0xd: {  	[smem:$0x3FA3] =	sst s5  }
0xe: {  	[smem:$0x3FA4] =	sst s6  }
0xf: {  	[smem:$0x3FA5] =	sst s7  }
0x10: {  	[smem:$0x3FA6] =	sst s8  }
0x11: {  	[smem:$0x3FA7] =	sst s9;
	s0 =	simm.s32 @!p0 $0x0  }
0x12: {  	s1 =	sld [smem:$0x3F8D];
	s0 =	simm.s32 @p0 $0x1  }
0x13: {  	[smem:$0x3FA8] =	sst s0;
	s0 =	simm.s32 @!p1 $0x0  }
0x14: {  	s2 =	sld [smem:$0x3F8C];
	s0 =	simm.s32 @p1 $0x1  }
0x15: {  	[smem:$0x3FA9] =	sst s0;
	s0 =	simm.s32 @!p2 $0x0  }
0x16: {  	s3 =	sld [smem:$0x3FDB];
	s0 =	simm.s32 @p2 $0x1  }
0x17: {  	s4 =	simm.s32 $0x1BF5;
	[smem:$0x3FAB] =	sst s0  }
0x18: {  	s0 =	sld [smem:$0x3F8E];
	_ =	swait.ge [sflag:s4], $0x0  }
0x19: {  	s7 =	sld [smem:$0x3F8F]  }
0x1a: {  	s8 =	sadd.s32 $0xFFFFE003, lr  }
0x1b: {  	s9 =	sadd.s32 $0xFFFFFEF7, lr;
	s5 =	simm.s32 $0xFFFFFFFF;
	p2 =	slt.u32 s8, $0xFFFFF086  }
0x1c: {  	p1 =	slt.u32 s9, $0xF7A;
	s5 =	simm.s32 @!p2 $0x0  }
0x1d: {  	s5 =	simm.s32 @p1 $0x1;
	p0 =	seq.s32 s7, s2  }
0x1e: {  	s7 =	smul.u32 @!p0 $0xF7A, s2;
	p2 =	seq.s32 @!p0 s5, $0x0  }
0x1f: {  	s9 =	smul.u32 $0xF7A, s1;
	s8 =	simm.s32 @!p0 $0x1BF5;
	p2 =	por !p2, p0  }
0x20: {  	[sflag:s8] =	ssyncset.s32 @!p0 $0xFFFFF086;
	s6 =	sadd.s32 @!p0 s3, s7;
	s7 =	simm.s32 @!p0 $0x108  }
0x21: {  	s3 =	sadd.s32 s3, s9;
	s6 =	sadd.s32 @!p0 $0x88, s6;
	s7 =	simm.s32 @p2 $0x1082  }
0x22: {  	[simem:s7], [sflag:s8] =	dma.local @!p0 [hbm:s6], $0xF7A  }
0x23: {  	s9 =	sor.u32 $0xD0000000, s2;
	s6 =	simm.s32 $0x108;
	_ =	swait.ge @!p0 [sflag:s8], $0x0  }
0x24: {  	s3 =	sadd.s32 $0x88, s3;
	s6 =	simm.s32 @!p1 $0x1082;
	[sflag:s4] =	ssyncset.s32 $0xFFFFF086  }
0x25: {  	[simem:s6], [sflag:s4] =	dma.local [hbm:s3], $0xF7A  }
0x26: {  	[smem:$0x3F8F] =	sst s1;
	(tag) =	ssettag s2;
	_ =	strace s9  }
0x27: {  	s1 =	sld [smem:$0x3F9F]  }
0x28: {  	s2 =	sld [smem:$0x3FA0]  }
0x29: {  	s4 =	sld [smem:$0x3FA2]  }
0x2a: {  	p0 =	seq.s32 s5, $0x0;
	s5 =	sld [smem:$0x3FA3]  }
0x2b: {  	s6 =	sld [smem:$0x3FA4]  }
0x2c: {  	s7 =	sld [smem:$0x3FA5]  }
0x2d: {  	s3 =	simm.s32 $0x108;
	s8 =	sld [smem:$0x3FA6]  }
0x2e: {  	s3 =	simm.s32 @!p0 $0x1082;
	s9 =	sld [smem:$0x3FA7]  }
0x2f: {  	lr =	sadd.s32 s0, s3;
	s0 =	sld [smem:$0x3F9E]  }
0x30: {  	s3 =	sld [smem:$0x3FA1]  }
0x31: {  	[smem:$0x3FAA] =	sst s10  }
0x32: {  	s10 =	sld [smem:$0x3FA8];
	_ =	sdelay $0x3  }
0x33: {  	p0 =	seq.s32 s10, $0x1;
	s10 =	sld [smem:$0x3FAA];
	_ =	sdelay $0x3  }
0x34: {  	[smem:$0x3FAA] =	sst s10  }
0x35: {  	s10 =	sld [smem:$0x3FA9];
	_ =	sdelay $0x3  }
0x36: {  	p1 =	seq.s32 s10, $0x1;
	s10 =	sld [smem:$0x3FAA];
	_ =	sdelay $0x3  }
0x37: {  	[smem:$0x3FAA] =	sst s10  }
0x38: {  	s10 =	sld [smem:$0x3FAB]  }
0x39: {  	_ = 	snop;
	(pc) =	sbr.ind lr, $3  }
0x3a: {  	_ = 	snop  }
0x3b: {  	_ = 	snop  }
0x3c: {  	p2 =	seq.s32 s10, $0x1;
	s10 =	sld [smem:$0x3FAA]  }
0x3d: {  	_ =	shalt  }
0x3e: {  	_ =	shalt  }
0x3f: {  	_ =	shalt  }
0x40: {  	_ =	shalt  }
0x41: {  	_ =	shalt  }
0x42: {  	_ =	shalt  }
0x43: {  	_ =	shalt  }
0x44: {  	_ =	shalt  }
0x45: {  	_ =	shalt  }
0x46: {  	_ =	shalt  }
0x47: {  	_ =	shalt  }
0x48: {  	_ =	shalt  }
0x49: {  	_ =	shalt  }
0x4a: {  	_ =	shalt  }
0x4b: {  	_ =	shalt  }
0x4c: {  	_ =	shalt  }
0x4d: {  	_ =	shalt  }
0x4e: {  	_ =	shalt  }
0x4f: {  	_ =	shalt  }
0x50: {  	_ =	shalt  }
0x51: {  	_ =	shalt  }
0x52: {  	_ =	shalt  }
0x53: {  	_ =	shalt  }
0x54: {  	_ =	shalt  }
0x55: {  	_ =	shalt  }
0x56: {  	_ =	shalt  }
0x57: {  	_ =	shalt  }
0x58: {  	_ =	shalt  }
0x59: {  	_ =	shalt  }
0x5a: {  	_ =	shalt  }
0x5b: {  	_ =	shalt  }
0x5c: {  	_ =	shalt  }
0x5d: {  	_ =	shalt  }
0x5e: {  	_ =	shalt  }
0x5f: {  	_ =	shalt  }
0x60: {  	_ =	shalt  }
0x61: {  	_ =	shalt  }
0x62: {  	_ =	shalt  }
0x63: {  	_ =	shalt  }
0x64: {  	_ =	shalt  }
0x65: {  	_ =	shalt  }
0x66: {  	_ =	shalt  }
0x67: {  	_ =	shalt  }
0x68: {  	_ =	shalt  }
0x69: {  	_ =	shalt  }
0x6a: {  	_ =	shalt  }
0x6b: {  	_ =	shalt  }
0x6c: {  	_ =	shalt  }
0x6d: {  	_ =	shalt  }
0x6e: {  	_ =	shalt  }
0x6f: {  	_ =	shalt  }
0x70: {  	_ =	shalt  }
0x71: {  	_ =	shalt  }
0x72: {  	_ =	shalt  }
0x73: {  	_ =	shalt  }
0x74: {  	_ =	shalt  }
0x75: {  	_ =	shalt  }
0x76: {  	_ =	shalt  }
0x77: {  	_ =	shalt  }
0x78: {  	_ =	shalt  }
0x79: {  	_ =	shalt  }
0x7a: {  	_ =	shalt  }
0x7b: {  	_ =	shalt  }
0x7c: {  	_ =	shalt  }
0x7d: {  	_ =	shalt  }
0x7e: {  	_ =	shalt  }
0x7f: {  	_ =	shalt  }
0x80: {  	_ =	shalt  }
0x81: {  	_ =	shalt  }
0x82: {  	_ =	shalt  }
0x83: {  	_ =	shalt  }
0x84: {  	_ =	shalt  }
0x85: {  	_ =	shalt  }
0x86: {  	_ =	shalt  }
0x87: {  	_ =	shalt  }
.Lfunc_end0:
.L_simem_size_0:
called_computation_lowered:
.L_overlay_start_0:
0x88: {  	s2 =	sld [smem:$0x3FD9]  }
0x89: {  	s3 =	sld [smem:$0x3FFE];
	_ =	sdelay $0x1  }
0x8a: {  	s1 =	srdreg.scid  }
0x8b: {  	s0 =	sand.u32 $0x1, s1  }
0x8c: {  	s14 =	sshll.u32 s0, $0xA;
	s2 =	sadd.s32 s3, s2  }
0x8d: {  	s2 =	sadd.s32 s2, s14  }
0x8e: {  	[smem:$0x3FB6] =	sst s2  }
0x8f: {  	_ = 	snop  }
0x90: {  	s2 =	sld [smem:$0x3FD0];
	_ =	sdelay $0x2  }
0x91: {  	s15 =	simm.s32 $0xB;
	s4 =	simm.s32 $0x10  }
0x92: {  	[smem:s4], [sflag:s15] =	dma.local [hbm:s2], $0x1  }
0x93: {  	_ =	swait.eq [sflag:s15], $0x1  }
0x94: {  	[sflag:s15] =	ssyncset.done $0x0  }
0x95: {  	[sflag:s15] =	ssyncadd.s32 $0xFFFFFFFF  }
0x96: {  	s16 =	sld [smem:$0x11];
	(tm) =	ssettm $0x1  }
0x97: {  	s17 =	sld [smem:$0x3FFB];
	_ =	sdelay $0x3  }
0x98: {  	_ =	strace s17  }
0x99: {  	s3 =	sld [smem:$0x3FFC];
	_ =	sdelay $0x3  }
0x9a: {  	_ =	strace s3  }
0x9b: {  	s3 =	sld [smem:$0x3FFD];
	_ =	sdelay $0x3  }
0x9c: {  	_ =	strace s3  }
0x9d: {  	_ =	strace $0x8FFFFFFF  }
0x9e: {  	s18 =	sld [smem:$0x3FDB];
	_ =	sdelay $0x1  }
0x9f: {  	s19 =	simm.s32 $_scs_section_size  }
0xa0: {  	s5 =	simm.s32 $_size__tile_overlayer_lowered;
	s6 =	simm.s32 $_tile_overlayer_lowered  }
0xa1: {  	s22 =	simm.s32 $0x1BFF;
	s21 =	sshll.u32 s6, $0x1;
	s3 =	sadd.s32 s19, s18  }
0xa2: {  	s7 =	simm.s32 $0x0;
	s20 =	sshll.u32 s5, $0x1;
	s5 =	sadd.s32 s21, s3  }
0xa3: {  	[timem:s7], [sflag:s22] =	dma.local [hbm:s5], s20  }
0xa4: {  	_ =	swait.ge [sflag:s22], s20  }
0xa5: {  	s4 =	ssub.s32 $0x0, s20;
	[sflag:s22] =	ssyncset.done $0x0  }
0xa6: {  	[sflag:s22] =	ssyncadd.s32 s4;
	_ =	sdelay $0x1  }
0xa7: {  	s23 =	simm.s32 $0x1B8B  }
0xa8: {  	_ =	swait.ge [sflag:s23], $0x1  }
0xa9: {  	[sflag:s23] =	ssyncset.done $0x0  }
0xaa: {  	s25 =	simm.s32 $0x1B8E;
	s24 =	sld [smem:$0x3FFE];
	[sflag:s23] =	ssyncadd.s32 $0xFFFFFFFF  }
0xab: {  	s26 =	simm.s32 $execute0_lowered;
	[smem:$0x3FD2] =	sst s25  }
0xac: {  	s5 =	sshll.u32 s26, $0x1;
	_ =	strace $0x80000046;
	[dreg:$0x1] =	wrdreg $0xFFFFFFFF  }
0xad: {  	s28 =	simm.s32 $_size_execute0_lowered;
	s3 =	sadd.s32 s3, s5;
	[dreg:$0x0] =	wrdreg $0x0  }
0xae: {  	s5 =	sshll.u32 s28, $0x1;
	[dreg:$0x2] =	wrdreg s3  }
0xaf: {  	[dreg:$0x3] =	wrdreg s5  }
0xb0: {  	[dreg:$0x4] =	wrdreg $0xC0  }
0xb1: {  	_ =	task [dreg:s7], $0x5FFFF  }
0xb2: {  	[dreg:$0x1] =	wrdreg $0xFFFFFFFF  }
0xb3: {  	[dreg:$0x0] =	wrdreg $0x60  }
0xb4: {  	[dreg:$0x2] =	wrdreg s24  }
0xb5: {  	[dreg:$0x3] =	wrdreg s16  }
0xb6: {  	[dreg:$0x4] =	wrdreg $0x0  }
0xb7: {  	[dreg:$0x5] =	wrdreg $0x150000  }
0xb8: {  	[dreg:$0x6] =	wrdreg $0x9  }
0xb9: {  	_ =	task.clear_ibuf [dreg:s7], $0x7FFFF;
	_ =	strace $0x90000046  }
0xba: {  	s29 =	simm.s32 $0x9;
	_ =	strace $0x80000048  }
0xbb: {  	_ =	swait.ge [sflag:s29], $0x1  }
0xbc: {  	[sflag:s29] =	ssyncadd.s32 $0xFFFFFFFF  }
0xbd: {  	_ =	strace $0x90000048  }
0xbe: {  	_ =	sfence  }
0xbf: {  	s30 =	sld [smem:$0x0];
	_ =	sdelay $0x2  }
0xc0: {  	s31 =	sshll.u32 s1, $0xD;
	s1 =	sshrl.u32 s1, $0x2  }
0xc1: {  	s3 =	sand.u32 $0x4000, s31;
	s1 =	sadd.s32 s1, s30  }
0xc2: {  	s0 =	sor.u32 s3, s0;
	s1 =	sshll.u32 s1, $0x11  }
0xc3: {  	s0 =	sor.u32 s1, s0  }
0xc4: {  	s0 =	sadd.s32 $0x8F2B, s0  }
0xc5: {  	[sflag:s0] =	ssyncadd.remote.s32 $0x1  }
0xc6: {  	_ =	sfence.sel $0xFFFF  }
0xc7: {  	[dreg:$0x0] =	wrdreg $0xFFFFFFFF;
	(pc) =	sbr.abs _section_cstart, $3  }
0xc8: {  	[dreg:$0x1] =	wrdreg $0xFFFFFFFF  }
0xc9: {  	_ =	task.clear_ibuf [dreg:s7], $0x2FFFF;
	_ =	strace $0x9FFFFFFF  }
0xca: {  	(tm) =	ssettm $0x7FFFFFFF  }
0xcb: {  	_ =	shalt  }
tec
execute0_lowered:
.L_overlay_start_1:
0x0: {  	(tag) =	ssettag $0x1  }
0x1: {  	s0 =	rddreg [dreg:$0x0]  }
0x2: {  	s1 =	rddreg [dreg:$0x1]  }
0x3: {  	s2 =	rddreg [dreg:$0x2]  }
0x4: {  	s3 =	rddreg [dreg:$0x3]  }
0x5: {  	s17 =	stileid.u32;
	s5 =	srdreg.scid;
	s4 =	simm.s32 $0x0  }
0x6: {  	s31 =	simm.s32 $0x4;
	s28 =	simm.s32 $0x7;
	s9 =	smul.u32 $0x2A0, s17  }
0x7: {  	s29 =	simm.s32 $0x0;
	s5 =	sand.u32 $0x1, s5;
	s10 =	smul.u32 $0x2A00, s17  }
0x8: {  	[smem:$0x7FF] =	sst s4;
	s6 =	sadd.s32 $0x36A00, s0;
	s14 =	smul.u32 $0x54000, s17  }
0x9: {  	s8 =	sadd.s32 $0x5000, s0;
	s22 =	sadd.s32 $0xB4A00, s0;
	s16 =	smul.u32 $0x2760, s17  }
0xa: {  	s24 =	sshll.u32 s17, $0x6;
	s7 =	smul.u32 $0x2A00, s5;
	_ =	strace $0x80000047  }
0xb: {  	[dreg:$0x5] =	wrdreg s22;
	s23 =	ssub.s32 $0x2, s5;
	s26 =	sor.u32 $0x1C0A, s24  }
0xc: {  	p0 =	sne.s32 s5, $0x0;
	s12 =	sadd.s32 s10, s0;
	s13 =	sshrl.u32 s9, $0x3  }
0xd: {  	s15 =	sshrl.u32 s23, $0x1;
	s14 =	sshrl.u32 s14, $0x2;
	s10 =	smul.u32 $0x27600, s5  }
0xe: {  	s30 =	sadd.s32 $0x60, s16;
	s18 =	sadd.s32 $0xC0, s16;
	[dreg:$0x8] =	wrdreg s26  }
0xf: {  	s11 =	sadd.s32 s9, s7;
	s7 =	sadd.s32 $0x2CC00, s0;
	s14 =	sadd.s32 s14, s2  }
0x10: {  	s15 =	ssub.s32 s23, s15;
	s12 =	sadd.s32 $0x8AA00, s12;
	[dreg:$0x6] =	wrdreg s14  }
0x11: {  	s1 =	sadd.s32 s1, s13;
	s19 =	sshrl.u32 s30, $0x3;
	[dreg:$0x7] =	wrdreg s12  }
0x12: {  	s22 =	sshrl.u32 s18, $0x3;
	s11 =	sshll.u32 s11, $0x4;
	[dreg:$0x9] =	wrdreg s1  }
0x13: {  	s25 =	sadd.s32 s16, s10;
	s14 =	sadd.s32 s9, s3;
	s12 =	sshrl.u32 s16, $0x3  }
0x14: {  	s20 =	sadd.s32 s10, s18;
	s23 =	sadd.s32 s8, s22;
	s9 =	simm.s32 $0x60  }
0x15: {  	s18 =	simm.s32 $0x6;
	s22 =	simm.s32 $0x2;
	s11 =	sadd.s32 s11, s0  }
0x16: {  	s0 =	sadd.s32 s13, s0;
	s1 =	sshrl.u32 s25, $0x3;
	s13 =	sadd.s32 s10, s30  }
0x17: {  	s21 =	sshrl.u32 s20, $0x3;
	[dreg:$0x10] =	wrdreg s23;
	s25 =	smax.u32 s15, $0x1  }
0x18: {  	s30 =	sadd.s32 $0x120, s16;
	s15 =	simm.s32 $0xA;
	s16 =	simm.s32 $0x5  }
0x19: {  	s20 =	simm.s32 $0x1;
	s23 =	simm.s32 $0x1E620;
	[dreg:$0xa] =	wrdreg s14  }
0x1a: {  	s1 =	sadd.s32 s7, s1;
	s17 =	sshrl.u32 s13, $0x3;
	[dreg:$0x13] =	wrdreg s25  }
0x1b: {  	s24 =	sadd.s32 $0xB4C00, s11;
	s0 =	sadd.s32 $0x108C00, s0;
	[dreg:$0x14] =	wrdreg s30  }
0x1c: {  	s11 =	simm.s32 $0x153A0;
	s25 =	simm.s32 $0x1E6A0;
	[dreg:$0xb] =	wrdreg s1  }
0x1d: {  	s13 =	simm.s32 $0x8;
	s1 =	sadd.s32 s8, s12;
	[dreg:$0x11] =	wrdreg s24  }
.Ltmp0:
0x1e: {  	[dreg:$0x12] =	wrdreg s0;
	s0 =	simm.s32 $0x183A0;
	(pc) =	sbr.rel .LBB2_1-.Ltmp0, $4  }
0x1f: {  	s12 =	simm.s32 $0x1B4A0;
	[dreg:$0xc] =	wrdreg s1;
	s1 =	sadd.s32 s7, s17  }
0x20: {  	s24 =	simm.s32 $0x3;
	[dreg:$0xd] =	wrdreg s1;
	s1 =	sadd.s32 s8, s19  }
0x21: {  	s17 =	simm.s32 $0x184A0;
	[dreg:$0xe] =	wrdreg s1;
	s1 =	sadd.s32 s7, s21  }
0x22: {  	s19 =	simm.s32 $0x1B5A0;
	s21 =	simm.s32 $0x1E5A0;
	[dreg:$0xf] =	wrdreg s1  }
.LBB2_15:
0x23: {  	_ =	swait.ge [sflag:s28], $0x3000  }
0x24: {  	[sflag:s28] =	ssyncset.done $0x0  }
0x25: {  	[sflag:s28] =	ssyncadd.s32 $0xFFFFD000  }
0x26: {  	_ =	swait.ge [sflag:s28], $0x60  }
0x27: {  	[sflag:s28] =	ssyncset.done $0x0  }
0x28: {  	[sflag:s28] =	ssyncadd.s32 $0xFFFFFFA0  }
0x29: {  	_ =	swait.ge [sflag:s13], $0x3000  }
0x2a: {  	[sflag:s13] =	ssyncset.done $0x0  }
0x2b: {  	[sflag:s13] =	ssyncadd.s32 $0xFFFFD000  }
0x2c: {  	_ =	swait.ge [sflag:s13], $0x60  }
0x2d: {  	[sflag:s13] =	ssyncset.done $0x0  }
0x2e: {  	s1 =	simm.s32 $0x9;
	[sflag:s13] =	ssyncadd.s32 $0xFFFFFFA0  }
0x2f: {  	_ =	swait.ge [sflag:s1], $0x3000  }
0x30: {  	[sflag:s1] =	ssyncset.done $0x0  }
0x31: {  	[sflag:s1] =	ssyncadd.s32 $0xFFFFD000  }
0x32: {  	_ =	swait.ge [sflag:s1], $0x60  }
0x33: {  	[sflag:s1] =	ssyncset.done $0x0  }
0x34: {  	s29 =	rddreg [dreg:$0x15];
	[sflag:s1] =	ssyncadd.s32 $0xFFFFFFA0  }
.LBB2_16:
0x35: {  	[bflag:$0x0] =	sbarrier.arrive $0xFFFF  }
0x36: {  	s26 =	rddreg [dreg:$0x8]  }
0x37: {  	s1 =	rddreg [dreg:$0x11]  }
0x38: {  	s15 =	simm.s32 $0xA;
	s14 =	rddreg [dreg:$0x16]  }
0x39: {  	[hbm:s1], [sflag:s26] =	dma.local [spmem:s14], $0x2A00  }
0x3a: {  	_ =	swait.ge [sflag:s15], $0x2A00  }
0x3b: {  	s1 =	simm.s32 @!p0 $0x1E7A0;
	[sflag:s15] =	ssyncset.done $0x0  }
0x3c: {  	s14 =	simm.s32 @!p0 $0xA;
	s30 =	rddreg [dreg:$0xa];
	[sflag:s15] =	ssyncadd.s32 $0xFFFFD600  }
0x3d: {  	[tilespmem:s1], [sflag:$0xA] =	stream.linear.gather @!p0 [spmem:s30], $0x2A0, $0x38;
	[tilespmem:$0x1EAA0] =	vst v63  }
0x3e: {  	_ =	swait.ge @!p0 [sflag:s14], $0x2A0  }
0x3f: {  	s21 =	simm.s32 @!p0 $0x1E7A0;
	[sflag:s14] =	ssyncset.done @!p0 $0x0  }
0x40: {  	s15 =	simm.s32 @!p0 $0x0;
	s1 =	rddreg [dreg:$0x12];
	[sflag:s14] =	ssyncadd.s32 @!p0 $0xFFFFFD60  }
0x41: {  	[hbm4b:s1+s15] =	stream.linear.scatter @!p0 [tilespmem:s21], [sflag:$0xA], $0x2A0, $0x38;
	[tilespmem:$0x1EAA0] =	vst v63  }
0x42: {  	_ =	swait.ge @!p0 [sflag:s14], $0x2A0  }
0x43: {  	s29 =	sadd.s32 $0x1, s29;
	s21 =	rddreg [dreg:$0x13]  }
0x44: {  	p1 =	sne.s32 s29, s21  }
.Ltmp1:
0x45: {  	_ = 	snop;
	(pc) =	sbr.rel @!p1 .LBB2_17-.Ltmp1, $3  }
0x46: {  	_ =	sdelay $0x1  }
0x47: {  	s15 =	simm.s32 $0xA;
	[sflag:s14] =	ssyncset.done @!p0 $0x0  }
0x48: {  	[sflag:s14] =	ssyncadd.s32 @!p0 $0xFFFFFD60;
	s14 =	smov.u32 s30;
	s21 =	simm.s32 $0x1E5A0  }
.LBB2_1:
0x49: {  	[dreg:$0x15] =	wrdreg s29  }
0x4a: {  	s1 =	rddreg [dreg:$0x6]  }
0x4b: {  	s30 =	rddreg [dreg:$0x7];
	s29 =	sshrl.u32 s1, $0x3  }
0x4c: {  	[dreg:$0x16] =	wrdreg s29  }
0x4d: {  	[spmem:s29], [sflag:s26] =	dma.local [hbm:s30], $0x2A00  }
0x4e: {  	_ =	swait.ge [sflag:s15], $0x2A00  }
0x4f: {  	[sflag:s15] =	ssyncset.done $0x0  }
0x50: {  	s30 =	simm.s32 $0x1E7A0;
	s26 =	rddreg [dreg:$0x9];
	[sflag:s15] =	ssyncadd.s32 $0xFFFFD600  }
0x51: {  	[tilespmem:s30], [sflag:$0xA] =	stream.linear.gather [hbm4b:s26+s4], $0x2A0, $0x38;
	[tilespmem:$0x1EAA0] =	vst v63  }
0x52: {  	_ =	swait.ge [sflag:s15], $0x2A0  }
0x53: {  	[sflag:s15] =	ssyncset.done $0x0  }
0x54: {  	[sflag:s15] =	ssyncadd.s32 $0xFFFFFD60  }
0x55: {  	[spmem:s14] =	stream.linear.scatter [tilespmem:s30], [sflag:$0xA], $0x2A0, $0x38;
	[tilespmem:$0x1EAA0] =	vst v63  }
0x56: {  	_ =	swait.ge [sflag:s15], $0x2A0  }
0x57: {  	[sflag:s15] =	ssyncset.done $0x0  }
0x58: {  	s29 =	simm.s32 $0x1E720;
	s14 =	rddreg [dreg:$0x5];
	[sflag:s15] =	ssyncadd.s32 $0xFFFFFD60  }
0x59: {  	[tilespmem:s29], [sflag:$0xA] =	stream.linear.gather [hbm4b:s14+s4], $0x80, $0x38;
	[tilespmem:$0x1EAA0] =	vst v63  }
0x5a: {  	_ =	swait.ge [sflag:s15], $0x80  }
0x5b: {  	[sflag:s15] =	ssyncset.done $0x0  }
0x5c: {  	[sflag:s15] =	ssyncadd.s32 $0xFFFFFF80  }
0x5d: {  	[bflag:$0x0] =	sbarrier.arrive $0xFFFF  }
0x5e: {  	s14 =	simm.s32 $0x152A0;
	s15 =	rddreg [dreg:$0xb]  }
0x5f: {  	[tilespmem:s14], [sflag:$0x4] =	stream.linear.gather [hbm4b:s15+s4], $0x60, $0x38;
	[tilespmem:$0x1EAA0] =	vst v63  }
0x60: {  	s30 =	simm.s32 $0x15320;
	s26 =	rddreg [dreg:$0xc]  }
0x61: {  	[tilespmem:s30], [sflag:$0x4] =	stream.linear.gather [hbm4b:s26+s4], $0x60, $0x38;
	[tilespmem:$0x1EAA0] =	vst v63  }
0x62: {  	s15 =	rddreg [dreg:$0xd]  }
0x63: {  	[tilespmem:s0], [sflag:$0x5] =	stream.linear.gather [hbm4b:s15+s4], $0x60, $0x38;
	[tilespmem:$0x1EAA0] =	vst v63  }
0x64: {  	s26 =	rddreg [dreg:$0xe];
	s30 =	simm.s32 $0x18420  }
0x65: {  	[tilespmem:s30], [sflag:$0x5] =	stream.linear.gather [hbm4b:s26+s4], $0x60, $0x38;
	[tilespmem:$0x1EAA0] =	vst v63  }
0x66: {  	_ =	swait.ge [sflag:s31], $0x60  }
0x67: {  	[sflag:s31] =	ssyncset.done $0x0  }
0x68: {  	[sflag:s31] =	ssyncadd.s32 $0xFFFFFFA0  }
0x69: {  	_ =	swait.ge [sflag:s31], $0x60  }
0x6a: {  	[sflag:s31] =	ssyncset.done $0x0  }
0x6b: {  	[sflag:s31] =	ssyncadd.s32 $0xFFFFFFA0  }
0x6c: {  	[tilespmem:s11], [sflag:$0x1] =	stream.indirect.gather [hbm4b:s6+s9], $0x80, s14, s9, $0xb8;
	[tilespmem:$0x1EAA0] =	vst v63  }
0x6d: {  	s15 =	rddreg [dreg:$0xf]  }
0x6e: {  	[tilespmem:s12], [sflag:$0x6] =	stream.linear.gather [hbm4b:s15+s4], $0x60, $0x38;
	[tilespmem:$0x1EAA0] =	vst v63  }
0x6f: {  	s30 =	simm.s32 $0x1B520;
	s26 =	rddreg [dreg:$0x10]  }
0x70: {  	[tilespmem:s30], [sflag:$0x6] =	stream.linear.gather [hbm4b:s26+s4], $0x60, $0x38;
	[tilespmem:$0x1EAA0] =	vst v63  }
0x71: {  	_ =	swait.ge [sflag:s16], $0x60  }
0x72: {  	[sflag:s16] =	ssyncset.done $0x0  }
.Ltmp2:
0x73: {  	[sflag:s16] =	ssyncadd.s32 $0xFFFFFFA0;
	(pc) =	sbr.rel .LBB2_2-.Ltmp2, $4  }
0x74: {  	_ =	swait.ge [sflag:s16], $0x60  }
0x75: {  	[sflag:s16] =	ssyncset.done $0x0  }
0x76: {  	s26 =	simm.s32 $0x0;
	s15 =	rddreg [dreg:$0x14];
	[sflag:s16] =	ssyncadd.s32 $0xFFFFFFA0  }
0x77: {  	[tilespmem:s17], [sflag:$0x2] =	stream.indirect.gather [hbm4b:s6+s9], $0x80, s0, s9, $0xb8;
	[tilespmem:$0x1EAA0] =	vst v63  }
.LBB2_13:
0x78: {  	_ =	swait.ge [sflag:s16], $0x60  }
0x79: {  	[sflag:s16] =	ssyncset.done $0x0  }
0x7a: {  	[sflag:s16] =	ssyncadd.s32 $0xFFFFFFA0  }
0x7b: {  	s1 =	sadd.s32 $0xC0, s15;
	_ =	swait.ge [sflag:s16], $0x60  }
0x7c: {  	s14 =	sadd.s32 s10, s1;
	[sflag:s16] =	ssyncset.done $0x0  }
0x7d: {  	s14 =	sshrl.u32 s14, $0x3;
	[sflag:s16] =	ssyncadd.s32 $0xFFFFFFA0  }
0x7e: {  	[tilespmem:s17], [sflag:$0x2] =	stream.indirect.gather [hbm4b:s6+s9], $0x80, s0, s9, $0xb8;
	[tilespmem:$0x1EAA0] =	vst v63  }
0x7f: {  	s30 =	simm.s32 $0x1B520;
	s1 =	sshrl.u32 s1, $0x3;
	s14 =	sadd.s32 s7, s14  }
0x80: {  	[tilespmem:s12], [sflag:$0x6] =	stream.linear.gather [hbm4b:s14+s4], $0x60, $0x38;
	[tilespmem:$0x1EAA0] =	vst v63  }
0x81: {  	s15 =	sadd.s32 $0x120, s15;
	s26 =	sadd.s32 $0xFFFFFFFF, s26;
	s1 =	sadd.s32 s8, s1  }
0x82: {  	[tilespmem:s30], [sflag:$0x6] =	stream.linear.gather [hbm4b:s1+s4], $0x60, $0x38;
	[tilespmem:$0x1EAA0] =	vst v63  }
.LBB2_2:
0x83: {  	p1 =	seq.s32 s26, $0x0  }
0x84: {  	s1 =	simm.s32 @!p1 $0x9  }
0x85: {  	p2 =	sne.s32 @!p1 s5, $0x0;
	_ =	swait.ge @!p1 [sflag:s1], $0x3000  }
0x86: {  	p2 =	por p2, p1;
	[sflag:s1] =	ssyncset.done @!p1 $0x0  }
0x87: {  	[sflag:s1] =	ssyncadd.s32 @!p1 $0xFFFFD000;
	s1 =	simm.s32 @!p2 $0x9  }
0x88: {  	_ =	swait.ge @!p2 [sflag:s1], $0x60  }
0x89: {  	[sflag:s1] =	ssyncset.done @!p2 $0x0  }
0x8a: {  	[sflag:s1] =	ssyncadd.s32 @!p2 $0xFFFFFFA0  }
0x8b: {  	_ =	swait.ge [sflag:s18], $0x60  }
0x8c: {  	[sflag:s18] =	ssyncset.done $0x0  }
0x8d: {  	[sflag:s18] =	ssyncadd.s32 $0xFFFFFFA0  }
0x8e: {  	_ =	swait.ge [sflag:s18], $0x60  }
0x8f: {  	[sflag:s18] =	ssyncset.done $0x0  }
0x90: {  	[sflag:s18] =	ssyncadd.s32 $0xFFFFFFA0  }
0x91: {  	[tilespmem:s19], [sflag:$0x3] =	stream.indirect.gather [hbm4b:s6+s9], $0x80, s12, s9, $0xb8;
	[tilespmem:$0x1EAA0] =	vst v63  }
0x92: {  	_ =	swait.ge [sflag:s20], $0x3000  }
0x93: {  	[sflag:s20] =	ssyncset.done $0x0  }
0x94: {  	[sflag:s20] =	ssyncadd.s32 $0xFFFFD000  }
0x95: {  	v0 =	vld [tilespmem:$0x15320]  }
0x96: {  	v1 =	vld [tilespmem:$0x15330]  }
0x97: {  	v2 =	vld [tilespmem:$0x15340]  }
0x98: {  	v3 =	vld [tilespmem:$0x15350]  }
0x99: {  	v4 =	vld [tilespmem:$0x15360]  }
0x9a: {  	v57 =	vld [tilespmem:$0x15370];
	[tilespmem:$0x1E5A0] =	vst v0  }
0x9b: {  	[tilespmem:$0x1E5B0] =	vst v1  }
0x9c: {  	[tilespmem:$0x1E5C0] =	vst v2  }
0x9d: {  	[tilespmem:$0x1E5D0] =	vst v3  }
0x9e: {  	[tilespmem:$0x1E5E0] =	vst v4  }
0x9f: {  	s30 =	simm.s32 @!p0 $0x1E5A0;
	[tilespmem:$0x1E5F0] =	vst v57  }
0xa0: {  	[spmem:s2] =	stream.indirect.scatter.add.f32 [tilespmem:s11], [sflag:$0x7], $0x80, s21, s9, $0xb8;
	[tilespmem:$0x1EAA0] =	vst v63  }
0xa1: {  	s14 =	simm.s32 @!p0 $0x1E720;
	p1 =	seq.s32 s26, $0xFFFFFFDE;
	s1 =	simm.s32 @!p0 $0x60  }
0xa2: {  	[spmem:s3] =	stream.indirect.scatter.add.f32 @!p0 [tilespmem:s14], [sflag:$0x7], $0x1, s30, s1, $0xb8;
	[tilespmem:$0x1EAA0] =	vst v63  }
0xa3: {  	s1 =	sadd.s32 @!p1 s15, s10  }
0xa4: {  	s1 =	sshrl.u32 @!p1 s1, $0x3  }
0xa5: {  	s14 =	simm.s32 @!p1 $0x0;
	s30 =	simm.s32 @!p1 $0x152A0;
	s1 =	sadd.s32 @!p1 s7, s1  }
0xa6: {  	[tilespmem:s30], [sflag:$0x4] =	stream.linear.gather @!p1 [hbm4b:s1+s14], $0x60, $0x38;
	[tilespmem:$0x1EAA0] =	vst v63  }
0xa7: {  	s1 =	sshrl.u32 @!p1 s15, $0x3  }
0xa8: {  	s30 =	simm.s32 @!p1 $0x15320;
	s1 =	sadd.s32 @!p1 s8, s1  }
0xa9: {  	[tilespmem:s30], [sflag:$0x4] =	stream.linear.gather @!p1 [hbm4b:s1+s14], $0x60, $0x38;
	[tilespmem:$0x1EAA0] =	vst v63  }
0xaa: {  	_ =	swait.ge [sflag:s22], $0x3000  }
0xab: {  	[sflag:s22] =	ssyncset.done $0x0  }
0xac: {  	[sflag:s22] =	ssyncadd.s32 $0xFFFFD000  }
0xad: {  	v58 =	vld [tilespmem:$0x18420]  }
0xae: {  	v59 =	vld [tilespmem:$0x18430]  }
0xaf: {  	v60 =	vld [tilespmem:$0x18440]  }
0xb0: {  	v61 =	vld [tilespmem:$0x18450]  }
0xb1: {  	v62 =	vld [tilespmem:$0x18460]  }
0xb2: {  	v63 =	vld [tilespmem:$0x18470];
	[tilespmem:$0x1E620] =	vst v58  }
0xb3: {  	[tilespmem:$0x1E630] =	vst v59  }
.Ltmp3:
0xb4: {  	[tilespmem:$0x1E640] =	vst v60;
	(pc) =	sbr.rel @p0 .LBB2_5-.Ltmp3, $4  }
0xb5: {  	[tilespmem:$0x1E650] =	vst v61  }
0xb6: {  	[tilespmem:$0x1E660] =	vst v62  }
0xb7: {  	[tilespmem:$0x1E670] =	vst v63  }
0xb8: {  	[spmem:s2] =	stream.indirect.scatter.add.f32 [tilespmem:s17], [sflag:$0x8], $0x80, s23, s9, $0xb8;
	[tilespmem:$0x1EAA0] =	vst v63  }
.Ltmp4:
0xb9: {  	(pc) =	sbr.rel @p1 .LBB2_8-.Ltmp4, $2  }
0xba: {  	_ =	sdelay $0x2  }
0xbb: {  	[spmem:s3] =	stream.indirect.scatter.add.f32 [tilespmem:s29], [sflag:$0x8], $0x1, s23, s9, $0xb8;
	[tilespmem:$0x1EAA0] =	vst v63  }
0xbc: {  	_ =	swait.ge [sflag:s28], $0x3000  }
.Ltmp5:
0xbd: {  	[sflag:s28] =	ssyncset.done $0x0;
	(pc) =	sbr.rel .LBB2_7-.Ltmp5, $4  }
0xbe: {  	[sflag:s28] =	ssyncadd.s32 $0xFFFFD000  }
0xbf: {  	_ =	swait.ge [sflag:s28], $0x60  }
0xc0: {  	[sflag:s28] =	ssyncset.done $0x0  }
0xc1: {  	[sflag:s28] =	ssyncadd.s32 $0xFFFFFFA0  }
.LBB2_5:
.Ltmp6:
0xc2: {  	(pc) =	sbr.rel @p1 .LBB2_8-.Ltmp6, $1  }
0xc3: {  	_ =	sdelay $0x3  }
0xc4: {  	_ =	swait.ge [sflag:s28], $0x3000  }
0xc5: {  	[sflag:s28] =	ssyncset.done $0x0  }
0xc6: {  	[sflag:s28] =	ssyncadd.s32 $0xFFFFD000  }
.LBB2_7:
0xc7: {  	_ =	swait.ge [sflag:s31], $0x60  }
0xc8: {  	[sflag:s31] =	ssyncset.done $0x0  }
0xc9: {  	[sflag:s31] =	ssyncadd.s32 $0xFFFFFFA0  }
0xca: {  	s30 =	sadd.s32 $0x60, s15;
	_ =	swait.ge [sflag:s31], $0x60  }
0xcb: {  	s14 =	sadd.s32 s10, s30;
	[sflag:s31] =	ssyncset.done $0x0  }
0xcc: {  	s1 =	simm.s32 $0x152A0;
	s14 =	sshrl.u32 s14, $0x3;
	[sflag:s31] =	ssyncadd.s32 $0xFFFFFFA0  }
0xcd: {  	[tilespmem:s11], [sflag:$0x1] =	stream.indirect.gather [hbm4b:s6+s9], $0x80, s1, s9, $0xb8;
	[tilespmem:$0x1EAA0] =	vst v63  }
0xce: {  	s14 =	sadd.s32 s7, s14;
	s1 =	sshrl.u32 s30, $0x3  }
0xcf: {  	[tilespmem:s0], [sflag:$0x5] =	stream.linear.gather [hbm4b:s14+s4], $0x60, $0x38;
	[tilespmem:$0x1EAA0] =	vst v63  }
0xd0: {  	s30 =	simm.s32 $0x18420;
	s1 =	sadd.s32 s8, s1  }
0xd1: {  	[tilespmem:s30], [sflag:$0x5] =	stream.linear.gather [hbm4b:s1+s4], $0x60, $0x38;
	[tilespmem:$0x1EAA0] =	vst v63  }
.LBB2_8:
0xd2: {  	_ =	swait.ge [sflag:s24], $0x3000  }
0xd3: {  	[sflag:s24] =	ssyncset.done $0x0  }
0xd4: {  	[sflag:s24] =	ssyncadd.s32 $0xFFFFD000  }
0xd5: {  	v0 =	vld [tilespmem:$0x1B520]  }
0xd6: {  	v1 =	vld [tilespmem:$0x1B530]  }
0xd7: {  	v2 =	vld [tilespmem:$0x1B540]  }
0xd8: {  	v3 =	vld [tilespmem:$0x1B550]  }
0xd9: {  	v4 =	vld [tilespmem:$0x1B560]  }
0xda: {  	v63 =	vld [tilespmem:$0x1B570];
	[tilespmem:$0x1E6A0] =	vst v0  }
0xdb: {  	[tilespmem:$0x1E6B0] =	vst v1  }
.Ltmp7:
0xdc: {  	[tilespmem:$0x1E6C0] =	vst v2;
	(pc) =	sbr.rel @p0 .LBB2_11-.Ltmp7, $4  }
0xdd: {  	[tilespmem:$0x1E6D0] =	vst v3  }
0xde: {  	[tilespmem:$0x1E6E0] =	vst v4  }
0xdf: {  	[tilespmem:$0x1E6F0] =	vst v63  }
0xe0: {  	[spmem:s2] =	stream.indirect.scatter.add.f32 [tilespmem:s19], [sflag:$0x9], $0x80, s25, s9, $0xb8;
	[tilespmem:$0x1EAA0] =	vst v63  }
.Ltmp8:
0xe1: {  	(pc) =	sbr.rel @p1 .LBB2_15-.Ltmp8, $2  }
0xe2: {  	_ =	sdelay $0x2  }
0xe3: {  	[spmem:s3] =	stream.indirect.scatter.add.f32 [tilespmem:s29], [sflag:$0x9], $0x1, s25, s9, $0xb8;
	[tilespmem:$0x1EAA0] =	vst v63  }
0xe4: {  	_ =	swait.ge [sflag:s13], $0x3000  }
.Ltmp9:
0xe5: {  	[sflag:s13] =	ssyncset.done $0x0;
	(pc) =	sbr.rel .LBB2_13-.Ltmp9, $4  }
0xe6: {  	[sflag:s13] =	ssyncadd.s32 $0xFFFFD000  }
0xe7: {  	_ =	swait.ge [sflag:s13], $0x60  }
0xe8: {  	[sflag:s13] =	ssyncset.done $0x0  }
0xe9: {  	[sflag:s13] =	ssyncadd.s32 $0xFFFFFFA0  }
.LBB2_11:
.Ltmp10:
0xea: {  	(pc) =	sbr.rel @p1 .LBB2_14-.Ltmp10, $1  }
0xeb: {  	_ =	sdelay $0x3  }
.Ltmp11:
0xec: {  	(pc) =	sbr.rel .LBB2_13-.Ltmp11, $4  }
0xed: {  	_ = 	snop  }
0xee: {  	_ =	swait.ge [sflag:s13], $0x3000  }
0xef: {  	[sflag:s13] =	ssyncset.done $0x0  }
0xf0: {  	[sflag:s13] =	ssyncadd.s32 $0xFFFFD000  }
.LBB2_14:
0xf1: {  	_ =	swait.ge [sflag:s28], $0x3000  }
0xf2: {  	[sflag:s28] =	ssyncset.done $0x0  }
0xf3: {  	[sflag:s28] =	ssyncadd.s32 $0xFFFFD000  }
0xf4: {  	_ =	swait.ge [sflag:s13], $0x3000  }
.Ltmp12:
0xf5: {  	[sflag:s13] =	ssyncset.done $0x0;
	(pc) =	sbr.rel .LBB2_16-.Ltmp12, $4  }
0xf6: {  	s1 =	simm.s32 $0x9;
	[sflag:s13] =	ssyncadd.s32 $0xFFFFD000  }
0xf7: {  	_ =	swait.ge [sflag:s1], $0x3000  }
0xf8: {  	[sflag:s1] =	ssyncset.done $0x0  }
0xf9: {  	s29 =	rddreg [dreg:$0x15];
	[sflag:s1] =	ssyncadd.s32 $0xFFFFD000  }
.LBB2_17:
0xfa: {  	_ =	sfence.sel $0x180000  }
0xfb: {  	[bflag:$0x0] =	sbarrier.arrive $0xFFFF  }
0xfc: {  	_ =	strace $0x90000047  }
0xfd: {  	s0 =	stileid.u32;
	[bflag:$0x2] =	sbarrier.arrive $0xFFFF  }
0xfe: {  	p0 =	sne.s32 s0, $0x0;
	s0 =	rddreg [dreg:$0x4]  }
0xff: {  	s0 =	sadd.s32 @!p0 $0x100000, s0  }
0x100: {  	[sflag:s0] =	ssyncadd.tile.s32 @!p0 $0x1;
	_ =	shalt  }
.Lfunc_end2:
_tile_overlayer_lowered:
.L_overlay_start_2:
0x101: {  	(tag) =	ssettag $0x2  }
0x102: {  	s0 =	rddreg [dreg:$0x0];
	s2 =	stileid.u32  }
0x103: {  	s1 =	rddreg [dreg:$0x1];
	p0 =	sne.s32 s2, $0x0  }
0x104: {  	s3 =	rddreg [dreg:$0x2];
	[bflag:$0x3] =	sbarrier.arrive $0xFFFF;
	s2 =	simm.s32 @!p0 $0x1C0A  }
0x105: {  	[timem:s3], [sflag:s2] =	dma.local @!p0 [hbm:s0], s1  }
0x106: {  	s0 =	simm.s32 @!p0 $0xA  }
0x107: {  	_ =	swait.ge @!p0 [sflag:s0], s1  }
0x108: {  	s1 =	ssub.s32 @!p0 $0x0, s1;
	[sflag:s0] =	ssyncset.done @!p0 $0x0  }
0x109: {  	[sflag:s0] =	ssyncadd.s32 @!p0 s1  }
0x10a: {  	[bflag:$0x3] =	sbarrier.arrive $0xFFFF  }
0x10b: {  	_ =	shalt  }

// kernel: kernel.15.cloned.1.call-start
scs
__scs_entry_jumppad:
0x0: {  	(pc) =	sbr.rel $0x88, $3  }
0x1: {  	(tag) =	ssettag $0x0;
	lr =	simm.s32 $0x1  }
0x2: {  	[smem:$0x3F8F] =	sst lr;
	_ =	strace $0xD0000000  }
0x3: {  	_ = 	snop  }
0x4: {  	_ = 	snop  }
0x5: {  	_ = 	snop  }
0x6: {  	_ = 	snop  }
0x7: {  	_ = 	snop  }
__scs_overlays_trampoline_lowered:
0x8: {  	[smem:$0x3F9E] =	sst s0  }
0x9: {  	[smem:$0x3F9F] =	sst s1  }
0xa: {  	[smem:$0x3FA0] =	sst s2  }
0xb: {  	[smem:$0x3FA1] =	sst s3  }
0xc: {  	[smem:$0x3FA2] =	sst s4  }
0xd: {  	[smem:$0x3FA3] =	sst s5  }
0xe: {  	[smem:$0x3FA4] =	sst s6  }
0xf: {  	[smem:$0x3FA5] =	sst s7  }
0x10: {  	[smem:$0x3FA6] =	sst s8  }
0x11: {  	[smem:$0x3FA7] =	sst s9;
	s0 =	simm.s32 @!p0 $0x0  }
0x12: {  	s1 =	sld [smem:$0x3F8D];
	s0 =	simm.s32 @p0 $0x1  }
0x13: {  	[smem:$0x3FA8] =	sst s0;
	s0 =	simm.s32 @!p1 $0x0  }
0x14: {  	s2 =	sld [smem:$0x3F8C];
	s0 =	simm.s32 @p1 $0x1  }
0x15: {  	[smem:$0x3FA9] =	sst s0;
	s0 =	simm.s32 @!p2 $0x0  }
0x16: {  	s3 =	sld [smem:$0x3FDB];
	s0 =	simm.s32 @p2 $0x1  }
0x17: {  	s4 =	simm.s32 $0x1BF5;
	[smem:$0x3FAB] =	sst s0  }
0x18: {  	s0 =	sld [smem:$0x3F8E];
	_ =	swait.ge [sflag:s4], $0x0  }
0x19: {  	s7 =	sld [smem:$0x3F8F]  }
0x1a: {  	s8 =	sadd.s32 $0xFFFFE003, lr  }
0x1b: {  	s9 =	sadd.s32 $0xFFFFFEF7, lr;
	s5 =	simm.s32 $0xFFFFFFFF;
	p2 =	slt.u32 s8, $0xFFFFF086  }
0x1c: {  	p1 =	slt.u32 s9, $0xF7A;
	s5 =	simm.s32 @!p2 $0x0  }
0x1d: {  	s5 =	simm.s32 @p1 $0x1;
	p0 =	seq.s32 s7, s2  }
0x1e: {  	s7 =	smul.u32 @!p0 $0xF7A, s2;
	p2 =	seq.s32 @!p0 s5, $0x0  }
0x1f: {  	s9 =	smul.u32 $0xF7A, s1;
	s8 =	simm.s32 @!p0 $0x1BF5;
	p2 =	por !p2, p0  }
0x20: {  	[sflag:s8] =	ssyncset.s32 @!p0 $0xFFFFF086;
	s6 =	sadd.s32 @!p0 s3, s7;
	s7 =	simm.s32 @!p0 $0x108  }
0x21: {  	s3 =	sadd.s32 s3, s9;
	s6 =	sadd.s32 @!p0 $0x88, s6;
	s7 =	simm.s32 @p2 $0x1082  }
0x22: {  	[simem:s7], [sflag:s8] =	dma.local @!p0 [hbm:s6], $0xF7A  }
0x23: {  	s9 =	sor.u32 $0xD0000000, s2;
	s6 =	simm.s32 $0x108;
	_ =	swait.ge @!p0 [sflag:s8], $0x0  }
0x24: {  	s3 =	sadd.s32 $0x88, s3;
	s6 =	simm.s32 @!p1 $0x1082;
	[sflag:s4] =	ssyncset.s32 $0xFFFFF086  }
0x25: {  	[simem:s6], [sflag:s4] =	dma.local [hbm:s3], $0xF7A  }
0x26: {  	[smem:$0x3F8F] =	sst s1;
	(tag) =	ssettag s2;
	_ =	strace s9  }
0x27: {  	s1 =	sld [smem:$0x3F9F]  }
0x28: {  	s2 =	sld [smem:$0x3FA0]  }
0x29: {  	s4 =	sld [smem:$0x3FA2]  }
0x2a: {  	p0 =	seq.s32 s5, $0x0;
	s5 =	sld [smem:$0x3FA3]  }
0x2b: {  	s6 =	sld [smem:$0x3FA4]  }
0x2c: {  	s7 =	sld [smem:$0x3FA5]  }
0x2d: {  	s3 =	simm.s32 $0x108;
	s8 =	sld [smem:$0x3FA6]  }
0x2e: {  	s3 =	simm.s32 @!p0 $0x1082;
	s9 =	sld [smem:$0x3FA7]  }
0x2f: {  	lr =	sadd.s32 s0, s3;
	s0 =	sld [smem:$0x3F9E]  }
0x30: {  	s3 =	sld [smem:$0x3FA1]  }
0x31: {  	[smem:$0x3FAA] =	sst s10  }
0x32: {  	s10 =	sld [smem:$0x3FA8];
	_ =	sdelay $0x3  }
0x33: {  	p0 =	seq.s32 s10, $0x1;
	s10 =	sld [smem:$0x3FAA];
	_ =	sdelay $0x3  }
0x34: {  	[smem:$0x3FAA] =	sst s10  }
0x35: {  	s10 =	sld [smem:$0x3FA9];
	_ =	sdelay $0x3  }
0x36: {  	p1 =	seq.s32 s10, $0x1;
	s10 =	sld [smem:$0x3FAA];
	_ =	sdelay $0x3  }
0x37: {  	[smem:$0x3FAA] =	sst s10  }
0x38: {  	s10 =	sld [smem:$0x3FAB]  }
0x39: {  	_ = 	snop;
	(pc) =	sbr.ind lr, $3  }
0x3a: {  	_ = 	snop  }
0x3b: {  	_ = 	snop  }
0x3c: {  	p2 =	seq.s32 s10, $0x1;
	s10 =	sld [smem:$0x3FAA]  }
0x3d: {  	_ =	shalt  }
0x3e: {  	_ =	shalt  }
0x3f: {  	_ =	shalt  }
0x40: {  	_ =	shalt  }
0x41: {  	_ =	shalt  }
0x42: {  	_ =	shalt  }
0x43: {  	_ =	shalt  }
0x44: {  	_ =	shalt  }
0x45: {  	_ =	shalt  }
0x46: {  	_ =	shalt  }
0x47: {  	_ =	shalt  }
0x48: {  	_ =	shalt  }
0x49: {  	_ =	shalt  }
0x4a: {  	_ =	shalt  }
0x4b: {  	_ =	shalt  }
0x4c: {  	_ =	shalt  }
0x4d: {  	_ =	shalt  }
0x4e: {  	_ =	shalt  }
0x4f: {  	_ =	shalt  }
0x50: {  	_ =	shalt  }
0x51: {  	_ =	shalt  }
0x52: {  	_ =	shalt  }
0x53: {  	_ =	shalt  }
0x54: {  	_ =	shalt  }
0x55: {  	_ =	shalt  }
0x56: {  	_ =	shalt  }
0x57: {  	_ =	shalt  }
0x58: {  	_ =	shalt  }
0x59: {  	_ =	shalt  }
0x5a: {  	_ =	shalt  }
0x5b: {  	_ =	shalt  }
0x5c: {  	_ =	shalt  }
0x5d: {  	_ =	shalt  }
0x5e: {  	_ =	shalt  }
0x5f: {  	_ =	shalt  }
0x60: {  	_ =	shalt  }
0x61: {  	_ =	shalt  }
0x62: {  	_ =	shalt  }
0x63: {  	_ =	shalt  }
0x64: {  	_ =	shalt  }
0x65: {  	_ =	shalt  }
0x66: {  	_ =	shalt  }
0x67: {  	_ =	shalt  }
0x68: {  	_ =	shalt  }
0x69: {  	_ =	shalt  }
0x6a: {  	_ =	shalt  }
0x6b: {  	_ =	shalt  }
0x6c: {  	_ =	shalt  }
0x6d: {  	_ =	shalt  }
0x6e: {  	_ =	shalt  }
0x6f: {  	_ =	shalt  }
0x70: {  	_ =	shalt  }
0x71: {  	_ =	shalt  }
0x72: {  	_ =	shalt  }
0x73: {  	_ =	shalt  }
0x74: {  	_ =	shalt  }
0x75: {  	_ =	shalt  }
0x76: {  	_ =	shalt  }
0x77: {  	_ =	shalt  }
0x78: {  	_ =	shalt  }
0x79: {  	_ =	shalt  }
0x7a: {  	_ =	shalt  }
0x7b: {  	_ =	shalt  }
0x7c: {  	_ =	shalt  }
0x7d: {  	_ =	shalt  }
0x7e: {  	_ =	shalt  }
0x7f: {  	_ =	shalt  }
0x80: {  	_ =	shalt  }
0x81: {  	_ =	shalt  }
0x82: {  	_ =	shalt  }
0x83: {  	_ =	shalt  }
0x84: {  	_ =	shalt  }
0x85: {  	_ =	shalt  }
0x86: {  	_ =	shalt  }
0x87: {  	_ =	shalt  }
.Lfunc_end0:
.L_simem_size_0:
called_computation.1_lowered:
.L_overlay_start_0:
0x88: {  	s2 =	sld [smem:$0x3FD9]  }
0x89: {  	s3 =	sld [smem:$0x3FFE];
	_ =	sdelay $0x1  }
0x8a: {  	s1 =	srdreg.scid  }
0x8b: {  	s0 =	sand.u32 $0x1, s1  }
0x8c: {  	s14 =	sshll.u32 s0, $0xA;
	s2 =	sadd.s32 s3, s2  }
0x8d: {  	s2 =	sadd.s32 s2, s14  }
0x8e: {  	[smem:$0x3FB6] =	sst s2  }
0x8f: {  	_ = 	snop  }
0x90: {  	s2 =	sld [smem:$0x3FD0];
	_ =	sdelay $0x2  }
0x91: {  	s15 =	simm.s32 $0xB;
	s4 =	simm.s32 $0x10  }
0x92: {  	[smem:s4], [sflag:s15] =	dma.local [hbm:s2], $0x1  }
0x93: {  	_ =	swait.eq [sflag:s15], $0x1  }
0x94: {  	[sflag:s15] =	ssyncset.done $0x0  }
0x95: {  	s16 =	sld [smem:$0x11];
	[sflag:s15] =	ssyncadd.s32 $0xFFFFFFFF  }
0x96: {  	s17 =	sld [smem:$0x12];
	(tm) =	ssettm $0x1  }
0x97: {  	s18 =	sld [smem:$0x3FFB];
	_ =	sdelay $0x3  }
0x98: {  	_ =	strace s18  }
0x99: {  	s4 =	sld [smem:$0x3FFC];
	_ =	sdelay $0x3  }
0x9a: {  	_ =	strace s4  }
0x9b: {  	s4 =	sld [smem:$0x3FFD];
	_ =	sdelay $0x3  }
0x9c: {  	_ =	strace s4  }
0x9d: {  	_ =	strace $0x8FFFFFFF  }
0x9e: {  	s19 =	sld [smem:$0x3FDB];
	_ =	sdelay $0x1  }
0x9f: {  	s5 =	simm.s32 $_scs_section_size  }
0xa0: {  	s6 =	simm.s32 $_size__tile_overlayer_lowered;
	s7 =	simm.s32 $_tile_overlayer_lowered  }
0xa1: {  	s22 =	simm.s32 $0x1BFF;
	s21 =	sshll.u32 s7, $0x1;
	s4 =	sadd.s32 s5, s19  }
0xa2: {  	s8 =	simm.s32 $0x0;
	s20 =	sshll.u32 s6, $0x1;
	s6 =	sadd.s32 s21, s4  }
0xa3: {  	[timem:s8], [sflag:s22] =	dma.local [hbm:s6], s20  }
0xa4: {  	_ =	swait.ge [sflag:s22], s20  }
0xa5: {  	s5 =	ssub.s32 $0x0, s20;
	[sflag:s22] =	ssyncset.done $0x0  }
0xa6: {  	[sflag:s22] =	ssyncadd.s32 s5;
	_ =	sdelay $0x1  }
0xa7: {  	s23 =	simm.s32 $0x1B8B  }
0xa8: {  	_ =	swait.ge [sflag:s23], $0x1  }
0xa9: {  	[sflag:s23] =	ssyncset.done $0x0  }
0xaa: {  	s25 =	simm.s32 $0x1B8E;
	s24 =	sld [smem:$0x3FFE];
	[sflag:s23] =	ssyncadd.s32 $0xFFFFFFFF  }
0xab: {  	s26 =	simm.s32 $execute0_lowered;
	[smem:$0x3FD2] =	sst s25  }
0xac: {  	s6 =	sshll.u32 s26, $0x1;
	_ =	strace $0x80000049;
	[dreg:$0x1] =	wrdreg $0xFFFFFFFF  }
0xad: {  	s28 =	simm.s32 $_size_execute0_lowered;
	s4 =	sadd.s32 s4, s6;
	[dreg:$0x0] =	wrdreg $0x0  }
0xae: {  	s6 =	sshll.u32 s28, $0x1;
	[dreg:$0x2] =	wrdreg s4  }
0xaf: {  	[dreg:$0x3] =	wrdreg s6  }
0xb0: {  	[dreg:$0x4] =	wrdreg $0xC0  }
0xb1: {  	_ =	task [dreg:s8], $0x5FFFF  }
0xb2: {  	[dreg:$0x1] =	wrdreg $0xFFFFFFFF  }
0xb3: {  	[dreg:$0x0] =	wrdreg $0x60  }
0xb4: {  	[dreg:$0x2] =	wrdreg s24  }
0xb5: {  	[dreg:$0x3] =	wrdreg s16  }
0xb6: {  	[dreg:$0x4] =	wrdreg s17  }
0xb7: {  	[dreg:$0x5] =	wrdreg $0x0  }
0xb8: {  	[dreg:$0x6] =	wrdreg $0x150000  }
0xb9: {  	[dreg:$0x7] =	wrdreg $0xA  }
0xba: {  	_ =	task.clear_ibuf [dreg:s8], $0x8FFFF;
	_ =	strace $0x90000049  }
0xbb: {  	s29 =	simm.s32 $0xA;
	_ =	strace $0x8000004B  }
0xbc: {  	_ =	swait.ge [sflag:s29], $0x1  }
0xbd: {  	[sflag:s29] =	ssyncadd.s32 $0xFFFFFFFF  }
0xbe: {  	_ =	strace $0x9000004B  }
0xbf: {  	_ =	sfence  }
0xc0: {  	s30 =	sld [smem:$0x0];
	_ =	sdelay $0x2  }
0xc1: {  	s31 =	sshll.u32 s1, $0xD;
	s1 =	sshrl.u32 s1, $0x2  }
0xc2: {  	s3 =	sand.u32 $0x4000, s31;
	s1 =	sadd.s32 s1, s30  }
0xc3: {  	s0 =	sor.u32 s3, s0;
	s1 =	sshll.u32 s1, $0x11  }
0xc4: {  	s0 =	sor.u32 s1, s0  }
0xc5: {  	s0 =	sadd.s32 $0x8F2B, s0  }
0xc6: {  	[sflag:s0] =	ssyncadd.remote.s32 $0x1  }
0xc7: {  	_ =	sfence.sel $0xFFFF  }
0xc8: {  	[dreg:$0x0] =	wrdreg $0xFFFFFFFF;
	(pc) =	sbr.abs _section_cstart, $3  }
0xc9: {  	[dreg:$0x1] =	wrdreg $0xFFFFFFFF  }
0xca: {  	_ =	task.clear_ibuf [dreg:s8], $0x2FFFF;
	_ =	strace $0x9FFFFFFF  }
0xcb: {  	(tm) =	ssettm $0x7FFFFFFF  }
tec
execute0_lowered:
.L_overlay_start_1:
0x0: {  	(tag) =	ssettag $0x1  }
0x1: {  	s0 =	rddreg [dreg:$0x0]  }
0x2: {  	s1 =	rddreg [dreg:$0x1]  }
0x3: {  	s9 =	rddreg [dreg:$0x2]  }
0x4: {  	s2 =	rddreg [dreg:$0x3]  }
0x5: {  	s3 =	rddreg [dreg:$0x4]  }
0x6: {  	s16 =	stileid.u32;
	s5 =	srdreg.scid;
	s4 =	simm.s32 $0x0  }
0x7: {  	s31 =	simm.s32 $0x4;
	s28 =	simm.s32 $0x7;
	s10 =	smul.u32 $0x2A0, s16  }
0x8: {  	s5 =	sand.u32 $0x1, s5;
	[smem:$0x7FF] =	sst s4;
	s12 =	smul.u32 $0x2A00, s16  }
0x9: {  	s6 =	sadd.s32 $0xB4C00, s0;
	s7 =	sadd.s32 $0x19000, s0;
	s13 =	smul.u32 $0x54000, s16  }
0xa: {  	s8 =	sadd.s32 $0xA000, s0;
	s14 =	sadd.s32 $0xB4A00, s0;
	s15 =	smul.u32 $0x2760, s16  }
0xb: {  	s23 =	sshll.u32 s16, $0x6;
	s11 =	smul.u32 $0x2A00, s5;
	_ =	strace $0x8000004A  }
0xc: {  	[dreg:$0x6] =	wrdreg s14;
	s20 =	ssub.s32 $0x2, s5;
	s26 =	sor.u32 $0x1C0A, s23  }
0xd: {  	p0 =	sne.s32 s5, $0x0;
	s12 =	sadd.s32 s12, s0;
	s21 =	sshrl.u32 s20, $0x1  }
0xe: {  	s13 =	sshrl.u32 s13, $0x2;
	s24 =	sshrl.u32 s10, $0x3;
	s30 =	sadd.s32 s10, s3  }
0xf: {  	s29 =	sadd.s32 $0x60, s15;
	s16 =	sshrl.u32 s15, $0x3;
	s19 =	sadd.s32 $0xC0, s15  }
0x10: {  	[dreg:$0x9] =	wrdreg s26;
	s11 =	sadd.s32 s10, s11;
	s22 =	sadd.s32 s13, s2  }
0x11: {  	s14 =	ssub.s32 s20, s21;
	s12 =	sadd.s32 $0x8AA00, s12;
	[dreg:$0x7] =	wrdreg s22  }
0x12: {  	s1 =	sadd.s32 s1, s24;
	s20 =	sadd.s32 s9, s24;
	[dreg:$0x8] =	wrdreg s12  }
0x13: {  	s23 =	sshrl.u32 s19, $0x3;
	s10 =	simm.s32 $0x153A0;
	[dreg:$0xa] =	wrdreg s1  }
0x14: {  	s13 =	simm.s32 $0x8;
	s11 =	sshll.u32 s11, $0x4;
	[dreg:$0xe] =	wrdreg s20  }
0x15: {  	s22 =	sshrl.u32 s29, $0x3;
	s24 =	sadd.s32 s8, s23;
	s12 =	simm.s32 $0x1B4A0  }
0x16: {  	s20 =	simm.s32 $0x1;
	s23 =	simm.s32 $0x1E620;
	s0 =	sadd.s32 s11, s0  }
0x17: {  	s11 =	smul.u32 $0x27600, s5;
	s9 =	sadd.s32 s8, s22;
	[dreg:$0x11] =	wrdreg s24  }
0x18: {  	s22 =	simm.s32 $0x2;
	s24 =	simm.s32 $0x3;
	[dreg:$0xf] =	wrdreg s9  }
0x19: {  	s0 =	sadd.s32 $0x109200, s0;
	s9 =	simm.s32 $0x60;
	s25 =	sadd.s32 s15, s11  }
0x1a: {  	s17 =	sadd.s32 s11, s29;
	s21 =	sadd.s32 s11, s19;
	[dreg:$0x12] =	wrdreg s0  }
0x1b: {  	s29 =	sadd.s32 $0x120, s15;
	s0 =	simm.s32 $0x183A0;
	s19 =	simm.s32 $0x1B5A0  }
0x1c: {  	s1 =	sshrl.u32 s25, $0x3;
	s25 =	smax.u32 s14, $0x1;
	[dreg:$0x14] =	wrdreg s29  }
0x1d: {  	s18 =	sshrl.u32 s17, $0x3;
	s1 =	sadd.s32 s7, s1;
	[dreg:$0x13] =	wrdreg s25  }
.Ltmp0:
0x1e: {  	[dreg:$0xb] =	wrdreg s1;
	s1 =	sadd.s32 s8, s16;
	(pc) =	sbr.rel .LBB2_1-.Ltmp0, $4  }
0x1f: {  	s14 =	simm.s32 $0xA;
	[dreg:$0xc] =	wrdreg s1;
	s1 =	sadd.s32 s7, s18  }
0x20: {  	s17 =	simm.s32 $0x184A0;
	[dreg:$0xd] =	wrdreg s1;
	s1 =	sshrl.u32 s21, $0x3  }
0x21: {  	s25 =	simm.s32 $0x1E6A0;
	s16 =	simm.s32 $0x5;
	s1 =	sadd.s32 s7, s1  }
0x22: {  	s18 =	simm.s32 $0x6;
	s21 =	simm.s32 $0x0;
	[dreg:$0x10] =	wrdreg s1  }
.LBB2_15:
0x23: {  	_ =	swait.ge [sflag:s28], $0x3000  }
0x24: {  	[sflag:s28] =	ssyncset.done $0x0  }
0x25: {  	[sflag:s28] =	ssyncadd.s32 $0xFFFFD000  }
0x26: {  	_ =	swait.ge [sflag:s28], $0x60  }
0x27: {  	[sflag:s28] =	ssyncset.done $0x0  }
0x28: {  	[sflag:s28] =	ssyncadd.s32 $0xFFFFFFA0  }
0x29: {  	_ =	swait.ge [sflag:s13], $0x3000  }
0x2a: {  	[sflag:s13] =	ssyncset.done $0x0  }
0x2b: {  	[sflag:s13] =	ssyncadd.s32 $0xFFFFD000  }
0x2c: {  	_ =	swait.ge [sflag:s13], $0x60  }
0x2d: {  	[sflag:s13] =	ssyncset.done $0x0  }
0x2e: {  	s1 =	simm.s32 $0x9;
	[sflag:s13] =	ssyncadd.s32 $0xFFFFFFA0  }
0x2f: {  	_ =	swait.ge [sflag:s1], $0x3000  }
0x30: {  	[sflag:s1] =	ssyncset.done $0x0  }
0x31: {  	[sflag:s1] =	ssyncadd.s32 $0xFFFFD000  }
0x32: {  	_ =	swait.ge [sflag:s1], $0x60  }
0x33: {  	[sflag:s1] =	ssyncset.done $0x0  }
0x34: {  	s21 =	rddreg [dreg:$0x15];
	[sflag:s1] =	ssyncadd.s32 $0xFFFFFFA0  }
.LBB2_16:
0x35: {  	[bflag:$0x0] =	sbarrier.arrive $0xFFFF  }
0x36: {  	s26 =	rddreg [dreg:$0x9]  }
0x37: {  	s1 =	rddreg [dreg:$0x12]  }
0x38: {  	s15 =	simm.s32 $0xA;
	s14 =	rddreg [dreg:$0x16]  }
0x39: {  	[hbm:s1], [sflag:s26] =	dma.local [spmem:s14], $0x2A00  }
0x3a: {  	_ =	swait.ge [sflag:s15], $0x2A00  }
0x3b: {  	[sflag:s15] =	ssyncset.done $0x0  }
0x3c: {  	s1 =	simm.s32 @!p0 $0x1E7A0;
	s14 =	simm.s32 @!p0 $0xA;
	[sflag:s15] =	ssyncadd.s32 $0xFFFFD600  }
0x3d: {  	[tilespmem:s1], [sflag:$0xA] =	stream.linear.gather @!p0 [spmem:s30], $0x2A0, $0x38;
	[tilespmem:$0x1EAA0] =	vst v63  }
0x3e: {  	_ =	swait.ge @!p0 [sflag:s14], $0x2A0  }
0x3f: {  	[sflag:s14] =	ssyncset.done @!p0 $0x0  }
0x40: {  	s15 =	simm.s32 @!p0 $0x0;
	s29 =	rddreg [dreg:$0xe];
	[sflag:s14] =	ssyncadd.s32 @!p0 $0xFFFFFD60  }
0x41: {  	[hbm4b:s29+s15] =	stream.linear.scatter @!p0 [tilespmem:s1], [sflag:$0xA], $0x2A0, $0x38;
	[tilespmem:$0x1EAA0] =	vst v63  }
0x42: {  	_ =	swait.ge @!p0 [sflag:s14], $0x2A0  }
0x43: {  	s21 =	sadd.s32 $0x1, s21;
	s29 =	rddreg [dreg:$0x13]  }
0x44: {  	p1 =	sne.s32 s21, s29  }
.Ltmp1:
0x45: {  	_ = 	snop;
	(pc) =	sbr.rel @!p1 .LBB2_17-.Ltmp1, $3  }
0x46: {  	_ =	sdelay $0x1  }
0x47: {  	[sflag:s14] =	ssyncset.done @!p0 $0x0  }
0x48: {  	[sflag:s14] =	ssyncadd.s32 @!p0 $0xFFFFFD60;
	s14 =	simm.s32 $0xA  }
.LBB2_1:
0x49: {  	[dreg:$0x15] =	wrdreg s21  }
0x4a: {  	s1 =	rddreg [dreg:$0x7]  }
0x4b: {  	s21 =	rddreg [dreg:$0x8];
	s15 =	sshrl.u32 s1, $0x3  }
0x4c: {  	[dreg:$0x16] =	wrdreg s15  }
0x4d: {  	[spmem:s15], [sflag:s26] =	dma.local [hbm:s21], $0x2A00  }
0x4e: {  	_ =	swait.ge [sflag:s14], $0x2A00  }
0x4f: {  	[sflag:s14] =	ssyncset.done $0x0  }
0x50: {  	s21 =	simm.s32 $0x1E7A0;
	s15 =	rddreg [dreg:$0xa];
	[sflag:s14] =	ssyncadd.s32 $0xFFFFD600  }
0x51: {  	[tilespmem:s21], [sflag:$0xA] =	stream.linear.gather [hbm4b:s15+s4], $0x2A0, $0x38;
	[tilespmem:$0x1EAA0] =	vst v63  }
0x52: {  	_ =	swait.ge [sflag:s14], $0x2A0  }
0x53: {  	[sflag:s14] =	ssyncset.done $0x0  }
0x54: {  	[sflag:s14] =	ssyncadd.s32 $0xFFFFFD60  }
0x55: {  	[spmem:s30] =	stream.linear.scatter [tilespmem:s21], [sflag:$0xA], $0x2A0, $0x38;
	[tilespmem:$0x1EAA0] =	vst v63  }
0x56: {  	_ =	swait.ge [sflag:s14], $0x2A0  }
0x57: {  	s29 =	smov.u32 s30;
	[sflag:s14] =	ssyncset.done $0x0  }
0x58: {  	s30 =	simm.s32 $0x1E720;
	s26 =	rddreg [dreg:$0x6];
	[sflag:s14] =	ssyncadd.s32 $0xFFFFFD60  }
0x59: {  	[tilespmem:s30], [sflag:$0xA] =	stream.linear.gather [hbm4b:s26+s4], $0x80, $0x38;
	[tilespmem:$0x1EAA0] =	vst v63  }
0x5a: {  	_ =	swait.ge [sflag:s14], $0x80  }
0x5b: {  	[sflag:s14] =	ssyncset.done $0x0  }
0x5c: {  	[sflag:s14] =	ssyncadd.s32 $0xFFFFFF80  }
0x5d: {  	[bflag:$0x0] =	sbarrier.arrive $0xFFFF  }
0x5e: {  	s14 =	simm.s32 $0x152A0;
	s21 =	rddreg [dreg:$0xb]  }
0x5f: {  	[tilespmem:s14], [sflag:$0x4] =	stream.linear.gather [hbm4b:s21+s4], $0x60, $0x38;
	[tilespmem:$0x1EAA0] =	vst v63  }
0x60: {  	s30 =	simm.s32 $0x15320;
	s26 =	rddreg [dreg:$0xc]  }
0x61: {  	[tilespmem:s30], [sflag:$0x4] =	stream.linear.gather [hbm4b:s26+s4], $0x60, $0x38;
	[tilespmem:$0x1EAA0] =	vst v63  }
0x62: {  	s21 =	rddreg [dreg:$0xd]  }
0x63: {  	[tilespmem:s0], [sflag:$0x5] =	stream.linear.gather [hbm4b:s21+s4], $0x60, $0x38;
	[tilespmem:$0x1EAA0] =	vst v63  }
0x64: {  	s26 =	rddreg [dreg:$0xf];
	s30 =	simm.s32 $0x18420  }
0x65: {  	[tilespmem:s30], [sflag:$0x5] =	stream.linear.gather [hbm4b:s26+s4], $0x60, $0x38;
	[tilespmem:$0x1EAA0] =	vst v63  }
0x66: {  	_ =	swait.ge [sflag:s31], $0x60  }
0x67: {  	[sflag:s31] =	ssyncset.done $0x0  }
0x68: {  	[sflag:s31] =	ssyncadd.s32 $0xFFFFFFA0  }
0x69: {  	_ =	swait.ge [sflag:s31], $0x60  }
0x6a: {  	[sflag:s31] =	ssyncset.done $0x0  }
0x6b: {  	[sflag:s31] =	ssyncadd.s32 $0xFFFFFFA0  }
0x6c: {  	[tilespmem:s10], [sflag:$0x1] =	stream.indirect.gather [hbm4b:s6+s9], $0x80, s14, s9, $0xb8;
	[tilespmem:$0x1EAA0] =	vst v63  }
0x6d: {  	s21 =	rddreg [dreg:$0x10]  }
0x6e: {  	[tilespmem:s12], [sflag:$0x6] =	stream.linear.gather [hbm4b:s21+s4], $0x60, $0x38;
	[tilespmem:$0x1EAA0] =	vst v63  }
0x6f: {  	s30 =	simm.s32 $0x1B520;
	s26 =	rddreg [dreg:$0x11]  }
0x70: {  	[tilespmem:s30], [sflag:$0x6] =	stream.linear.gather [hbm4b:s26+s4], $0x60, $0x38;
	[tilespmem:$0x1EAA0] =	vst v63  }
0x71: {  	_ =	swait.ge [sflag:s16], $0x60  }
0x72: {  	[sflag:s16] =	ssyncset.done $0x0  }
.Ltmp2:
0x73: {  	[sflag:s16] =	ssyncadd.s32 $0xFFFFFFA0;
	(pc) =	sbr.rel .LBB2_2-.Ltmp2, $4  }
0x74: {  	_ =	swait.ge [sflag:s16], $0x60  }
0x75: {  	s21 =	simm.s32 $0x1E5A0;
	[sflag:s16] =	ssyncset.done $0x0  }
0x76: {  	s26 =	simm.s32 $0x0;
	s15 =	rddreg [dreg:$0x14];
	[sflag:s16] =	ssyncadd.s32 $0xFFFFFFA0  }
0x77: {  	[tilespmem:s17], [sflag:$0x2] =	stream.indirect.gather [hbm4b:s6+s9], $0x80, s0, s9, $0xb8;
	[tilespmem:$0x1EAA0] =	vst v63  }
.LBB2_13:
0x78: {  	_ =	swait.ge [sflag:s16], $0x60  }
0x79: {  	[sflag:s16] =	ssyncset.done $0x0  }
0x7a: {  	[sflag:s16] =	ssyncadd.s32 $0xFFFFFFA0  }
0x7b: {  	s1 =	sadd.s32 $0xC0, s15;
	_ =	swait.ge [sflag:s16], $0x60  }
0x7c: {  	s14 =	sadd.s32 s11, s1;
	[sflag:s16] =	ssyncset.done $0x0  }
0x7d: {  	s14 =	sshrl.u32 s14, $0x3;
	[sflag:s16] =	ssyncadd.s32 $0xFFFFFFA0  }
0x7e: {  	[tilespmem:s17], [sflag:$0x2] =	stream.indirect.gather [hbm4b:s6+s9], $0x80, s0, s9, $0xb8;
	[tilespmem:$0x1EAA0] =	vst v63  }
0x7f: {  	s30 =	simm.s32 $0x1B520;
	s1 =	sshrl.u32 s1, $0x3;
	s14 =	sadd.s32 s7, s14  }
0x80: {  	[tilespmem:s12], [sflag:$0x6] =	stream.linear.gather [hbm4b:s14+s4], $0x60, $0x38;
	[tilespmem:$0x1EAA0] =	vst v63  }
0x81: {  	s15 =	sadd.s32 $0x120, s15;
	s26 =	sadd.s32 $0xFFFFFFFF, s26;
	s1 =	sadd.s32 s8, s1  }
0x82: {  	[tilespmem:s30], [sflag:$0x6] =	stream.linear.gather [hbm4b:s1+s4], $0x60, $0x38;
	[tilespmem:$0x1EAA0] =	vst v63  }
.LBB2_2:
0x83: {  	p1 =	seq.s32 s26, $0x0  }
0x84: {  	s1 =	simm.s32 @!p1 $0x9  }
0x85: {  	p2 =	sne.s32 @!p1 s5, $0x0;
	_ =	swait.ge @!p1 [sflag:s1], $0x3000  }
0x86: {  	p2 =	por p2, p1;
	[sflag:s1] =	ssyncset.done @!p1 $0x0  }
0x87: {  	[sflag:s1] =	ssyncadd.s32 @!p1 $0xFFFFD000;
	s1 =	simm.s32 @!p2 $0x9  }
0x88: {  	_ =	swait.ge @!p2 [sflag:s1], $0x60  }
0x89: {  	[sflag:s1] =	ssyncset.done @!p2 $0x0  }
0x8a: {  	[sflag:s1] =	ssyncadd.s32 @!p2 $0xFFFFFFA0  }
0x8b: {  	_ =	swait.ge [sflag:s18], $0x60  }
0x8c: {  	[sflag:s18] =	ssyncset.done $0x0  }
0x8d: {  	[sflag:s18] =	ssyncadd.s32 $0xFFFFFFA0  }
0x8e: {  	_ =	swait.ge [sflag:s18], $0x60  }
0x8f: {  	[sflag:s18] =	ssyncset.done $0x0  }
0x90: {  	[sflag:s18] =	ssyncadd.s32 $0xFFFFFFA0  }
0x91: {  	[tilespmem:s19], [sflag:$0x3] =	stream.indirect.gather [hbm4b:s6+s9], $0x80, s12, s9, $0xb8;
	[tilespmem:$0x1EAA0] =	vst v63  }
0x92: {  	_ =	swait.ge [sflag:s20], $0x3000  }
0x93: {  	[sflag:s20] =	ssyncset.done $0x0  }
0x94: {  	[sflag:s20] =	ssyncadd.s32 $0xFFFFD000  }
0x95: {  	v0 =	vld [tilespmem:$0x15320]  }
0x96: {  	v1 =	vld [tilespmem:$0x15330]  }
0x97: {  	v2 =	vld [tilespmem:$0x15340]  }
0x98: {  	v3 =	vld [tilespmem:$0x15350]  }
0x99: {  	v4 =	vld [tilespmem:$0x15360]  }
0x9a: {  	v57 =	vld [tilespmem:$0x15370];
	[tilespmem:$0x1E5A0] =	vst v0  }
0x9b: {  	[tilespmem:$0x1E5B0] =	vst v1  }
0x9c: {  	[tilespmem:$0x1E5C0] =	vst v2  }
0x9d: {  	[tilespmem:$0x1E5D0] =	vst v3  }
0x9e: {  	[tilespmem:$0x1E5E0] =	vst v4  }
0x9f: {  	s30 =	simm.s32 @!p0 $0x1E5A0;
	[tilespmem:$0x1E5F0] =	vst v57  }
0xa0: {  	[spmem:s2] =	stream.indirect.scatter.add.f32 [tilespmem:s10], [sflag:$0x7], $0x80, s21, s9, $0xb8;
	[tilespmem:$0x1EAA0] =	vst v63  }
0xa1: {  	s14 =	simm.s32 @!p0 $0x1E720;
	p1 =	seq.s32 s26, $0xFFFFFFDE;
	s1 =	simm.s32 @!p0 $0x60  }
0xa2: {  	[spmem:s3] =	stream.indirect.scatter.add.f32 @!p0 [tilespmem:s14], [sflag:$0x7], $0x1, s30, s1, $0xb8;
	[tilespmem:$0x1EAA0] =	vst v63  }
0xa3: {  	s1 =	sadd.s32 @!p1 s15, s11  }
0xa4: {  	s1 =	sshrl.u32 @!p1 s1, $0x3  }
0xa5: {  	s14 =	simm.s32 @!p1 $0x0;
	s30 =	simm.s32 @!p1 $0x152A0;
	s1 =	sadd.s32 @!p1 s7, s1  }
0xa6: {  	[tilespmem:s30], [sflag:$0x4] =	stream.linear.gather @!p1 [hbm4b:s1+s14], $0x60, $0x38;
	[tilespmem:$0x1EAA0] =	vst v63  }
0xa7: {  	s1 =	sshrl.u32 @!p1 s15, $0x3  }
0xa8: {  	s30 =	simm.s32 @!p1 $0x15320;
	s1 =	sadd.s32 @!p1 s8, s1  }
0xa9: {  	[tilespmem:s30], [sflag:$0x4] =	stream.linear.gather @!p1 [hbm4b:s1+s14], $0x60, $0x38;
	[tilespmem:$0x1EAA0] =	vst v63  }
0xaa: {  	_ =	swait.ge [sflag:s22], $0x3000  }
0xab: {  	[sflag:s22] =	ssyncset.done $0x0  }
0xac: {  	[sflag:s22] =	ssyncadd.s32 $0xFFFFD000  }
0xad: {  	v58 =	vld [tilespmem:$0x18420]  }
0xae: {  	v59 =	vld [tilespmem:$0x18430]  }
0xaf: {  	v60 =	vld [tilespmem:$0x18440]  }
0xb0: {  	v61 =	vld [tilespmem:$0x18450]  }
0xb1: {  	v62 =	vld [tilespmem:$0x18460]  }
0xb2: {  	v63 =	vld [tilespmem:$0x18470];
	[tilespmem:$0x1E620] =	vst v58  }
0xb3: {  	[tilespmem:$0x1E630] =	vst v59  }
.Ltmp3:
0xb4: {  	[tilespmem:$0x1E640] =	vst v60;
	(pc) =	sbr.rel @p0 .LBB2_5-.Ltmp3, $4  }
0xb5: {  	[tilespmem:$0x1E650] =	vst v61  }
0xb6: {  	[tilespmem:$0x1E660] =	vst v62  }
0xb7: {  	[tilespmem:$0x1E670] =	vst v63  }
0xb8: {  	[spmem:s2] =	stream.indirect.scatter.add.f32 [tilespmem:s17], [sflag:$0x8], $0x80, s23, s9, $0xb8;
	[tilespmem:$0x1EAA0] =	vst v63  }
.Ltmp4:
0xb9: {  	(pc) =	sbr.rel @p1 .LBB2_8-.Ltmp4, $3  }
0xba: {  	_ =	sdelay $0x1  }
0xbb: {  	s1 =	simm.s32 $0x1E720;
	s30 =	smov.u32 s29  }
0xbc: {  	[spmem:s3] =	stream.indirect.scatter.add.f32 [tilespmem:s1], [sflag:$0x8], $0x1, s23, s9, $0xb8;
	[tilespmem:$0x1EAA0] =	vst v63  }
0xbd: {  	_ =	swait.ge [sflag:s28], $0x3000  }
.Ltmp5:
0xbe: {  	[sflag:s28] =	ssyncset.done $0x0;
	(pc) =	sbr.rel .LBB2_7-.Ltmp5, $4  }
0xbf: {  	[sflag:s28] =	ssyncadd.s32 $0xFFFFD000  }
0xc0: {  	_ =	swait.ge [sflag:s28], $0x60  }
0xc1: {  	[sflag:s28] =	ssyncset.done $0x0  }
0xc2: {  	[sflag:s28] =	ssyncadd.s32 $0xFFFFFFA0  }
.LBB2_5:
.Ltmp6:
0xc3: {  	(pc) =	sbr.rel @p1 .LBB2_8-.Ltmp6, $2  }
0xc4: {  	_ =	sdelay $0x2  }
0xc5: {  	s30 =	smov.u32 s29  }
0xc6: {  	_ =	swait.ge [sflag:s28], $0x3000  }
0xc7: {  	[sflag:s28] =	ssyncset.done $0x0  }
0xc8: {  	[sflag:s28] =	ssyncadd.s32 $0xFFFFD000  }
.LBB2_7:
0xc9: {  	_ =	swait.ge [sflag:s31], $0x60  }
0xca: {  	[sflag:s31] =	ssyncset.done $0x0  }
0xcb: {  	[sflag:s31] =	ssyncadd.s32 $0xFFFFFFA0  }
0xcc: {  	_ =	swait.ge [sflag:s31], $0x60  }
0xcd: {  	[sflag:s31] =	ssyncset.done $0x0  }
0xce: {  	s1 =	simm.s32 $0x152A0;
	[sflag:s31] =	ssyncadd.s32 $0xFFFFFFA0  }
0xcf: {  	[tilespmem:s10], [sflag:$0x1] =	stream.indirect.gather [hbm4b:s6+s9], $0x80, s1, s9, $0xb8;
	[tilespmem:$0x1EAA0] =	vst v63  }
0xd0: {  	s1 =	sadd.s32 $0x60, s15  }
0xd1: {  	s14 =	sadd.s32 s11, s1  }
0xd2: {  	s14 =	sshrl.u32 s14, $0x3  }
0xd3: {  	s1 =	sshrl.u32 s1, $0x3;
	s14 =	sadd.s32 s7, s14  }
0xd4: {  	[tilespmem:s0], [sflag:$0x5] =	stream.linear.gather [hbm4b:s14+s4], $0x60, $0x38;
	[tilespmem:$0x1EAA0] =	vst v63  }
0xd5: {  	s1 =	sadd.s32 s8, s1;
	s14 =	simm.s32 $0x18420  }
0xd6: {  	[tilespmem:s14], [sflag:$0x5] =	stream.linear.gather [hbm4b:s1+s4], $0x60, $0x38;
	[tilespmem:$0x1EAA0] =	vst v63  }
.LBB2_8:
0xd7: {  	_ =	swait.ge [sflag:s24], $0x3000  }
0xd8: {  	[sflag:s24] =	ssyncset.done $0x0  }
0xd9: {  	[sflag:s24] =	ssyncadd.s32 $0xFFFFD000  }
0xda: {  	v0 =	vld [tilespmem:$0x1B520]  }
0xdb: {  	v1 =	vld [tilespmem:$0x1B530]  }
0xdc: {  	v2 =	vld [tilespmem:$0x1B540]  }
0xdd: {  	v3 =	vld [tilespmem:$0x1B550]  }
0xde: {  	v4 =	vld [tilespmem:$0x1B560]  }
0xdf: {  	v63 =	vld [tilespmem:$0x1B570];
	[tilespmem:$0x1E6A0] =	vst v0  }
0xe0: {  	[tilespmem:$0x1E6B0] =	vst v1  }
.Ltmp7:
0xe1: {  	[tilespmem:$0x1E6C0] =	vst v2;
	(pc) =	sbr.rel @p0 .LBB2_11-.Ltmp7, $4  }
0xe2: {  	[tilespmem:$0x1E6D0] =	vst v3  }
0xe3: {  	[tilespmem:$0x1E6E0] =	vst v4  }
0xe4: {  	[tilespmem:$0x1E6F0] =	vst v63  }
0xe5: {  	[spmem:s2] =	stream.indirect.scatter.add.f32 [tilespmem:s19], [sflag:$0x9], $0x80, s25, s9, $0xb8;
	[tilespmem:$0x1EAA0] =	vst v63  }
.Ltmp8:
0xe6: {  	(pc) =	sbr.rel @p1 .LBB2_15-.Ltmp8, $3  }
0xe7: {  	_ =	sdelay $0x1  }
0xe8: {  	s1 =	simm.s32 $0x1E720  }
0xe9: {  	[spmem:s3] =	stream.indirect.scatter.add.f32 [tilespmem:s1], [sflag:$0x9], $0x1, s25, s9, $0xb8;
	[tilespmem:$0x1EAA0] =	vst v63  }
0xea: {  	_ =	swait.ge [sflag:s13], $0x3000  }
.Ltmp9:
0xeb: {  	[sflag:s13] =	ssyncset.done $0x0;
	(pc) =	sbr.rel .LBB2_13-.Ltmp9, $4  }
0xec: {  	[sflag:s13] =	ssyncadd.s32 $0xFFFFD000  }
0xed: {  	_ =	swait.ge [sflag:s13], $0x60  }
0xee: {  	[sflag:s13] =	ssyncset.done $0x0  }
0xef: {  	[sflag:s13] =	ssyncadd.s32 $0xFFFFFFA0  }
.LBB2_11:
.Ltmp10:
0xf0: {  	(pc) =	sbr.rel @p1 .LBB2_14-.Ltmp10, $1  }
0xf1: {  	_ =	sdelay $0x3  }
.Ltmp11:
0xf2: {  	(pc) =	sbr.rel .LBB2_13-.Ltmp11, $4  }
0xf3: {  	_ = 	snop  }
0xf4: {  	_ =	swait.ge [sflag:s13], $0x3000  }
0xf5: {  	[sflag:s13] =	ssyncset.done $0x0  }
0xf6: {  	[sflag:s13] =	ssyncadd.s32 $0xFFFFD000  }
.LBB2_14:
0xf7: {  	_ =	swait.ge [sflag:s28], $0x3000  }
0xf8: {  	[sflag:s28] =	ssyncset.done $0x0  }
0xf9: {  	[sflag:s28] =	ssyncadd.s32 $0xFFFFD000  }
0xfa: {  	_ =	swait.ge [sflag:s13], $0x3000  }
.Ltmp12:
0xfb: {  	[sflag:s13] =	ssyncset.done $0x0;
	(pc) =	sbr.rel .LBB2_16-.Ltmp12, $4  }
0xfc: {  	s1 =	simm.s32 $0x9;
	[sflag:s13] =	ssyncadd.s32 $0xFFFFD000  }
0xfd: {  	_ =	swait.ge [sflag:s1], $0x3000  }
0xfe: {  	[sflag:s1] =	ssyncset.done $0x0  }
0xff: {  	s21 =	rddreg [dreg:$0x15];
	[sflag:s1] =	ssyncadd.s32 $0xFFFFD000  }
.LBB2_17:
0x100: {  	_ =	sfence.sel $0x180000  }
0x101: {  	[bflag:$0x0] =	sbarrier.arrive $0xFFFF  }
0x102: {  	_ =	strace $0x9000004A  }
0x103: {  	s0 =	stileid.u32;
	[bflag:$0x2] =	sbarrier.arrive $0xFFFF  }
0x104: {  	p0 =	sne.s32 s0, $0x0;
	s0 =	rddreg [dreg:$0x5]  }
0x105: {  	s0 =	sadd.s32 @!p0 $0x100000, s0  }
0x106: {  	[sflag:s0] =	ssyncadd.tile.s32 @!p0 $0x1;
	_ =	shalt  }
.Lfunc_end2:
_tile_overlayer_lowered:
.L_overlay_start_2:
0x107: {  	(tag) =	ssettag $0x2  }
0x108: {  	s0 =	rddreg [dreg:$0x0];
	s2 =	stileid.u32  }
0x109: {  	s1 =	rddreg [dreg:$0x1];
	p0 =	sne.s32 s2, $0x0  }
0x10a: {  	s3 =	rddreg [dreg:$0x2];
	[bflag:$0x3] =	sbarrier.arrive $0xFFFF;
	s2 =	simm.s32 @!p0 $0x1C0A  }
0x10b: {  	[timem:s3], [sflag:s2] =	dma.local @!p0 [hbm:s0], s1  }
0x10c: {  	s0 =	simm.s32 @!p0 $0xA  }
0x10d: {  	_ =	swait.ge @!p0 [sflag:s0], s1  }
0x10e: {  	s1 =	ssub.s32 @!p0 $0x0, s1;
	[sflag:s0] =	ssyncset.done @!p0 $0x0  }
0x10f: {  	[sflag:s0] =	ssyncadd.s32 @!p0 s1  }
0x110: {  	[bflag:$0x3] =	sbarrier.arrive $0xFFFF  }
0x111: {  	_ =	shalt  }

// kernel: kernel.18.cloned.1.call-start
scs
__scs_entry_jumppad:
0x0: {  	(pc) =	sbr.rel $0x88, $3  }
0x1: {  	(tag) =	ssettag $0x0;
	lr =	simm.s32 $0x1  }
0x2: {  	[smem:$0x3F8F] =	sst lr;
	_ =	strace $0xD0000000  }
0x3: {  	_ = 	snop  }
0x4: {  	_ = 	snop  }
0x5: {  	_ = 	snop  }
0x6: {  	_ = 	snop  }
0x7: {  	_ = 	snop  }
__scs_overlays_trampoline_lowered:
0x8: {  	[smem:$0x3F9E] =	sst s0  }
0x9: {  	[smem:$0x3F9F] =	sst s1  }
0xa: {  	[smem:$0x3FA0] =	sst s2  }
0xb: {  	[smem:$0x3FA1] =	sst s3  }
0xc: {  	[smem:$0x3FA2] =	sst s4  }
0xd: {  	[smem:$0x3FA3] =	sst s5  }
0xe: {  	[smem:$0x3FA4] =	sst s6  }
0xf: {  	[smem:$0x3FA5] =	sst s7  }
0x10: {  	[smem:$0x3FA6] =	sst s8  }
0x11: {  	[smem:$0x3FA7] =	sst s9;
	s0 =	simm.s32 @!p0 $0x0  }
0x12: {  	s1 =	sld [smem:$0x3F8D];
	s0 =	simm.s32 @p0 $0x1  }
0x13: {  	[smem:$0x3FA8] =	sst s0;
	s0 =	simm.s32 @!p1 $0x0  }
0x14: {  	s2 =	sld [smem:$0x3F8C];
	s0 =	simm.s32 @p1 $0x1  }
0x15: {  	[smem:$0x3FA9] =	sst s0;
	s0 =	simm.s32 @!p2 $0x0  }
0x16: {  	s3 =	sld [smem:$0x3FDB];
	s0 =	simm.s32 @p2 $0x1  }
0x17: {  	s4 =	simm.s32 $0x1BF5;
	[smem:$0x3FAB] =	sst s0  }
0x18: {  	s0 =	sld [smem:$0x3F8E];
	_ =	swait.ge [sflag:s4], $0x0  }
0x19: {  	s7 =	sld [smem:$0x3F8F]  }
0x1a: {  	s8 =	sadd.s32 $0xFFFFE003, lr  }
0x1b: {  	s9 =	sadd.s32 $0xFFFFFEF7, lr;
	s5 =	simm.s32 $0xFFFFFFFF;
	p2 =	slt.u32 s8, $0xFFFFF086  }
0x1c: {  	p1 =	slt.u32 s9, $0xF7A;
	s5 =	simm.s32 @!p2 $0x0  }
0x1d: {  	s5 =	simm.s32 @p1 $0x1;
	p0 =	seq.s32 s7, s2  }
0x1e: {  	s7 =	smul.u32 @!p0 $0xF7A, s2;
	p2 =	seq.s32 @!p0 s5, $0x0  }
0x1f: {  	s9 =	smul.u32 $0xF7A, s1;
	s8 =	simm.s32 @!p0 $0x1BF5;
	p2 =	por !p2, p0  }
0x20: {  	[sflag:s8] =	ssyncset.s32 @!p0 $0xFFFFF086;
	s6 =	sadd.s32 @!p0 s3, s7;
	s7 =	simm.s32 @!p0 $0x108  }
0x21: {  	s3 =	sadd.s32 s3, s9;
	s6 =	sadd.s32 @!p0 $0x88, s6;
	s7 =	simm.s32 @p2 $0x1082  }
0x22: {  	[simem:s7], [sflag:s8] =	dma.local @!p0 [hbm:s6], $0xF7A  }
0x23: {  	s9 =	sor.u32 $0xD0000000, s2;
	s6 =	simm.s32 $0x108;
	_ =	swait.ge @!p0 [sflag:s8], $0x0  }
0x24: {  	s3 =	sadd.s32 $0x88, s3;
	s6 =	simm.s32 @!p1 $0x1082;
	[sflag:s4] =	ssyncset.s32 $0xFFFFF086  }
0x25: {  	[simem:s6], [sflag:s4] =	dma.local [hbm:s3], $0xF7A  }
0x26: {  	[smem:$0x3F8F] =	sst s1;
	(tag) =	ssettag s2;
	_ =	strace s9  }
0x27: {  	s1 =	sld [smem:$0x3F9F]  }
0x28: {  	s2 =	sld [smem:$0x3FA0]  }
0x29: {  	s4 =	sld [smem:$0x3FA2]  }
0x2a: {  	p0 =	seq.s32 s5, $0x0;
	s5 =	sld [smem:$0x3FA3]  }
0x2b: {  	s6 =	sld [smem:$0x3FA4]  }
0x2c: {  	s7 =	sld [smem:$0x3FA5]  }
0x2d: {  	s3 =	simm.s32 $0x108;
	s8 =	sld [smem:$0x3FA6]  }
0x2e: {  	s3 =	simm.s32 @!p0 $0x1082;
	s9 =	sld [smem:$0x3FA7]  }
0x2f: {  	lr =	sadd.s32 s0, s3;
	s0 =	sld [smem:$0x3F9E]  }
0x30: {  	s3 =	sld [smem:$0x3FA1]  }
0x31: {  	[smem:$0x3FAA] =	sst s10  }
0x32: {  	s10 =	sld [smem:$0x3FA8];
	_ =	sdelay $0x3  }
0x33: {  	p0 =	seq.s32 s10, $0x1;
	s10 =	sld [smem:$0x3FAA];
	_ =	sdelay $0x3  }
0x34: {  	[smem:$0x3FAA] =	sst s10  }
0x35: {  	s10 =	sld [smem:$0x3FA9];
	_ =	sdelay $0x3  }
0x36: {  	p1 =	seq.s32 s10, $0x1;
	s10 =	sld [smem:$0x3FAA];
	_ =	sdelay $0x3  }
0x37: {  	[smem:$0x3FAA] =	sst s10  }
0x38: {  	s10 =	sld [smem:$0x3FAB]  }
0x39: {  	_ = 	snop;
	(pc) =	sbr.ind lr, $3  }
0x3a: {  	_ = 	snop  }
0x3b: {  	_ = 	snop  }
0x3c: {  	p2 =	seq.s32 s10, $0x1;
	s10 =	sld [smem:$0x3FAA]  }
0x3d: {  	_ =	shalt  }
0x3e: {  	_ =	shalt  }
0x3f: {  	_ =	shalt  }
0x40: {  	_ =	shalt  }
0x41: {  	_ =	shalt  }
0x42: {  	_ =	shalt  }
0x43: {  	_ =	shalt  }
0x44: {  	_ =	shalt  }
0x45: {  	_ =	shalt  }
0x46: {  	_ =	shalt  }
0x47: {  	_ =	shalt  }
0x48: {  	_ =	shalt  }
0x49: {  	_ =	shalt  }
0x4a: {  	_ =	shalt  }
0x4b: {  	_ =	shalt  }
0x4c: {  	_ =	shalt  }
0x4d: {  	_ =	shalt  }
0x4e: {  	_ =	shalt  }
0x4f: {  	_ =	shalt  }
0x50: {  	_ =	shalt  }
0x51: {  	_ =	shalt  }
0x52: {  	_ =	shalt  }
0x53: {  	_ =	shalt  }
0x54: {  	_ =	shalt  }
0x55: {  	_ =	shalt  }
0x56: {  	_ =	shalt  }
0x57: {  	_ =	shalt  }
0x58: {  	_ =	shalt  }
0x59: {  	_ =	shalt  }
0x5a: {  	_ =	shalt  }
0x5b: {  	_ =	shalt  }
0x5c: {  	_ =	shalt  }
0x5d: {  	_ =	shalt  }
0x5e: {  	_ =	shalt  }
0x5f: {  	_ =	shalt  }
0x60: {  	_ =	shalt  }
0x61: {  	_ =	shalt  }
0x62: {  	_ =	shalt  }
0x63: {  	_ =	shalt  }
0x64: {  	_ =	shalt  }
0x65: {  	_ =	shalt  }
0x66: {  	_ =	shalt  }
0x67: {  	_ =	shalt  }
0x68: {  	_ =	shalt  }
0x69: {  	_ =	shalt  }
0x6a: {  	_ =	shalt  }
0x6b: {  	_ =	shalt  }
0x6c: {  	_ =	shalt  }
0x6d: {  	_ =	shalt  }
0x6e: {  	_ =	shalt  }
0x6f: {  	_ =	shalt  }
0x70: {  	_ =	shalt  }
0x71: {  	_ =	shalt  }
0x72: {  	_ =	shalt  }
0x73: {  	_ =	shalt  }
0x74: {  	_ =	shalt  }
0x75: {  	_ =	shalt  }
0x76: {  	_ =	shalt  }
0x77: {  	_ =	shalt  }
0x78: {  	_ =	shalt  }
0x79: {  	_ =	shalt  }
0x7a: {  	_ =	shalt  }
0x7b: {  	_ =	shalt  }
0x7c: {  	_ =	shalt  }
0x7d: {  	_ =	shalt  }
0x7e: {  	_ =	shalt  }
0x7f: {  	_ =	shalt  }
0x80: {  	_ =	shalt  }
0x81: {  	_ =	shalt  }
0x82: {  	_ =	shalt  }
0x83: {  	_ =	shalt  }
0x84: {  	_ =	shalt  }
0x85: {  	_ =	shalt  }
0x86: {  	_ =	shalt  }
0x87: {  	_ =	shalt  }
.Lfunc_end0:
.L_simem_size_0:
called_computation.2_lowered:
.L_overlay_start_0:
0x88: {  	s2 =	sld [smem:$0x3FD9]  }
0x89: {  	s3 =	sld [smem:$0x3FFE];
	_ =	sdelay $0x1  }
0x8a: {  	s1 =	srdreg.scid  }
0x8b: {  	s0 =	sand.u32 $0x1, s1  }
0x8c: {  	s15 =	sshll.u32 s0, $0xA;
	s2 =	sadd.s32 s3, s2  }
0x8d: {  	s2 =	sadd.s32 s2, s15  }
0x8e: {  	[smem:$0x3FB6] =	sst s2  }
0x8f: {  	_ = 	snop  }
0x90: {  	s2 =	sld [smem:$0x3FD0];
	_ =	sdelay $0x2  }
0x91: {  	s4 =	simm.s32 $0xB;
	s16 =	simm.s32 $0x10  }
0x92: {  	[smem:s16], [sflag:s4] =	dma.local [hbm:s2], $0x1  }
0x93: {  	_ =	swait.eq [sflag:s4], $0x1  }
0x94: {  	[sflag:s4] =	ssyncset.done $0x0  }
0x95: {  	s17 =	sld [smem:$0x10];
	[sflag:s4] =	ssyncadd.s32 $0xFFFFFFFF  }
0x96: {  	s18 =	sld [smem:$0x12];
	(tm) =	ssettm $0x1  }
0x97: {  	s19 =	sld [smem:$0x3FFB];
	_ =	sdelay $0x3  }
0x98: {  	_ =	strace s19  }
0x99: {  	s2 =	sld [smem:$0x3FFC];
	_ =	sdelay $0x3  }
0x9a: {  	_ =	strace s2  }
0x9b: {  	s2 =	sld [smem:$0x3FFD];
	_ =	sdelay $0x3  }
0x9c: {  	_ =	strace s2  }
0x9d: {  	_ =	strace $0x8FFFFFFF  }
0x9e: {  	s20 =	sld [smem:$0x3FDB];
	_ =	sdelay $0x1  }
0x9f: {  	s5 =	simm.s32 $_scs_section_size  }
0xa0: {  	s6 =	simm.s32 $_size__tile_overlayer_lowered;
	s7 =	simm.s32 $_tile_overlayer_lowered  }
0xa1: {  	s8 =	simm.s32 $0x1BFF;
	s21 =	sshll.u32 s7, $0x1;
	s5 =	sadd.s32 s5, s20  }
0xa2: {  	s22 =	simm.s32 $0x0;
	s6 =	sshll.u32 s6, $0x1;
	s7 =	sadd.s32 s21, s5  }
0xa3: {  	[timem:s22], [sflag:s8] =	dma.local [hbm:s7], s6  }
0xa4: {  	_ =	swait.ge [sflag:s8], s6  }
0xa5: {  	s6 =	ssub.s32 $0x0, s6;
	[sflag:s8] =	ssyncset.done $0x0  }
0xa6: {  	[sflag:s8] =	ssyncadd.s32 s6;
	_ =	sdelay $0x1  }
0xa7: {  	s23 =	simm.s32 $0x1B8B  }
0xa8: {  	_ =	swait.ge [sflag:s23], $0x1  }
0xa9: {  	[sflag:s23] =	ssyncset.done $0x0  }
0xaa: {  	[sflag:s23] =	ssyncadd.s32 $0xFFFFFFFF  }
0xab: {  	s6 =	sld [smem:$0x0]  }
0xac: {  	s7 =	sand.u32 $0xFFFFFFFE, s1  }
0xad: {  	p0 =	sne.s32 s1, s7  }
0xae: {  	s7 =	sshll.u32 @p0 s7, $0xE  }
0xaf: {  	s7 =	sadd.s32 @p0 $0x11B8D, s7;
	s8 =	sshll.u32 @p0 s6, $0x11  }
0xb0: {  	s7 =	sor.u32 @p0 s8, s7  }
0xb1: {  	[sflag:s7] =	ssyncadd.remote.s32 @p0 $0x1;
	_ =	sdelay $0x1  }
0xb2: {  	s7 =	simm.s32 @p0 $0x1B8D  }
0xb3: {  	_ =	swait.eq @p0 [sflag:s7], $0x1  }
0xb4: {  	[sflag:s7] =	ssyncadd.s32 @p0 $0xFFFFFFFF  }
0xb5: {  	s8 =	sshll.u32 @!p0 s1, $0xE  }
0xb6: {  	s8 =	sor.u32 @!p0 $0x4000, s8;
	s7 =	simm.s32 @!p0 $0x1B8D  }
0xb7: {  	s6 =	sshll.u32 @!p0 s6, $0x11;
	s8 =	sadd.s32 @!p0 $0x11B8D, s8;
	_ =	swait.eq @!p0 [sflag:s7], $0x1  }
0xb8: {  	s6 =	sor.u32 @!p0 s6, s8;
	[sflag:s7] =	ssyncadd.s32 @!p0 $0xFFFFFFFF  }
0xb9: {  	s25 =	simm.s32 $0x1B8E;
	s24 =	sld [smem:$0x3FFE];
	[sflag:s6] =	ssyncadd.remote.s32 @!p0 $0x1  }
0xba: {  	s26 =	simm.s32 $execute0_lowered;
	[smem:$0x3FD2] =	sst s25  }
0xbb: {  	s7 =	sshll.u32 s26, $0x1;
	_ =	strace $0x8000004F;
	[dreg:$0x1] =	wrdreg $0xFFFFFFFF  }
0xbc: {  	s28 =	simm.s32 $_size_execute0_lowered;
	s5 =	sadd.s32 s5, s7;
	[dreg:$0x0] =	wrdreg $0x0  }
0xbd: {  	s7 =	sshll.u32 s28, $0x1;
	[dreg:$0x2] =	wrdreg s5  }
0xbe: {  	[dreg:$0x3] =	wrdreg s7  }
0xbf: {  	[dreg:$0x4] =	wrdreg $0xC0  }
0xc0: {  	_ =	task [dreg:s22], $0x5FFFF  }
0xc1: {  	[dreg:$0x1] =	wrdreg $0xFFFFFFFF  }
0xc2: {  	[dreg:$0x0] =	wrdreg $0x60  }
0xc3: {  	[dreg:$0x2] =	wrdreg s24  }
0xc4: {  	[dreg:$0x3] =	wrdreg s17  }
0xc5: {  	[dreg:$0x4] =	wrdreg s18  }
0xc6: {  	[dreg:$0x5] =	wrdreg $0x0  }
0xc7: {  	[dreg:$0x6] =	wrdreg $0xA  }
0xc8: {  	_ =	task.clear_ibuf [dreg:s22], $0x7FFFF;
	_ =	strace $0x9000004F  }
0xc9: {  	s29 =	simm.s32 $0xA;
	_ =	strace $0x80000051  }
0xca: {  	_ =	swait.ge [sflag:s29], $0x1  }
0xcb: {  	[sflag:s29] =	ssyncadd.s32 $0xFFFFFFFF  }
0xcc: {  	_ =	strace $0x90000051  }
0xcd: {  	_ =	sfence  }
0xce: {  	s30 =	sld [smem:$0x0];
	_ =	sdelay $0x2  }
0xcf: {  	s31 =	sshll.u32 s1, $0xD;
	s1 =	sshrl.u32 s1, $0x2  }
0xd0: {  	s4 =	sand.u32 $0x4000, s31;
	s1 =	sadd.s32 s1, s30  }
0xd1: {  	s0 =	sor.u32 s4, s0;
	s1 =	sshll.u32 s1, $0x11  }
0xd2: {  	s0 =	sor.u32 s1, s0  }
0xd3: {  	s0 =	sadd.s32 $0x8F2B, s0  }
0xd4: {  	[sflag:s0] =	ssyncadd.remote.s32 $0x1  }
0xd5: {  	_ =	sfence.sel $0xFFFF  }
0xd6: {  	[dreg:$0x0] =	wrdreg $0xFFFFFFFF;
	(pc) =	sbr.abs _section_cstart, $3  }
0xd7: {  	[dreg:$0x1] =	wrdreg $0xFFFFFFFF  }
0xd8: {  	_ =	task.clear_ibuf [dreg:s22], $0x2FFFF;
	_ =	strace $0x9FFFFFFF  }
0xd9: {  	(tm) =	ssettm $0x7FFFFFFF  }
tec
execute0_lowered:
.L_overlay_start_1:
0x0: {  	(tag) =	ssettag $0x1  }
0x1: {  	v0 =	vlaneseq.u32;
	v6 =	vimm.s32 $0x0  }
0x2: {  	s0 =	srdreg.scid;
	v2 =	vor.u32 $0x20, v0;
	v3 =	vor.u32 $0x30, v0;
	v31 =	vor.u32 $0x200, v0  }
0x3: {  	s18 =	sand.u32 $0x1, s0;
	v32 =	vor.u32 $0x210, v0;
	v36 =	vor.u32 $0x220, v0;
	v37 =	vor.u32 $0x230, v0  }
0x4: {  	v38 =	vor.u32 $0x240, v0;
	v42 =	vor.u32 $0x250, v0;
	v43 =	vor.u32 $0x260, v0;
	s0 =	smul.u32 $0x2A00, s18  }
0x5: {  	v44 =	vor.u32 $0x270, v0;
	v48 =	vor.u32 $0x280, v0;
	v49 =	vor.u32 $0x290, v0  }
0x6: {  	v50 =	vor.u32 $0x2A0, v0;
	v54 =	vor.u32 $0x2B0, v0;
	v1 =	vor.u32 s0, v0  }
0x7: {  	v55 =	vor.u32 $0x2C0, v0;
	v56 =	vor.u32 $0x2D0, v0;
	[tilespmem:$0x1FF60] =	vst v1;
	v1 =	vor.u32 $0x10, v0  }
0x8: {  	v57 =	vor.u32 $0x2E0, v0;
	v58 =	vor.u32 $0x2F0, v0;
	v1 =	vor.u32 s0, v1  }
0x9: {  	s1 =	rddreg [dreg:$0x0];
	v63 =	vor.u32 $0x340, v0;
	v34 =	vadd.s32 s0, v31;
	[tilespmem:$0x1FF70] =	vst v1;
	v1 =	vor.u32 s0, v2  }
0xa: {  	s2 =	rddreg [dreg:$0x1];
	v35 =	vadd.s32 s0, v32;
	v39 =	vadd.s32 s0, v36;
	[tilespmem:$0x1FF80] =	vst v1;
	v1 =	vor.u32 s0, v3  }
0xb: {  	s19 =	rddreg [dreg:$0x2];
	v40 =	vadd.s32 s0, v37;
	v41 =	vadd.s32 s0, v38;
	[tilespmem:$0x1FF90] =	vst v1;
	v1 =	vor.u32 $0x40, v0  }
0xc: {  	s23 =	rddreg [dreg:$0x3];
	s3 =	simm.s32 $0x0;
	v45 =	vadd.s32 s0, v42;
	v2 =	vor.u32 $0x50, v0;
	v1 =	vor.u32 s0, v1  }
0xd: {  	s24 =	stileid.u32;
	s28 =	simm.s32 $0x2980;
	s29 =	simm.s32 $0x350;
	v46 =	vadd.s32 s0, v43;
	v3 =	vor.u32 $0x60, v0;
	[tilespmem:$0x1FFA0] =	vst v1;
	v1 =	vor.u32 s0, v2  }
0xe: {  	s30 =	simm.s32 $0x2D00;
	s31 =	simm.s32 $0x1;
	[smem:$0x7FF] =	sst s3;
	v47 =	vadd.s32 s0, v44;
	v51 =	vadd.s32 s0, v48;
	[tilespmem:$0x1FFB0] =	vst v1;
	v1 =	vor.u32 s0, v3  }
0xf: {  	s6 =	sadd.s32 $0x36A00, s1;
	s4 =	smul.u32 $0x6000, s24;
	s17 =	sadd.s32 $0x2CC00, s1;
	v52 =	vadd.s32 s0, v49;
	v53 =	vadd.s32 s0, v50;
	[tilespmem:$0x1FFC0] =	vst v1;
	v1 =	vor.u32 $0x70, v0  }
0x10: {  	s20 =	sadd.s32 $0x14000, s1;
	s3 =	smul.u32 $0x2760, s24;
	s5 =	ssub.s32 $0x2, s18;
	v4 =	vadd.s32 s0, v58;
	v2 =	vor.u32 $0x80, v0;
	v1 =	vor.u32 s0, v1  }
0x11: {  	s9 =	sshll.u32 s24, $0x6;
	s15 =	smul.u32 $0x27600, s18;
	s7 =	sshrl.u32 s5, $0x1;
	v5 =	vadd.s32 s0, v63;
	v3 =	vor.u32 $0x90, v0;
	[tilespmem:$0x1FFD0] =	vst v1;
	v1 =	vor.u32 s0, v2  }
0x12: {  	s8 =	sshrl.u32 s4, $0x2;
	s11 =	sadd.s32 $0x690, s3;
	s12 =	sshrl.u32 s3, $0x3;
	v2 =	vor.u32 $0xB0, v0;
	[tilespmem:$0x1FFE0] =	vst v1;
	v1 =	vor.u32 s0, v3;
	v3 =	vor.u32 $0xC0, v0  }
0x13: {  	s16 =	sadd.s32 $0xD20, s3;
	s26 =	sadd.s32 $0x13B0, s3;
	s4 =	sshll.u32 s24, $0x9;
	v11 =	vor.u32 s0, v2;
	v2 =	vor.u32 $0xE0, v0;
	[tilespmem:$0x1FFF0] =	vst v1;
	v1 =	vor.u32 $0xA0, v0  }
0x14: {  	s21 =	ssub.s32 s5, s7;
	s22 =	sadd.s32 s8, s23;
	s10 =	sadd.s32 s3, s15;
	v12 =	vor.u32 s0, v3;
	v3 =	vor.u32 $0xF0, v0;
	v14 =	vor.u32 s0, v2  }
0x15: {  	s8 =	sadd.s32 s20, s12;
	s14 =	sshrl.u32 s11, $0x3;
	s25 =	sadd.s32 s15, s16;
	v2 =	vor.u32 $0x110, v0;
	v10 =	vor.u32 s0, v1;
	v1 =	vor.u32 $0xD0, v0  }
0x16: {  	s1 =	sshrl.u32 s10, $0x3;
	s10 =	sadd.s32 s20, s14;
	s14 =	sshrl.u32 s26, $0x3;
	v15 =	vor.u32 s0, v3;
	v3 =	vor.u32 $0x120, v0;
	v17 =	vor.u32 s0, v2  }
0x17: {  	_ =	strace $0x80000050;
	[dreg:$0x5] =	wrdreg s6;
	v2 =	vor.u32 $0x140, v0;
	s6 =	smul.u32 $0x300, s24;
	v13 =	vor.u32 s0, v1;
	v1 =	vor.u32 $0x100, v0  }
0x18: {  	s7 =	sadd.s32 s17, s1;
	s1 =	sshrl.u32 s25, $0x3;
	s14 =	sadd.s32 s20, s14;
	v18 =	vor.u32 s0, v3;
	v3 =	vor.u32 $0x150, v0;
	v20 =	vor.u32 s0, v2  }
0x19: {  	s24 =	sshll.u32 s24, $0xC;
	v2 =	vor.u32 $0x170, v0;
	v16 =	vor.u32 s0, v1;
	v1 =	vor.u32 $0x130, v0;
	s5 =	sadd.s32 s2, s6;
	s6 =	sor.u32 $0x1C02, s9  }
0x1a: {  	v21 =	vor.u32 s0, v3;
	v3 =	vor.u32 $0x180, v0;
	v23 =	vor.u32 s0, v2;
	s9 =	sadd.s32 s15, s11;
	s2 =	sshrl.u32 s16, $0x3;
	s11 =	sadd.s32 s17, s1  }
0x1b: {  	v2 =	vor.u32 $0x1A0, v0;
	s16 =	sadd.s32 $0x1A40, s3;
	s3 =	sadd.s32 $0x20D0, s3;
	v19 =	vor.u32 s0, v1;
	v1 =	vor.u32 $0x160, v0;
	s13 =	sshrl.u32 s9, $0x3  }
0x1c: {  	v24 =	vor.u32 s0, v3;
	v3 =	vor.u32 $0x1B0, v0;
	v26 =	vor.u32 s0, v2;
	s12 =	sadd.s32 s20, s2;
	s25 =	sadd.s32 s15, s16;
	s2 =	sshrl.u32 s16, $0x3  }
0x1d: {  	v2 =	vor.u32 $0x1D0, v0;
	v22 =	vor.u32 s0, v1;
	v1 =	vor.u32 $0x190, v0;
	s9 =	sadd.s32 s17, s13;
	s13 =	sadd.s32 s15, s26;
	s1 =	sshrl.u32 s25, $0x3  }
0x1e: {  	v27 =	vor.u32 s0, v3;
	v3 =	vor.u32 $0x1E0, v0;
	v29 =	vor.u32 s0, v2;
	s26 =	sadd.s32 s15, s3;
	s16 =	sadd.s32 s20, s2;
	s3 =	sshrl.u32 s3, $0x3  }
0x1f: {  	s25 =	sshll.u32 s18, $0xD;
	v2 =	vor.u32 $0x320, v0;
	v25 =	vor.u32 s0, v1;
	v1 =	vor.u32 $0x1C0, v0;
	s13 =	sshrl.u32 s13, $0x3;
	s15 =	sadd.s32 s17, s1  }
0x20: {  	v30 =	vor.u32 s0, v3;
	s2 =	sshrl.u32 s26, $0x3;
	s18 =	sadd.s32 s20, s3;
	s26 =	sadd.s32 s24, s23;
	v28 =	vor.u32 s0, v1;
	v1 =	vor.u32 $0x1F0, v0  }
0x21: {  	v61 =	vadd.s32 s0, v2;
	s20 =	smax.u32 s21, $0x1;
	s21 =	sshrl.u32 s22, $0x3;
	s22 =	simm.s32 $0x2;
	v33 =	vor.u32 s0, v1;
	v1 =	vor.u32 $0x300, v0  }
0x22: {  	s23 =	simm.s32 $0x1800;
	v2 =	vadd.s32 s0, v56;
	s13 =	sadd.s32 s17, s13;
	s17 =	sadd.s32 s17, s2;
	v59 =	vadd.s32 s0, v1;
	v1 =	vor.u32 $0x310, v0  }
0x23: {  	v3 =	vadd.s32 s0, v57;
	s2 =	sadd.s32 s19, s4;
	s24 =	sshrl.u32 s26, $0x3;
	s26 =	simm.s32 $0x2600;
	v60 =	vadd.s32 s0, v1;
	v1 =	vor.u32 $0x330, v0  }
0x24: {  	s19 =	sadd.s32 s25, s2;
	s25 =	simm.s32 $0x1F00;
	v0 =	vadd.s32 s0, v54;
	v62 =	vadd.s32 s0, v1;
	v1 =	vadd.s32 s0, v55;
	s0 =	simm.s32 $0x0  }
.LBB2_1:
0x25: {  	[tilespmem:$0x2980] =	vst v31  }
0x26: {  	[tilespmem:$0x2990] =	vst v32  }
0x27: {  	[tilespmem:$0x29A0] =	vst v36  }
0x28: {  	[tilespmem:$0x29B0] =	vst v37  }
0x29: {  	[tilespmem:$0x29C0] =	vst v38  }
0x2a: {  	[tilespmem:$0x29D0] =	vst v42  }
0x2b: {  	[tilespmem:$0x29E0] =	vst v43  }
0x2c: {  	[tilespmem:$0x29F0] =	vst v44  }
0x2d: {  	[tilespmem:$0x2A00] =	vst v48  }
0x2e: {  	[tilespmem:$0x2A10] =	vst v49  }
0x2f: {  	[tilespmem:$0x26A0] =	vst v10  }
0x30: {  	[tilespmem:$0x2A20] =	vst v50  }
0x31: {  	[tilespmem:$0x26B0] =	vst v11  }
0x32: {  	[tilespmem:$0x2A30] =	vst v54  }
0x33: {  	[tilespmem:$0x26C0] =	vst v12  }
0x34: {  	[tilespmem:$0x2A40] =	vst v55  }
0x35: {  	[tilespmem:$0x26D0] =	vst v13  }
0x36: {  	[tilespmem:$0x2A50] =	vst v56  }
0x37: {  	[tilespmem:$0x26E0] =	vst v14  }
0x38: {  	[tilespmem:$0x2A60] =	vst v57  }
0x39: {  	[tilespmem:$0x26F0] =	vst v15  }
0x3a: {  	[tilespmem:$0x2A70] =	vst v58  }
0x3b: {  	[tilespmem:$0x2700] =	vst v16  }
0x3c: {  	[tilespmem:$0x2A80] =	vst v31  }
0x3d: {  	[tilespmem:$0x2710] =	vst v17  }
0x3e: {  	[tilespmem:$0x2A90] =	vst v32  }
0x3f: {  	[tilespmem:$0x2720] =	vst v18  }
0x40: {  	[tilespmem:$0x2AA0] =	vst v36  }
0x41: {  	[tilespmem:$0x2730] =	vst v19  }
0x42: {  	[tilespmem:$0x2AB0] =	vst v37  }
0x43: {  	[tilespmem:$0x2740] =	vst v20  }
0x44: {  	[tilespmem:$0x2AC0] =	vst v38  }
0x45: {  	[tilespmem:$0x2750] =	vst v21  }
0x46: {  	[tilespmem:$0x2AD0] =	vst v42  }
0x47: {  	[tilespmem:$0x2760] =	vst v22  }
0x48: {  	[tilespmem:$0x2AE0] =	vst v43  }
0x49: {  	[tilespmem:$0x2770] =	vst v23  }
0x4a: {  	[tilespmem:$0x2AF0] =	vst v44  }
0x4b: {  	[tilespmem:$0x2780] =	vst v24  }
0x4c: {  	[tilespmem:$0x2B00] =	vst v48  }
0x4d: {  	[tilespmem:$0x2790] =	vst v25  }
0x4e: {  	[tilespmem:$0x2B10] =	vst v49  }
0x4f: {  	[tilespmem:$0x27A0] =	vst v26  }
0x50: {  	[tilespmem:$0x2B20] =	vst v50  }
0x51: {  	[tilespmem:$0x27B0] =	vst v27  }
0x52: {  	[tilespmem:$0x2B30] =	vst v54  }
0x53: {  	[tilespmem:$0x27C0] =	vst v28  }
0x54: {  	[tilespmem:$0x2B40] =	vst v55  }
0x55: {  	[tilespmem:$0x27D0] =	vst v29  }
0x56: {  	[tilespmem:$0x2B50] =	vst v56  }
0x57: {  	[tilespmem:$0x27E0] =	vst v30  }
0x58: {  	[tilespmem:$0x2B60] =	vst v57  }
0x59: {  	[tilespmem:$0x27F0] =	vst v33  }
0x5a: {  	[tilespmem:$0x2B70] =	vst v58  }
0x5b: {  	[tilespmem:$0x2800] =	vst v34  }
0x5c: {  	v7 =	vld [tilespmem:$0x1FF60];
	[tilespmem:$0x2B80] =	vst v31  }
0x5d: {  	[tilespmem:$0x2810] =	vst v35  }
0x5e: {  	[tilespmem:$0x2B90] =	vst v32  }
0x5f: {  	[tilespmem:$0x2820] =	vst v39  }
0x60: {  	[tilespmem:$0x2BA0] =	vst v36  }
0x61: {  	[tilespmem:$0x2600] =	vst v7;
	v7 =	vld [tilespmem:$0x1FF70]  }
0x62: {  	[tilespmem:$0x2830] =	vst v40  }
0x63: {  	[tilespmem:$0x2BB0] =	vst v37  }
0x64: {  	[tilespmem:$0x2840] =	vst v41  }
0x65: {  	[tilespmem:$0x2BC0] =	vst v38  }
0x66: {  	[tilespmem:$0x2610] =	vst v7;
	v7 =	vld [tilespmem:$0x1FF80]  }
0x67: {  	[tilespmem:$0x2850] =	vst v45  }
0x68: {  	[tilespmem:$0x2BD0] =	vst v42  }
0x69: {  	[tilespmem:$0x2860] =	vst v46  }
0x6a: {  	[tilespmem:$0x2BE0] =	vst v43  }
0x6b: {  	[tilespmem:$0x2620] =	vst v7;
	v7 =	vld [tilespmem:$0x1FF90]  }
0x6c: {  	[tilespmem:$0x2870] =	vst v47  }
0x6d: {  	[tilespmem:$0x2BF0] =	vst v44  }
0x6e: {  	[tilespmem:$0x2880] =	vst v51  }
0x6f: {  	[tilespmem:$0x2C00] =	vst v48  }
0x70: {  	[tilespmem:$0x2630] =	vst v7;
	v7 =	vld [tilespmem:$0x1FFA0]  }
0x71: {  	[tilespmem:$0x2890] =	vst v52  }
0x72: {  	[tilespmem:$0x2C10] =	vst v49  }
0x73: {  	[tilespmem:$0x28A0] =	vst v53  }
0x74: {  	[tilespmem:$0x2C20] =	vst v50  }
0x75: {  	[tilespmem:$0x2640] =	vst v7;
	v7 =	vld [tilespmem:$0x1FFB0]  }
0x76: {  	[tilespmem:$0x28B0] =	vst v0  }
0x77: {  	[tilespmem:$0x2C30] =	vst v54  }
0x78: {  	[tilespmem:$0x28C0] =	vst v1  }
0x79: {  	[tilespmem:$0x2C40] =	vst v55  }
0x7a: {  	[tilespmem:$0x2650] =	vst v7;
	v7 =	vld [tilespmem:$0x1FFC0]  }
0x7b: {  	[tilespmem:$0x28D0] =	vst v2  }
0x7c: {  	[tilespmem:$0x2C50] =	vst v56  }
0x7d: {  	[tilespmem:$0x28E0] =	vst v3  }
0x7e: {  	[tilespmem:$0x2C60] =	vst v57  }
0x7f: {  	[tilespmem:$0x2660] =	vst v7;
	v7 =	vld [tilespmem:$0x1FFD0]  }
0x80: {  	[tilespmem:$0x28F0] =	vst v4  }
0x81: {  	[tilespmem:$0x2C70] =	vst v58  }
0x82: {  	[tilespmem:$0x2900] =	vst v59  }
0x83: {  	[tilespmem:$0x2C80] =	vst v31  }
0x84: {  	[tilespmem:$0x2670] =	vst v7;
	v7 =	vld [tilespmem:$0x1FFE0]  }
0x85: {  	[tilespmem:$0x2910] =	vst v60  }
0x86: {  	[tilespmem:$0x2C90] =	vst v32  }
0x87: {  	[tilespmem:$0x2920] =	vst v61  }
0x88: {  	[tilespmem:$0x2CA0] =	vst v36  }
0x89: {  	[tilespmem:$0x2680] =	vst v7;
	v7 =	vld [tilespmem:$0x1FFF0]  }
0x8a: {  	[tilespmem:$0x2930] =	vst v62  }
0x8b: {  	[tilespmem:$0x2CB0] =	vst v37  }
0x8c: {  	[tilespmem:$0x2940] =	vst v5  }
0x8d: {  	[tilespmem:$0x2CC0] =	vst v38  }
0x8e: {  	[tilespmem:$0x2690] =	vst v7  }
0x8f: {  	[spmem:s21], [sflag:s6] =	dma.local [hbm:s5], $0x300  }
0x90: {  	_ =	swait.ge [sflag:s22], $0x300  }
0x91: {  	[sflag:s22] =	ssyncset.done $0x0  }
0x92: {  	[sflag:s22] =	ssyncadd.s32 $0xFFFFFD00  }
0x93: {  	s1 =	simm.s32 $0x0;
	[bflag:$0x0] =	sbarrier.arrive $0xFFFF  }
0x94: {  	[tilespmem:s23], [sflag:$0x2] =	stream.linear.gather [hbm4b:s7+s1], $0x690, $0x38;
	[tilespmem:$0x1D500] =	vst v63  }
0x95: {  	_ =	swait.ge [sflag:s22], $0x690  }
0x96: {  	[sflag:s22] =	ssyncset.done $0x0  }
0x97: {  	[sflag:s22] =	ssyncadd.s32 $0xFFFFF970  }
0x98: {  	[tilespmem:s25], [sflag:$0x2] =	stream.linear.gather [hbm4b:s8+s1], $0x690, $0x38;
	[tilespmem:$0x1D500] =	vst v63  }
0x99: {  	_ =	swait.ge [sflag:s22], $0x690  }
0x9a: {  	[sflag:s22] =	ssyncset.done $0x0  }
0x9b: {  	s4 =	simm.s32 $0x0;
	[sflag:s22] =	ssyncadd.s32 $0xFFFFF970  }
0x9c: {  	v7 =	vld [tilespmem:s4+$0x1F00];
	_ =	sdelay $0x4  }
0x9d: {  	vm0 =	vgt.s32 v7, $0x270F  }
0x9e: {  	v8 =	vsel vm0, $0x1, v6  }
0x9f: {  	(xrf0) =	vadd.scan.msk.s32 $0xffff, v8;
	_ =	sdelay $0x3  }
0xa0: {  	p0 =	por $0x1, $0x1;
	s3 =	simm.s32 $0x0  }
0xa1: {  	s3 =	simm.s32 @!p0 $0x330;
	v8 =	vsel vm0, $0xFFFFFFFF, v6  }
0xa2: {  	v8 =	vadd.s32 s3, v8;
	v9, _, _ =	vpop (xrf0)  }
0xa3: {  	v8 =	vadd.s32 v9, v8;
	(v2sf) =	vpush v9, $0xF  }
0xa4: {  	v9 =	vld [tilespmem:s4+$0x1800];
	v8 =	vsel vm0, v8, v63;
	_ =	sdelay $0x3  }
0xa5: {  	v7 =	vadd.s32 $0xFFFFD8F0, v7  }
0xa6: {  	v7 =	vnsel vm0, $0x200, v7;
	[tilespmem:v8+s26+$0x0] =	vst.idx.msk $0xffff, v9  }
0xa7: {  	s1 =	simm.s32 $0x10;
	[tilespmem:v8+s28+$0x0] =	vst.idx.msk $0xffff, v7  }
0xa8: {  	v7 =	vld [tilespmem:s1+$0x1F00];
	_ =	sdelay $0x4  }
0xa9: {  	vm0 =	vgt.s32 v7, $0x270F  }
0xaa: {  	v7 =	vadd.s32 $0xFFFFD8F0, v7;
	v8 =	vsel vm0, $0x1, v6  }
0xab: {  	s2 =	simm.s32 $0x80;
	v7 =	vnsel vm0, $0x200, v7;
	(xrf0) =	vadd.scan.msk.s32 $0xffff, v8;
	s4 =	spop (v2sf)  }
.LBB2_2:
0xac: {  	p0 =	sne.s32 s2, $0x1A00  }
0xad: {  	s3 =	sadd.s32 s3, s4;
	s4 =	smov.u32 s2;
	s2 =	sadd.s32 $0x40, s2  }
0xae: {  	p1 =	slt.s32 s3, $0x330;
	_ =	sdelay $0x2  }
0xaf: {  	v8 =	vsel vm0, $0xFFFFFFFF, v6;
	s3 =	simm.s32 @!p1 $0x330  }
0xb0: {  	v8 =	vadd.s32 s3, v8;
	v9, _, _ =	vpop (xrf0)  }
0xb1: {  	v8 =	vadd.s32 v9, v8;
	(v2sf) =	vpush v9, $0xF  }
0xb2: {  	v8 =	vsel vm0, v8, v63;
	v9 =	vld [tilespmem:s1+$0x1800];
	_ =	sdelay $0x4  }
0xb3: {  	[tilespmem:v8+s26+$0x0] =	vst.idx.msk $0xffff, v9  }
0xb4: {  	s1 =	sshra.s32 s4, $0x2;
	[tilespmem:v8+s28+$0x0] =	vst.idx.msk $0xffff, v7  }
0xb5: {  	v7 =	vld [tilespmem:s1+$0x1F00];
	_ =	sdelay $0x2  }
.Ltmp0:
0xb6: {  	(pc) =	sbr.rel @p0 .LBB2_2-.Ltmp0, $4  }
0xb7: {  	_ = 	snop  }
0xb8: {  	vm0 =	vgt.s32 v7, $0x270F;
	v7 =	vadd.s32 $0xFFFFD8F0, v7  }
0xb9: {  	v8 =	vsel vm0, $0x1, v6;
	v7 =	vnsel vm0, $0x200, v7  }
0xba: {  	(xrf0) =	vadd.scan.msk.s32 $0xffff, v8;
	s4 =	spop (v2sf)  }
0xbb: {  	_ =	sdelay $0x4  }
0xbc: {  	v8, _, _ =	vpop (xrf0)  }
0xbd: {  	(v2sf) =	vpush v8, $0xF;
	_ =	sdelay $0x1  }
0xbe: {  	s2 =	sadd.s32 s3, s4  }
0xbf: {  	p0 =	slt.s32 s2, $0x330  }
0xc0: {  	v9 =	vsel vm0, $0xFFFFFFFF, v6;
	s2 =	simm.s32 @!p0 $0x330  }
0xc1: {  	v9 =	vadd.s32 s2, v9  }
0xc2: {  	v8 =	vadd.s32 v8, v9  }
0xc3: {  	v9 =	vld [tilespmem:s1+$0x1800];
	v8 =	vsel vm0, v8, v63;
	_ =	sdelay $0x4  }
0xc4: {  	[tilespmem:v8+s26+$0x0] =	vst.idx.msk $0xffff, v9  }
0xc5: {  	s4 =	simm.s32 $0x0;
	[tilespmem:v8+s28+$0x0] =	vst.idx.msk $0xffff, v7  }
0xc6: {  	[tilespmem:s23], [sflag:$0x2] =	stream.linear.gather [hbm4b:s9+s4], $0x690, $0x38;
	[tilespmem:$0x1D500] =	vst v63  }
0xc7: {  	s1 =	spop (v2sf)  }
0xc8: {  	_ =	swait.ge [sflag:s22], $0x690  }
0xc9: {  	[sflag:s22] =	ssyncset.done $0x0  }
0xca: {  	[sflag:s22] =	ssyncadd.s32 $0xFFFFF970  }
0xcb: {  	[tilespmem:s25], [sflag:$0x2] =	stream.linear.gather [hbm4b:s10+s4], $0x690, $0x38;
	[tilespmem:$0x1D500] =	vst v63  }
0xcc: {  	_ =	swait.ge [sflag:s22], $0x690  }
0xcd: {  	[sflag:s22] =	ssyncset.done $0x0  }
0xce: {  	s4 =	simm.s32 $0x0;
	[sflag:s22] =	ssyncadd.s32 $0xFFFFF970  }
0xcf: {  	v7 =	vld [tilespmem:s4+$0x1F00];
	_ =	sdelay $0x4  }
0xd0: {  	vm0 =	vgt.s32 v7, $0x270F  }
0xd1: {  	v8 =	vsel vm0, $0x1, v6  }
0xd2: {  	(xrf0) =	vadd.scan.msk.s32 $0xffff, v8;
	_ =	sdelay $0x2  }
0xd3: {  	s3 =	sadd.s32 s2, s1  }
0xd4: {  	p0 =	slt.s32 s3, $0x330  }
0xd5: {  	s3 =	simm.s32 @!p0 $0x330;
	v8 =	vsel vm0, $0xFFFFFFFF, v6  }
0xd6: {  	v8 =	vadd.s32 s3, v8;
	v9, _, _ =	vpop (xrf0)  }
0xd7: {  	v8 =	vadd.s32 v9, v8;
	(v2sf) =	vpush v9, $0xF  }
0xd8: {  	v9 =	vld [tilespmem:s4+$0x1800];
	v8 =	vsel vm0, v8, v63;
	_ =	sdelay $0x3  }
0xd9: {  	v7 =	vadd.s32 $0xFFFFD8F0, v7  }
0xda: {  	v7 =	vnsel vm0, $0x200, v7;
	[tilespmem:v8+s26+$0x0] =	vst.idx.msk $0xffff, v9  }
0xdb: {  	s1 =	simm.s32 $0x10;
	[tilespmem:v8+s28+$0x0] =	vst.idx.msk $0xffff, v7  }
0xdc: {  	v7 =	vld [tilespmem:s1+$0x1F00];
	_ =	sdelay $0x4  }
0xdd: {  	vm0 =	vgt.s32 v7, $0x270F  }
0xde: {  	v7 =	vadd.s32 $0xFFFFD8F0, v7;
	v8 =	vsel vm0, $0x1, v6  }
0xdf: {  	s2 =	simm.s32 $0x80;
	v7 =	vnsel vm0, $0x200, v7;
	(xrf0) =	vadd.scan.msk.s32 $0xffff, v8;
	s4 =	spop (v2sf)  }
.LBB2_4:
0xe0: {  	p0 =	sne.s32 s2, $0x1A00  }
0xe1: {  	s3 =	sadd.s32 s3, s4;
	s4 =	smov.u32 s2;
	s2 =	sadd.s32 $0x40, s2  }
0xe2: {  	p1 =	slt.s32 s3, $0x330;
	_ =	sdelay $0x2  }
0xe3: {  	v8 =	vsel vm0, $0xFFFFFFFF, v6;
	s3 =	simm.s32 @!p1 $0x330  }
0xe4: {  	v8 =	vadd.s32 s3, v8;
	v9, _, _ =	vpop (xrf0)  }
0xe5: {  	v8 =	vadd.s32 v9, v8;
	(v2sf) =	vpush v9, $0xF  }
0xe6: {  	v8 =	vsel vm0, v8, v63;
	v9 =	vld [tilespmem:s1+$0x1800];
	_ =	sdelay $0x4  }
0xe7: {  	[tilespmem:v8+s26+$0x0] =	vst.idx.msk $0xffff, v9  }
0xe8: {  	s1 =	sshra.s32 s4, $0x2;
	[tilespmem:v8+s28+$0x0] =	vst.idx.msk $0xffff, v7  }
0xe9: {  	v7 =	vld [tilespmem:s1+$0x1F00];
	_ =	sdelay $0x2  }
.Ltmp1:
0xea: {  	(pc) =	sbr.rel @p0 .LBB2_4-.Ltmp1, $4  }
0xeb: {  	_ = 	snop  }
0xec: {  	vm0 =	vgt.s32 v7, $0x270F;
	v7 =	vadd.s32 $0xFFFFD8F0, v7  }
0xed: {  	v8 =	vsel vm0, $0x1, v6;
	v7 =	vnsel vm0, $0x200, v7  }
0xee: {  	(xrf0) =	vadd.scan.msk.s32 $0xffff, v8;
	s4 =	spop (v2sf)  }
0xef: {  	_ =	sdelay $0x4  }
0xf0: {  	v8, _, _ =	vpop (xrf0)  }
0xf1: {  	(v2sf) =	vpush v8, $0xF;
	_ =	sdelay $0x1  }
0xf2: {  	s2 =	sadd.s32 s3, s4  }
0xf3: {  	p0 =	slt.s32 s2, $0x330  }
0xf4: {  	v9 =	vsel vm0, $0xFFFFFFFF, v6;
	s2 =	simm.s32 @!p0 $0x330  }
0xf5: {  	v9 =	vadd.s32 s2, v9  }
0xf6: {  	v8 =	vadd.s32 v8, v9  }
0xf7: {  	v9 =	vld [tilespmem:s1+$0x1800];
	v8 =	vsel vm0, v8, v63;
	_ =	sdelay $0x4  }
0xf8: {  	[tilespmem:v8+s26+$0x0] =	vst.idx.msk $0xffff, v9  }
0xf9: {  	s4 =	simm.s32 $0x0;
	[tilespmem:v8+s28+$0x0] =	vst.idx.msk $0xffff, v7  }
0xfa: {  	[tilespmem:s23], [sflag:$0x2] =	stream.linear.gather [hbm4b:s11+s4], $0x690, $0x38;
	[tilespmem:$0x1D500] =	vst v63  }
0xfb: {  	s1 =	spop (v2sf)  }
0xfc: {  	_ =	swait.ge [sflag:s22], $0x690  }
0xfd: {  	[sflag:s22] =	ssyncset.done $0x0  }
0xfe: {  	[sflag:s22] =	ssyncadd.s32 $0xFFFFF970  }
0xff: {  	[tilespmem:s25], [sflag:$0x2] =	stream.linear.gather [hbm4b:s12+s4], $0x690, $0x38;
	[tilespmem:$0x1D500] =	vst v63  }
0x100: {  	_ =	swait.ge [sflag:s22], $0x690  }
0x101: {  	[sflag:s22] =	ssyncset.done $0x0  }
0x102: {  	s4 =	simm.s32 $0x0;
	[sflag:s22] =	ssyncadd.s32 $0xFFFFF970  }
0x103: {  	v7 =	vld [tilespmem:s4+$0x1F00];
	_ =	sdelay $0x4  }
0x104: {  	vm0 =	vgt.s32 v7, $0x270F  }
0x105: {  	v8 =	vsel vm0, $0x1, v6  }
0x106: {  	(xrf0) =	vadd.scan.msk.s32 $0xffff, v8;
	_ =	sdelay $0x2  }
0x107: {  	s3 =	sadd.s32 s2, s1  }
0x108: {  	p0 =	slt.s32 s3, $0x330  }
0x109: {  	s3 =	simm.s32 @!p0 $0x330;
	v8 =	vsel vm0, $0xFFFFFFFF, v6  }
0x10a: {  	v8 =	vadd.s32 s3, v8;
	v9, _, _ =	vpop (xrf0)  }
0x10b: {  	v8 =	vadd.s32 v9, v8;
	(v2sf) =	vpush v9, $0xF  }
0x10c: {  	v9 =	vld [tilespmem:s4+$0x1800];
	v8 =	vsel vm0, v8, v63;
	_ =	sdelay $0x3  }
0x10d: {  	v7 =	vadd.s32 $0xFFFFD8F0, v7  }
0x10e: {  	v7 =	vnsel vm0, $0x200, v7;
	[tilespmem:v8+s26+$0x0] =	vst.idx.msk $0xffff, v9  }
0x10f: {  	s1 =	simm.s32 $0x10;
	[tilespmem:v8+s28+$0x0] =	vst.idx.msk $0xffff, v7  }
0x110: {  	v7 =	vld [tilespmem:s1+$0x1F00];
	_ =	sdelay $0x4  }
0x111: {  	vm0 =	vgt.s32 v7, $0x270F  }
0x112: {  	v7 =	vadd.s32 $0xFFFFD8F0, v7;
	v8 =	vsel vm0, $0x1, v6  }
0x113: {  	s2 =	simm.s32 $0x80;
	v7 =	vnsel vm0, $0x200, v7;
	(xrf0) =	vadd.scan.msk.s32 $0xffff, v8;
	s4 =	spop (v2sf)  }
.LBB2_6:
0x114: {  	p0 =	sne.s32 s2, $0x1A00  }
0x115: {  	s3 =	sadd.s32 s3, s4;
	s4 =	smov.u32 s2;
	s2 =	sadd.s32 $0x40, s2  }
0x116: {  	p1 =	slt.s32 s3, $0x330;
	_ =	sdelay $0x2  }
0x117: {  	v8 =	vsel vm0, $0xFFFFFFFF, v6;
	s3 =	simm.s32 @!p1 $0x330  }
0x118: {  	v8 =	vadd.s32 s3, v8;
	v9, _, _ =	vpop (xrf0)  }
0x119: {  	v8 =	vadd.s32 v9, v8;
	(v2sf) =	vpush v9, $0xF  }
0x11a: {  	v8 =	vsel vm0, v8, v63;
	v9 =	vld [tilespmem:s1+$0x1800];
	_ =	sdelay $0x4  }
0x11b: {  	[tilespmem:v8+s26+$0x0] =	vst.idx.msk $0xffff, v9  }
0x11c: {  	s1 =	sshra.s32 s4, $0x2;
	[tilespmem:v8+s28+$0x0] =	vst.idx.msk $0xffff, v7  }
0x11d: {  	v7 =	vld [tilespmem:s1+$0x1F00];
	_ =	sdelay $0x2  }
.Ltmp2:
0x11e: {  	(pc) =	sbr.rel @p0 .LBB2_6-.Ltmp2, $4  }
0x11f: {  	_ = 	snop  }
0x120: {  	vm0 =	vgt.s32 v7, $0x270F;
	v7 =	vadd.s32 $0xFFFFD8F0, v7  }
0x121: {  	v8 =	vsel vm0, $0x1, v6;
	v7 =	vnsel vm0, $0x200, v7  }
0x122: {  	(xrf0) =	vadd.scan.msk.s32 $0xffff, v8;
	s4 =	spop (v2sf)  }
0x123: {  	_ =	sdelay $0x4  }
0x124: {  	v8, _, _ =	vpop (xrf0)  }
0x125: {  	(v2sf) =	vpush v8, $0xF;
	_ =	sdelay $0x1  }
0x126: {  	s2 =	sadd.s32 s3, s4  }
0x127: {  	p0 =	slt.s32 s2, $0x330  }
0x128: {  	v9 =	vsel vm0, $0xFFFFFFFF, v6;
	s2 =	simm.s32 @!p0 $0x330  }
0x129: {  	v9 =	vadd.s32 s2, v9  }
0x12a: {  	v8 =	vadd.s32 v8, v9  }
0x12b: {  	v9 =	vld [tilespmem:s1+$0x1800];
	v8 =	vsel vm0, v8, v63;
	_ =	sdelay $0x4  }
0x12c: {  	[tilespmem:v8+s26+$0x0] =	vst.idx.msk $0xffff, v9  }
0x12d: {  	s4 =	simm.s32 $0x0;
	[tilespmem:v8+s28+$0x0] =	vst.idx.msk $0xffff, v7  }
0x12e: {  	[tilespmem:s23], [sflag:$0x2] =	stream.linear.gather [hbm4b:s13+s4], $0x690, $0x38;
	[tilespmem:$0x1D500] =	vst v63  }
0x12f: {  	s1 =	spop (v2sf)  }
0x130: {  	_ =	swait.ge [sflag:s22], $0x690  }
0x131: {  	[sflag:s22] =	ssyncset.done $0x0  }
0x132: {  	[sflag:s22] =	ssyncadd.s32 $0xFFFFF970  }
0x133: {  	[tilespmem:s25], [sflag:$0x2] =	stream.linear.gather [hbm4b:s14+s4], $0x690, $0x38;
	[tilespmem:$0x1D500] =	vst v63  }
0x134: {  	_ =	swait.ge [sflag:s22], $0x690  }
0x135: {  	[sflag:s22] =	ssyncset.done $0x0  }
0x136: {  	s4 =	simm.s32 $0x0;
	[sflag:s22] =	ssyncadd.s32 $0xFFFFF970  }
0x137: {  	v7 =	vld [tilespmem:s4+$0x1F00];
	_ =	sdelay $0x4  }
0x138: {  	vm0 =	vgt.s32 v7, $0x270F  }
0x139: {  	v8 =	vsel vm0, $0x1, v6  }
0x13a: {  	(xrf0) =	vadd.scan.msk.s32 $0xffff, v8;
	_ =	sdelay $0x2  }
0x13b: {  	s3 =	sadd.s32 s2, s1  }
0x13c: {  	p0 =	slt.s32 s3, $0x330  }
0x13d: {  	s3 =	simm.s32 @!p0 $0x330;
	v8 =	vsel vm0, $0xFFFFFFFF, v6  }
0x13e: {  	v8 =	vadd.s32 s3, v8;
	v9, _, _ =	vpop (xrf0)  }
0x13f: {  	v8 =	vadd.s32 v9, v8;
	(v2sf) =	vpush v9, $0xF  }
0x140: {  	v9 =	vld [tilespmem:s4+$0x1800];
	v8 =	vsel vm0, v8, v63;
	_ =	sdelay $0x3  }
0x141: {  	v7 =	vadd.s32 $0xFFFFD8F0, v7  }
0x142: {  	v7 =	vnsel vm0, $0x200, v7;
	[tilespmem:v8+s26+$0x0] =	vst.idx.msk $0xffff, v9  }
0x143: {  	s1 =	simm.s32 $0x10;
	[tilespmem:v8+s28+$0x0] =	vst.idx.msk $0xffff, v7  }
0x144: {  	v7 =	vld [tilespmem:s1+$0x1F00];
	_ =	sdelay $0x4  }
0x145: {  	vm0 =	vgt.s32 v7, $0x270F  }
0x146: {  	v7 =	vadd.s32 $0xFFFFD8F0, v7;
	v8 =	vsel vm0, $0x1, v6  }
0x147: {  	s2 =	simm.s32 $0x80;
	v7 =	vnsel vm0, $0x200, v7;
	(xrf0) =	vadd.scan.msk.s32 $0xffff, v8;
	s4 =	spop (v2sf)  }
.LBB2_8:
0x148: {  	p0 =	sne.s32 s2, $0x1A00  }
0x149: {  	s3 =	sadd.s32 s3, s4;
	s4 =	smov.u32 s2;
	s2 =	sadd.s32 $0x40, s2  }
0x14a: {  	p1 =	slt.s32 s3, $0x330;
	_ =	sdelay $0x2  }
0x14b: {  	v8 =	vsel vm0, $0xFFFFFFFF, v6;
	s3 =	simm.s32 @!p1 $0x330  }
0x14c: {  	v8 =	vadd.s32 s3, v8;
	v9, _, _ =	vpop (xrf0)  }
0x14d: {  	v8 =	vadd.s32 v9, v8;
	(v2sf) =	vpush v9, $0xF  }
0x14e: {  	v8 =	vsel vm0, v8, v63;
	v9 =	vld [tilespmem:s1+$0x1800];
	_ =	sdelay $0x4  }
0x14f: {  	[tilespmem:v8+s26+$0x0] =	vst.idx.msk $0xffff, v9  }
0x150: {  	s1 =	sshra.s32 s4, $0x2;
	[tilespmem:v8+s28+$0x0] =	vst.idx.msk $0xffff, v7  }
0x151: {  	v7 =	vld [tilespmem:s1+$0x1F00];
	_ =	sdelay $0x2  }
.Ltmp3:
0x152: {  	(pc) =	sbr.rel @p0 .LBB2_8-.Ltmp3, $4  }
0x153: {  	_ = 	snop  }
0x154: {  	vm0 =	vgt.s32 v7, $0x270F;
	v7 =	vadd.s32 $0xFFFFD8F0, v7  }
0x155: {  	v8 =	vsel vm0, $0x1, v6;
	v7 =	vnsel vm0, $0x200, v7  }
0x156: {  	(xrf0) =	vadd.scan.msk.s32 $0xffff, v8;
	s4 =	spop (v2sf)  }
0x157: {  	_ =	sdelay $0x4  }
0x158: {  	v8, _, _ =	vpop (xrf0)  }
0x159: {  	(v2sf) =	vpush v8, $0xF;
	_ =	sdelay $0x1  }
0x15a: {  	s2 =	sadd.s32 s3, s4  }
0x15b: {  	p0 =	slt.s32 s2, $0x330  }
0x15c: {  	v9 =	vsel vm0, $0xFFFFFFFF, v6;
	s2 =	simm.s32 @!p0 $0x330  }
0x15d: {  	v9 =	vadd.s32 s2, v9  }
0x15e: {  	v8 =	vadd.s32 v8, v9  }
0x15f: {  	v9 =	vld [tilespmem:s1+$0x1800];
	v8 =	vsel vm0, v8, v63;
	_ =	sdelay $0x4  }
0x160: {  	[tilespmem:v8+s26+$0x0] =	vst.idx.msk $0xffff, v9  }
0x161: {  	s4 =	simm.s32 $0x0;
	[tilespmem:v8+s28+$0x0] =	vst.idx.msk $0xffff, v7  }
0x162: {  	[tilespmem:s23], [sflag:$0x2] =	stream.linear.gather [hbm4b:s15+s4], $0x690, $0x38;
	[tilespmem:$0x1D500] =	vst v63  }
0x163: {  	s1 =	spop (v2sf)  }
0x164: {  	_ =	swait.ge [sflag:s22], $0x690  }
0x165: {  	[sflag:s22] =	ssyncset.done $0x0  }
0x166: {  	[sflag:s22] =	ssyncadd.s32 $0xFFFFF970  }
0x167: {  	[tilespmem:s25], [sflag:$0x2] =	stream.linear.gather [hbm4b:s16+s4], $0x690, $0x38;
	[tilespmem:$0x1D500] =	vst v63  }
0x168: {  	_ =	swait.ge [sflag:s22], $0x690  }
0x169: {  	[sflag:s22] =	ssyncset.done $0x0  }
0x16a: {  	s4 =	simm.s32 $0x0;
	[sflag:s22] =	ssyncadd.s32 $0xFFFFF970  }
0x16b: {  	v7 =	vld [tilespmem:s4+$0x1F00];
	_ =	sdelay $0x4  }
0x16c: {  	vm0 =	vgt.s32 v7, $0x270F  }
0x16d: {  	v8 =	vsel vm0, $0x1, v6  }
0x16e: {  	(xrf0) =	vadd.scan.msk.s32 $0xffff, v8;
	_ =	sdelay $0x2  }
0x16f: {  	s3 =	sadd.s32 s2, s1  }
0x170: {  	p0 =	slt.s32 s3, $0x330  }
0x171: {  	s3 =	simm.s32 @!p0 $0x330;
	v8 =	vsel vm0, $0xFFFFFFFF, v6  }
0x172: {  	v8 =	vadd.s32 s3, v8;
	v9, _, _ =	vpop (xrf0)  }
0x173: {  	v8 =	vadd.s32 v9, v8;
	(v2sf) =	vpush v9, $0xF  }
0x174: {  	v9 =	vld [tilespmem:s4+$0x1800];
	v8 =	vsel vm0, v8, v63;
	_ =	sdelay $0x3  }
0x175: {  	v7 =	vadd.s32 $0xFFFFD8F0, v7  }
0x176: {  	v7 =	vnsel vm0, $0x200, v7;
	[tilespmem:v8+s26+$0x0] =	vst.idx.msk $0xffff, v9  }
0x177: {  	s1 =	simm.s32 $0x10;
	[tilespmem:v8+s28+$0x0] =	vst.idx.msk $0xffff, v7  }
0x178: {  	v7 =	vld [tilespmem:s1+$0x1F00];
	_ =	sdelay $0x4  }
0x179: {  	vm0 =	vgt.s32 v7, $0x270F  }
0x17a: {  	v7 =	vadd.s32 $0xFFFFD8F0, v7;
	v8 =	vsel vm0, $0x1, v6  }
0x17b: {  	s2 =	simm.s32 $0x80;
	v7 =	vnsel vm0, $0x200, v7;
	(xrf0) =	vadd.scan.msk.s32 $0xffff, v8;
	s4 =	spop (v2sf)  }
.LBB2_10:
0x17c: {  	p0 =	sne.s32 s2, $0x1A00  }
0x17d: {  	s3 =	sadd.s32 s3, s4;
	s4 =	smov.u32 s2;
	s2 =	sadd.s32 $0x40, s2  }
0x17e: {  	p1 =	slt.s32 s3, $0x330;
	_ =	sdelay $0x2  }
0x17f: {  	v8 =	vsel vm0, $0xFFFFFFFF, v6;
	s3 =	simm.s32 @!p1 $0x330  }
0x180: {  	v8 =	vadd.s32 s3, v8;
	v9, _, _ =	vpop (xrf0)  }
0x181: {  	v8 =	vadd.s32 v9, v8;
	(v2sf) =	vpush v9, $0xF  }
0x182: {  	v8 =	vsel vm0, v8, v63;
	v9 =	vld [tilespmem:s1+$0x1800];
	_ =	sdelay $0x4  }
0x183: {  	[tilespmem:v8+s26+$0x0] =	vst.idx.msk $0xffff, v9  }
0x184: {  	s1 =	sshra.s32 s4, $0x2;
	[tilespmem:v8+s28+$0x0] =	vst.idx.msk $0xffff, v7  }
0x185: {  	v7 =	vld [tilespmem:s1+$0x1F00];
	_ =	sdelay $0x2  }
.Ltmp4:
0x186: {  	(pc) =	sbr.rel @p0 .LBB2_10-.Ltmp4, $4  }
0x187: {  	_ = 	snop  }
0x188: {  	vm0 =	vgt.s32 v7, $0x270F;
	v7 =	vadd.s32 $0xFFFFD8F0, v7  }
0x189: {  	v8 =	vsel vm0, $0x1, v6;
	v7 =	vnsel vm0, $0x200, v7  }
0x18a: {  	(xrf0) =	vadd.scan.msk.s32 $0xffff, v8;
	s4 =	spop (v2sf)  }
0x18b: {  	_ =	sdelay $0x4  }
0x18c: {  	v8, _, _ =	vpop (xrf0)  }
0x18d: {  	(v2sf) =	vpush v8, $0xF;
	_ =	sdelay $0x1  }
0x18e: {  	s2 =	sadd.s32 s3, s4  }
0x18f: {  	p0 =	slt.s32 s2, $0x330  }
0x190: {  	v9 =	vsel vm0, $0xFFFFFFFF, v6;
	s2 =	simm.s32 @!p0 $0x330  }
0x191: {  	v9 =	vadd.s32 s2, v9  }
0x192: {  	v8 =	vadd.s32 v8, v9  }
0x193: {  	v9 =	vld [tilespmem:s1+$0x1800];
	v8 =	vsel vm0, v8, v63;
	_ =	sdelay $0x4  }
0x194: {  	[tilespmem:v8+s26+$0x0] =	vst.idx.msk $0xffff, v9  }
0x195: {  	s4 =	simm.s32 $0x0;
	[tilespmem:v8+s28+$0x0] =	vst.idx.msk $0xffff, v7  }
0x196: {  	[tilespmem:s23], [sflag:$0x2] =	stream.linear.gather [hbm4b:s17+s4], $0x690, $0x38;
	[tilespmem:$0x1D500] =	vst v63  }
0x197: {  	s1 =	spop (v2sf)  }
0x198: {  	_ =	swait.ge [sflag:s22], $0x690  }
0x199: {  	[sflag:s22] =	ssyncset.done $0x0  }
0x19a: {  	[sflag:s22] =	ssyncadd.s32 $0xFFFFF970  }
0x19b: {  	[tilespmem:s25], [sflag:$0x2] =	stream.linear.gather [hbm4b:s18+s4], $0x690, $0x38;
	[tilespmem:$0x1D500] =	vst v63  }
0x19c: {  	_ =	swait.ge [sflag:s22], $0x690  }
0x19d: {  	[sflag:s22] =	ssyncset.done $0x0  }
0x19e: {  	s4 =	simm.s32 $0x0;
	[sflag:s22] =	ssyncadd.s32 $0xFFFFF970  }
0x19f: {  	v7 =	vld [tilespmem:s4+$0x1F00];
	_ =	sdelay $0x4  }
0x1a0: {  	vm0 =	vgt.s32 v7, $0x270F  }
0x1a1: {  	v8 =	vsel vm0, $0x1, v6  }
0x1a2: {  	(xrf0) =	vadd.scan.msk.s32 $0xffff, v8;
	_ =	sdelay $0x2  }
0x1a3: {  	s3 =	sadd.s32 s2, s1  }
0x1a4: {  	p0 =	slt.s32 s3, $0x330  }
0x1a5: {  	s3 =	simm.s32 @!p0 $0x330;
	v8 =	vsel vm0, $0xFFFFFFFF, v6  }
0x1a6: {  	v8 =	vadd.s32 s3, v8;
	v9, _, _ =	vpop (xrf0)  }
0x1a7: {  	v8 =	vadd.s32 v9, v8;
	(v2sf) =	vpush v9, $0xF  }
0x1a8: {  	v9 =	vld [tilespmem:s4+$0x1800];
	v8 =	vsel vm0, v8, v63;
	_ =	sdelay $0x3  }
0x1a9: {  	v7 =	vadd.s32 $0xFFFFD8F0, v7  }
0x1aa: {  	v7 =	vnsel vm0, $0x200, v7;
	[tilespmem:v8+s26+$0x0] =	vst.idx.msk $0xffff, v9  }
0x1ab: {  	s1 =	simm.s32 $0x10;
	[tilespmem:v8+s28+$0x0] =	vst.idx.msk $0xffff, v7  }
0x1ac: {  	v7 =	vld [tilespmem:s1+$0x1F00];
	_ =	sdelay $0x4  }
0x1ad: {  	vm0 =	vgt.s32 v7, $0x270F  }
0x1ae: {  	v7 =	vadd.s32 $0xFFFFD8F0, v7;
	v8 =	vsel vm0, $0x1, v6  }
0x1af: {  	s2 =	simm.s32 $0x80;
	v7 =	vnsel vm0, $0x200, v7;
	(xrf0) =	vadd.scan.msk.s32 $0xffff, v8;
	s4 =	spop (v2sf)  }
.LBB2_12:
0x1b0: {  	p0 =	sne.s32 s2, $0x1A00  }
0x1b1: {  	s3 =	sadd.s32 s3, s4;
	s4 =	smov.u32 s2;
	s2 =	sadd.s32 $0x40, s2  }
0x1b2: {  	p1 =	slt.s32 s3, $0x330;
	_ =	sdelay $0x2  }
0x1b3: {  	v8 =	vsel vm0, $0xFFFFFFFF, v6;
	s3 =	simm.s32 @!p1 $0x330  }
0x1b4: {  	v8 =	vadd.s32 s3, v8;
	v9, _, _ =	vpop (xrf0)  }
0x1b5: {  	v8 =	vadd.s32 v9, v8;
	(v2sf) =	vpush v9, $0xF  }
0x1b6: {  	v8 =	vsel vm0, v8, v63;
	v9 =	vld [tilespmem:s1+$0x1800];
	_ =	sdelay $0x4  }
0x1b7: {  	[tilespmem:v8+s26+$0x0] =	vst.idx.msk $0xffff, v9  }
0x1b8: {  	s1 =	sshra.s32 s4, $0x2;
	[tilespmem:v8+s28+$0x0] =	vst.idx.msk $0xffff, v7  }
0x1b9: {  	v7 =	vld [tilespmem:s1+$0x1F00];
	_ =	sdelay $0x2  }
.Ltmp5:
0x1ba: {  	(pc) =	sbr.rel @p0 .LBB2_12-.Ltmp5, $4  }
0x1bb: {  	_ = 	snop  }
0x1bc: {  	vm0 =	vgt.s32 v7, $0x270F;
	v7 =	vadd.s32 $0xFFFFD8F0, v7  }
0x1bd: {  	v8 =	vsel vm0, $0x1, v6;
	v7 =	vnsel vm0, $0x200, v7  }
0x1be: {  	(xrf0) =	vadd.scan.msk.s32 $0xffff, v8;
	s4 =	spop (v2sf)  }
0x1bf: {  	_ =	sdelay $0x4  }
0x1c0: {  	v8, _, _ =	vpop (xrf0)  }
0x1c1: {  	(v2sf) =	vpush v8, $0xF;
	_ =	sdelay $0x1  }
0x1c2: {  	s2 =	sadd.s32 s3, s4  }
0x1c3: {  	p0 =	slt.s32 s2, $0x330  }
0x1c4: {  	v9 =	vsel vm0, $0xFFFFFFFF, v6;
	s2 =	simm.s32 @!p0 $0x330  }
0x1c5: {  	v9 =	vadd.s32 s2, v9  }
0x1c6: {  	v8 =	vadd.s32 v8, v9  }
0x1c7: {  	v9 =	vld [tilespmem:s1+$0x1800];
	v8 =	vsel vm0, v8, v63;
	_ =	sdelay $0x4  }
0x1c8: {  	[tilespmem:v8+s26+$0x0] =	vst.idx.msk $0xffff, v9  }
0x1c9: {  	s1 =	rddreg [dreg:$0x5];
	[tilespmem:v8+s28+$0x0] =	vst.idx.msk $0xffff, v7  }
0x1ca: {  	[tilespmem:s30], [sflag:$0x1] =	stream.indirect.gather [hbm4b:s1+s29], $0x80, s26, s29, $0xb8;
	[tilespmem:$0x1D500] =	vst v63  }
0x1cb: {  	s3 =	spop (v2sf)  }
0x1cc: {  	_ =	swait.ge [sflag:s31], $0x1A800  }
0x1cd: {  	[sflag:s31] =	ssyncset.done $0x0  }
0x1ce: {  	[sflag:s31] =	ssyncadd.s32 $0xFFFE5800  }
0x1cf: {  	s4 =	rddreg [dreg:$0x3]  }
0x1d0: {  	[spmem:s4] =	stream.indirect.scatter.add.f32 [tilespmem:s30], [sflag:$0x2], $0x80, s28, s29, $0xb8;
	[tilespmem:$0x1D500] =	vst v63  }
0x1d1: {  	_ =	swait.ge [sflag:s22], $0x1A800  }
0x1d2: {  	s0 =	sadd.s32 $0x1, s0;
	[sflag:s22] =	ssyncset.done $0x0  }
0x1d3: {  	p0 =	sne.s32 s0, s20;
	[sflag:s22] =	ssyncadd.s32 $0xFFFE5800  }
.Ltmp6:
0x1d4: {  	[bflag:$0x0] =	sbarrier.arrive $0xFFFF;
	(pc) =	sbr.rel @p0 .LBB2_1-.Ltmp6, $4  }
0x1d5: {  	[hbm:s19], [sflag:s6] =	dma.local [spmem:s24], $0x200  }
0x1d6: {  	_ =	swait.ge [sflag:s22], $0x200  }
0x1d7: {  	[sflag:s22] =	ssyncset.done $0x0  }
0x1d8: {  	[sflag:s22] =	ssyncadd.s32 $0xFFFFFE00  }
0x1d9: {  	_ =	sfence.sel $0x180000  }
0x1da: {  	[bflag:$0x0] =	sbarrier.arrive $0xFFFF  }
0x1db: {  	_ =	strace $0x90000050  }
0x1dc: {  	s0 =	stileid.u32;
	[bflag:$0x2] =	sbarrier.arrive $0xFFFF  }
0x1dd: {  	p0 =	sne.s32 s0, $0x0;
	s0 =	rddreg [dreg:$0x4]  }
0x1de: {  	s0 =	sadd.s32 @!p0 $0x100000, s0  }
0x1df: {  	[sflag:s0] =	ssyncadd.tile.s32 @!p0 $0x1;
	_ =	shalt  }
.Lfunc_end2:
_tile_overlayer_lowered:
.L_overlay_start_2:
0x1e0: {  	(tag) =	ssettag $0x2  }
0x1e1: {  	s0 =	rddreg [dreg:$0x0];
	s2 =	stileid.u32  }
0x1e2: {  	s1 =	rddreg [dreg:$0x1];
	p0 =	sne.s32 s2, $0x0  }
0x1e3: {  	s3 =	rddreg [dreg:$0x2];
	[bflag:$0x3] =	sbarrier.arrive $0xFFFF;
	s2 =	simm.s32 @!p0 $0x1C02  }
0x1e4: {  	[timem:s3], [sflag:s2] =	dma.local @!p0 [hbm:s0], s1  }
0x1e5: {  	s0 =	simm.s32 @!p0 $0x2  }
0x1e6: {  	_ =	swait.ge @!p0 [sflag:s0], s1  }
0x1e7: {  	s1 =	ssub.s32 @!p0 $0x0, s1;
	[sflag:s0] =	ssyncset.done @!p0 $0x0  }
0x1e8: {  	[sflag:s0] =	ssyncadd.s32 @!p0 s1  }
0x1e9: {  	[bflag:$0x3] =	sbarrier.arrive $0xFFFF  }
0x1ea: {  	_ =	shalt  }

// kernel: kernel.21.cloned.1.call-start
scs
__scs_entry_jumppad:
0x0: {  	(pc) =	sbr.rel $0x88, $3  }
0x1: {  	(tag) =	ssettag $0x0;
	lr =	simm.s32 $0x1  }
0x2: {  	[smem:$0x3F8F] =	sst lr;
	_ =	strace $0xD0000000  }
0x3: {  	_ = 	snop  }
0x4: {  	_ = 	snop  }
0x5: {  	_ = 	snop  }
0x6: {  	_ = 	snop  }
0x7: {  	_ = 	snop  }
__scs_overlays_trampoline_lowered:
0x8: {  	[smem:$0x3F9E] =	sst s0  }
0x9: {  	[smem:$0x3F9F] =	sst s1  }
0xa: {  	[smem:$0x3FA0] =	sst s2  }
0xb: {  	[smem:$0x3FA1] =	sst s3  }
0xc: {  	[smem:$0x3FA2] =	sst s4  }
0xd: {  	[smem:$0x3FA3] =	sst s5  }
0xe: {  	[smem:$0x3FA4] =	sst s6  }
0xf: {  	[smem:$0x3FA5] =	sst s7  }
0x10: {  	[smem:$0x3FA6] =	sst s8  }
0x11: {  	[smem:$0x3FA7] =	sst s9;
	s0 =	simm.s32 @!p0 $0x0  }
0x12: {  	s1 =	sld [smem:$0x3F8D];
	s0 =	simm.s32 @p0 $0x1  }
0x13: {  	[smem:$0x3FA8] =	sst s0;
	s0 =	simm.s32 @!p1 $0x0  }
0x14: {  	s2 =	sld [smem:$0x3F8C];
	s0 =	simm.s32 @p1 $0x1  }
0x15: {  	[smem:$0x3FA9] =	sst s0;
	s0 =	simm.s32 @!p2 $0x0  }
0x16: {  	s3 =	sld [smem:$0x3FDB];
	s0 =	simm.s32 @p2 $0x1  }
0x17: {  	s4 =	simm.s32 $0x1BF5;
	[smem:$0x3FAB] =	sst s0  }
0x18: {  	s0 =	sld [smem:$0x3F8E];
	_ =	swait.ge [sflag:s4], $0x0  }
0x19: {  	s7 =	sld [smem:$0x3F8F]  }
0x1a: {  	s8 =	sadd.s32 $0xFFFFE003, lr  }
0x1b: {  	s9 =	sadd.s32 $0xFFFFFEF7, lr;
	s5 =	simm.s32 $0xFFFFFFFF;
	p2 =	slt.u32 s8, $0xFFFFF086  }
0x1c: {  	p1 =	slt.u32 s9, $0xF7A;
	s5 =	simm.s32 @!p2 $0x0  }
0x1d: {  	s5 =	simm.s32 @p1 $0x1;
	p0 =	seq.s32 s7, s2  }
0x1e: {  	s7 =	smul.u32 @!p0 $0xF7A, s2;
	p2 =	seq.s32 @!p0 s5, $0x0  }
0x1f: {  	s9 =	smul.u32 $0xF7A, s1;
	s8 =	simm.s32 @!p0 $0x1BF5;
	p2 =	por !p2, p0  }
0x20: {  	[sflag:s8] =	ssyncset.s32 @!p0 $0xFFFFF086;
	s6 =	sadd.s32 @!p0 s3, s7;
	s7 =	simm.s32 @!p0 $0x108  }
0x21: {  	s3 =	sadd.s32 s3, s9;
	s6 =	sadd.s32 @!p0 $0x88, s6;
	s7 =	simm.s32 @p2 $0x1082  }
0x22: {  	[simem:s7], [sflag:s8] =	dma.local @!p0 [hbm:s6], $0xF7A  }
0x23: {  	s9 =	sor.u32 $0xD0000000, s2;
	s6 =	simm.s32 $0x108;
	_ =	swait.ge @!p0 [sflag:s8], $0x0  }
0x24: {  	s3 =	sadd.s32 $0x88, s3;
	s6 =	simm.s32 @!p1 $0x1082;
	[sflag:s4] =	ssyncset.s32 $0xFFFFF086  }
0x25: {  	[simem:s6], [sflag:s4] =	dma.local [hbm:s3], $0xF7A  }
0x26: {  	[smem:$0x3F8F] =	sst s1;
	(tag) =	ssettag s2;
	_ =	strace s9  }
0x27: {  	s1 =	sld [smem:$0x3F9F]  }
0x28: {  	s2 =	sld [smem:$0x3FA0]  }
0x29: {  	s4 =	sld [smem:$0x3FA2]  }
0x2a: {  	p0 =	seq.s32 s5, $0x0;
	s5 =	sld [smem:$0x3FA3]  }
0x2b: {  	s6 =	sld [smem:$0x3FA4]  }
0x2c: {  	s7 =	sld [smem:$0x3FA5]  }
0x2d: {  	s3 =	simm.s32 $0x108;
	s8 =	sld [smem:$0x3FA6]  }
0x2e: {  	s3 =	simm.s32 @!p0 $0x1082;
	s9 =	sld [smem:$0x3FA7]  }
0x2f: {  	lr =	sadd.s32 s0, s3;
	s0 =	sld [smem:$0x3F9E]  }
0x30: {  	s3 =	sld [smem:$0x3FA1]  }
0x31: {  	[smem:$0x3FAA] =	sst s10  }
0x32: {  	s10 =	sld [smem:$0x3FA8];
	_ =	sdelay $0x3  }
0x33: {  	p0 =	seq.s32 s10, $0x1;
	s10 =	sld [smem:$0x3FAA];
	_ =	sdelay $0x3  }
0x34: {  	[smem:$0x3FAA] =	sst s10  }
0x35: {  	s10 =	sld [smem:$0x3FA9];
	_ =	sdelay $0x3  }
0x36: {  	p1 =	seq.s32 s10, $0x1;
	s10 =	sld [smem:$0x3FAA];
	_ =	sdelay $0x3  }
0x37: {  	[smem:$0x3FAA] =	sst s10  }
0x38: {  	s10 =	sld [smem:$0x3FAB]  }
0x39: {  	_ = 	snop;
	(pc) =	sbr.ind lr, $3  }
0x3a: {  	_ = 	snop  }
0x3b: {  	_ = 	snop  }
0x3c: {  	p2 =	seq.s32 s10, $0x1;
	s10 =	sld [smem:$0x3FAA]  }
0x3d: {  	_ =	shalt  }
0x3e: {  	_ =	shalt  }
0x3f: {  	_ =	shalt  }
0x40: {  	_ =	shalt  }
0x41: {  	_ =	shalt  }
0x42: {  	_ =	shalt  }
0x43: {  	_ =	shalt  }
0x44: {  	_ =	shalt  }
0x45: {  	_ =	shalt  }
0x46: {  	_ =	shalt  }
0x47: {  	_ =	shalt  }
0x48: {  	_ =	shalt  }
0x49: {  	_ =	shalt  }
0x4a: {  	_ =	shalt  }
0x4b: {  	_ =	shalt  }
0x4c: {  	_ =	shalt  }
0x4d: {  	_ =	shalt  }
0x4e: {  	_ =	shalt  }
0x4f: {  	_ =	shalt  }
0x50: {  	_ =	shalt  }
0x51: {  	_ =	shalt  }
0x52: {  	_ =	shalt  }
0x53: {  	_ =	shalt  }
0x54: {  	_ =	shalt  }
0x55: {  	_ =	shalt  }
0x56: {  	_ =	shalt  }
0x57: {  	_ =	shalt  }
0x58: {  	_ =	shalt  }
0x59: {  	_ =	shalt  }
0x5a: {  	_ =	shalt  }
0x5b: {  	_ =	shalt  }
0x5c: {  	_ =	shalt  }
0x5d: {  	_ =	shalt  }
0x5e: {  	_ =	shalt  }
0x5f: {  	_ =	shalt  }
0x60: {  	_ =	shalt  }
0x61: {  	_ =	shalt  }
0x62: {  	_ =	shalt  }
0x63: {  	_ =	shalt  }
0x64: {  	_ =	shalt  }
0x65: {  	_ =	shalt  }
0x66: {  	_ =	shalt  }
0x67: {  	_ =	shalt  }
0x68: {  	_ =	shalt  }
0x69: {  	_ =	shalt  }
0x6a: {  	_ =	shalt  }
0x6b: {  	_ =	shalt  }
0x6c: {  	_ =	shalt  }
0x6d: {  	_ =	shalt  }
0x6e: {  	_ =	shalt  }
0x6f: {  	_ =	shalt  }
0x70: {  	_ =	shalt  }
0x71: {  	_ =	shalt  }
0x72: {  	_ =	shalt  }
0x73: {  	_ =	shalt  }
0x74: {  	_ =	shalt  }
0x75: {  	_ =	shalt  }
0x76: {  	_ =	shalt  }
0x77: {  	_ =	shalt  }
0x78: {  	_ =	shalt  }
0x79: {  	_ =	shalt  }
0x7a: {  	_ =	shalt  }
0x7b: {  	_ =	shalt  }
0x7c: {  	_ =	shalt  }
0x7d: {  	_ =	shalt  }
0x7e: {  	_ =	shalt  }
0x7f: {  	_ =	shalt  }
0x80: {  	_ =	shalt  }
0x81: {  	_ =	shalt  }
0x82: {  	_ =	shalt  }
0x83: {  	_ =	shalt  }
0x84: {  	_ =	shalt  }
0x85: {  	_ =	shalt  }
0x86: {  	_ =	shalt  }
0x87: {  	_ =	shalt  }
.Lfunc_end0:
.L_simem_size_0:
called_computation.3_lowered:
.L_overlay_start_0:
0x88: {  	s2 =	sld [smem:$0x3FD9]  }
0x89: {  	s3 =	sld [smem:$0x3FFE];
	_ =	sdelay $0x1  }
0x8a: {  	s1 =	srdreg.scid  }
0x8b: {  	s0 =	sand.u32 $0x1, s1  }
0x8c: {  	s15 =	sshll.u32 s0, $0xA;
	s2 =	sadd.s32 s3, s2  }
0x8d: {  	s2 =	sadd.s32 s2, s15  }
0x8e: {  	[smem:$0x3FB6] =	sst s2  }
0x8f: {  	_ = 	snop  }
0x90: {  	s2 =	sld [smem:$0x3FD0];
	_ =	sdelay $0x2  }
0x91: {  	s16 =	simm.s32 $0xB;
	s4 =	simm.s32 $0x10  }
0x92: {  	[smem:s4], [sflag:s16] =	dma.local [hbm:s2], $0x1  }
0x93: {  	_ =	swait.eq [sflag:s16], $0x1  }
0x94: {  	[sflag:s16] =	ssyncset.done $0x0  }
0x95: {  	[sflag:s16] =	ssyncadd.s32 $0xFFFFFFFF  }
0x96: {  	s17 =	sld [smem:$0x11];
	(tm) =	ssettm $0x1  }
0x97: {  	s18 =	sld [smem:$0x3FFB];
	_ =	sdelay $0x3  }
0x98: {  	_ =	strace s18  }
0x99: {  	s2 =	sld [smem:$0x3FFC];
	_ =	sdelay $0x3  }
0x9a: {  	_ =	strace s2  }
0x9b: {  	s2 =	sld [smem:$0x3FFD];
	_ =	sdelay $0x3  }
0x9c: {  	_ =	strace s2  }
0x9d: {  	_ =	strace $0x8FFFFFFF  }
0x9e: {  	s19 =	sld [smem:$0x3FDB];
	_ =	sdelay $0x1  }
0x9f: {  	s20 =	simm.s32 $_scs_section_size  }
0xa0: {  	s5 =	simm.s32 $_size__tile_overlayer_lowered;
	s6 =	simm.s32 $_tile_overlayer_lowered  }
0xa1: {  	s7 =	simm.s32 $0x1BFF;
	s21 =	sshll.u32 s6, $0x1;
	s4 =	sadd.s32 s20, s19  }
0xa2: {  	s22 =	simm.s32 $0x0;
	s5 =	sshll.u32 s5, $0x1;
	s6 =	sadd.s32 s21, s4  }
0xa3: {  	[timem:s22], [sflag:s7] =	dma.local [hbm:s6], s5  }
0xa4: {  	_ =	swait.ge [sflag:s7], s5  }
0xa5: {  	s5 =	ssub.s32 $0x0, s5;
	[sflag:s7] =	ssyncset.done $0x0  }
0xa6: {  	[sflag:s7] =	ssyncadd.s32 s5;
	_ =	sdelay $0x1  }
0xa7: {  	s23 =	simm.s32 $0x1B8B  }
0xa8: {  	_ =	swait.ge [sflag:s23], $0x1  }
0xa9: {  	[sflag:s23] =	ssyncset.done $0x0  }
0xaa: {  	[sflag:s23] =	ssyncadd.s32 $0xFFFFFFFF  }
0xab: {  	s5 =	sld [smem:$0x0]  }
0xac: {  	s6 =	sand.u32 $0xFFFFFFFE, s1  }
0xad: {  	p0 =	sne.s32 s1, s6  }
0xae: {  	s6 =	sshll.u32 @p0 s6, $0xE  }
0xaf: {  	s6 =	sadd.s32 @p0 $0x11B8D, s6;
	s7 =	sshll.u32 @p0 s5, $0x11  }
0xb0: {  	s6 =	sor.u32 @p0 s7, s6  }
0xb1: {  	[sflag:s6] =	ssyncadd.remote.s32 @p0 $0x1;
	_ =	sdelay $0x1  }
0xb2: {  	s6 =	simm.s32 @p0 $0x1B8D  }
0xb3: {  	_ =	swait.eq @p0 [sflag:s6], $0x1  }
0xb4: {  	[sflag:s6] =	ssyncadd.s32 @p0 $0xFFFFFFFF  }
0xb5: {  	s7 =	sshll.u32 @!p0 s1, $0xE  }
0xb6: {  	s7 =	sor.u32 @!p0 $0x4000, s7;
	s6 =	simm.s32 @!p0 $0x1B8D  }
0xb7: {  	s5 =	sshll.u32 @!p0 s5, $0x11;
	s7 =	sadd.s32 @!p0 $0x11B8D, s7;
	_ =	swait.eq @!p0 [sflag:s6], $0x1  }
0xb8: {  	s5 =	sor.u32 @!p0 s5, s7;
	[sflag:s6] =	ssyncadd.s32 @!p0 $0xFFFFFFFF  }
0xb9: {  	s25 =	simm.s32 $0x1B8E;
	s24 =	sld [smem:$0x3FFE];
	[sflag:s5] =	ssyncadd.remote.s32 @!p0 $0x1  }
0xba: {  	s26 =	simm.s32 $execute0_lowered;
	[smem:$0x3FD2] =	sst s25  }
0xbb: {  	s6 =	sshll.u32 s26, $0x1;
	_ =	strace $0x8000004C;
	[dreg:$0x1] =	wrdreg $0xFFFFFFFF  }
0xbc: {  	s28 =	simm.s32 $_size_execute0_lowered;
	s4 =	sadd.s32 s4, s6;
	[dreg:$0x0] =	wrdreg $0x0  }
0xbd: {  	s6 =	sshll.u32 s28, $0x1;
	[dreg:$0x2] =	wrdreg s4  }
0xbe: {  	[dreg:$0x3] =	wrdreg s6  }
0xbf: {  	[dreg:$0x4] =	wrdreg $0xC0  }
0xc0: {  	_ =	task [dreg:s22], $0x5FFFF  }
0xc1: {  	[dreg:$0x1] =	wrdreg $0xFFFFFFFF  }
0xc2: {  	[dreg:$0x0] =	wrdreg $0x60  }
0xc3: {  	[dreg:$0x2] =	wrdreg s24  }
0xc4: {  	[dreg:$0x3] =	wrdreg s17  }
0xc5: {  	[dreg:$0x4] =	wrdreg $0x0  }
0xc6: {  	[dreg:$0x5] =	wrdreg $0x150000  }
0xc7: {  	[dreg:$0x6] =	wrdreg $0x9  }
0xc8: {  	_ =	task.clear_ibuf [dreg:s22], $0x7FFFF;
	_ =	strace $0x9000004C  }
0xc9: {  	s29 =	simm.s32 $0x9;
	_ =	strace $0x8000004E  }
0xca: {  	_ =	swait.ge [sflag:s29], $0x1  }
0xcb: {  	[sflag:s29] =	ssyncadd.s32 $0xFFFFFFFF  }
0xcc: {  	_ =	strace $0x9000004E  }
0xcd: {  	_ =	sfence  }
0xce: {  	s30 =	sld [smem:$0x0];
	_ =	sdelay $0x2  }
0xcf: {  	s31 =	sshll.u32 s1, $0xD;
	s1 =	sshrl.u32 s1, $0x2  }
0xd0: {  	s4 =	sand.u32 $0x4000, s31;
	s1 =	sadd.s32 s1, s30  }
0xd1: {  	s0 =	sor.u32 s4, s0;
	s1 =	sshll.u32 s1, $0x11  }
0xd2: {  	s0 =	sor.u32 s1, s0  }
0xd3: {  	s0 =	sadd.s32 $0x8F2B, s0  }
0xd4: {  	[sflag:s0] =	ssyncadd.remote.s32 $0x1  }
0xd5: {  	_ =	sfence.sel $0xFFFF  }
0xd6: {  	[dreg:$0x0] =	wrdreg $0xFFFFFFFF;
	(pc) =	sbr.abs _section_cstart, $3  }
0xd7: {  	[dreg:$0x1] =	wrdreg $0xFFFFFFFF  }
0xd8: {  	_ =	task.clear_ibuf [dreg:s22], $0x2FFFF;
	_ =	strace $0x9FFFFFFF  }
0xd9: {  	(tm) =	ssettm $0x7FFFFFFF  }
tec
execute0_lowered:
.L_overlay_start_1:
0x0: {  	(tag) =	ssettag $0x1  }
0x1: {  	s0 =	rddreg [dreg:$0x0]  }
0x2: {  	s1 =	rddreg [dreg:$0x1]  }
0x3: {  	s2 =	rddreg [dreg:$0x2]  }
0x4: {  	s3 =	rddreg [dreg:$0x3]  }
0x5: {  	s17 =	stileid.u32;
	s5 =	srdreg.scid;
	s4 =	simm.s32 $0x0  }
0x6: {  	s31 =	simm.s32 $0x4;
	s28 =	simm.s32 $0x7;
	s9 =	smul.u32 $0x2A0, s17  }
0x7: {  	s29 =	simm.s32 $0x0;
	s5 =	sand.u32 $0x1, s5;
	s10 =	smul.u32 $0x2A00, s17  }
0x8: {  	[smem:$0x7FF] =	sst s4;
	s6 =	sadd.s32 $0x15D200, s0;
	s14 =	smul.u32 $0x54000, s17  }
0x9: {  	s8 =	sadd.s32 $0xF000, s0;
	s22 =	sadd.s32 $0xB4A00, s0;
	s16 =	smul.u32 $0x2760, s17  }
0xa: {  	s24 =	sshll.u32 s17, $0x6;
	s7 =	smul.u32 $0x2A00, s5;
	_ =	strace $0x8000004D  }
0xb: {  	[dreg:$0x5] =	wrdreg s22;
	s23 =	ssub.s32 $0x2, s5;
	s26 =	sor.u32 $0x1C0A, s24  }
0xc: {  	p0 =	sne.s32 s5, $0x0;
	s12 =	sadd.s32 s10, s0;
	s13 =	sshrl.u32 s9, $0x3  }
0xd: {  	s15 =	sshrl.u32 s23, $0x1;
	s14 =	sshrl.u32 s14, $0x2;
	s10 =	smul.u32 $0x27600, s5  }
0xe: {  	s30 =	sadd.s32 $0x60, s16;
	s18 =	sadd.s32 $0xC0, s16;
	[dreg:$0x8] =	wrdreg s26  }
0xf: {  	s11 =	sadd.s32 s9, s7;
	s7 =	sadd.s32 $0x22E00, s0;
	s14 =	sadd.s32 s14, s2  }
0x10: {  	s15 =	ssub.s32 s23, s15;
	s12 =	sadd.s32 $0x8AA00, s12;
	[dreg:$0x6] =	wrdreg s14  }
0x11: {  	s1 =	sadd.s32 s1, s13;
	s19 =	sshrl.u32 s30, $0x3;
	[dreg:$0x7] =	wrdreg s12  }
0x12: {  	s22 =	sshrl.u32 s18, $0x3;
	s11 =	sshll.u32 s11, $0x4;
	[dreg:$0x9] =	wrdreg s1  }
0x13: {  	s25 =	sadd.s32 s16, s10;
	s14 =	sadd.s32 s9, s3;
	s12 =	sshrl.u32 s16, $0x3  }
0x14: {  	s20 =	sadd.s32 s10, s18;
	s23 =	sadd.s32 s8, s22;
	s9 =	simm.s32 $0x60  }
0x15: {  	s18 =	simm.s32 $0x6;
	s22 =	simm.s32 $0x2;
	s11 =	sadd.s32 s11, s0  }
0x16: {  	s0 =	sadd.s32 s13, s0;
	s1 =	sshrl.u32 s25, $0x3;
	s13 =	sadd.s32 s10, s30  }
0x17: {  	s21 =	sshrl.u32 s20, $0x3;
	[dreg:$0x10] =	wrdreg s23;
	s25 =	smax.u32 s15, $0x1  }
0x18: {  	s30 =	sadd.s32 $0x120, s16;
	s15 =	simm.s32 $0xA;
	s16 =	simm.s32 $0x5  }
0x19: {  	s20 =	simm.s32 $0x1;
	s23 =	simm.s32 $0x1E620;
	[dreg:$0xa] =	wrdreg s14  }
0x1a: {  	s1 =	sadd.s32 s7, s1;
	s17 =	sshrl.u32 s13, $0x3;
	[dreg:$0x13] =	wrdreg s25  }
0x1b: {  	s24 =	sadd.s32 $0x1B1200, s11;
	s0 =	sadd.s32 $0x5000, s0;
	[dreg:$0x14] =	wrdreg s30  }
0x1c: {  	s11 =	simm.s32 $0x153A0;
	s25 =	simm.s32 $0x1E6A0;
	[dreg:$0xb] =	wrdreg s1  }
0x1d: {  	s13 =	simm.s32 $0x8;
	s1 =	sadd.s32 s8, s12;
	[dreg:$0x11] =	wrdreg s24  }
.Ltmp0:
0x1e: {  	[dreg:$0x12] =	wrdreg s0;
	s0 =	simm.s32 $0x183A0;
	(pc) =	sbr.rel .LBB2_1-.Ltmp0, $4  }
0x1f: {  	s12 =	simm.s32 $0x1B4A0;
	[dreg:$0xc] =	wrdreg s1;
	s1 =	sadd.s32 s7, s17  }
0x20: {  	s24 =	simm.s32 $0x3;
	[dreg:$0xd] =	wrdreg s1;
	s1 =	sadd.s32 s8, s19  }
0x21: {  	s17 =	simm.s32 $0x184A0;
	[dreg:$0xe] =	wrdreg s1;
	s1 =	sadd.s32 s7, s21  }
0x22: {  	s19 =	simm.s32 $0x1B5A0;
	s21 =	simm.s32 $0x1E5A0;
	[dreg:$0xf] =	wrdreg s1  }
.LBB2_15:
0x23: {  	_ =	swait.ge [sflag:s28], $0x3000  }
0x24: {  	[sflag:s28] =	ssyncset.done $0x0  }
0x25: {  	[sflag:s28] =	ssyncadd.s32 $0xFFFFD000  }
0x26: {  	_ =	swait.ge [sflag:s28], $0x60  }
0x27: {  	[sflag:s28] =	ssyncset.done $0x0  }
0x28: {  	[sflag:s28] =	ssyncadd.s32 $0xFFFFFFA0  }
0x29: {  	_ =	swait.ge [sflag:s13], $0x3000  }
0x2a: {  	[sflag:s13] =	ssyncset.done $0x0  }
0x2b: {  	[sflag:s13] =	ssyncadd.s32 $0xFFFFD000  }
0x2c: {  	_ =	swait.ge [sflag:s13], $0x60  }
0x2d: {  	[sflag:s13] =	ssyncset.done $0x0  }
0x2e: {  	s1 =	simm.s32 $0x9;
	[sflag:s13] =	ssyncadd.s32 $0xFFFFFFA0  }
0x2f: {  	_ =	swait.ge [sflag:s1], $0x3000  }
0x30: {  	[sflag:s1] =	ssyncset.done $0x0  }
0x31: {  	[sflag:s1] =	ssyncadd.s32 $0xFFFFD000  }
0x32: {  	_ =	swait.ge [sflag:s1], $0x60  }
0x33: {  	[sflag:s1] =	ssyncset.done $0x0  }
0x34: {  	s29 =	rddreg [dreg:$0x15];
	[sflag:s1] =	ssyncadd.s32 $0xFFFFFFA0  }
.LBB2_16:
0x35: {  	[bflag:$0x0] =	sbarrier.arrive $0xFFFF  }
0x36: {  	s26 =	rddreg [dreg:$0x8]  }
0x37: {  	s1 =	rddreg [dreg:$0x11]  }
0x38: {  	s15 =	simm.s32 $0xA;
	s14 =	rddreg [dreg:$0x16]  }
0x39: {  	[hbm:s1], [sflag:s26] =	dma.local [spmem:s14], $0x2A00  }
0x3a: {  	_ =	swait.ge [sflag:s15], $0x2A00  }
0x3b: {  	s1 =	simm.s32 @!p0 $0x1E7A0;
	[sflag:s15] =	ssyncset.done $0x0  }
0x3c: {  	s14 =	simm.s32 @!p0 $0xA;
	s30 =	rddreg [dreg:$0xa];
	[sflag:s15] =	ssyncadd.s32 $0xFFFFD600  }
0x3d: {  	[tilespmem:s1], [sflag:$0xA] =	stream.linear.gather @!p0 [spmem:s30], $0x2A0, $0x38;
	[tilespmem:$0x1EAA0] =	vst v63  }
0x3e: {  	_ =	swait.ge @!p0 [sflag:s14], $0x2A0  }
0x3f: {  	s21 =	simm.s32 @!p0 $0x1E7A0;
	[sflag:s14] =	ssyncset.done @!p0 $0x0  }
0x40: {  	s15 =	simm.s32 @!p0 $0x0;
	s1 =	rddreg [dreg:$0x12];
	[sflag:s14] =	ssyncadd.s32 @!p0 $0xFFFFFD60  }
0x41: {  	[hbm4b:s1+s15] =	stream.linear.scatter @!p0 [tilespmem:s21], [sflag:$0xA], $0x2A0, $0x38;
	[tilespmem:$0x1EAA0] =	vst v63  }
0x42: {  	_ =	swait.ge @!p0 [sflag:s14], $0x2A0  }
0x43: {  	s29 =	sadd.s32 $0x1, s29;
	s21 =	rddreg [dreg:$0x13]  }
0x44: {  	p1 =	sne.s32 s29, s21  }
.Ltmp1:
0x45: {  	_ = 	snop;
	(pc) =	sbr.rel @!p1 .LBB2_17-.Ltmp1, $3  }
0x46: {  	_ =	sdelay $0x1  }
0x47: {  	s15 =	simm.s32 $0xA;
	[sflag:s14] =	ssyncset.done @!p0 $0x0  }
0x48: {  	[sflag:s14] =	ssyncadd.s32 @!p0 $0xFFFFFD60;
	s14 =	smov.u32 s30;
	s21 =	simm.s32 $0x1E5A0  }
.LBB2_1:
0x49: {  	[dreg:$0x15] =	wrdreg s29  }
0x4a: {  	s1 =	rddreg [dreg:$0x6]  }
0x4b: {  	s30 =	rddreg [dreg:$0x7];
	s29 =	sshrl.u32 s1, $0x3  }
0x4c: {  	[dreg:$0x16] =	wrdreg s29  }
0x4d: {  	[spmem:s29], [sflag:s26] =	dma.local [hbm:s30], $0x2A00  }
0x4e: {  	_ =	swait.ge [sflag:s15], $0x2A00  }
0x4f: {  	[sflag:s15] =	ssyncset.done $0x0  }
0x50: {  	s30 =	simm.s32 $0x1E7A0;
	s26 =	rddreg [dreg:$0x9];
	[sflag:s15] =	ssyncadd.s32 $0xFFFFD600  }
0x51: {  	[tilespmem:s30], [sflag:$0xA] =	stream.linear.gather [hbm4b:s26+s4], $0x2A0, $0x38;
	[tilespmem:$0x1EAA0] =	vst v63  }
0x52: {  	_ =	swait.ge [sflag:s15], $0x2A0  }
0x53: {  	[sflag:s15] =	ssyncset.done $0x0  }
0x54: {  	[sflag:s15] =	ssyncadd.s32 $0xFFFFFD60  }
0x55: {  	[spmem:s14] =	stream.linear.scatter [tilespmem:s30], [sflag:$0xA], $0x2A0, $0x38;
	[tilespmem:$0x1EAA0] =	vst v63  }
0x56: {  	_ =	swait.ge [sflag:s15], $0x2A0  }
0x57: {  	[sflag:s15] =	ssyncset.done $0x0  }
0x58: {  	s29 =	simm.s32 $0x1E720;
	s14 =	rddreg [dreg:$0x5];
	[sflag:s15] =	ssyncadd.s32 $0xFFFFFD60  }
0x59: {  	[tilespmem:s29], [sflag:$0xA] =	stream.linear.gather [hbm4b:s14+s4], $0x80, $0x38;
	[tilespmem:$0x1EAA0] =	vst v63  }
0x5a: {  	_ =	swait.ge [sflag:s15], $0x80  }
0x5b: {  	[sflag:s15] =	ssyncset.done $0x0  }
0x5c: {  	[sflag:s15] =	ssyncadd.s32 $0xFFFFFF80  }
0x5d: {  	[bflag:$0x0] =	sbarrier.arrive $0xFFFF  }
0x5e: {  	s14 =	simm.s32 $0x152A0;
	s15 =	rddreg [dreg:$0xb]  }
0x5f: {  	[tilespmem:s14], [sflag:$0x4] =	stream.linear.gather [hbm4b:s15+s4], $0x60, $0x38;
	[tilespmem:$0x1EAA0] =	vst v63  }
0x60: {  	s30 =	simm.s32 $0x15320;
	s26 =	rddreg [dreg:$0xc]  }
0x61: {  	[tilespmem:s30], [sflag:$0x4] =	stream.linear.gather [hbm4b:s26+s4], $0x60, $0x38;
	[tilespmem:$0x1EAA0] =	vst v63  }
0x62: {  	s15 =	rddreg [dreg:$0xd]  }
0x63: {  	[tilespmem:s0], [sflag:$0x5] =	stream.linear.gather [hbm4b:s15+s4], $0x60, $0x38;
	[tilespmem:$0x1EAA0] =	vst v63  }
0x64: {  	s26 =	rddreg [dreg:$0xe];
	s30 =	simm.s32 $0x18420  }
0x65: {  	[tilespmem:s30], [sflag:$0x5] =	stream.linear.gather [hbm4b:s26+s4], $0x60, $0x38;
	[tilespmem:$0x1EAA0] =	vst v63  }
0x66: {  	_ =	swait.ge [sflag:s31], $0x60  }
0x67: {  	[sflag:s31] =	ssyncset.done $0x0  }
0x68: {  	[sflag:s31] =	ssyncadd.s32 $0xFFFFFFA0  }
0x69: {  	_ =	swait.ge [sflag:s31], $0x60  }
0x6a: {  	[sflag:s31] =	ssyncset.done $0x0  }
0x6b: {  	[sflag:s31] =	ssyncadd.s32 $0xFFFFFFA0  }
0x6c: {  	[tilespmem:s11], [sflag:$0x1] =	stream.indirect.gather [hbm4b:s6+s9], $0x80, s14, s9, $0xb8;
	[tilespmem:$0x1EAA0] =	vst v63  }
0x6d: {  	s15 =	rddreg [dreg:$0xf]  }
0x6e: {  	[tilespmem:s12], [sflag:$0x6] =	stream.linear.gather [hbm4b:s15+s4], $0x60, $0x38;
	[tilespmem:$0x1EAA0] =	vst v63  }
0x6f: {  	s30 =	simm.s32 $0x1B520;
	s26 =	rddreg [dreg:$0x10]  }
0x70: {  	[tilespmem:s30], [sflag:$0x6] =	stream.linear.gather [hbm4b:s26+s4], $0x60, $0x38;
	[tilespmem:$0x1EAA0] =	vst v63  }
0x71: {  	_ =	swait.ge [sflag:s16], $0x60  }
0x72: {  	[sflag:s16] =	ssyncset.done $0x0  }
.Ltmp2:
0x73: {  	[sflag:s16] =	ssyncadd.s32 $0xFFFFFFA0;
	(pc) =	sbr.rel .LBB2_2-.Ltmp2, $4  }
0x74: {  	_ =	swait.ge [sflag:s16], $0x60  }
0x75: {  	[sflag:s16] =	ssyncset.done $0x0  }
0x76: {  	s26 =	simm.s32 $0x0;
	s15 =	rddreg [dreg:$0x14];
	[sflag:s16] =	ssyncadd.s32 $0xFFFFFFA0  }
0x77: {  	[tilespmem:s17], [sflag:$0x2] =	stream.indirect.gather [hbm4b:s6+s9], $0x80, s0, s9, $0xb8;
	[tilespmem:$0x1EAA0] =	vst v63  }
.LBB2_13:
0x78: {  	_ =	swait.ge [sflag:s16], $0x60  }
0x79: {  	[sflag:s16] =	ssyncset.done $0x0  }
0x7a: {  	[sflag:s16] =	ssyncadd.s32 $0xFFFFFFA0  }
0x7b: {  	s1 =	sadd.s32 $0xC0, s15;
	_ =	swait.ge [sflag:s16], $0x60  }
0x7c: {  	s14 =	sadd.s32 s10, s1;
	[sflag:s16] =	ssyncset.done $0x0  }
0x7d: {  	s14 =	sshrl.u32 s14, $0x3;
	[sflag:s16] =	ssyncadd.s32 $0xFFFFFFA0  }
0x7e: {  	[tilespmem:s17], [sflag:$0x2] =	stream.indirect.gather [hbm4b:s6+s9], $0x80, s0, s9, $0xb8;
	[tilespmem:$0x1EAA0] =	vst v63  }
0x7f: {  	s30 =	simm.s32 $0x1B520;
	s1 =	sshrl.u32 s1, $0x3;
	s14 =	sadd.s32 s7, s14  }
0x80: {  	[tilespmem:s12], [sflag:$0x6] =	stream.linear.gather [hbm4b:s14+s4], $0x60, $0x38;
	[tilespmem:$0x1EAA0] =	vst v63  }
0x81: {  	s15 =	sadd.s32 $0x120, s15;
	s26 =	sadd.s32 $0xFFFFFFFF, s26;
	s1 =	sadd.s32 s8, s1  }
0x82: {  	[tilespmem:s30], [sflag:$0x6] =	stream.linear.gather [hbm4b:s1+s4], $0x60, $0x38;
	[tilespmem:$0x1EAA0] =	vst v63  }
.LBB2_2:
0x83: {  	p1 =	seq.s32 s26, $0x0  }
0x84: {  	s1 =	simm.s32 @!p1 $0x9  }
0x85: {  	p2 =	sne.s32 @!p1 s5, $0x0;
	_ =	swait.ge @!p1 [sflag:s1], $0x3000  }
0x86: {  	p2 =	por p2, p1;
	[sflag:s1] =	ssyncset.done @!p1 $0x0  }
0x87: {  	[sflag:s1] =	ssyncadd.s32 @!p1 $0xFFFFD000;
	s1 =	simm.s32 @!p2 $0x9  }
0x88: {  	_ =	swait.ge @!p2 [sflag:s1], $0x60  }
0x89: {  	[sflag:s1] =	ssyncset.done @!p2 $0x0  }
0x8a: {  	[sflag:s1] =	ssyncadd.s32 @!p2 $0xFFFFFFA0  }
0x8b: {  	_ =	swait.ge [sflag:s18], $0x60  }
0x8c: {  	[sflag:s18] =	ssyncset.done $0x0  }
0x8d: {  	[sflag:s18] =	ssyncadd.s32 $0xFFFFFFA0  }
0x8e: {  	_ =	swait.ge [sflag:s18], $0x60  }
0x8f: {  	[sflag:s18] =	ssyncset.done $0x0  }
0x90: {  	[sflag:s18] =	ssyncadd.s32 $0xFFFFFFA0  }
0x91: {  	[tilespmem:s19], [sflag:$0x3] =	stream.indirect.gather [hbm4b:s6+s9], $0x80, s12, s9, $0xb8;
	[tilespmem:$0x1EAA0] =	vst v63  }
0x92: {  	_ =	swait.ge [sflag:s20], $0x3000  }
0x93: {  	[sflag:s20] =	ssyncset.done $0x0  }
0x94: {  	[sflag:s20] =	ssyncadd.s32 $0xFFFFD000  }
0x95: {  	v0 =	vld [tilespmem:$0x15320]  }
0x96: {  	v1 =	vld [tilespmem:$0x15330]  }
0x97: {  	v2 =	vld [tilespmem:$0x15340]  }
0x98: {  	v3 =	vld [tilespmem:$0x15350]  }
0x99: {  	v4 =	vld [tilespmem:$0x15360]  }
0x9a: {  	v57 =	vld [tilespmem:$0x15370];
	[tilespmem:$0x1E5A0] =	vst v0  }
0x9b: {  	[tilespmem:$0x1E5B0] =	vst v1  }
0x9c: {  	[tilespmem:$0x1E5C0] =	vst v2  }
0x9d: {  	[tilespmem:$0x1E5D0] =	vst v3  }
0x9e: {  	[tilespmem:$0x1E5E0] =	vst v4  }
0x9f: {  	s30 =	simm.s32 @!p0 $0x1E5A0;
	[tilespmem:$0x1E5F0] =	vst v57  }
0xa0: {  	[spmem:s2] =	stream.indirect.scatter.add.f32 [tilespmem:s11], [sflag:$0x7], $0x80, s21, s9, $0xb8;
	[tilespmem:$0x1EAA0] =	vst v63  }
0xa1: {  	s14 =	simm.s32 @!p0 $0x1E720;
	p1 =	seq.s32 s26, $0xFFFFFFDE;
	s1 =	simm.s32 @!p0 $0x60  }
0xa2: {  	[spmem:s3] =	stream.indirect.scatter.add.f32 @!p0 [tilespmem:s14], [sflag:$0x7], $0x1, s30, s1, $0xb8;
	[tilespmem:$0x1EAA0] =	vst v63  }
0xa3: {  	s1 =	sadd.s32 @!p1 s15, s10  }
0xa4: {  	s1 =	sshrl.u32 @!p1 s1, $0x3  }
0xa5: {  	s14 =	simm.s32 @!p1 $0x0;
	s30 =	simm.s32 @!p1 $0x152A0;
	s1 =	sadd.s32 @!p1 s7, s1  }
0xa6: {  	[tilespmem:s30], [sflag:$0x4] =	stream.linear.gather @!p1 [hbm4b:s1+s14], $0x60, $0x38;
	[tilespmem:$0x1EAA0] =	vst v63  }
0xa7: {  	s1 =	sshrl.u32 @!p1 s15, $0x3  }
0xa8: {  	s30 =	simm.s32 @!p1 $0x15320;
	s1 =	sadd.s32 @!p1 s8, s1  }
0xa9: {  	[tilespmem:s30], [sflag:$0x4] =	stream.linear.gather @!p1 [hbm4b:s1+s14], $0x60, $0x38;
	[tilespmem:$0x1EAA0] =	vst v63  }
0xaa: {  	_ =	swait.ge [sflag:s22], $0x3000  }
0xab: {  	[sflag:s22] =	ssyncset.done $0x0  }
0xac: {  	[sflag:s22] =	ssyncadd.s32 $0xFFFFD000  }
0xad: {  	v58 =	vld [tilespmem:$0x18420]  }
0xae: {  	v59 =	vld [tilespmem:$0x18430]  }
0xaf: {  	v60 =	vld [tilespmem:$0x18440]  }
0xb0: {  	v61 =	vld [tilespmem:$0x18450]  }
0xb1: {  	v62 =	vld [tilespmem:$0x18460]  }
0xb2: {  	v63 =	vld [tilespmem:$0x18470];
	[tilespmem:$0x1E620] =	vst v58  }
0xb3: {  	[tilespmem:$0x1E630] =	vst v59  }
.Ltmp3:
0xb4: {  	[tilespmem:$0x1E640] =	vst v60;
	(pc) =	sbr.rel @p0 .LBB2_5-.Ltmp3, $4  }
0xb5: {  	[tilespmem:$0x1E650] =	vst v61  }
0xb6: {  	[tilespmem:$0x1E660] =	vst v62  }
0xb7: {  	[tilespmem:$0x1E670] =	vst v63  }
0xb8: {  	[spmem:s2] =	stream.indirect.scatter.add.f32 [tilespmem:s17], [sflag:$0x8], $0x80, s23, s9, $0xb8;
	[tilespmem:$0x1EAA0] =	vst v63  }
.Ltmp4:
0xb9: {  	(pc) =	sbr.rel @p1 .LBB2_8-.Ltmp4, $2  }
0xba: {  	_ =	sdelay $0x2  }
0xbb: {  	[spmem:s3] =	stream.indirect.scatter.add.f32 [tilespmem:s29], [sflag:$0x8], $0x1, s23, s9, $0xb8;
	[tilespmem:$0x1EAA0] =	vst v63  }
0xbc: {  	_ =	swait.ge [sflag:s28], $0x3000  }
.Ltmp5:
0xbd: {  	[sflag:s28] =	ssyncset.done $0x0;
	(pc) =	sbr.rel .LBB2_7-.Ltmp5, $4  }
0xbe: {  	[sflag:s28] =	ssyncadd.s32 $0xFFFFD000  }
0xbf: {  	_ =	swait.ge [sflag:s28], $0x60  }
0xc0: {  	[sflag:s28] =	ssyncset.done $0x0  }
0xc1: {  	[sflag:s28] =	ssyncadd.s32 $0xFFFFFFA0  }
.LBB2_5:
.Ltmp6:
0xc2: {  	(pc) =	sbr.rel @p1 .LBB2_8-.Ltmp6, $1  }
0xc3: {  	_ =	sdelay $0x3  }
0xc4: {  	_ =	swait.ge [sflag:s28], $0x3000  }
0xc5: {  	[sflag:s28] =	ssyncset.done $0x0  }
0xc6: {  	[sflag:s28] =	ssyncadd.s32 $0xFFFFD000  }
.LBB2_7:
0xc7: {  	_ =	swait.ge [sflag:s31], $0x60  }
0xc8: {  	[sflag:s31] =	ssyncset.done $0x0  }
0xc9: {  	[sflag:s31] =	ssyncadd.s32 $0xFFFFFFA0  }
0xca: {  	s30 =	sadd.s32 $0x60, s15;
	_ =	swait.ge [sflag:s31], $0x60  }
0xcb: {  	s14 =	sadd.s32 s10, s30;
	[sflag:s31] =	ssyncset.done $0x0  }
0xcc: {  	s1 =	simm.s32 $0x152A0;
	s14 =	sshrl.u32 s14, $0x3;
	[sflag:s31] =	ssyncadd.s32 $0xFFFFFFA0  }
0xcd: {  	[tilespmem:s11], [sflag:$0x1] =	stream.indirect.gather [hbm4b:s6+s9], $0x80, s1, s9, $0xb8;
	[tilespmem:$0x1EAA0] =	vst v63  }
0xce: {  	s14 =	sadd.s32 s7, s14;
	s1 =	sshrl.u32 s30, $0x3  }
0xcf: {  	[tilespmem:s0], [sflag:$0x5] =	stream.linear.gather [hbm4b:s14+s4], $0x60, $0x38;
	[tilespmem:$0x1EAA0] =	vst v63  }
0xd0: {  	s30 =	simm.s32 $0x18420;
	s1 =	sadd.s32 s8, s1  }
0xd1: {  	[tilespmem:s30], [sflag:$0x5] =	stream.linear.gather [hbm4b:s1+s4], $0x60, $0x38;
	[tilespmem:$0x1EAA0] =	vst v63  }
.LBB2_8:
0xd2: {  	_ =	swait.ge [sflag:s24], $0x3000  }
0xd3: {  	[sflag:s24] =	ssyncset.done $0x0  }
0xd4: {  	[sflag:s24] =	ssyncadd.s32 $0xFFFFD000  }
0xd5: {  	v0 =	vld [tilespmem:$0x1B520]  }
0xd6: {  	v1 =	vld [tilespmem:$0x1B530]  }
0xd7: {  	v2 =	vld [tilespmem:$0x1B540]  }
0xd8: {  	v3 =	vld [tilespmem:$0x1B550]  }
0xd9: {  	v4 =	vld [tilespmem:$0x1B560]  }
0xda: {  	v63 =	vld [tilespmem:$0x1B570];
	[tilespmem:$0x1E6A0] =	vst v0  }
0xdb: {  	[tilespmem:$0x1E6B0] =	vst v1  }
.Ltmp7:
0xdc: {  	[tilespmem:$0x1E6C0] =	vst v2;
	(pc) =	sbr.rel @p0 .LBB2_11-.Ltmp7, $4  }
0xdd: {  	[tilespmem:$0x1E6D0] =	vst v3  }
0xde: {  	[tilespmem:$0x1E6E0] =	vst v4  }
0xdf: {  	[tilespmem:$0x1E6F0] =	vst v63  }
0xe0: {  	[spmem:s2] =	stream.indirect.scatter.add.f32 [tilespmem:s19], [sflag:$0x9], $0x80, s25, s9, $0xb8;
	[tilespmem:$0x1EAA0] =	vst v63  }
.Ltmp8:
0xe1: {  	(pc) =	sbr.rel @p1 .LBB2_15-.Ltmp8, $2  }
0xe2: {  	_ =	sdelay $0x2  }
0xe3: {  	[spmem:s3] =	stream.indirect.scatter.add.f32 [tilespmem:s29], [sflag:$0x9], $0x1, s25, s9, $0xb8;
	[tilespmem:$0x1EAA0] =	vst v63  }
0xe4: {  	_ =	swait.ge [sflag:s13], $0x3000  }
.Ltmp9:
0xe5: {  	[sflag:s13] =	ssyncset.done $0x0;
	(pc) =	sbr.rel .LBB2_13-.Ltmp9, $4  }
0xe6: {  	[sflag:s13] =	ssyncadd.s32 $0xFFFFD000  }
0xe7: {  	_ =	swait.ge [sflag:s13], $0x60  }
0xe8: {  	[sflag:s13] =	ssyncset.done $0x0  }
0xe9: {  	[sflag:s13] =	ssyncadd.s32 $0xFFFFFFA0  }
.LBB2_11:
.Ltmp10:
0xea: {  	(pc) =	sbr.rel @p1 .LBB2_14-.Ltmp10, $1  }
0xeb: {  	_ =	sdelay $0x3  }
.Ltmp11:
0xec: {  	(pc) =	sbr.rel .LBB2_13-.Ltmp11, $4  }
0xed: {  	_ = 	snop  }
0xee: {  	_ =	swait.ge [sflag:s13], $0x3000  }
0xef: {  	[sflag:s13] =	ssyncset.done $0x0  }
0xf0: {  	[sflag:s13] =	ssyncadd.s32 $0xFFFFD000  }
.LBB2_14:
0xf1: {  	_ =	swait.ge [sflag:s28], $0x3000  }
0xf2: {  	[sflag:s28] =	ssyncset.done $0x0  }
0xf3: {  	[sflag:s28] =	ssyncadd.s32 $0xFFFFD000  }
0xf4: {  	_ =	swait.ge [sflag:s13], $0x3000  }
.Ltmp12:
0xf5: {  	[sflag:s13] =	ssyncset.done $0x0;
	(pc) =	sbr.rel .LBB2_16-.Ltmp12, $4  }
0xf6: {  	s1 =	simm.s32 $0x9;
	[sflag:s13] =	ssyncadd.s32 $0xFFFFD000  }
0xf7: {  	_ =	swait.ge [sflag:s1], $0x3000  }
0xf8: {  	[sflag:s1] =	ssyncset.done $0x0  }
0xf9: {  	s29 =	rddreg [dreg:$0x15];
	[sflag:s1] =	ssyncadd.s32 $0xFFFFD000  }
.LBB2_17:
0xfa: {  	_ =	sfence.sel $0x180000  }
0xfb: {  	[bflag:$0x0] =	sbarrier.arrive $0xFFFF  }
0xfc: {  	_ =	strace $0x9000004D  }
0xfd: {  	s0 =	stileid.u32;
	[bflag:$0x2] =	sbarrier.arrive $0xFFFF  }
0xfe: {  	p0 =	sne.s32 s0, $0x0;
	s0 =	rddreg [dreg:$0x4]  }
0xff: {  	s0 =	sadd.s32 @!p0 $0x100000, s0  }
0x100: {  	[sflag:s0] =	ssyncadd.tile.s32 @!p0 $0x1;
	_ =	shalt  }
.Lfunc_end2:
_tile_overlayer_lowered:
.L_overlay_start_2:
0x101: {  	(tag) =	ssettag $0x2  }
0x102: {  	s0 =	rddreg [dreg:$0x0];
	s2 =	stileid.u32  }
0x103: {  	s1 =	rddreg [dreg:$0x1];
	p0 =	sne.s32 s2, $0x0  }
0x104: {  	s3 =	rddreg [dreg:$0x2];
	[bflag:$0x3] =	sbarrier.arrive $0xFFFF;
	s2 =	simm.s32 @!p0 $0x1C0A  }
0x105: {  	[timem:s3], [sflag:s2] =	dma.local @!p0 [hbm:s0], s1  }
0x106: {  	s0 =	simm.s32 @!p0 $0xA  }
0x107: {  	_ =	swait.ge @!p0 [sflag:s0], s1  }
0x108: {  	s1 =	ssub.s32 @!p0 $0x0, s1;
	[sflag:s0] =	ssyncset.done @!p0 $0x0  }
0x109: {  	[sflag:s0] =	ssyncadd.s32 @!p0 s1  }
0x10a: {  	[bflag:$0x3] =	sbarrier.arrive $0xFFFF  }
0x10b: {  	_ =	shalt  }

</sc_bundles>
